<compile_context>
chip_gen: v7x
topology: tpu7x:2x2x1
jax: 0.10.2.dev20260603
libtpu: 0.0.44.dev20260713+nightly
codegen_flags: <defaults>
</compile_context>

<pallas_src>
import functools

import jax
import jax.numpy as jnp
from jax import lax
from jax.experimental import pallas as pl
from jax.experimental.pallas import tpu as pltpu
from jax.experimental.pallas import tpu_sc as plsc

N_CLUSTERS = 100000
HIDDEN = 64
SEQ = 200

NUM_CORES = 2
NUM_SUBCORES = 16
NW = NUM_CORES * NUM_SUBCORES

CHUNK = 2 * SEQ
GSLICE = 80
NGS = CHUNK // GSLICE
TOTAL = 4096 * SEQ
NCHUNKS = TOTAL // CHUNK
CH_PER_W = NCHUNKS // NW
NBUF = 4
LOOK = 2


def _body(x_hbm, pix_hbm, pos_hbm, out_hbm,
          idx0, idx1, idx2, idx3, rows0, rows1, rows2, rows3, pos_v,
          sem_i0, sem_i1, sem_i2, sem_i3,
          sem_g0, sem_g1, sem_g2, sem_g3,
          sem_o0, sem_o1, sem_o2, sem_o3):
    wid = lax.axis_index("s") * NUM_CORES + lax.axis_index("c")
    base2 = wid * (2 * CH_PER_W)
    idx = (idx0, idx1, idx2, idx3)
    rows = (rows0, rows1, rows2, rows3)
    sem_i = (sem_i0, sem_i1, sem_i2, sem_i3)
    sem_g = (sem_g0, sem_g1, sem_g2, sem_g3)
    sem_o = (sem_o0, sem_o1, sem_o2, sem_o3)

    pltpu.sync_copy(pos_hbm.at[pl.ds(0, SEQ)], pos_v)

    def fire_idx(c, b):
        pltpu.async_copy(x_hbm.at[wid, c], idx[b], sem_i[b])

    def wait_idx(b):
        pltpu.make_async_copy(x_hbm.at[wid, 0], idx[b], sem_i[b]).wait()

    def fire_gathers(c, b):
        del c
        for k in range(NGS):
            pltpu.async_copy(
                pix_hbm.at[idx[b].at[pl.ds(k * GSLICE, GSLICE)]],
                rows[b].at[pl.ds(k * GSLICE, GSLICE)],
                sem_g[b],
            )

    def fire_out(c, b):
        pltpu.async_copy(rows[b].at[pl.ds(0, SEQ)], out_hbm.at[base2 + 2 * c], sem_o[b])
        pltpu.async_copy(rows[b].at[pl.ds(SEQ, SEQ)], out_hbm.at[base2 + 2 * c + 1], sem_o[b])

    def drain_out(c, b):
        pltpu.make_async_copy(
            rows[b].at[pl.ds(0, SEQ)], out_hbm.at[base2 + 2 * c], sem_o[b]
        ).wait()
        pltpu.make_async_copy(
            rows[b].at[pl.ds(SEQ, SEQ)], out_hbm.at[base2 + 2 * c + 1], sem_o[b]
        ).wait()

    def _chunk_step(c, b):
        bn = (b + LOOK) % NBUF
        bi = (b + LOOK + 1) % NBUF

        @pl.when(c + LOOK + 1 < CH_PER_W)
        def _fire_idx_ahead():
            fire_idx(c + LOOK + 1, bi)

        @pl.when(c + LOOK < CH_PER_W)
        def _fire_ahead():
            @pl.when(c + LOOK >= NBUF)
            def _drain_prev_out():
                drain_out(c + LOOK - NBUF, bn)
            wait_idx(bn)
            fire_gathers(c + LOOK, bn)

        pltpu.make_async_copy(
            pix_hbm.at[pl.ds(0, CHUNK)], rows[b], sem_g[b]
        ).wait()

        @pl.loop(0, SEQ, unroll=8)
        def _add(r):
            for j in range(HIDDEN // 16):
                sl = pl.ds(j * 16, 16)
                p = pos_v[r, sl]
                plsc.addupdate(rows[b].at[r, sl], p)
                plsc.addupdate(rows[b].at[SEQ + r, sl], p)

        fire_out(c, b)

    for p in range(LOOK + 1):
        fire_idx(p, p)
    for p in range(LOOK):
        wait_idx(p)
        fire_gathers(p, p)

    @pl.loop(0, CH_PER_W, step=NBUF)
    def _chunk_grp(c0):
        for b in range(NBUF):
            _chunk_step(c0 + b, b)

    for q in range(NBUF):
        c = CH_PER_W - NBUF + q
        drain_out(c, c % NBUF)


def kernel(x, pix_table, pos_table):
    b, seq = x.shape
    x3 = x.astype(jnp.int32).reshape(NW, CH_PER_W, CHUNK)
    mesh = plsc.VectorSubcoreMesh(core_axis_name="c", subcore_axis_name="s")
    run = functools.partial(
        pl.kernel,
        mesh=mesh,
        out_type=jax.ShapeDtypeStruct((4096, SEQ, HIDDEN), jnp.float32),
        scratch_types=[
            pltpu.VMEM((CHUNK,), jnp.int32),
            pltpu.VMEM((CHUNK,), jnp.int32),
            pltpu.VMEM((CHUNK,), jnp.int32),
            pltpu.VMEM((CHUNK,), jnp.int32),
            pltpu.VMEM((CHUNK, HIDDEN), jnp.float32),
            pltpu.VMEM((CHUNK, HIDDEN), jnp.float32),
            pltpu.VMEM((CHUNK, HIDDEN), jnp.float32),
            pltpu.VMEM((CHUNK, HIDDEN), jnp.float32),
            pltpu.VMEM((SEQ, HIDDEN), jnp.float32),
            pltpu.SemaphoreType.DMA,
            pltpu.SemaphoreType.DMA,
            pltpu.SemaphoreType.DMA,
            pltpu.SemaphoreType.DMA,
            pltpu.SemaphoreType.DMA,
            pltpu.SemaphoreType.DMA,
            pltpu.SemaphoreType.DMA,
            pltpu.SemaphoreType.DMA,
            pltpu.SemaphoreType.DMA,
            pltpu.SemaphoreType.DMA,
            pltpu.SemaphoreType.DMA,
            pltpu.SemaphoreType.DMA,
        ],
        compiler_params=pltpu.CompilerParams(use_tc_tiling_on_sc=False),
    )(_body)
    return run(x3, pix_table, pos_table)

# --- scband reference (transcript-rebuilt; emitter-appended) ---
"""Pipeline reference for scband-embeddings-89395449299314 (READ-ONLY COPY).

The authoritative reference and input builder live on the scoring server;
editing this copy changes nothing except your own understanding.
"""

import jax, jax.numpy as jnp
import numpy as np

N_CLUSTERS = 100000
HIDDEN = 64
N_PIXELS = 28

def setup_inputs(seed: int = 0) -> dict:
    key = jax.random.key(seed)
    k1, k2, k3 = jax.random.split(key, 3)
    x = jax.random.randint(k1, (4096, 200), 0, N_CLUSTERS, dtype=jnp.int64 if jax.config.jax_enable_x64 else jnp.int32)
    pix_table = jax.random.normal(k2, (N_CLUSTERS, HIDDEN), dtype=jnp.float32)
    pos_table = jax.random.normal(k3, (N_PIXELS ** 2, HIDDEN), dtype=jnp.float32)
    return {"x": x, "pix_table": pix_table, "pos_table": pos_table}

def reference(x, pix_table, pos_table):
    # position ids: arange(seq_len) broadcast to x's shape
    seq_length = x.shape[1]
    position_ids = jnp.arange(seq_length, dtype=x.dtype)
    position_ids = jnp.broadcast_to(position_ids[None, :], x.shape)
    pix_embeddings = jnp.take(pix_table, x, axis=0)
    pos_embeddings = jnp.take(pos_table, position_ids, axis=0)
    # dropout is identity at inference
    embeddings = pix_embeddings + pos_embeddings
    return embeddings

if __name__ == "__main__":
    import jax
    _d = setup_inputs()
    print(jax.jit(kernel)(*tuple(_d.values())))

</pallas_src>

<mosaic_0001>
#map = affine_map<(d0, d1) -> (0, 0, 0)>
#map1 = affine_map<(d0, d1) -> (0, 0)>
module attributes {stable_mosaic.version = 14 : i64} {
  func.func @_body(%arg0: i32, %arg1: i32, %arg2: memref<32x64x400xi32, #tpu.memory_space<hbm>>, %arg3: memref<100000x64xf32, #tpu.memory_space<hbm>>, %arg4: memref<784x64xf32, #tpu.memory_space<hbm>>, %arg5: memref<4096x200x64xf32, #tpu.memory_space<hbm>>, %arg6: memref<400xi32, #tpu.memory_space<vmem>>, %arg7: memref<400xi32, #tpu.memory_space<vmem>>, %arg8: memref<400xi32, #tpu.memory_space<vmem>>, %arg9: memref<400xi32, #tpu.memory_space<vmem>>, %arg10: memref<400x64xf32, #tpu.memory_space<vmem>>, %arg11: memref<400x64xf32, #tpu.memory_space<vmem>>, %arg12: memref<400x64xf32, #tpu.memory_space<vmem>>, %arg13: memref<400x64xf32, #tpu.memory_space<vmem>>, %arg14: memref<200x64xf32, #tpu.memory_space<vmem>>, %arg15: memref<!tpu.dma_semaphore, #tpu.memory_space<semaphore_mem>>, %arg16: memref<!tpu.dma_semaphore, #tpu.memory_space<semaphore_mem>>, %arg17: memref<!tpu.dma_semaphore, #tpu.memory_space<semaphore_mem>>, %arg18: memref<!tpu.dma_semaphore, #tpu.memory_space<semaphore_mem>>, %arg19: memref<!tpu.dma_semaphore, #tpu.memory_space<semaphore_mem>>, %arg20: memref<!tpu.dma_semaphore, #tpu.memory_space<semaphore_mem>>, %arg21: memref<!tpu.dma_semaphore, #tpu.memory_space<semaphore_mem>>, %arg22: memref<!tpu.dma_semaphore, #tpu.memory_space<semaphore_mem>>, %arg23: memref<!tpu.dma_semaphore, #tpu.memory_space<semaphore_mem>>, %arg24: memref<!tpu.dma_semaphore, #tpu.memory_space<semaphore_mem>>, %arg25: memref<!tpu.dma_semaphore, #tpu.memory_space<semaphore_mem>>, %arg26: memref<!tpu.dma_semaphore, #tpu.memory_space<semaphore_mem>>) attributes {dimension_semantics = [#tpu.dimension_semantics<core_parallel>, #tpu.dimension_semantics<subcore_parallel>], iteration_bounds = array<i64: 2, 16>, scalar_prefetch = 0 : i64, scratch_operands = 21 : i64, tpu.core_type = #tpu.core_type<sc_vector_subcore>, window_params = [{transform_indices = #map}, {transform_indices = #map1}, {transform_indices = #map1}, {transform_indices = #map}]} {
    %mul3A = arith.constant 2 : i32
    %mul3A_0 = arith.muli %arg1, %mul3A : i32
    %add3A = arith.addi %mul3A_0, %arg0 : i32
    %mul3A_1 = arith.constant 128 : i32
    %mul3A_2 = arith.muli %add3A, %mul3A_1 : i32
    "tpu.region"() ({
      %run_scoped3A = tpu.sem_alloc : memref<!tpu.dma_semaphore, #tpu.memory_space<semaphore_mem>>
      %dma_start3A_256 = arith.constant 0 : i32
      %dma_start3A_257 = arith.constant 0 : i32
      %dma_start3A_258 = tpu.memref_slice %arg4[%dma_start3A_256, %dma_start3A_257] : memref<784x64xf32, #tpu.memory_space<hbm>> -> memref<200x64xf32, #tpu.memory_space<hbm>>
      %dma_start3A_259 = arith.constant 0 : i32
      %dma_start3A_260 = arith.constant 0 : i32
      %dma_start3A_261 = tpu.memref_slice %arg4[%dma_start3A_259, %dma_start3A_260] : memref<784x64xf32, #tpu.memory_space<hbm>> -> memref<200x64xf32, #tpu.memory_space<hbm>>
      tpu.enqueue_dma source(%dma_start3A_261 : memref<200x64xf32, #tpu.memory_space<hbm>>) target(%arg14 : memref<200x64xf32, #tpu.memory_space<vmem>>) target_semaphore(%run_scoped3A : memref<!tpu.dma_semaphore, #tpu.memory_space<semaphore_mem>>)
      %dma_wait3A_262 = arith.constant 0 : i32
      %dma_wait3A_263 = arith.constant 0 : i32
      %dma_wait3A_264 = tpu.memref_slice %arg4[%dma_wait3A_262, %dma_wait3A_263] : memref<784x64xf32, #tpu.memory_space<hbm>> -> memref<200x64xf32, #tpu.memory_space<hbm>>
      %dma_wait3A_265 = arith.constant 0 : i32
      %dma_wait3A_266 = arith.constant 0 : i32
      %dma_wait3A_267 = tpu.memref_slice %arg4[%dma_wait3A_265, %dma_wait3A_266] : memref<784x64xf32, #tpu.memory_space<hbm>> -> memref<200x64xf32, #tpu.memory_space<hbm>>
      tpu.wait_dma2 semaphore(%run_scoped3A : memref<!tpu.dma_semaphore, #tpu.memory_space<semaphore_mem>>) src(%dma_wait3A_267 : memref<200x64xf32, #tpu.memory_space<hbm>>) dst(%arg14 : memref<200x64xf32, #tpu.memory_space<vmem>>)
      tpu.yield
    }) : () -> ()
    %dma_start3A = arith.constant 0 : i32
    %dma_start3A_3 = arith.constant 0 : i32
    %dma_start3A_4 = tpu.memref_slice %arg2[%add3A, %dma_start3A, %dma_start3A_3] : memref<32x64x400xi32, #tpu.memory_space<hbm>> -> memref<1x1x400xi32, #tpu.memory_space<hbm>>
    %dma_start3A_5 = tpu.memref_squeeze %dma_start3A_4 : memref<1x1x400xi32, #tpu.memory_space<hbm>> -> memref<400xi32, #tpu.memory_space<hbm>>
    %dma_start3A_6 = arith.constant 0 : i32
    %dma_start3A_7 = tpu.memref_slice %arg2[%add3A, %dma_start3A, %dma_start3A_6] : memref<32x64x400xi32, #tpu.memory_space<hbm>> -> memref<1x1x400xi32, #tpu.memory_space<hbm>>
    %dma_start3A_8 = tpu.memref_squeeze %dma_start3A_7 : memref<1x1x400xi32, #tpu.memory_space<hbm>> -> memref<400xi32, #tpu.memory_space<hbm>>
    tpu.enqueue_dma source(%dma_start3A_8 : memref<400xi32, #tpu.memory_space<hbm>>) target(%arg6 : memref<400xi32, #tpu.memory_space<vmem>>) target_semaphore(%arg15 : memref<!tpu.dma_semaphore, #tpu.memory_space<semaphore_mem>>)
    %dma_start3A_9 = arith.constant 1 : i32
    %dma_start3A_10 = arith.constant 0 : i32
    %dma_start3A_11 = tpu.memref_slice %arg2[%add3A, %dma_start3A_9, %dma_start3A_10] : memref<32x64x400xi32, #tpu.memory_space<hbm>> -> memref<1x1x400xi32, #tpu.memory_space<hbm>>
    %dma_start3A_12 = tpu.memref_squeeze %dma_start3A_11 : memref<1x1x400xi32, #tpu.memory_space<hbm>> -> memref<400xi32, #tpu.memory_space<hbm>>
    %dma_start3A_13 = arith.constant 0 : i32
    %dma_start3A_14 = tpu.memref_slice %arg2[%add3A, %dma_start3A_9, %dma_start3A_13] : memref<32x64x400xi32, #tpu.memory_space<hbm>> -> memref<1x1x400xi32, #tpu.memory_space<hbm>>
    %dma_start3A_15 = tpu.memref_squeeze %dma_start3A_14 : memref<1x1x400xi32, #tpu.memory_space<hbm>> -> memref<400xi32, #tpu.memory_space<hbm>>
    tpu.enqueue_dma source(%dma_start3A_15 : memref<400xi32, #tpu.memory_space<hbm>>) target(%arg7 : memref<400xi32, #tpu.memory_space<vmem>>) target_semaphore(%arg16 : memref<!tpu.dma_semaphore, #tpu.memory_space<semaphore_mem>>)
    %dma_start3A_16 = arith.constant 2 : i32
    %dma_start3A_17 = arith.constant 0 : i32
    %dma_start3A_18 = tpu.memref_slice %arg2[%add3A, %dma_start3A_16, %dma_start3A_17] : memref<32x64x400xi32, #tpu.memory_space<hbm>> -> memref<1x1x400xi32, #tpu.memory_space<hbm>>
    %dma_start3A_19 = tpu.memref_squeeze %dma_start3A_18 : memref<1x1x400xi32, #tpu.memory_space<hbm>> -> memref<400xi32, #tpu.memory_space<hbm>>
    %dma_start3A_20 = arith.constant 0 : i32
    %dma_start3A_21 = tpu.memref_slice %arg2[%add3A, %dma_start3A_16, %dma_start3A_20] : memref<32x64x400xi32, #tpu.memory_space<hbm>> -> memref<1x1x400xi32, #tpu.memory_space<hbm>>
    %dma_start3A_22 = tpu.memref_squeeze %dma_start3A_21 : memref<1x1x400xi32, #tpu.memory_space<hbm>> -> memref<400xi32, #tpu.memory_space<hbm>>
    tpu.enqueue_dma source(%dma_start3A_22 : memref<400xi32, #tpu.memory_space<hbm>>) target(%arg8 : memref<400xi32, #tpu.memory_space<vmem>>) target_semaphore(%arg17 : memref<!tpu.dma_semaphore, #tpu.memory_space<semaphore_mem>>)
    %dma_wait3A = arith.constant 0 : i32
    %dma_wait3A_23 = arith.constant 0 : i32
    %dma_wait3A_24 = tpu.memref_slice %arg2[%add3A, %dma_wait3A, %dma_wait3A_23] : memref<32x64x400xi32, #tpu.memory_space<hbm>> -> memref<1x1x400xi32, #tpu.memory_space<hbm>>
    %dma_wait3A_25 = tpu.memref_squeeze %dma_wait3A_24 : memref<1x1x400xi32, #tpu.memory_space<hbm>> -> memref<400xi32, #tpu.memory_space<hbm>>
    %dma_wait3A_26 = arith.constant 0 : i32
    %dma_wait3A_27 = tpu.memref_slice %arg2[%add3A, %dma_wait3A, %dma_wait3A_26] : memref<32x64x400xi32, #tpu.memory_space<hbm>> -> memref<1x1x400xi32, #tpu.memory_space<hbm>>
    %dma_wait3A_28 = tpu.memref_squeeze %dma_wait3A_27 : memref<1x1x400xi32, #tpu.memory_space<hbm>> -> memref<400xi32, #tpu.memory_space<hbm>>
    tpu.wait_dma2 semaphore(%arg15 : memref<!tpu.dma_semaphore, #tpu.memory_space<semaphore_mem>>) src(%dma_wait3A_28 : memref<400xi32, #tpu.memory_space<hbm>>) dst(%arg6 : memref<400xi32, #tpu.memory_space<vmem>>)
    %dma_start3A_29 = arith.constant 0 : i32
    %dma_start3A_30 = arith.constant 0 : i32
    %dma_start3A_31 = tpu.memref_slice %arg10[%dma_start3A_29, %dma_start3A_30] : memref<400x64xf32, #tpu.memory_space<vmem>> -> memref<80x64xf32, #tpu.memory_space<vmem>>
    %dma_start3A_32 = arith.constant 0 : i32
    %dma_start3A_33 = tpu.memref_slice %arg6[%dma_start3A_32] : memref<400xi32, #tpu.memory_space<vmem>> -> memref<80xi32, #tpu.memory_space<vmem>>
    %dma_start3A_34 = arith.constant 0 : i32
    %dma_start3A_35 = arith.constant 0 : i32
    %dma_start3A_36 = tpu.memref_slice %arg3[%dma_start3A_34, %dma_start3A_35] : memref<100000x64xf32, #tpu.memory_space<hbm>> -> memref<100000x64xf32, #tpu.memory_space<hbm>>
    tpu.enqueue_indirect_dma source(%dma_start3A_36 : memref<100000x64xf32, #tpu.memory_space<hbm>>) target(%dma_start3A_31 : memref<80x64xf32, #tpu.memory_space<vmem>>) offsets(%dma_start3A_33 : memref<80xi32, #tpu.memory_space<vmem>>) semaphore(%arg19 : memref<!tpu.dma_semaphore, #tpu.memory_space<semaphore_mem>>)
    %dma_start3A_37 = arith.constant 80 : i32
    %dma_start3A_38 = arith.constant 0 : i32
    %dma_start3A_39 = tpu.memref_slice %arg10[%dma_start3A_37, %dma_start3A_38] : memref<400x64xf32, #tpu.memory_space<vmem>> -> memref<80x64xf32, #tpu.memory_space<vmem>>
    %dma_start3A_40 = arith.constant 80 : i32
    %dma_start3A_41 = tpu.memref_slice %arg6[%dma_start3A_40] : memref<400xi32, #tpu.memory_space<vmem>> -> memref<80xi32, #tpu.memory_space<vmem>>
    %dma_start3A_42 = arith.constant 0 : i32
    %dma_start3A_43 = arith.constant 0 : i32
    %dma_start3A_44 = tpu.memref_slice %arg3[%dma_start3A_42, %dma_start3A_43] : memref<100000x64xf32, #tpu.memory_space<hbm>> -> memref<100000x64xf32, #tpu.memory_space<hbm>>
    tpu.enqueue_indirect_dma source(%dma_start3A_44 : memref<100000x64xf32, #tpu.memory_space<hbm>>) target(%dma_start3A_39 : memref<80x64xf32, #tpu.memory_space<vmem>>) offsets(%dma_start3A_41 : memref<80xi32, #tpu.memory_space<vmem>>) semaphore(%arg19 : memref<!tpu.dma_semaphore, #tpu.memory_space<semaphore_mem>>)
    %dma_start3A_45 = arith.constant 160 : i32
    %dma_start3A_46 = arith.constant 0 : i32
    %dma_start3A_47 = tpu.memref_slice %arg10[%dma_start3A_45, %dma_start3A_46] : memref<400x64xf32, #tpu.memory_space<vmem>> -> memref<80x64xf32, #tpu.memory_space<vmem>>
    %dma_start3A_48 = arith.constant 160 : i32
    %dma_start3A_49 = tpu.memref_slice %arg6[%dma_start3A_48] : memref<400xi32, #tpu.memory_space<vmem>> -> memref<80xi32, #tpu.memory_space<vmem>>
    %dma_start3A_50 = arith.constant 0 : i32
    %dma_start3A_51 = arith.constant 0 : i32
    %dma_start3A_52 = tpu.memref_slice %arg3[%dma_start3A_50, %dma_start3A_51] : memref<100000x64xf32, #tpu.memory_space<hbm>> -> memref<100000x64xf32, #tpu.memory_space<hbm>>
    tpu.enqueue_indirect_dma source(%dma_start3A_52 : memref<100000x64xf32, #tpu.memory_space<hbm>>) target(%dma_start3A_47 : memref<80x64xf32, #tpu.memory_space<vmem>>) offsets(%dma_start3A_49 : memref<80xi32, #tpu.memory_space<vmem>>) semaphore(%arg19 : memref<!tpu.dma_semaphore, #tpu.memory_space<semaphore_mem>>)
    %dma_start3A_53 = arith.constant 240 : i32
    %dma_start3A_54 = arith.constant 0 : i32
    %dma_start3A_55 = tpu.memref_slice %arg10[%dma_start3A_53, %dma_start3A_54] : memref<400x64xf32, #tpu.memory_space<vmem>> -> memref<80x64xf32, #tpu.memory_space<vmem>>
    %dma_start3A_56 = arith.constant 240 : i32
    %dma_start3A_57 = tpu.memref_slice %arg6[%dma_start3A_56] : memref<400xi32, #tpu.memory_space<vmem>> -> memref<80xi32, #tpu.memory_space<vmem>>
    %dma_start3A_58 = arith.constant 0 : i32
    %dma_start3A_59 = arith.constant 0 : i32
    %dma_start3A_60 = tpu.memref_slice %arg3[%dma_start3A_58, %dma_start3A_59] : memref<100000x64xf32, #tpu.memory_space<hbm>> -> memref<100000x64xf32, #tpu.memory_space<hbm>>
    tpu.enqueue_indirect_dma source(%dma_start3A_60 : memref<100000x64xf32, #tpu.memory_space<hbm>>) target(%dma_start3A_55 : memref<80x64xf32, #tpu.memory_space<vmem>>) offsets(%dma_start3A_57 : memref<80xi32, #tpu.memory_space<vmem>>) semaphore(%arg19 : memref<!tpu.dma_semaphore, #tpu.memory_space<semaphore_mem>>)
    %dma_start3A_61 = arith.constant 320 : i32
    %dma_start3A_62 = arith.constant 0 : i32
    %dma_start3A_63 = tpu.memref_slice %arg10[%dma_start3A_61, %dma_start3A_62] : memref<400x64xf32, #tpu.memory_space<vmem>> -> memref<80x64xf32, #tpu.memory_space<vmem>>
    %dma_start3A_64 = arith.constant 320 : i32
    %dma_start3A_65 = tpu.memref_slice %arg6[%dma_start3A_64] : memref<400xi32, #tpu.memory_space<vmem>> -> memref<80xi32, #tpu.memory_space<vmem>>
    %dma_start3A_66 = arith.constant 0 : i32
    %dma_start3A_67 = arith.constant 0 : i32
    %dma_start3A_68 = tpu.memref_slice %arg3[%dma_start3A_66, %dma_start3A_67] : memref<100000x64xf32, #tpu.memory_space<hbm>> -> memref<100000x64xf32, #tpu.memory_space<hbm>>
    tpu.enqueue_indirect_dma source(%dma_start3A_68 : memref<100000x64xf32, #tpu.memory_space<hbm>>) target(%dma_start3A_63 : memref<80x64xf32, #tpu.memory_space<vmem>>) offsets(%dma_start3A_65 : memref<80xi32, #tpu.memory_space<vmem>>) semaphore(%arg19 : memref<!tpu.dma_semaphore, #tpu.memory_space<semaphore_mem>>)
    %dma_wait3A_69 = arith.constant 0 : i32
    %dma_wait3A_70 = arith.constant 0 : i32
    %dma_wait3A_71 = tpu.memref_slice %arg2[%add3A, %dma_wait3A_69, %dma_wait3A_70] : memref<32x64x400xi32, #tpu.memory_space<hbm>> -> memref<1x1x400xi32, #tpu.memory_space<hbm>>
    %dma_wait3A_72 = tpu.memref_squeeze %dma_wait3A_71 : memref<1x1x400xi32, #tpu.memory_space<hbm>> -> memref<400xi32, #tpu.memory_space<hbm>>
    %dma_wait3A_73 = arith.constant 0 : i32
    %dma_wait3A_74 = tpu.memref_slice %arg2[%add3A, %dma_wait3A_69, %dma_wait3A_73] : memref<32x64x400xi32, #tpu.memory_space<hbm>> -> memref<1x1x400xi32, #tpu.memory_space<hbm>>
    %dma_wait3A_75 = tpu.memref_squeeze %dma_wait3A_74 : memref<1x1x400xi32, #tpu.memory_space<hbm>> -> memref<400xi32, #tpu.memory_space<hbm>>
    tpu.wait_dma2 semaphore(%arg16 : memref<!tpu.dma_semaphore, #tpu.memory_space<semaphore_mem>>) src(%dma_wait3A_75 : memref<400xi32, #tpu.memory_space<hbm>>) dst(%arg7 : memref<400xi32, #tpu.memory_space<vmem>>)
    %dma_start3A_76 = arith.constant 0 : i32
    %dma_start3A_77 = arith.constant 0 : i32
    %dma_start3A_78 = tpu.memref_slice %arg11[%dma_start3A_76, %dma_start3A_77] : memref<400x64xf32, #tpu.memory_space<vmem>> -> memref<80x64xf32, #tpu.memory_space<vmem>>
    %dma_start3A_79 = arith.constant 0 : i32
    %dma_start3A_80 = tpu.memref_slice %arg7[%dma_start3A_79] : memref<400xi32, #tpu.memory_space<vmem>> -> memref<80xi32, #tpu.memory_space<vmem>>
    %dma_start3A_81 = arith.constant 0 : i32
    %dma_start3A_82 = arith.constant 0 : i32
    %dma_start3A_83 = tpu.memref_slice %arg3[%dma_start3A_81, %dma_start3A_82] : memref<100000x64xf32, #tpu.memory_space<hbm>> -> memref<100000x64xf32, #tpu.memory_space<hbm>>
    tpu.enqueue_indirect_dma source(%dma_start3A_83 : memref<100000x64xf32, #tpu.memory_space<hbm>>) target(%dma_start3A_78 : memref<80x64xf32, #tpu.memory_space<vmem>>) offsets(%dma_start3A_80 : memref<80xi32, #tpu.memory_space<vmem>>) semaphore(%arg20 : memref<!tpu.dma_semaphore, #tpu.memory_space<semaphore_mem>>)
    %dma_start3A_84 = arith.constant 80 : i32
    %dma_start3A_85 = arith.constant 0 : i32
    %dma_start3A_86 = tpu.memref_slice %arg11[%dma_start3A_84, %dma_start3A_85] : memref<400x64xf32, #tpu.memory_space<vmem>> -> memref<80x64xf32, #tpu.memory_space<vmem>>
    %dma_start3A_87 = arith.constant 80 : i32
    %dma_start3A_88 = tpu.memref_slice %arg7[%dma_start3A_87] : memref<400xi32, #tpu.memory_space<vmem>> -> memref<80xi32, #tpu.memory_space<vmem>>
    %dma_start3A_89 = arith.constant 0 : i32
    %dma_start3A_90 = arith.constant 0 : i32
    %dma_start3A_91 = tpu.memref_slice %arg3[%dma_start3A_89, %dma_start3A_90] : memref<100000x64xf32, #tpu.memory_space<hbm>> -> memref<100000x64xf32, #tpu.memory_space<hbm>>
    tpu.enqueue_indirect_dma source(%dma_start3A_91 : memref<100000x64xf32, #tpu.memory_space<hbm>>) target(%dma_start3A_86 : memref<80x64xf32, #tpu.memory_space<vmem>>) offsets(%dma_start3A_88 : memref<80xi32, #tpu.memory_space<vmem>>) semaphore(%arg20 : memref<!tpu.dma_semaphore, #tpu.memory_space<semaphore_mem>>)
    %dma_start3A_92 = arith.constant 160 : i32
    %dma_start3A_93 = arith.constant 0 : i32
    %dma_start3A_94 = tpu.memref_slice %arg11[%dma_start3A_92, %dma_start3A_93] : memref<400x64xf32, #tpu.memory_space<vmem>> -> memref<80x64xf32, #tpu.memory_space<vmem>>
    %dma_start3A_95 = arith.constant 160 : i32
    %dma_start3A_96 = tpu.memref_slice %arg7[%dma_start3A_95] : memref<400xi32, #tpu.memory_space<vmem>> -> memref<80xi32, #tpu.memory_space<vmem>>
    %dma_start3A_97 = arith.constant 0 : i32
    %dma_start3A_98 = arith.constant 0 : i32
    %dma_start3A_99 = tpu.memref_slice %arg3[%dma_start3A_97, %dma_start3A_98] : memref<100000x64xf32, #tpu.memory_space<hbm>> -> memref<100000x64xf32, #tpu.memory_space<hbm>>
    tpu.enqueue_indirect_dma source(%dma_start3A_99 : memref<100000x64xf32, #tpu.memory_space<hbm>>) target(%dma_start3A_94 : memref<80x64xf32, #tpu.memory_space<vmem>>) offsets(%dma_start3A_96 : memref<80xi32, #tpu.memory_space<vmem>>) semaphore(%arg20 : memref<!tpu.dma_semaphore, #tpu.memory_space<semaphore_mem>>)
    %dma_start3A_100 = arith.constant 240 : i32
    %dma_start3A_101 = arith.constant 0 : i32
    %dma_start3A_102 = tpu.memref_slice %arg11[%dma_start3A_100, %dma_start3A_101] : memref<400x64xf32, #tpu.memory_space<vmem>> -> memref<80x64xf32, #tpu.memory_space<vmem>>
    %dma_start3A_103 = arith.constant 240 : i32
    %dma_start3A_104 = tpu.memref_slice %arg7[%dma_start3A_103] : memref<400xi32, #tpu.memory_space<vmem>> -> memref<80xi32, #tpu.memory_space<vmem>>
    %dma_start3A_105 = arith.constant 0 : i32
    %dma_start3A_106 = arith.constant 0 : i32
    %dma_start3A_107 = tpu.memref_slice %arg3[%dma_start3A_105, %dma_start3A_106] : memref<100000x64xf32, #tpu.memory_space<hbm>> -> memref<100000x64xf32, #tpu.memory_space<hbm>>
    tpu.enqueue_indirect_dma source(%dma_start3A_107 : memref<100000x64xf32, #tpu.memory_space<hbm>>) target(%dma_start3A_102 : memref<80x64xf32, #tpu.memory_space<vmem>>) offsets(%dma_start3A_104 : memref<80xi32, #tpu.memory_space<vmem>>) semaphore(%arg20 : memref<!tpu.dma_semaphore, #tpu.memory_space<semaphore_mem>>)
    %dma_start3A_108 = arith.constant 320 : i32
    %dma_start3A_109 = arith.constant 0 : i32
    %dma_start3A_110 = tpu.memref_slice %arg11[%dma_start3A_108, %dma_start3A_109] : memref<400x64xf32, #tpu.memory_space<vmem>> -> memref<80x64xf32, #tpu.memory_space<vmem>>
    %dma_start3A_111 = arith.constant 320 : i32
    %dma_start3A_112 = tpu.memref_slice %arg7[%dma_start3A_111] : memref<400xi32, #tpu.memory_space<vmem>> -> memref<80xi32, #tpu.memory_space<vmem>>
    %dma_start3A_113 = arith.constant 0 : i32
    %dma_start3A_114 = arith.constant 0 : i32
    %dma_start3A_115 = tpu.memref_slice %arg3[%dma_start3A_113, %dma_start3A_114] : memref<100000x64xf32, #tpu.memory_space<hbm>> -> memref<100000x64xf32, #tpu.memory_space<hbm>>
    tpu.enqueue_indirect_dma source(%dma_start3A_115 : memref<100000x64xf32, #tpu.memory_space<hbm>>) target(%dma_start3A_110 : memref<80x64xf32, #tpu.memory_space<vmem>>) offsets(%dma_start3A_112 : memref<80xi32, #tpu.memory_space<vmem>>) semaphore(%arg20 : memref<!tpu.dma_semaphore, #tpu.memory_space<semaphore_mem>>)
    %scan3A = arith.constant 0 : i32
    %scan3A_116 = arith.constant 16 : i32
    %scan3A_117 = arith.addi %scan3A, %scan3A_116 : i32
    %scan3A_118 = arith.constant 1 : i32
    scf.for %scan3A_256 = %scan3A to %scan3A_117 step %scan3A_118  : i32 {
      %mul3A_257 = arith.constant 4 : i32
      %mul3A_258 = arith.muli %scan3A_256, %mul3A_257 : i32
      %add3A_259 = arith.constant 0 : i32
      %add3A_260 = arith.addi %add3A_259, %mul3A_258 : i32
      %add3A_261 = arith.constant 0 : i32
      %add3A_262 = arith.addi %add3A_260, %add3A_261 : i32
      %add3A_263 = arith.constant 2 : i32
      %add3A_264 = arith.addi %add3A_262, %add3A_263 : i32
      %add3A_265 = arith.constant 1 : i32
      %add3A_266 = arith.addi %add3A_264, %add3A_265 : i32
      %lt3A = arith.constant 64 : i32
      %lt3A_267 = arith.cmpi slt, %add3A_266, %lt3A : i32
      %convert_element_type3A = arith.extui %lt3A_267 : i1 to i32
      %cond3A = arith.constant 0 : i32
      %cond3A_268 = arith.cmpi ne, %convert_element_type3A, %cond3A : i32
      scf.if %cond3A_268 {
        %add3A_518 = arith.constant 2 : i32
        %add3A_519 = arith.addi %add3A_262, %add3A_518 : i32
        %add3A_520 = arith.constant 1 : i32
        %add3A_521 = arith.addi %add3A_519, %add3A_520 : i32
        %dma_start3A_522 = arith.constant 0 : i32
        %dma_start3A_523 = tpu.memref_slice %arg2[%add3A, %add3A_521, %dma_start3A_522] : memref<32x64x400xi32, #tpu.memory_space<hbm>> -> memref<1x1x400xi32, #tpu.memory_space<hbm>>
        %dma_start3A_524 = tpu.memref_squeeze %dma_start3A_523 : memref<1x1x400xi32, #tpu.memory_space<hbm>> -> memref<400xi32, #tpu.memory_space<hbm>>
        %dma_start3A_525 = arith.constant 0 : i32
        %dma_start3A_526 = tpu.memref_slice %arg2[%add3A, %add3A_521, %dma_start3A_525] : memref<32x64x400xi32, #tpu.memory_space<hbm>> -> memref<1x1x400xi32, #tpu.memory_space<hbm>>
        %dma_start3A_527 = tpu.memref_squeeze %dma_start3A_526 : memref<1x1x400xi32, #tpu.memory_space<hbm>> -> memref<400xi32, #tpu.memory_space<hbm>>
        tpu.enqueue_dma source(%dma_start3A_527 : memref<400xi32, #tpu.memory_space<hbm>>) target(%arg9 : memref<400xi32, #tpu.memory_space<vmem>>) target_semaphore(%arg18 : memref<!tpu.dma_semaphore, #tpu.memory_space<semaphore_mem>>)
      } else {
      }
      %add3A_269 = arith.constant 2 : i32
      %add3A_270 = arith.addi %add3A_262, %add3A_269 : i32
      %lt3A_271 = arith.constant 64 : i32
      %lt3A_272 = arith.cmpi slt, %add3A_270, %lt3A_271 : i32
      %convert_element_type3A_273 = arith.extui %lt3A_272 : i1 to i32
      %cond3A_274 = arith.constant 0 : i32
      %cond3A_275 = arith.cmpi ne, %convert_element_type3A_273, %cond3A_274 : i32
      scf.if %cond3A_275 {
        %add3A_518 = arith.constant 2 : i32
        %add3A_519 = arith.addi %add3A_262, %add3A_518 : i32
        %ge3A = arith.constant 4 : i32
        %ge3A_520 = arith.cmpi sge, %add3A_519, %ge3A : i32
        %convert_element_type3A_521 = arith.extui %ge3A_520 : i1 to i32
        %cond3A_522 = arith.constant 0 : i32
        %cond3A_523 = arith.cmpi ne, %convert_element_type3A_521, %cond3A_522 : i32
        scf.if %cond3A_523 {
          %add3A_573 = arith.constant 2 : i32
          %add3A_574 = arith.addi %add3A_262, %add3A_573 : i32
          %sub3A = arith.constant 4 : i32
          %sub3A_575 = arith.subi %add3A_574, %sub3A : i32
          %mul3A_576 = arith.constant 2 : i32
          %mul3A_577 = arith.muli %mul3A_576, %sub3A_575 : i32
          %add3A_578 = arith.addi %mul3A_2, %mul3A_577 : i32
          %dma_wait3A_579 = arith.constant 0 : i32
          %dma_wait3A_580 = arith.constant 0 : i32
          %dma_wait3A_581 = tpu.memref_slice %arg12[%dma_wait3A_579, %dma_wait3A_580] : memref<400x64xf32, #tpu.memory_space<vmem>> -> memref<200x64xf32, #tpu.memory_space<vmem>>
          %dma_wait3A_582 = arith.constant 0 : i32
          %dma_wait3A_583 = arith.constant 0 : i32
          %dma_wait3A_584 = tpu.memref_slice %arg5[%add3A_578, %dma_wait3A_582, %dma_wait3A_583] : memref<4096x200x64xf32, #tpu.memory_space<hbm>> -> memref<1x200x64xf32, #tpu.memory_space<hbm>>
          %dma_wait3A_585 = tpu.memref_squeeze %dma_wait3A_584 : memref<1x200x64xf32, #tpu.memory_space<hbm>> -> memref<200x64xf32, #tpu.memory_space<hbm>>
          %dma_wait3A_586 = arith.constant 0 : i32
          %dma_wait3A_587 = arith.constant 0 : i32
          %dma_wait3A_588 = tpu.memref_slice %arg5[%add3A_578, %dma_wait3A_586, %dma_wait3A_587] : memref<4096x200x64xf32, #tpu.memory_space<hbm>> -> memref<1x200x64xf32, #tpu.memory_space<hbm>>
          %dma_wait3A_589 = tpu.memref_squeeze %dma_wait3A_588 : memref<1x200x64xf32, #tpu.memory_space<hbm>> -> memref<200x64xf32, #tpu.memory_space<hbm>>
          %dma_wait3A_590 = arith.constant 0 : i32
          %dma_wait3A_591 = arith.constant 0 : i32
          %dma_wait3A_592 = tpu.memref_slice %arg12[%dma_wait3A_590, %dma_wait3A_591] : memref<400x64xf32, #tpu.memory_space<vmem>> -> memref<200x64xf32, #tpu.memory_space<vmem>>
          tpu.wait_dma2 semaphore(%arg25 : memref<!tpu.dma_semaphore, #tpu.memory_space<semaphore_mem>>) src(%dma_wait3A_592 : memref<200x64xf32, #tpu.memory_space<vmem>>) dst(%dma_wait3A_589 : memref<200x64xf32, #tpu.memory_space<hbm>>)
          %mul3A_593 = arith.constant 2 : i32
          %mul3A_594 = arith.muli %mul3A_593, %sub3A_575 : i32
          %add3A_595 = arith.addi %mul3A_2, %mul3A_594 : i32
          %add3A_596 = arith.constant 1 : i32
          %add3A_597 = arith.addi %add3A_595, %add3A_596 : i32
          %dma_wait3A_598 = arith.constant 200 : i32
          %dma_wait3A_599 = arith.constant 0 : i32
          %dma_wait3A_600 = tpu.memref_slice %arg12[%dma_wait3A_598, %dma_wait3A_599] : memref<400x64xf32, #tpu.memory_space<vmem>> -> memref<200x64xf32, #tpu.memory_space<vmem>>
          %dma_wait3A_601 = arith.constant 0 : i32
          %dma_wait3A_602 = arith.constant 0 : i32
          %dma_wait3A_603 = tpu.memref_slice %arg5[%add3A_597, %dma_wait3A_601, %dma_wait3A_602] : memref<4096x200x64xf32, #tpu.memory_space<hbm>> -> memref<1x200x64xf32, #tpu.memory_space<hbm>>
          %dma_wait3A_604 = tpu.memref_squeeze %dma_wait3A_603 : memref<1x200x64xf32, #tpu.memory_space<hbm>> -> memref<200x64xf32, #tpu.memory_space<hbm>>
          %dma_wait3A_605 = arith.constant 0 : i32
          %dma_wait3A_606 = arith.constant 0 : i32
          %dma_wait3A_607 = tpu.memref_slice %arg5[%add3A_597, %dma_wait3A_605, %dma_wait3A_606] : memref<4096x200x64xf32, #tpu.memory_space<hbm>> -> memref<1x200x64xf32, #tpu.memory_space<hbm>>
          %dma_wait3A_608 = tpu.memref_squeeze %dma_wait3A_607 : memref<1x200x64xf32, #tpu.memory_space<hbm>> -> memref<200x64xf32, #tpu.memory_space<hbm>>
          %dma_wait3A_609 = arith.constant 200 : i32
          %dma_wait3A_610 = arith.constant 0 : i32
          %dma_wait3A_611 = tpu.memref_slice %arg12[%dma_wait3A_609, %dma_wait3A_610] : memref<400x64xf32, #tpu.memory_space<vmem>> -> memref<200x64xf32, #tpu.memory_space<vmem>>
          tpu.wait_dma2 semaphore(%arg25 : memref<!tpu.dma_semaphore, #tpu.memory_space<semaphore_mem>>) src(%dma_wait3A_611 : memref<200x64xf32, #tpu.memory_space<vmem>>) dst(%dma_wait3A_608 : memref<200x64xf32, #tpu.memory_space<hbm>>)
        } else {
        }
        %dma_wait3A_524 = arith.constant 0 : i32
        %dma_wait3A_525 = arith.constant 0 : i32
        %dma_wait3A_526 = tpu.memref_slice %arg2[%add3A, %dma_wait3A_524, %dma_wait3A_525] : memref<32x64x400xi32, #tpu.memory_space<hbm>> -> memref<1x1x400xi32, #tpu.memory_space<hbm>>
        %dma_wait3A_527 = tpu.memref_squeeze %dma_wait3A_526 : memref<1x1x400xi32, #tpu.memory_space<hbm>> -> memref<400xi32, #tpu.memory_space<hbm>>
        %dma_wait3A_528 = arith.constant 0 : i32
        %dma_wait3A_529 = tpu.memref_slice %arg2[%add3A, %dma_wait3A_524, %dma_wait3A_528] : memref<32x64x400xi32, #tpu.memory_space<hbm>> -> memref<1x1x400xi32, #tpu.memory_space<hbm>>
        %dma_wait3A_530 = tpu.memref_squeeze %dma_wait3A_529 : memref<1x1x400xi32, #tpu.memory_space<hbm>> -> memref<400xi32, #tpu.memory_space<hbm>>
        tpu.wait_dma2 semaphore(%arg17 : memref<!tpu.dma_semaphore, #tpu.memory_space<semaphore_mem>>) src(%dma_wait3A_530 : memref<400xi32, #tpu.memory_space<hbm>>) dst(%arg8 : memref<400xi32, #tpu.memory_space<vmem>>)
        %add3A_531 = arith.constant 2 : i32
        %add3A_532 = arith.addi %add3A_262, %add3A_531 : i32
        %dma_start3A_533 = arith.constant 0 : i32
        %dma_start3A_534 = arith.constant 0 : i32
        %dma_start3A_535 = tpu.memref_slice %arg12[%dma_start3A_533, %dma_start3A_534] : memref<400x64xf32, #tpu.memory_space<vmem>> -> memref<80x64xf32, #tpu.memory_space<vmem>>
        %dma_start3A_536 = arith.constant 0 : i32
        %dma_start3A_537 = tpu.memref_slice %arg8[%dma_start3A_536] : memref<400xi32, #tpu.memory_space<vmem>> -> memref<80xi32, #tpu.memory_space<vmem>>
        %dma_start3A_538 = arith.constant 0 : i32
        %dma_start3A_539 = arith.constant 0 : i32
        %dma_start3A_540 = tpu.memref_slice %arg3[%dma_start3A_538, %dma_start3A_539] : memref<100000x64xf32, #tpu.memory_space<hbm>> -> memref<100000x64xf32, #tpu.memory_space<hbm>>
        tpu.enqueue_indirect_dma source(%dma_start3A_540 : memref<100000x64xf32, #tpu.memory_space<hbm>>) target(%dma_start3A_535 : memref<80x64xf32, #tpu.memory_space<vmem>>) offsets(%dma_start3A_537 : memref<80xi32, #tpu.memory_space<vmem>>) semaphore(%arg21 : memref<!tpu.dma_semaphore, #tpu.memory_space<semaphore_mem>>)
        %dma_start3A_541 = arith.constant 80 : i32
        %dma_start3A_542 = arith.constant 0 : i32
        %dma_start3A_543 = tpu.memref_slice %arg12[%dma_start3A_541, %dma_start3A_542] : memref<400x64xf32, #tpu.memory_space<vmem>> -> memref<80x64xf32, #tpu.memory_space<vmem>>
        %dma_start3A_544 = arith.constant 80 : i32
        %dma_start3A_545 = tpu.memref_slice %arg8[%dma_start3A_544] : memref<400xi32, #tpu.memory_space<vmem>> -> memref<80xi32, #tpu.memory_space<vmem>>
        %dma_start3A_546 = arith.constant 0 : i32
        %dma_start3A_547 = arith.constant 0 : i32
        %dma_start3A_548 = tpu.memref_slice %arg3[%dma_start3A_546, %dma_start3A_547] : memref<100000x64xf32, #tpu.memory_space<hbm>> -> memref<100000x64xf32, #tpu.memory_space<hbm>>
        tpu.enqueue_indirect_dma source(%dma_start3A_548 : memref<100000x64xf32, #tpu.memory_space<hbm>>) target(%dma_start3A_543 : memref<80x64xf32, #tpu.memory_space<vmem>>) offsets(%dma_start3A_545 : memref<80xi32, #tpu.memory_space<vmem>>) semaphore(%arg21 : memref<!tpu.dma_semaphore, #tpu.memory_space<semaphore_mem>>)
        %dma_start3A_549 = arith.constant 160 : i32
        %dma_start3A_550 = arith.constant 0 : i32
        %dma_start3A_551 = tpu.memref_slice %arg12[%dma_start3A_549, %dma_start3A_550] : memref<400x64xf32, #tpu.memory_space<vmem>> -> memref<80x64xf32, #tpu.memory_space<vmem>>
        %dma_start3A_552 = arith.constant 160 : i32
        %dma_start3A_553 = tpu.memref_slice %arg8[%dma_start3A_552] : memref<400xi32, #tpu.memory_space<vmem>> -> memref<80xi32, #tpu.memory_space<vmem>>
        %dma_start3A_554 = arith.constant 0 : i32
        %dma_start3A_555 = arith.constant 0 : i32
        %dma_start3A_556 = tpu.memref_slice %arg3[%dma_start3A_554, %dma_start3A_555] : memref<100000x64xf32, #tpu.memory_space<hbm>> -> memref<100000x64xf32, #tpu.memory_space<hbm>>
        tpu.enqueue_indirect_dma source(%dma_start3A_556 : memref<100000x64xf32, #tpu.memory_space<hbm>>) target(%dma_start3A_551 : memref<80x64xf32, #tpu.memory_space<vmem>>) offsets(%dma_start3A_553 : memref<80xi32, #tpu.memory_space<vmem>>) semaphore(%arg21 : memref<!tpu.dma_semaphore, #tpu.memory_space<semaphore_mem>>)
        %dma_start3A_557 = arith.constant 240 : i32
        %dma_start3A_558 = arith.constant 0 : i32
        %dma_start3A_559 = tpu.memref_slice %arg12[%dma_start3A_557, %dma_start3A_558] : memref<400x64xf32, #tpu.memory_space<vmem>> -> memref<80x64xf32, #tpu.memory_space<vmem>>
        %dma_start3A_560 = arith.constant 240 : i32
        %dma_start3A_561 = tpu.memref_slice %arg8[%dma_start3A_560] : memref<400xi32, #tpu.memory_space<vmem>> -> memref<80xi32, #tpu.memory_space<vmem>>
        %dma_start3A_562 = arith.constant 0 : i32
        %dma_start3A_563 = arith.constant 0 : i32
        %dma_start3A_564 = tpu.memref_slice %arg3[%dma_start3A_562, %dma_start3A_563] : memref<100000x64xf32, #tpu.memory_space<hbm>> -> memref<100000x64xf32, #tpu.memory_space<hbm>>
        tpu.enqueue_indirect_dma source(%dma_start3A_564 : memref<100000x64xf32, #tpu.memory_space<hbm>>) target(%dma_start3A_559 : memref<80x64xf32, #tpu.memory_space<vmem>>) offsets(%dma_start3A_561 : memref<80xi32, #tpu.memory_space<vmem>>) semaphore(%arg21 : memref<!tpu.dma_semaphore, #tpu.memory_space<semaphore_mem>>)
        %dma_start3A_565 = arith.constant 320 : i32
        %dma_start3A_566 = arith.constant 0 : i32
        %dma_start3A_567 = tpu.memref_slice %arg12[%dma_start3A_565, %dma_start3A_566] : memref<400x64xf32, #tpu.memory_space<vmem>> -> memref<80x64xf32, #tpu.memory_space<vmem>>
        %dma_start3A_568 = arith.constant 320 : i32
        %dma_start3A_569 = tpu.memref_slice %arg8[%dma_start3A_568] : memref<400xi32, #tpu.memory_space<vmem>> -> memref<80xi32, #tpu.memory_space<vmem>>
        %dma_start3A_570 = arith.constant 0 : i32
        %dma_start3A_571 = arith.constant 0 : i32
        %dma_start3A_572 = tpu.memref_slice %arg3[%dma_start3A_570, %dma_start3A_571] : memref<100000x64xf32, #tpu.memory_space<hbm>> -> memref<100000x64xf32, #tpu.memory_space<hbm>>
        tpu.enqueue_indirect_dma source(%dma_start3A_572 : memref<100000x64xf32, #tpu.memory_space<hbm>>) target(%dma_start3A_567 : memref<80x64xf32, #tpu.memory_space<vmem>>) offsets(%dma_start3A_569 : memref<80xi32, #tpu.memory_space<vmem>>) semaphore(%arg21 : memref<!tpu.dma_semaphore, #tpu.memory_space<semaphore_mem>>)
      } else {
      }
      %dma_wait3A_276 = arith.constant 0 : i32
      %dma_wait3A_277 = arith.constant 0 : i32
      %dma_wait3A_278 = tpu.memref_slice %arg3[%dma_wait3A_276, %dma_wait3A_277] : memref<100000x64xf32, #tpu.memory_space<hbm>> -> memref<400x64xf32, #tpu.memory_space<hbm>>
      %dma_wait3A_279 = arith.constant 0 : i32
      %dma_wait3A_280 = arith.constant 0 : i32
      %dma_wait3A_281 = tpu.memref_slice %arg3[%dma_wait3A_279, %dma_wait3A_280] : memref<100000x64xf32, #tpu.memory_space<hbm>> -> memref<400x64xf32, #tpu.memory_space<hbm>>
      tpu.wait_dma2 semaphore(%arg19 : memref<!tpu.dma_semaphore, #tpu.memory_space<semaphore_mem>>) src(%dma_wait3A_281 : memref<400x64xf32, #tpu.memory_space<hbm>>) dst(%arg10 : memref<400x64xf32, #tpu.memory_space<vmem>>)
      %scan3A_282 = arith.constant 0 : i32
      %scan3A_283 = arith.constant 200 : i32
      %scan3A_284 = arith.addi %scan3A_282, %scan3A_283 : i32
      %scan3A_285 = arith.constant 8 : i32
      scf.for %scan3A_518 = %scan3A_282 to %scan3A_284 step %scan3A_285  : i32 {
        %mul3A_519 = arith.constant 1 : i32
        %mul3A_520 = arith.muli %scan3A_518, %mul3A_519 : i32
        %add3A_521 = arith.constant 0 : i32
        %add3A_522 = arith.addi %add3A_521, %mul3A_520 : i32
        %get3A = arith.index_cast %add3A_522 : i32 to index
        %get3A_523 = arith.constant 0 : index
        %get3A_524 = tpu.vector_load %arg14[%get3A, %get3A_523] {strides = array<i32>} : memref<200x64xf32, #tpu.memory_space<vmem>>, vector<1x16xf32>,
        %get3A_525 = vector.shape_cast %get3A_524 : vector<1x16xf32> to vector<16xf32>
        %swap3A = arith.index_cast %add3A_522 : i32 to index
        %swap3A_526 = arith.constant 0 : index
        %swap3A_527 = tpu.vector_load %arg10[%swap3A, %swap3A_526] {strides = array<i32>} : memref<400x64xf32, #tpu.memory_space<vmem>>, vector<1x16xf32>,
        %swap3A_528 = vector.shape_cast %swap3A_527 : vector<1x16xf32> to vector<16xf32>
        %swap3A_529 = vector.shape_cast %get3A_525 : vector<16xf32> to vector<1x16xf32>
        tpu.vector_store %arg10[%swap3A, %swap3A_526], %swap3A_529 {add = true, strides = array<i32>} : memref<400x64xf32, #tpu.memory_space<vmem>>, vector<1x16xf32>,
        %add3A_530 = arith.constant 200 : i32
        %add3A_531 = arith.addi %add3A_530, %add3A_522 : i32
        %swap3A_532 = arith.index_cast %add3A_531 : i32 to index
        %swap3A_533 = arith.constant 0 : index
        %swap3A_534 = tpu.vector_load %arg10[%swap3A_532, %swap3A_533] {strides = array<i32>} : memref<400x64xf32, #tpu.memory_space<vmem>>, vector<1x16xf32>,
        %swap3A_535 = vector.shape_cast %swap3A_534 : vector<1x16xf32> to vector<16xf32>
        %swap3A_536 = vector.shape_cast %get3A_525 : vector<16xf32> to vector<1x16xf32>
        tpu.vector_store %arg10[%swap3A_532, %swap3A_533], %swap3A_536 {add = true, strides = array<i32>} : memref<400x64xf32, #tpu.memory_space<vmem>>, vector<1x16xf32>,
        %get3A_537 = arith.index_cast %add3A_522 : i32 to index
        %get3A_538 = arith.constant 16 : index
        %get3A_539 = tpu.vector_load %arg14[%get3A_537, %get3A_538] {strides = array<i32>} : memref<200x64xf32, #tpu.memory_space<vmem>>, vector<1x16xf32>,
        %get3A_540 = vector.shape_cast %get3A_539 : vector<1x16xf32> to vector<16xf32>
        %swap3A_541 = arith.index_cast %add3A_522 : i32 to index
        %swap3A_542 = arith.constant 16 : index
        %swap3A_543 = tpu.vector_load %arg10[%swap3A_541, %swap3A_542] {strides = array<i32>} : memref<400x64xf32, #tpu.memory_space<vmem>>, vector<1x16xf32>,
        %swap3A_544 = vector.shape_cast %swap3A_543 : vector<1x16xf32> to vector<16xf32>
        %swap3A_545 = vector.shape_cast %get3A_540 : vector<16xf32> to vector<1x16xf32>
        tpu.vector_store %arg10[%swap3A_541, %swap3A_542], %swap3A_545 {add = true, strides = array<i32>} : memref<400x64xf32, #tpu.memory_space<vmem>>, vector<1x16xf32>,
        %add3A_546 = arith.constant 200 : i32
        %add3A_547 = arith.addi %add3A_546, %add3A_522 : i32
        %swap3A_548 = arith.index_cast %add3A_547 : i32 to index
        %swap3A_549 = arith.constant 16 : index
        %swap3A_550 = tpu.vector_load %arg10[%swap3A_548, %swap3A_549] {strides = array<i32>} : memref<400x64xf32, #tpu.memory_space<vmem>>, vector<1x16xf32>,
        %swap3A_551 = vector.shape_cast %swap3A_550 : vector<1x16xf32> to vector<16xf32>
        %swap3A_552 = vector.shape_cast %get3A_540 : vector<16xf32> to vector<1x16xf32>
        tpu.vector_store %arg10[%swap3A_548, %swap3A_549], %swap3A_552 {add = true, strides = array<i32>} : memref<400x64xf32, #tpu.memory_space<vmem>>, vector<1x16xf32>,
        %get3A_553 = arith.index_cast %add3A_522 : i32 to index
        %get3A_554 = arith.constant 32 : index
        %get3A_555 = tpu.vector_load %arg14[%get3A_553, %get3A_554] {strides = array<i32>} : memref<200x64xf32, #tpu.memory_space<vmem>>, vector<1x16xf32>,
        %get3A_556 = vector.shape_cast %get3A_555 : vector<1x16xf32> to vector<16xf32>
        %swap3A_557 = arith.index_cast %add3A_522 : i32 to index
        %swap3A_558 = arith.constant 32 : index
        %swap3A_559 = tpu.vector_load %arg10[%swap3A_557, %swap3A_558] {strides = array<i32>} : memref<400x64xf32, #tpu.memory_space<vmem>>, vector<1x16xf32>,
        %swap3A_560 = vector.shape_cast %swap3A_559 : vector<1x16xf32> to vector<16xf32>
        %swap3A_561 = vector.shape_cast %get3A_556 : vector<16xf32> to vector<1x16xf32>
        tpu.vector_store %arg10[%swap3A_557, %swap3A_558], %swap3A_561 {add = true, strides = array<i32>} : memref<400x64xf32, #tpu.memory_space<vmem>>, vector<1x16xf32>,
        %add3A_562 = arith.constant 200 : i32
        %add3A_563 = arith.addi %add3A_562, %add3A_522 : i32
        %swap3A_564 = arith.index_cast %add3A_563 : i32 to index
        %swap3A_565 = arith.constant 32 : index
        %swap3A_566 = tpu.vector_load %arg10[%swap3A_564, %swap3A_565] {strides = array<i32>} : memref<400x64xf32, #tpu.memory_space<vmem>>, vector<1x16xf32>,
        %swap3A_567 = vector.shape_cast %swap3A_566 : vector<1x16xf32> to vector<16xf32>
        %swap3A_568 = vector.shape_cast %get3A_556 : vector<16xf32> to vector<1x16xf32>
        tpu.vector_store %arg10[%swap3A_564, %swap3A_565], %swap3A_568 {add = true, strides = array<i32>} : memref<400x64xf32, #tpu.memory_space<vmem>>, vector<1x16xf32>,
        %get3A_569 = arith.index_cast %add3A_522 : i32 to index
        %get3A_570 = arith.constant 48 : index
        %get3A_571 = tpu.vector_load %arg14[%get3A_569, %get3A_570] {strides = array<i32>} : memref<200x64xf32, #tpu.memory_space<vmem>>, vector<1x16xf32>,
        %get3A_572 = vector.shape_cast %get3A_571 : vector<1x16xf32> to vector<16xf32>
        %swap3A_573 = arith.index_cast %add3A_522 : i32 to index
        %swap3A_574 = arith.constant 48 : index
        %swap3A_575 = tpu.vector_load %arg10[%swap3A_573, %swap3A_574] {strides = array<i32>} : memref<400x64xf32, #tpu.memory_space<vmem>>, vector<1x16xf32>,
        %swap3A_576 = vector.shape_cast %swap3A_575 : vector<1x16xf32> to vector<16xf32>
        %swap3A_577 = vector.shape_cast %get3A_572 : vector<16xf32> to vector<1x16xf32>
        tpu.vector_store %arg10[%swap3A_573, %swap3A_574], %swap3A_577 {add = true, strides = array<i32>} : memref<400x64xf32, #tpu.memory_space<vmem>>, vector<1x16xf32>,
        %add3A_578 = arith.constant 200 : i32
        %add3A_579 = arith.addi %add3A_578, %add3A_522 : i32
        %swap3A_580 = arith.index_cast %add3A_579 : i32 to index
        %swap3A_581 = arith.constant 48 : index
        %swap3A_582 = tpu.vector_load %arg10[%swap3A_580, %swap3A_581] {strides = array<i32>} : memref<400x64xf32, #tpu.memory_space<vmem>>, vector<1x16xf32>,
        %swap3A_583 = vector.shape_cast %swap3A_582 : vector<1x16xf32> to vector<16xf32>
        %swap3A_584 = vector.shape_cast %get3A_572 : vector<16xf32> to vector<1x16xf32>
        tpu.vector_store %arg10[%swap3A_580, %swap3A_581], %swap3A_584 {add = true, strides = array<i32>} : memref<400x64xf32, #tpu.memory_space<vmem>>, vector<1x16xf32>,
        %scan3A_585 = arith.constant 1 : i32
        %scan3A_586 = arith.addi %scan3A_518, %scan3A_585 : i32
        %mul3A_587 = arith.constant 1 : i32
        %mul3A_588 = arith.muli %scan3A_586, %mul3A_587 : i32
        %add3A_589 = arith.constant 0 : i32
        %add3A_590 = arith.addi %add3A_589, %mul3A_588 : i32
        %get3A_591 = arith.index_cast %add3A_590 : i32 to index
        %get3A_592 = arith.constant 0 : index
        %get3A_593 = tpu.vector_load %arg14[%get3A_591, %get3A_592] {strides = array<i32>} : memref<200x64xf32, #tpu.memory_space<vmem>>, vector<1x16xf32>,
        %get3A_594 = vector.shape_cast %get3A_593 : vector<1x16xf32> to vector<16xf32>
        %swap3A_595 = arith.index_cast %add3A_590 : i32 to index
        %swap3A_596 = arith.constant 0 : index
        %swap3A_597 = tpu.vector_load %arg10[%swap3A_595, %swap3A_596] {strides = array<i32>} : memref<400x64xf32, #tpu.memory_space<vmem>>, vector<1x16xf32>,
        %swap3A_598 = vector.shape_cast %swap3A_597 : vector<1x16xf32> to vector<16xf32>
        %swap3A_599 = vector.shape_cast %get3A_594 : vector<16xf32> to vector<1x16xf32>
        tpu.vector_store %arg10[%swap3A_595, %swap3A_596], %swap3A_599 {add = true, strides = array<i32>} : memref<400x64xf32, #tpu.memory_space<vmem>>, vector<1x16xf32>,
        %add3A_600 = arith.constant 200 : i32
        %add3A_601 = arith.addi %add3A_600, %add3A_590 : i32
        %swap3A_602 = arith.index_cast %add3A_601 : i32 to index
        %swap3A_603 = arith.constant 0 : index
        %swap3A_604 = tpu.vector_load %arg10[%swap3A_602, %swap3A_603] {strides = array<i32>} : memref<400x64xf32, #tpu.memory_space<vmem>>, vector<1x16xf32>,
        %swap3A_605 = vector.shape_cast %swap3A_604 : vector<1x16xf32> to vector<16xf32>
        %swap3A_606 = vector.shape_cast %get3A_594 : vector<16xf32> to vector<1x16xf32>
        tpu.vector_store %arg10[%swap3A_602, %swap3A_603], %swap3A_606 {add = true, strides = array<i32>} : memref<400x64xf32, #tpu.memory_space<vmem>>, vector<1x16xf32>,
        %get3A_607 = arith.index_cast %add3A_590 : i32 to index
        %get3A_608 = arith.constant 16 : index
        %get3A_609 = tpu.vector_load %arg14[%get3A_607, %get3A_608] {strides = array<i32>} : memref<200x64xf32, #tpu.memory_space<vmem>>, vector<1x16xf32>,
        %get3A_610 = vector.shape_cast %get3A_609 : vector<1x16xf32> to vector<16xf32>
        %swap3A_611 = arith.index_cast %add3A_590 : i32 to index
        %swap3A_612 = arith.constant 16 : index
        %swap3A_613 = tpu.vector_load %arg10[%swap3A_611, %swap3A_612] {strides = array<i32>} : memref<400x64xf32, #tpu.memory_space<vmem>>, vector<1x16xf32>,
        %swap3A_614 = vector.shape_cast %swap3A_613 : vector<1x16xf32> to vector<16xf32>
        %swap3A_615 = vector.shape_cast %get3A_610 : vector<16xf32> to vector<1x16xf32>
        tpu.vector_store %arg10[%swap3A_611, %swap3A_612], %swap3A_615 {add = true, strides = array<i32>} : memref<400x64xf32, #tpu.memory_space<vmem>>, vector<1x16xf32>,
        %add3A_616 = arith.constant 200 : i32
        %add3A_617 = arith.addi %add3A_616, %add3A_590 : i32
        %swap3A_618 = arith.index_cast %add3A_617 : i32 to index
        %swap3A_619 = arith.constant 16 : index
        %swap3A_620 = tpu.vector_load %arg10[%swap3A_618, %swap3A_619] {strides = array<i32>} : memref<400x64xf32, #tpu.memory_space<vmem>>, vector<1x16xf32>,
        %swap3A_621 = vector.shape_cast %swap3A_620 : vector<1x16xf32> to vector<16xf32>
        %swap3A_622 = vector.shape_cast %get3A_610 : vector<16xf32> to vector<1x16xf32>
        tpu.vector_store %arg10[%swap3A_618, %swap3A_619], %swap3A_622 {add = true, strides = array<i32>} : memref<400x64xf32, #tpu.memory_space<vmem>>, vector<1x16xf32>,
        %get3A_623 = arith.index_cast %add3A_590 : i32 to index
        %get3A_624 = arith.constant 32 : index
        %get3A_625 = tpu.vector_load %arg14[%get3A_623, %get3A_624] {strides = array<i32>} : memref<200x64xf32, #tpu.memory_space<vmem>>, vector<1x16xf32>,
        %get3A_626 = vector.shape_cast %get3A_625 : vector<1x16xf32> to vector<16xf32>
        %swap3A_627 = arith.index_cast %add3A_590 : i32 to index
        %swap3A_628 = arith.constant 32 : index
        %swap3A_629 = tpu.vector_load %arg10[%swap3A_627, %swap3A_628] {strides = array<i32>} : memref<400x64xf32, #tpu.memory_space<vmem>>, vector<1x16xf32>,
        %swap3A_630 = vector.shape_cast %swap3A_629 : vector<1x16xf32> to vector<16xf32>
        %swap3A_631 = vector.shape_cast %get3A_626 : vector<16xf32> to vector<1x16xf32>
        tpu.vector_store %arg10[%swap3A_627, %swap3A_628], %swap3A_631 {add = true, strides = array<i32>} : memref<400x64xf32, #tpu.memory_space<vmem>>, vector<1x16xf32>,
        %add3A_632 = arith.constant 200 : i32
        %add3A_633 = arith.addi %add3A_632, %add3A_590 : i32
        %swap3A_634 = arith.index_cast %add3A_633 : i32 to index
        %swap3A_635 = arith.constant 32 : index
        %swap3A_636 = tpu.vector_load %arg10[%swap3A_634, %swap3A_635] {strides = array<i32>} : memref<400x64xf32, #tpu.memory_space<vmem>>, vector<1x16xf32>,
        %swap3A_637 = vector.shape_cast %swap3A_636 : vector<1x16xf32> to vector<16xf32>
        %swap3A_638 = vector.shape_cast %get3A_626 : vector<16xf32> to vector<1x16xf32>
        tpu.vector_store %arg10[%swap3A_634, %swap3A_635], %swap3A_638 {add = true, strides = array<i32>} : memref<400x64xf32, #tpu.memory_space<vmem>>, vector<1x16xf32>,
        %get3A_639 = arith.index_cast %add3A_590 : i32 to index
        %get3A_640 = arith.constant 48 : index
        %get3A_641 = tpu.vector_load %arg14[%get3A_639, %get3A_640] {strides = array<i32>} : memref<200x64xf32, #tpu.memory_space<vmem>>, vector<1x16xf32>,
        %get3A_642 = vector.shape_cast %get3A_641 : vector<1x16xf32> to vector<16xf32>
        %swap3A_643 = arith.index_cast %add3A_590 : i32 to index
        %swap3A_644 = arith.constant 48 : index
        %swap3A_645 = tpu.vector_load %arg10[%swap3A_643, %swap3A_644] {strides = array<i32>} : memref<400x64xf32, #tpu.memory_space<vmem>>, vector<1x16xf32>,
        %swap3A_646 = vector.shape_cast %swap3A_645 : vector<1x16xf32> to vector<16xf32>
        %swap3A_647 = vector.shape_cast %get3A_642 : vector<16xf32> to vector<1x16xf32>
        tpu.vector_store %arg10[%swap3A_643, %swap3A_644], %swap3A_647 {add = true, strides = array<i32>} : memref<400x64xf32, #tpu.memory_space<vmem>>, vector<1x16xf32>,
        %add3A_648 = arith.constant 200 : i32
        %add3A_649 = arith.addi %add3A_648, %add3A_590 : i32
        %swap3A_650 = arith.index_cast %add3A_649 : i32 to index
        %swap3A_651 = arith.constant 48 : index
        %swap3A_652 = tpu.vector_load %arg10[%swap3A_650, %swap3A_651] {strides = array<i32>} : memref<400x64xf32, #tpu.memory_space<vmem>>, vector<1x16xf32>,
        %swap3A_653 = vector.shape_cast %swap3A_652 : vector<1x16xf32> to vector<16xf32>
        %swap3A_654 = vector.shape_cast %get3A_642 : vector<16xf32> to vector<1x16xf32>
        tpu.vector_store %arg10[%swap3A_650, %swap3A_651], %swap3A_654 {add = true, strides = array<i32>} : memref<400x64xf32, #tpu.memory_space<vmem>>, vector<1x16xf32>,
        %scan3A_655 = arith.constant 2 : i32
        %scan3A_656 = arith.addi %scan3A_518, %scan3A_655 : i32
        %mul3A_657 = arith.constant 1 : i32
        %mul3A_658 = arith.muli %scan3A_656, %mul3A_657 : i32
        %add3A_659 = arith.constant 0 : i32
        %add3A_660 = arith.addi %add3A_659, %mul3A_658 : i32
        %get3A_661 = arith.index_cast %add3A_660 : i32 to index
        %get3A_662 = arith.constant 0 : index
        %get3A_663 = tpu.vector_load %arg14[%get3A_661, %get3A_662] {strides = array<i32>} : memref<200x64xf32, #tpu.memory_space<vmem>>, vector<1x16xf32>,
        %get3A_664 = vector.shape_cast %get3A_663 : vector<1x16xf32> to vector<16xf32>
        %swap3A_665 = arith.index_cast %add3A_660 : i32 to index
        %swap3A_666 = arith.constant 0 : index
        %swap3A_667 = tpu.vector_load %arg10[%swap3A_665, %swap3A_666] {strides = array<i32>} : memref<400x64xf32, #tpu.memory_space<vmem>>, vector<1x16xf32>,
        %swap3A_668 = vector.shape_cast %swap3A_667 : vector<1x16xf32> to vector<16xf32>
        %swap3A_669 = vector.shape_cast %get3A_664 : vector<16xf32> to vector<1x16xf32>
        tpu.vector_store %arg10[%swap3A_665, %swap3A_666], %swap3A_669 {add = true, strides = array<i32>} : memref<400x64xf32, #tpu.memory_space<vmem>>, vector<1x16xf32>,
        %add3A_670 = arith.constant 200 : i32
        %add3A_671 = arith.addi %add3A_670, %add3A_660 : i32
        %swap3A_672 = arith.index_cast %add3A_671 : i32 to index
        %swap3A_673 = arith.constant 0 : index
        %swap3A_674 = tpu.vector_load %arg10[%swap3A_672, %swap3A_673] {strides = array<i32>} : memref<400x64xf32, #tpu.memory_space<vmem>>, vector<1x16xf32>,
        %swap3A_675 = vector.shape_cast %swap3A_674 : vector<1x16xf32> to vector<16xf32>
        %swap3A_676 = vector.shape_cast %get3A_664 : vector<16xf32> to vector<1x16xf32>
        tpu.vector_store %arg10[%swap3A_672, %swap3A_673], %swap3A_676 {add = true, strides = array<i32>} : memref<400x64xf32, #tpu.memory_space<vmem>>, vector<1x16xf32>,
        %get3A_677 = arith.index_cast %add3A_660 : i32 to index
        %get3A_678 = arith.constant 16 : index
        %get3A_679 = tpu.vector_load %arg14[%get3A_677, %get3A_678] {strides = array<i32>} : memref<200x64xf32, #tpu.memory_space<vmem>>, vector<1x16xf32>,
        %get3A_680 = vector.shape_cast %get3A_679 : vector<1x16xf32> to vector<16xf32>
        %swap3A_681 = arith.index_cast %add3A_660 : i32 to index
        %swap3A_682 = arith.constant 16 : index
        %swap3A_683 = tpu.vector_load %arg10[%swap3A_681, %swap3A_682] {strides = array<i32>} : memref<400x64xf32, #tpu.memory_space<vmem>>, vector<1x16xf32>,
        %swap3A_684 = vector.shape_cast %swap3A_683 : vector<1x16xf32> to vector<16xf32>
        %swap3A_685 = vector.shape_cast %get3A_680 : vector<16xf32> to vector<1x16xf32>
        tpu.vector_store %arg10[%swap3A_681, %swap3A_682], %swap3A_685 {add = true, strides = array<i32>} : memref<400x64xf32, #tpu.memory_space<vmem>>, vector<1x16xf32>,
        %add3A_686 = arith.constant 200 : i32
        %add3A_687 = arith.addi %add3A_686, %add3A_660 : i32
        %swap3A_688 = arith.index_cast %add3A_687 : i32 to index
        %swap3A_689 = arith.constant 16 : index
        %swap3A_690 = tpu.vector_load %arg10[%swap3A_688, %swap3A_689] {strides = array<i32>} : memref<400x64xf32, #tpu.memory_space<vmem>>, vector<1x16xf32>,
        %swap3A_691 = vector.shape_cast %swap3A_690 : vector<1x16xf32> to vector<16xf32>
        %swap3A_692 = vector.shape_cast %get3A_680 : vector<16xf32> to vector<1x16xf32>
        tpu.vector_store %arg10[%swap3A_688, %swap3A_689], %swap3A_692 {add = true, strides = array<i32>} : memref<400x64xf32, #tpu.memory_space<vmem>>, vector<1x16xf32>,
        %get3A_693 = arith.index_cast %add3A_660 : i32 to index
        %get3A_694 = arith.constant 32 : index
        %get3A_695 = tpu.vector_load %arg14[%get3A_693, %get3A_694] {strides = array<i32>} : memref<200x64xf32, #tpu.memory_space<vmem>>, vector<1x16xf32>,
        %get3A_696 = vector.shape_cast %get3A_695 : vector<1x16xf32> to vector<16xf32>
        %swap3A_697 = arith.index_cast %add3A_660 : i32 to index
        %swap3A_698 = arith.constant 32 : index
        %swap3A_699 = tpu.vector_load %arg10[%swap3A_697, %swap3A_698] {strides = array<i32>} : memref<400x64xf32, #tpu.memory_space<vmem>>, vector<1x16xf32>,
        %swap3A_700 = vector.shape_cast %swap3A_699 : vector<1x16xf32> to vector<16xf32>
        %swap3A_701 = vector.shape_cast %get3A_696 : vector<16xf32> to vector<1x16xf32>
        tpu.vector_store %arg10[%swap3A_697, %swap3A_698], %swap3A_701 {add = true, strides = array<i32>} : memref<400x64xf32, #tpu.memory_space<vmem>>, vector<1x16xf32>,
        %add3A_702 = arith.constant 200 : i32
        %add3A_703 = arith.addi %add3A_702, %add3A_660 : i32
        %swap3A_704 = arith.index_cast %add3A_703 : i32 to index
        %swap3A_705 = arith.constant 32 : index
        %swap3A_706 = tpu.vector_load %arg10[%swap3A_704, %swap3A_705] {strides = array<i32>} : memref<400x64xf32, #tpu.memory_space<vmem>>, vector<1x16xf32>,
        %swap3A_707 = vector.shape_cast %swap3A_706 : vector<1x16xf32> to vector<16xf32>
        %swap3A_708 = vector.shape_cast %get3A_696 : vector<16xf32> to vector<1x16xf32>
        tpu.vector_store %arg10[%swap3A_704, %swap3A_705], %swap3A_708 {add = true, strides = array<i32>} : memref<400x64xf32, #tpu.memory_space<vmem>>, vector<1x16xf32>,
        %get3A_709 = arith.index_cast %add3A_660 : i32 to index
        %get3A_710 = arith.constant 48 : index
        %get3A_711 = tpu.vector_load %arg14[%get3A_709, %get3A_710] {strides = array<i32>} : memref<200x64xf32, #tpu.memory_space<vmem>>, vector<1x16xf32>,
        %get3A_712 = vector.shape_cast %get3A_711 : vector<1x16xf32> to vector<16xf32>
        %swap3A_713 = arith.index_cast %add3A_660 : i32 to index
        %swap3A_714 = arith.constant 48 : index
        %swap3A_715 = tpu.vector_load %arg10[%swap3A_713, %swap3A_714] {strides = array<i32>} : memref<400x64xf32, #tpu.memory_space<vmem>>, vector<1x16xf32>,
        %swap3A_716 = vector.shape_cast %swap3A_715 : vector<1x16xf32> to vector<16xf32>
        %swap3A_717 = vector.shape_cast %get3A_712 : vector<16xf32> to vector<1x16xf32>
        tpu.vector_store %arg10[%swap3A_713, %swap3A_714], %swap3A_717 {add = true, strides = array<i32>} : memref<400x64xf32, #tpu.memory_space<vmem>>, vector<1x16xf32>,
        %add3A_718 = arith.constant 200 : i32
        %add3A_719 = arith.addi %add3A_718, %add3A_660 : i32
        %swap3A_720 = arith.index_cast %add3A_719 : i32 to index
        %swap3A_721 = arith.constant 48 : index
        %swap3A_722 = tpu.vector_load %arg10[%swap3A_720, %swap3A_721] {strides = array<i32>} : memref<400x64xf32, #tpu.memory_space<vmem>>, vector<1x16xf32>,
        %swap3A_723 = vector.shape_cast %swap3A_722 : vector<1x16xf32> to vector<16xf32>
        %swap3A_724 = vector.shape_cast %get3A_712 : vector<16xf32> to vector<1x16xf32>
        tpu.vector_store %arg10[%swap3A_720, %swap3A_721], %swap3A_724 {add = true, strides = array<i32>} : memref<400x64xf32, #tpu.memory_space<vmem>>, vector<1x16xf32>,
        %scan3A_725 = arith.constant 3 : i32
        %scan3A_726 = arith.addi %scan3A_518, %scan3A_725 : i32
        %mul3A_727 = arith.constant 1 : i32
        %mul3A_728 = arith.muli %scan3A_726, %mul3A_727 : i32
        %add3A_729 = arith.constant 0 : i32
        %add3A_730 = arith.addi %add3A_729, %mul3A_728 : i32
        %get3A_731 = arith.index_cast %add3A_730 : i32 to index
        %get3A_732 = arith.constant 0 : index
        %get3A_733 = tpu.vector_load %arg14[%get3A_731, %get3A_732] {strides = array<i32>} : memref<200x64xf32, #tpu.memory_space<vmem>>, vector<1x16xf32>,
        %get3A_734 = vector.shape_cast %get3A_733 : vector<1x16xf32> to vector<16xf32>
        %swap3A_735 = arith.index_cast %add3A_730 : i32 to index
        %swap3A_736 = arith.constant 0 : index
        %swap3A_737 = tpu.vector_load %arg10[%swap3A_735, %swap3A_736] {strides = array<i32>} : memref<400x64xf32, #tpu.memory_space<vmem>>, vector<1x16xf32>,
        %swap3A_738 = vector.shape_cast %swap3A_737 : vector<1x16xf32> to vector<16xf32>
        %swap3A_739 = vector.shape_cast %get3A_734 : vector<16xf32> to vector<1x16xf32>
        tpu.vector_store %arg10[%swap3A_735, %swap3A_736], %swap3A_739 {add = true, strides = array<i32>} : memref<400x64xf32, #tpu.memory_space<vmem>>, vector<1x16xf32>,
        %add3A_740 = arith.constant 200 : i32
        %add3A_741 = arith.addi %add3A_740, %add3A_730 : i32
        %swap3A_742 = arith.index_cast %add3A_741 : i32 to index
        %swap3A_743 = arith.constant 0 : index
        %swap3A_744 = tpu.vector_load %arg10[%swap3A_742, %swap3A_743] {strides = array<i32>} : memref<400x64xf32, #tpu.memory_space<vmem>>, vector<1x16xf32>,
        %swap3A_745 = vector.shape_cast %swap3A_744 : vector<1x16xf32> to vector<16xf32>
        %swap3A_746 = vector.shape_cast %get3A_734 : vector<16xf32> to vector<1x16xf32>
        tpu.vector_store %arg10[%swap3A_742, %swap3A_743], %swap3A_746 {add = true, strides = array<i32>} : memref<400x64xf32, #tpu.memory_space<vmem>>, vector<1x16xf32>,
        %get3A_747 = arith.index_cast %add3A_730 : i32 to index
        %get3A_748 = arith.constant 16 : index
        %get3A_749 = tpu.vector_load %arg14[%get3A_747, %get3A_748] {strides = array<i32>} : memref<200x64xf32, #tpu.memory_space<vmem>>, vector<1x16xf32>,
        %get3A_750 = vector.shape_cast %get3A_749 : vector<1x16xf32> to vector<16xf32>
        %swap3A_751 = arith.index_cast %add3A_730 : i32 to index
        %swap3A_752 = arith.constant 16 : index
        %swap3A_753 = tpu.vector_load %arg10[%swap3A_751, %swap3A_752] {strides = array<i32>} : memref<400x64xf32, #tpu.memory_space<vmem>>, vector<1x16xf32>,
        %swap3A_754 = vector.shape_cast %swap3A_753 : vector<1x16xf32> to vector<16xf32>
        %swap3A_755 = vector.shape_cast %get3A_750 : vector<16xf32> to vector<1x16xf32>
        tpu.vector_store %arg10[%swap3A_751, %swap3A_752], %swap3A_755 {add = true, strides = array<i32>} : memref<400x64xf32, #tpu.memory_space<vmem>>, vector<1x16xf32>,
        %add3A_756 = arith.constant 200 : i32
        %add3A_757 = arith.addi %add3A_756, %add3A_730 : i32
        %swap3A_758 = arith.index_cast %add3A_757 : i32 to index
        %swap3A_759 = arith.constant 16 : index
        %swap3A_760 = tpu.vector_load %arg10[%swap3A_758, %swap3A_759] {strides = array<i32>} : memref<400x64xf32, #tpu.memory_space<vmem>>, vector<1x16xf32>,
        %swap3A_761 = vector.shape_cast %swap3A_760 : vector<1x16xf32> to vector<16xf32>
        %swap3A_762 = vector.shape_cast %get3A_750 : vector<16xf32> to vector<1x16xf32>
        tpu.vector_store %arg10[%swap3A_758, %swap3A_759], %swap3A_762 {add = true, strides = array<i32>} : memref<400x64xf32, #tpu.memory_space<vmem>>, vector<1x16xf32>,
        %get3A_763 = arith.index_cast %add3A_730 : i32 to index
        %get3A_764 = arith.constant 32 : index
        %get3A_765 = tpu.vector_load %arg14[%get3A_763, %get3A_764] {strides = array<i32>} : memref<200x64xf32, #tpu.memory_space<vmem>>, vector<1x16xf32>,
        %get3A_766 = vector.shape_cast %get3A_765 : vector<1x16xf32> to vector<16xf32>
        %swap3A_767 = arith.index_cast %add3A_730 : i32 to index
        %swap3A_768 = arith.constant 32 : index
        %swap3A_769 = tpu.vector_load %arg10[%swap3A_767, %swap3A_768] {strides = array<i32>} : memref<400x64xf32, #tpu.memory_space<vmem>>, vector<1x16xf32>,
        %swap3A_770 = vector.shape_cast %swap3A_769 : vector<1x16xf32> to vector<16xf32>
        %swap3A_771 = vector.shape_cast %get3A_766 : vector<16xf32> to vector<1x16xf32>
        tpu.vector_store %arg10[%swap3A_767, %swap3A_768], %swap3A_771 {add = true, strides = array<i32>} : memref<400x64xf32, #tpu.memory_space<vmem>>, vector<1x16xf32>,
        %add3A_772 = arith.constant 200 : i32
        %add3A_773 = arith.addi %add3A_772, %add3A_730 : i32
        %swap3A_774 = arith.index_cast %add3A_773 : i32 to index
        %swap3A_775 = arith.constant 32 : index
        %swap3A_776 = tpu.vector_load %arg10[%swap3A_774, %swap3A_775] {strides = array<i32>} : memref<400x64xf32, #tpu.memory_space<vmem>>, vector<1x16xf32>,
        %swap3A_777 = vector.shape_cast %swap3A_776 : vector<1x16xf32> to vector<16xf32>
        %swap3A_778 = vector.shape_cast %get3A_766 : vector<16xf32> to vector<1x16xf32>
        tpu.vector_store %arg10[%swap3A_774, %swap3A_775], %swap3A_778 {add = true, strides = array<i32>} : memref<400x64xf32, #tpu.memory_space<vmem>>, vector<1x16xf32>,
        %get3A_779 = arith.index_cast %add3A_730 : i32 to index
        %get3A_780 = arith.constant 48 : index
        %get3A_781 = tpu.vector_load %arg14[%get3A_779, %get3A_780] {strides = array<i32>} : memref<200x64xf32, #tpu.memory_space<vmem>>, vector<1x16xf32>,
        %get3A_782 = vector.shape_cast %get3A_781 : vector<1x16xf32> to vector<16xf32>
        %swap3A_783 = arith.index_cast %add3A_730 : i32 to index
        %swap3A_784 = arith.constant 48 : index
        %swap3A_785 = tpu.vector_load %arg10[%swap3A_783, %swap3A_784] {strides = array<i32>} : memref<400x64xf32, #tpu.memory_space<vmem>>, vector<1x16xf32>,
        %swap3A_786 = vector.shape_cast %swap3A_785 : vector<1x16xf32> to vector<16xf32>
        %swap3A_787 = vector.shape_cast %get3A_782 : vector<16xf32> to vector<1x16xf32>
        tpu.vector_store %arg10[%swap3A_783, %swap3A_784], %swap3A_787 {add = true, strides = array<i32>} : memref<400x64xf32, #tpu.memory_space<vmem>>, vector<1x16xf32>,
        %add3A_788 = arith.constant 200 : i32
        %add3A_789 = arith.addi %add3A_788, %add3A_730 : i32
        %swap3A_790 = arith.index_cast %add3A_789 : i32 to index
        %swap3A_791 = arith.constant 48 : index
        %swap3A_792 = tpu.vector_load %arg10[%swap3A_790, %swap3A_791] {strides = array<i32>} : memref<400x64xf32, #tpu.memory_space<vmem>>, vector<1x16xf32>,
        %swap3A_793 = vector.shape_cast %swap3A_792 : vector<1x16xf32> to vector<16xf32>
        %swap3A_794 = vector.shape_cast %get3A_782 : vector<16xf32> to vector<1x16xf32>
        tpu.vector_store %arg10[%swap3A_790, %swap3A_791], %swap3A_794 {add = true, strides = array<i32>} : memref<400x64xf32, #tpu.memory_space<vmem>>, vector<1x16xf32>,
        %scan3A_795 = arith.constant 4 : i32
        %scan3A_796 = arith.addi %scan3A_518, %scan3A_795 : i32
        %mul3A_797 = arith.constant 1 : i32
        %mul3A_798 = arith.muli %scan3A_796, %mul3A_797 : i32
        %add3A_799 = arith.constant 0 : i32
        %add3A_800 = arith.addi %add3A_799, %mul3A_798 : i32
        %get3A_801 = arith.index_cast %add3A_800 : i32 to index
        %get3A_802 = arith.constant 0 : index
        %get3A_803 = tpu.vector_load %arg14[%get3A_801, %get3A_802] {strides = array<i32>} : memref<200x64xf32, #tpu.memory_space<vmem>>, vector<1x16xf32>,
        %get3A_804 = vector.shape_cast %get3A_803 : vector<1x16xf32> to vector<16xf32>
        %swap3A_805 = arith.index_cast %add3A_800 : i32 to index
        %swap3A_806 = arith.constant 0 : index
        %swap3A_807 = tpu.vector_load %arg10[%swap3A_805, %swap3A_806] {strides = array<i32>} : memref<400x64xf32, #tpu.memory_space<vmem>>, vector<1x16xf32>,
        %swap3A_808 = vector.shape_cast %swap3A_807 : vector<1x16xf32> to vector<16xf32>
        %swap3A_809 = vector.shape_cast %get3A_804 : vector<16xf32> to vector<1x16xf32>
        tpu.vector_store %arg10[%swap3A_805, %swap3A_806], %swap3A_809 {add = true, strides = array<i32>} : memref<400x64xf32, #tpu.memory_space<vmem>>, vector<1x16xf32>,
        %add3A_810 = arith.constant 200 : i32
        %add3A_811 = arith.addi %add3A_810, %add3A_800 : i32
        %swap3A_812 = arith.index_cast %add3A_811 : i32 to index
        %swap3A_813 = arith.constant 0 : index
        %swap3A_814 = tpu.vector_load %arg10[%swap3A_812, %swap3A_813] {strides = array<i32>} : memref<400x64xf32, #tpu.memory_space<vmem>>, vector<1x16xf32>,
        %swap3A_815 = vector.shape_cast %swap3A_814 : vector<1x16xf32> to vector<16xf32>
        %swap3A_816 = vector.shape_cast %get3A_804 : vector<16xf32> to vector<1x16xf32>
        tpu.vector_store %arg10[%swap3A_812, %swap3A_813], %swap3A_816 {add = true, strides = array<i32>} : memref<400x64xf32, #tpu.memory_space<vmem>>, vector<1x16xf32>,
        %get3A_817 = arith.index_cast %add3A_800 : i32 to index
        %get3A_818 = arith.constant 16 : index
        %get3A_819 = tpu.vector_load %arg14[%get3A_817, %get3A_818] {strides = array<i32>} : memref<200x64xf32, #tpu.memory_space<vmem>>, vector<1x16xf32>,
        %get3A_820 = vector.shape_cast %get3A_819 : vector<1x16xf32> to vector<16xf32>
        %swap3A_821 = arith.index_cast %add3A_800 : i32 to index
        %swap3A_822 = arith.constant 16 : index
        %swap3A_823 = tpu.vector_load %arg10[%swap3A_821, %swap3A_822] {strides = array<i32>} : memref<400x64xf32, #tpu.memory_space<vmem>>, vector<1x16xf32>,
        %swap3A_824 = vector.shape_cast %swap3A_823 : vector<1x16xf32> to vector<16xf32>
        %swap3A_825 = vector.shape_cast %get3A_820 : vector<16xf32> to vector<1x16xf32>
        tpu.vector_store %arg10[%swap3A_821, %swap3A_822], %swap3A_825 {add = true, strides = array<i32>} : memref<400x64xf32, #tpu.memory_space<vmem>>, vector<1x16xf32>,
        %add3A_826 = arith.constant 200 : i32
        %add3A_827 = arith.addi %add3A_826, %add3A_800 : i32
        %swap3A_828 = arith.index_cast %add3A_827 : i32 to index
        %swap3A_829 = arith.constant 16 : index
        %swap3A_830 = tpu.vector_load %arg10[%swap3A_828, %swap3A_829] {strides = array<i32>} : memref<400x64xf32, #tpu.memory_space<vmem>>, vector<1x16xf32>,
        %swap3A_831 = vector.shape_cast %swap3A_830 : vector<1x16xf32> to vector<16xf32>
        %swap3A_832 = vector.shape_cast %get3A_820 : vector<16xf32> to vector<1x16xf32>
        tpu.vector_store %arg10[%swap3A_828, %swap3A_829], %swap3A_832 {add = true, strides = array<i32>} : memref<400x64xf32, #tpu.memory_space<vmem>>, vector<1x16xf32>,
        %get3A_833 = arith.index_cast %add3A_800 : i32 to index
        %get3A_834 = arith.constant 32 : index
        %get3A_835 = tpu.vector_load %arg14[%get3A_833, %get3A_834] {strides = array<i32>} : memref<200x64xf32, #tpu.memory_space<vmem>>, vector<1x16xf32>,
        %get3A_836 = vector.shape_cast %get3A_835 : vector<1x16xf32> to vector<16xf32>
        %swap3A_837 = arith.index_cast %add3A_800 : i32 to index
        %swap3A_838 = arith.constant 32 : index
        %swap3A_839 = tpu.vector_load %arg10[%swap3A_837, %swap3A_838] {strides = array<i32>} : memref<400x64xf32, #tpu.memory_space<vmem>>, vector<1x16xf32>,
        %swap3A_840 = vector.shape_cast %swap3A_839 : vector<1x16xf32> to vector<16xf32>
        %swap3A_841 = vector.shape_cast %get3A_836 : vector<16xf32> to vector<1x16xf32>
        tpu.vector_store %arg10[%swap3A_837, %swap3A_838], %swap3A_841 {add = true, strides = array<i32>} : memref<400x64xf32, #tpu.memory_space<vmem>>, vector<1x16xf32>,
        %add3A_842 = arith.constant 200 : i32
        %add3A_843 = arith.addi %add3A_842, %add3A_800 : i32
        %swap3A_844 = arith.index_cast %add3A_843 : i32 to index
        %swap3A_845 = arith.constant 32 : index
        %swap3A_846 = tpu.vector_load %arg10[%swap3A_844, %swap3A_845] {strides = array<i32>} : memref<400x64xf32, #tpu.memory_space<vmem>>, vector<1x16xf32>,
        %swap3A_847 = vector.shape_cast %swap3A_846 : vector<1x16xf32> to vector<16xf32>
        %swap3A_848 = vector.shape_cast %get3A_836 : vector<16xf32> to vector<1x16xf32>
        tpu.vector_store %arg10[%swap3A_844, %swap3A_845], %swap3A_848 {add = true, strides = array<i32>} : memref<400x64xf32, #tpu.memory_space<vmem>>, vector<1x16xf32>,
        %get3A_849 = arith.index_cast %add3A_800 : i32 to index
        %get3A_850 = arith.constant 48 : index
        %get3A_851 = tpu.vector_load %arg14[%get3A_849, %get3A_850] {strides = array<i32>} : memref<200x64xf32, #tpu.memory_space<vmem>>, vector<1x16xf32>,
        %get3A_852 = vector.shape_cast %get3A_851 : vector<1x16xf32> to vector<16xf32>
        %swap3A_853 = arith.index_cast %add3A_800 : i32 to index
        %swap3A_854 = arith.constant 48 : index
        %swap3A_855 = tpu.vector_load %arg10[%swap3A_853, %swap3A_854] {strides = array<i32>} : memref<400x64xf32, #tpu.memory_space<vmem>>, vector<1x16xf32>,
        %swap3A_856 = vector.shape_cast %swap3A_855 : vector<1x16xf32> to vector<16xf32>
        %swap3A_857 = vector.shape_cast %get3A_852 : vector<16xf32> to vector<1x16xf32>
        tpu.vector_store %arg10[%swap3A_853, %swap3A_854], %swap3A_857 {add = true, strides = array<i32>} : memref<400x64xf32, #tpu.memory_space<vmem>>, vector<1x16xf32>,
        %add3A_858 = arith.constant 200 : i32
        %add3A_859 = arith.addi %add3A_858, %add3A_800 : i32
        %swap3A_860 = arith.index_cast %add3A_859 : i32 to index
        %swap3A_861 = arith.constant 48 : index
        %swap3A_862 = tpu.vector_load %arg10[%swap3A_860, %swap3A_861] {strides = array<i32>} : memref<400x64xf32, #tpu.memory_space<vmem>>, vector<1x16xf32>,
        %swap3A_863 = vector.shape_cast %swap3A_862 : vector<1x16xf32> to vector<16xf32>
        %swap3A_864 = vector.shape_cast %get3A_852 : vector<16xf32> to vector<1x16xf32>
        tpu.vector_store %arg10[%swap3A_860, %swap3A_861], %swap3A_864 {add = true, strides = array<i32>} : memref<400x64xf32, #tpu.memory_space<vmem>>, vector<1x16xf32>,
        %scan3A_865 = arith.constant 5 : i32
        %scan3A_866 = arith.addi %scan3A_518, %scan3A_865 : i32
        %mul3A_867 = arith.constant 1 : i32
        %mul3A_868 = arith.muli %scan3A_866, %mul3A_867 : i32
        %add3A_869 = arith.constant 0 : i32
        %add3A_870 = arith.addi %add3A_869, %mul3A_868 : i32
        %get3A_871 = arith.index_cast %add3A_870 : i32 to index
        %get3A_872 = arith.constant 0 : index
        %get3A_873 = tpu.vector_load %arg14[%get3A_871, %get3A_872] {strides = array<i32>} : memref<200x64xf32, #tpu.memory_space<vmem>>, vector<1x16xf32>,
        %get3A_874 = vector.shape_cast %get3A_873 : vector<1x16xf32> to vector<16xf32>
        %swap3A_875 = arith.index_cast %add3A_870 : i32 to index
        %swap3A_876 = arith.constant 0 : index
        %swap3A_877 = tpu.vector_load %arg10[%swap3A_875, %swap3A_876] {strides = array<i32>} : memref<400x64xf32, #tpu.memory_space<vmem>>, vector<1x16xf32>,
        %swap3A_878 = vector.shape_cast %swap3A_877 : vector<1x16xf32> to vector<16xf32>
        %swap3A_879 = vector.shape_cast %get3A_874 : vector<16xf32> to vector<1x16xf32>
        tpu.vector_store %arg10[%swap3A_875, %swap3A_876], %swap3A_879 {add = true, strides = array<i32>} : memref<400x64xf32, #tpu.memory_space<vmem>>, vector<1x16xf32>,
        %add3A_880 = arith.constant 200 : i32
        %add3A_881 = arith.addi %add3A_880, %add3A_870 : i32
        %swap3A_882 = arith.index_cast %add3A_881 : i32 to index
        %swap3A_883 = arith.constant 0 : index
        %swap3A_884 = tpu.vector_load %arg10[%swap3A_882, %swap3A_883] {strides = array<i32>} : memref<400x64xf32, #tpu.memory_space<vmem>>, vector<1x16xf32>,
        %swap3A_885 = vector.shape_cast %swap3A_884 : vector<1x16xf32> to vector<16xf32>
        %swap3A_886 = vector.shape_cast %get3A_874 : vector<16xf32> to vector<1x16xf32>
        tpu.vector_store %arg10[%swap3A_882, %swap3A_883], %swap3A_886 {add = true, strides = array<i32>} : memref<400x64xf32, #tpu.memory_space<vmem>>, vector<1x16xf32>,
        %get3A_887 = arith.index_cast %add3A_870 : i32 to index
        %get3A_888 = arith.constant 16 : index
        %get3A_889 = tpu.vector_load %arg14[%get3A_887, %get3A_888] {strides = array<i32>} : memref<200x64xf32, #tpu.memory_space<vmem>>, vector<1x16xf32>,
        %get3A_890 = vector.shape_cast %get3A_889 : vector<1x16xf32> to vector<16xf32>
        %swap3A_891 = arith.index_cast %add3A_870 : i32 to index
        %swap3A_892 = arith.constant 16 : index
        %swap3A_893 = tpu.vector_load %arg10[%swap3A_891, %swap3A_892] {strides = array<i32>} : memref<400x64xf32, #tpu.memory_space<vmem>>, vector<1x16xf32>,
        %swap3A_894 = vector.shape_cast %swap3A_893 : vector<1x16xf32> to vector<16xf32>
        %swap3A_895 = vector.shape_cast %get3A_890 : vector<16xf32> to vector<1x16xf32>
        tpu.vector_store %arg10[%swap3A_891, %swap3A_892], %swap3A_895 {add = true, strides = array<i32>} : memref<400x64xf32, #tpu.memory_space<vmem>>, vector<1x16xf32>,
        %add3A_896 = arith.constant 200 : i32
        %add3A_897 = arith.addi %add3A_896, %add3A_870 : i32
        %swap3A_898 = arith.index_cast %add3A_897 : i32 to index
        %swap3A_899 = arith.constant 16 : index
        %swap3A_900 = tpu.vector_load %arg10[%swap3A_898, %swap3A_899] {strides = array<i32>} : memref<400x64xf32, #tpu.memory_space<vmem>>, vector<1x16xf32>,
        %swap3A_901 = vector.shape_cast %swap3A_900 : vector<1x16xf32> to vector<16xf32>
        %swap3A_902 = vector.shape_cast %get3A_890 : vector<16xf32> to vector<1x16xf32>
        tpu.vector_store %arg10[%swap3A_898, %swap3A_899], %swap3A_902 {add = true, strides = array<i32>} : memref<400x64xf32, #tpu.memory_space<vmem>>, vector<1x16xf32>,
        %get3A_903 = arith.index_cast %add3A_870 : i32 to index
        %get3A_904 = arith.constant 32 : index
        %get3A_905 = tpu.vector_load %arg14[%get3A_903, %get3A_904] {strides = array<i32>} : memref<200x64xf32, #tpu.memory_space<vmem>>, vector<1x16xf32>,
        %get3A_906 = vector.shape_cast %get3A_905 : vector<1x16xf32> to vector<16xf32>
        %swap3A_907 = arith.index_cast %add3A_870 : i32 to index
        %swap3A_908 = arith.constant 32 : index
        %swap3A_909 = tpu.vector_load %arg10[%swap3A_907, %swap3A_908] {strides = array<i32>} : memref<400x64xf32, #tpu.memory_space<vmem>>, vector<1x16xf32>,
        %swap3A_910 = vector.shape_cast %swap3A_909 : vector<1x16xf32> to vector<16xf32>
        %swap3A_911 = vector.shape_cast %get3A_906 : vector<16xf32> to vector<1x16xf32>
        tpu.vector_store %arg10[%swap3A_907, %swap3A_908], %swap3A_911 {add = true, strides = array<i32>} : memref<400x64xf32, #tpu.memory_space<vmem>>, vector<1x16xf32>,
        %add3A_912 = arith.constant 200 : i32
        %add3A_913 = arith.addi %add3A_912, %add3A_870 : i32
        %swap3A_914 = arith.index_cast %add3A_913 : i32 to index
        %swap3A_915 = arith.constant 32 : index
        %swap3A_916 = tpu.vector_load %arg10[%swap3A_914, %swap3A_915] {strides = array<i32>} : memref<400x64xf32, #tpu.memory_space<vmem>>, vector<1x16xf32>,
        %swap3A_917 = vector.shape_cast %swap3A_916 : vector<1x16xf32> to vector<16xf32>
        %swap3A_918 = vector.shape_cast %get3A_906 : vector<16xf32> to vector<1x16xf32>
        tpu.vector_store %arg10[%swap3A_914, %swap3A_915], %swap3A_918 {add = true, strides = array<i32>} : memref<400x64xf32, #tpu.memory_space<vmem>>, vector<1x16xf32>,
        %get3A_919 = arith.index_cast %add3A_870 : i32 to index
        %get3A_920 = arith.constant 48 : index
        %get3A_921 = tpu.vector_load %arg14[%get3A_919, %get3A_920] {strides = array<i32>} : memref<200x64xf32, #tpu.memory_space<vmem>>, vector<1x16xf32>,
        %get3A_922 = vector.shape_cast %get3A_921 : vector<1x16xf32> to vector<16xf32>
        %swap3A_923 = arith.index_cast %add3A_870 : i32 to index
        %swap3A_924 = arith.constant 48 : index
        %swap3A_925 = tpu.vector_load %arg10[%swap3A_923, %swap3A_924] {strides = array<i32>} : memref<400x64xf32, #tpu.memory_space<vmem>>, vector<1x16xf32>,
        %swap3A_926 = vector.shape_cast %swap3A_925 : vector<1x16xf32> to vector<16xf32>
        %swap3A_927 = vector.shape_cast %get3A_922 : vector<16xf32> to vector<1x16xf32>
        tpu.vector_store %arg10[%swap3A_923, %swap3A_924], %swap3A_927 {add = true, strides = array<i32>} : memref<400x64xf32, #tpu.memory_space<vmem>>, vector<1x16xf32>,
        %add3A_928 = arith.constant 200 : i32
        %add3A_929 = arith.addi %add3A_928, %add3A_870 : i32
        %swap3A_930 = arith.index_cast %add3A_929 : i32 to index
        %swap3A_931 = arith.constant 48 : index
        %swap3A_932 = tpu.vector_load %arg10[%swap3A_930, %swap3A_931] {strides = array<i32>} : memref<400x64xf32, #tpu.memory_space<vmem>>, vector<1x16xf32>,
        %swap3A_933 = vector.shape_cast %swap3A_932 : vector<1x16xf32> to vector<16xf32>
        %swap3A_934 = vector.shape_cast %get3A_922 : vector<16xf32> to vector<1x16xf32>
        tpu.vector_store %arg10[%swap3A_930, %swap3A_931], %swap3A_934 {add = true, strides = array<i32>} : memref<400x64xf32, #tpu.memory_space<vmem>>, vector<1x16xf32>,
        %scan3A_935 = arith.constant 6 : i32
        %scan3A_936 = arith.addi %scan3A_518, %scan3A_935 : i32
        %mul3A_937 = arith.constant 1 : i32
        %mul3A_938 = arith.muli %scan3A_936, %mul3A_937 : i32
        %add3A_939 = arith.constant 0 : i32
        %add3A_940 = arith.addi %add3A_939, %mul3A_938 : i32
        %get3A_941 = arith.index_cast %add3A_940 : i32 to index
        %get3A_942 = arith.constant 0 : index
        %get3A_943 = tpu.vector_load %arg14[%get3A_941, %get3A_942] {strides = array<i32>} : memref<200x64xf32, #tpu.memory_space<vmem>>, vector<1x16xf32>,
        %get3A_944 = vector.shape_cast %get3A_943 : vector<1x16xf32> to vector<16xf32>
        %swap3A_945 = arith.index_cast %add3A_940 : i32 to index
        %swap3A_946 = arith.constant 0 : index
        %swap3A_947 = tpu.vector_load %arg10[%swap3A_945, %swap3A_946] {strides = array<i32>} : memref<400x64xf32, #tpu.memory_space<vmem>>, vector<1x16xf32>,
        %swap3A_948 = vector.shape_cast %swap3A_947 : vector<1x16xf32> to vector<16xf32>
        %swap3A_949 = vector.shape_cast %get3A_944 : vector<16xf32> to vector<1x16xf32>
        tpu.vector_store %arg10[%swap3A_945, %swap3A_946], %swap3A_949 {add = true, strides = array<i32>} : memref<400x64xf32, #tpu.memory_space<vmem>>, vector<1x16xf32>,
        %add3A_950 = arith.constant 200 : i32
        %add3A_951 = arith.addi %add3A_950, %add3A_940 : i32
        %swap3A_952 = arith.index_cast %add3A_951 : i32 to index
        %swap3A_953 = arith.constant 0 : index
        %swap3A_954 = tpu.vector_load %arg10[%swap3A_952, %swap3A_953] {strides = array<i32>} : memref<400x64xf32, #tpu.memory_space<vmem>>, vector<1x16xf32>,
        %swap3A_955 = vector.shape_cast %swap3A_954 : vector<1x16xf32> to vector<16xf32>
        %swap3A_956 = vector.shape_cast %get3A_944 : vector<16xf32> to vector<1x16xf32>
        tpu.vector_store %arg10[%swap3A_952, %swap3A_953], %swap3A_956 {add = true, strides = array<i32>} : memref<400x64xf32, #tpu.memory_space<vmem>>, vector<1x16xf32>,
        %get3A_957 = arith.index_cast %add3A_940 : i32 to index
        %get3A_958 = arith.constant 16 : index
        %get3A_959 = tpu.vector_load %arg14[%get3A_957, %get3A_958] {strides = array<i32>} : memref<200x64xf32, #tpu.memory_space<vmem>>, vector<1x16xf32>,
        %get3A_960 = vector.shape_cast %get3A_959 : vector<1x16xf32> to vector<16xf32>
        %swap3A_961 = arith.index_cast %add3A_940 : i32 to index
        %swap3A_962 = arith.constant 16 : index
        %swap3A_963 = tpu.vector_load %arg10[%swap3A_961, %swap3A_962] {strides = array<i32>} : memref<400x64xf32, #tpu.memory_space<vmem>>, vector<1x16xf32>,
        %swap3A_964 = vector.shape_cast %swap3A_963 : vector<1x16xf32> to vector<16xf32>
        %swap3A_965 = vector.shape_cast %get3A_960 : vector<16xf32> to vector<1x16xf32>
        tpu.vector_store %arg10[%swap3A_961, %swap3A_962], %swap3A_965 {add = true, strides = array<i32>} : memref<400x64xf32, #tpu.memory_space<vmem>>, vector<1x16xf32>,
        %add3A_966 = arith.constant 200 : i32
        %add3A_967 = arith.addi %add3A_966, %add3A_940 : i32
        %swap3A_968 = arith.index_cast %add3A_967 : i32 to index
        %swap3A_969 = arith.constant 16 : index
        %swap3A_970 = tpu.vector_load %arg10[%swap3A_968, %swap3A_969] {strides = array<i32>} : memref<400x64xf32, #tpu.memory_space<vmem>>, vector<1x16xf32>,
        %swap3A_971 = vector.shape_cast %swap3A_970 : vector<1x16xf32> to vector<16xf32>
        %swap3A_972 = vector.shape_cast %get3A_960 : vector<16xf32> to vector<1x16xf32>
        tpu.vector_store %arg10[%swap3A_968, %swap3A_969], %swap3A_972 {add = true, strides = array<i32>} : memref<400x64xf32, #tpu.memory_space<vmem>>, vector<1x16xf32>,
        %get3A_973 = arith.index_cast %add3A_940 : i32 to index
        %get3A_974 = arith.constant 32 : index
        %get3A_975 = tpu.vector_load %arg14[%get3A_973, %get3A_974] {strides = array<i32>} : memref<200x64xf32, #tpu.memory_space<vmem>>, vector<1x16xf32>,
        %get3A_976 = vector.shape_cast %get3A_975 : vector<1x16xf32> to vector<16xf32>
        %swap3A_977 = arith.index_cast %add3A_940 : i32 to index
        %swap3A_978 = arith.constant 32 : index
        %swap3A_979 = tpu.vector_load %arg10[%swap3A_977, %swap3A_978] {strides = array<i32>} : memref<400x64xf32, #tpu.memory_space<vmem>>, vector<1x16xf32>,
        %swap3A_980 = vector.shape_cast %swap3A_979 : vector<1x16xf32> to vector<16xf32>
        %swap3A_981 = vector.shape_cast %get3A_976 : vector<16xf32> to vector<1x16xf32>
        tpu.vector_store %arg10[%swap3A_977, %swap3A_978], %swap3A_981 {add = true, strides = array<i32>} : memref<400x64xf32, #tpu.memory_space<vmem>>, vector<1x16xf32>,
        %add3A_982 = arith.constant 200 : i32
        %add3A_983 = arith.addi %add3A_982, %add3A_940 : i32
        %swap3A_984 = arith.index_cast %add3A_983 : i32 to index
        %swap3A_985 = arith.constant 32 : index
        %swap3A_986 = tpu.vector_load %arg10[%swap3A_984, %swap3A_985] {strides = array<i32>} : memref<400x64xf32, #tpu.memory_space<vmem>>, vector<1x16xf32>,
        %swap3A_987 = vector.shape_cast %swap3A_986 : vector<1x16xf32> to vector<16xf32>
        %swap3A_988 = vector.shape_cast %get3A_976 : vector<16xf32> to vector<1x16xf32>
        tpu.vector_store %arg10[%swap3A_984, %swap3A_985], %swap3A_988 {add = true, strides = array<i32>} : memref<400x64xf32, #tpu.memory_space<vmem>>, vector<1x16xf32>,
        %get3A_989 = arith.index_cast %add3A_940 : i32 to index
        %get3A_990 = arith.constant 48 : index
        %get3A_991 = tpu.vector_load %arg14[%get3A_989, %get3A_990] {strides = array<i32>} : memref<200x64xf32, #tpu.memory_space<vmem>>, vector<1x16xf32>,
        %get3A_992 = vector.shape_cast %get3A_991 : vector<1x16xf32> to vector<16xf32>
        %swap3A_993 = arith.index_cast %add3A_940 : i32 to index
        %swap3A_994 = arith.constant 48 : index
        %swap3A_995 = tpu.vector_load %arg10[%swap3A_993, %swap3A_994] {strides = array<i32>} : memref<400x64xf32, #tpu.memory_space<vmem>>, vector<1x16xf32>,
        %swap3A_996 = vector.shape_cast %swap3A_995 : vector<1x16xf32> to vector<16xf32>
        %swap3A_997 = vector.shape_cast %get3A_992 : vector<16xf32> to vector<1x16xf32>
        tpu.vector_store %arg10[%swap3A_993, %swap3A_994], %swap3A_997 {add = true, strides = array<i32>} : memref<400x64xf32, #tpu.memory_space<vmem>>, vector<1x16xf32>,
        %add3A_998 = arith.constant 200 : i32
        %add3A_999 = arith.addi %add3A_998, %add3A_940 : i32
        %swap3A_1000 = arith.index_cast %add3A_999 : i32 to index
        %swap3A_1001 = arith.constant 48 : index
        %swap3A_1002 = tpu.vector_load %arg10[%swap3A_1000, %swap3A_1001] {strides = array<i32>} : memref<400x64xf32, #tpu.memory_space<vmem>>, vector<1x16xf32>,
        %swap3A_1003 = vector.shape_cast %swap3A_1002 : vector<1x16xf32> to vector<16xf32>
        %swap3A_1004 = vector.shape_cast %get3A_992 : vector<16xf32> to vector<1x16xf32>
        tpu.vector_store %arg10[%swap3A_1000, %swap3A_1001], %swap3A_1004 {add = true, strides = array<i32>} : memref<400x64xf32, #tpu.memory_space<vmem>>, vector<1x16xf32>,
        %scan3A_1005 = arith.constant 7 : i32
        %scan3A_1006 = arith.addi %scan3A_518, %scan3A_1005 : i32
        %mul3A_1007 = arith.constant 1 : i32
        %mul3A_1008 = arith.muli %scan3A_1006, %mul3A_1007 : i32
        %add3A_1009 = arith.constant 0 : i32
        %add3A_1010 = arith.addi %add3A_1009, %mul3A_1008 : i32
        %get3A_1011 = arith.index_cast %add3A_1010 : i32 to index
        %get3A_1012 = arith.constant 0 : index
        %get3A_1013 = tpu.vector_load %arg14[%get3A_1011, %get3A_1012] {strides = array<i32>} : memref<200x64xf32, #tpu.memory_space<vmem>>, vector<1x16xf32>,
        %get3A_1014 = vector.shape_cast %get3A_1013 : vector<1x16xf32> to vector<16xf32>
        %swap3A_1015 = arith.index_cast %add3A_1010 : i32 to index
        %swap3A_1016 = arith.constant 0 : index
        %swap3A_1017 = tpu.vector_load %arg10[%swap3A_1015, %swap3A_1016] {strides = array<i32>} : memref<400x64xf32, #tpu.memory_space<vmem>>, vector<1x16xf32>,
        %swap3A_1018 = vector.shape_cast %swap3A_1017 : vector<1x16xf32> to vector<16xf32>
        %swap3A_1019 = vector.shape_cast %get3A_1014 : vector<16xf32> to vector<1x16xf32>
        tpu.vector_store %arg10[%swap3A_1015, %swap3A_1016], %swap3A_1019 {add = true, strides = array<i32>} : memref<400x64xf32, #tpu.memory_space<vmem>>, vector<1x16xf32>,
        %add3A_1020 = arith.constant 200 : i32
        %add3A_1021 = arith.addi %add3A_1020, %add3A_1010 : i32
        %swap3A_1022 = arith.index_cast %add3A_1021 : i32 to index
        %swap3A_1023 = arith.constant 0 : index
        %swap3A_1024 = tpu.vector_load %arg10[%swap3A_1022, %swap3A_1023] {strides = array<i32>} : memref<400x64xf32, #tpu.memory_space<vmem>>, vector<1x16xf32>,
        %swap3A_1025 = vector.shape_cast %swap3A_1024 : vector<1x16xf32> to vector<16xf32>
        %swap3A_1026 = vector.shape_cast %get3A_1014 : vector<16xf32> to vector<1x16xf32>
        tpu.vector_store %arg10[%swap3A_1022, %swap3A_1023], %swap3A_1026 {add = true, strides = array<i32>} : memref<400x64xf32, #tpu.memory_space<vmem>>, vector<1x16xf32>,
        %get3A_1027 = arith.index_cast %add3A_1010 : i32 to index
        %get3A_1028 = arith.constant 16 : index
        %get3A_1029 = tpu.vector_load %arg14[%get3A_1027, %get3A_1028] {strides = array<i32>} : memref<200x64xf32, #tpu.memory_space<vmem>>, vector<1x16xf32>,
        %get3A_1030 = vector.shape_cast %get3A_1029 : vector<1x16xf32> to vector<16xf32>
        %swap3A_1031 = arith.index_cast %add3A_1010 : i32 to index
        %swap3A_1032 = arith.constant 16 : index
        %swap3A_1033 = tpu.vector_load %arg10[%swap3A_1031, %swap3A_1032] {strides = array<i32>} : memref<400x64xf32, #tpu.memory_space<vmem>>, vector<1x16xf32>,
        %swap3A_1034 = vector.shape_cast %swap3A_1033 : vector<1x16xf32> to vector<16xf32>
        %swap3A_1035 = vector.shape_cast %get3A_1030 : vector<16xf32> to vector<1x16xf32>
        tpu.vector_store %arg10[%swap3A_1031, %swap3A_1032], %swap3A_1035 {add = true, strides = array<i32>} : memref<400x64xf32, #tpu.memory_space<vmem>>, vector<1x16xf32>,
        %add3A_1036 = arith.constant 200 : i32
        %add3A_1037 = arith.addi %add3A_1036, %add3A_1010 : i32
        %swap3A_1038 = arith.index_cast %add3A_1037 : i32 to index
        %swap3A_1039 = arith.constant 16 : index
        %swap3A_1040 = tpu.vector_load %arg10[%swap3A_1038, %swap3A_1039] {strides = array<i32>} : memref<400x64xf32, #tpu.memory_space<vmem>>, vector<1x16xf32>,
        %swap3A_1041 = vector.shape_cast %swap3A_1040 : vector<1x16xf32> to vector<16xf32>
        %swap3A_1042 = vector.shape_cast %get3A_1030 : vector<16xf32> to vector<1x16xf32>
        tpu.vector_store %arg10[%swap3A_1038, %swap3A_1039], %swap3A_1042 {add = true, strides = array<i32>} : memref<400x64xf32, #tpu.memory_space<vmem>>, vector<1x16xf32>,
        %get3A_1043 = arith.index_cast %add3A_1010 : i32 to index
        %get3A_1044 = arith.constant 32 : index
        %get3A_1045 = tpu.vector_load %arg14[%get3A_1043, %get3A_1044] {strides = array<i32>} : memref<200x64xf32, #tpu.memory_space<vmem>>, vector<1x16xf32>,
        %get3A_1046 = vector.shape_cast %get3A_1045 : vector<1x16xf32> to vector<16xf32>
        %swap3A_1047 = arith.index_cast %add3A_1010 : i32 to index
        %swap3A_1048 = arith.constant 32 : index
        %swap3A_1049 = tpu.vector_load %arg10[%swap3A_1047, %swap3A_1048] {strides = array<i32>} : memref<400x64xf32, #tpu.memory_space<vmem>>, vector<1x16xf32>,
        %swap3A_1050 = vector.shape_cast %swap3A_1049 : vector<1x16xf32> to vector<16xf32>
        %swap3A_1051 = vector.shape_cast %get3A_1046 : vector<16xf32> to vector<1x16xf32>
        tpu.vector_store %arg10[%swap3A_1047, %swap3A_1048], %swap3A_1051 {add = true, strides = array<i32>} : memref<400x64xf32, #tpu.memory_space<vmem>>, vector<1x16xf32>,
        %add3A_1052 = arith.constant 200 : i32
        %add3A_1053 = arith.addi %add3A_1052, %add3A_1010 : i32
        %swap3A_1054 = arith.index_cast %add3A_1053 : i32 to index
        %swap3A_1055 = arith.constant 32 : index
        %swap3A_1056 = tpu.vector_load %arg10[%swap3A_1054, %swap3A_1055] {strides = array<i32>} : memref<400x64xf32, #tpu.memory_space<vmem>>, vector<1x16xf32>,
        %swap3A_1057 = vector.shape_cast %swap3A_1056 : vector<1x16xf32> to vector<16xf32>
        %swap3A_1058 = vector.shape_cast %get3A_1046 : vector<16xf32> to vector<1x16xf32>
        tpu.vector_store %arg10[%swap3A_1054, %swap3A_1055], %swap3A_1058 {add = true, strides = array<i32>} : memref<400x64xf32, #tpu.memory_space<vmem>>, vector<1x16xf32>,
        %get3A_1059 = arith.index_cast %add3A_1010 : i32 to index
        %get3A_1060 = arith.constant 48 : index
        %get3A_1061 = tpu.vector_load %arg14[%get3A_1059, %get3A_1060] {strides = array<i32>} : memref<200x64xf32, #tpu.memory_space<vmem>>, vector<1x16xf32>,
        %get3A_1062 = vector.shape_cast %get3A_1061 : vector<1x16xf32> to vector<16xf32>
        %swap3A_1063 = arith.index_cast %add3A_1010 : i32 to index
        %swap3A_1064 = arith.constant 48 : index
        %swap3A_1065 = tpu.vector_load %arg10[%swap3A_1063, %swap3A_1064] {strides = array<i32>} : memref<400x64xf32, #tpu.memory_space<vmem>>, vector<1x16xf32>,
        %swap3A_1066 = vector.shape_cast %swap3A_1065 : vector<1x16xf32> to vector<16xf32>
        %swap3A_1067 = vector.shape_cast %get3A_1062 : vector<16xf32> to vector<1x16xf32>
        tpu.vector_store %arg10[%swap3A_1063, %swap3A_1064], %swap3A_1067 {add = true, strides = array<i32>} : memref<400x64xf32, #tpu.memory_space<vmem>>, vector<1x16xf32>,
        %add3A_1068 = arith.constant 200 : i32
        %add3A_1069 = arith.addi %add3A_1068, %add3A_1010 : i32
        %swap3A_1070 = arith.index_cast %add3A_1069 : i32 to index
        %swap3A_1071 = arith.constant 48 : index
        %swap3A_1072 = tpu.vector_load %arg10[%swap3A_1070, %swap3A_1071] {strides = array<i32>} : memref<400x64xf32, #tpu.memory_space<vmem>>, vector<1x16xf32>,
        %swap3A_1073 = vector.shape_cast %swap3A_1072 : vector<1x16xf32> to vector<16xf32>
        %swap3A_1074 = vector.shape_cast %get3A_1062 : vector<16xf32> to vector<1x16xf32>
        tpu.vector_store %arg10[%swap3A_1070, %swap3A_1071], %swap3A_1074 {add = true, strides = array<i32>} : memref<400x64xf32, #tpu.memory_space<vmem>>, vector<1x16xf32>,
      }
      %scan3A_286 = arith.constant 200 : i32
      %mul3A_287 = arith.constant 2 : i32
      %mul3A_288 = arith.muli %mul3A_287, %add3A_262 : i32
      %add3A_289 = arith.addi %mul3A_2, %mul3A_288 : i32
      %dma_start3A_290 = arith.constant 0 : i32
      %dma_start3A_291 = arith.constant 0 : i32
      %dma_start3A_292 = tpu.memref_slice %arg10[%dma_start3A_290, %dma_start3A_291] : memref<400x64xf32, #tpu.memory_space<vmem>> -> memref<200x64xf32, #tpu.memory_space<vmem>>
      %dma_start3A_293 = arith.constant 0 : i32
      %dma_start3A_294 = arith.constant 0 : i32
      %dma_start3A_295 = tpu.memref_slice %arg5[%add3A_289, %dma_start3A_293, %dma_start3A_294] : memref<4096x200x64xf32, #tpu.memory_space<hbm>> -> memref<1x200x64xf32, #tpu.memory_space<hbm>>
      %dma_start3A_296 = tpu.memref_squeeze %dma_start3A_295 : memref<1x200x64xf32, #tpu.memory_space<hbm>> -> memref<200x64xf32, #tpu.memory_space<hbm>>
      %dma_start3A_297 = arith.constant 0 : i32
      %dma_start3A_298 = arith.constant 0 : i32
      %dma_start3A_299 = tpu.memref_slice %arg5[%add3A_289, %dma_start3A_297, %dma_start3A_298] : memref<4096x200x64xf32, #tpu.memory_space<hbm>> -> memref<1x200x64xf32, #tpu.memory_space<hbm>>
      %dma_start3A_300 = tpu.memref_squeeze %dma_start3A_299 : memref<1x200x64xf32, #tpu.memory_space<hbm>> -> memref<200x64xf32, #tpu.memory_space<hbm>>
      %dma_start3A_301 = arith.constant 0 : i32
      %dma_start3A_302 = arith.constant 0 : i32
      %dma_start3A_303 = tpu.memref_slice %arg10[%dma_start3A_301, %dma_start3A_302] : memref<400x64xf32, #tpu.memory_space<vmem>> -> memref<200x64xf32, #tpu.memory_space<vmem>>
      tpu.enqueue_dma source(%dma_start3A_303 : memref<200x64xf32, #tpu.memory_space<vmem>>) target(%dma_start3A_300 : memref<200x64xf32, #tpu.memory_space<hbm>>) target_semaphore(%arg23 : memref<!tpu.dma_semaphore, #tpu.memory_space<semaphore_mem>>)
      %mul3A_304 = arith.constant 2 : i32
      %mul3A_305 = arith.muli %mul3A_304, %add3A_262 : i32
      %add3A_306 = arith.addi %mul3A_2, %mul3A_305 : i32
      %add3A_307 = arith.constant 1 : i32
      %add3A_308 = arith.addi %add3A_306, %add3A_307 : i32
      %dma_start3A_309 = arith.constant 200 : i32
      %dma_start3A_310 = arith.constant 0 : i32
      %dma_start3A_311 = tpu.memref_slice %arg10[%dma_start3A_309, %dma_start3A_310] : memref<400x64xf32, #tpu.memory_space<vmem>> -> memref<200x64xf32, #tpu.memory_space<vmem>>
      %dma_start3A_312 = arith.constant 0 : i32
      %dma_start3A_313 = arith.constant 0 : i32
      %dma_start3A_314 = tpu.memref_slice %arg5[%add3A_308, %dma_start3A_312, %dma_start3A_313] : memref<4096x200x64xf32, #tpu.memory_space<hbm>> -> memref<1x200x64xf32, #tpu.memory_space<hbm>>
      %dma_start3A_315 = tpu.memref_squeeze %dma_start3A_314 : memref<1x200x64xf32, #tpu.memory_space<hbm>> -> memref<200x64xf32, #tpu.memory_space<hbm>>
      %dma_start3A_316 = arith.constant 0 : i32
      %dma_start3A_317 = arith.constant 0 : i32
      %dma_start3A_318 = tpu.memref_slice %arg5[%add3A_308, %dma_start3A_316, %dma_start3A_317] : memref<4096x200x64xf32, #tpu.memory_space<hbm>> -> memref<1x200x64xf32, #tpu.memory_space<hbm>>
      %dma_start3A_319 = tpu.memref_squeeze %dma_start3A_318 : memref<1x200x64xf32, #tpu.memory_space<hbm>> -> memref<200x64xf32, #tpu.memory_space<hbm>>
      %dma_start3A_320 = arith.constant 200 : i32
      %dma_start3A_321 = arith.constant 0 : i32
      %dma_start3A_322 = tpu.memref_slice %arg10[%dma_start3A_320, %dma_start3A_321] : memref<400x64xf32, #tpu.memory_space<vmem>> -> memref<200x64xf32, #tpu.memory_space<vmem>>
      tpu.enqueue_dma source(%dma_start3A_322 : memref<200x64xf32, #tpu.memory_space<vmem>>) target(%dma_start3A_319 : memref<200x64xf32, #tpu.memory_space<hbm>>) target_semaphore(%arg23 : memref<!tpu.dma_semaphore, #tpu.memory_space<semaphore_mem>>)
      %add3A_323 = arith.constant 1 : i32
      %add3A_324 = arith.addi %add3A_260, %add3A_323 : i32
      %add3A_325 = arith.constant 2 : i32
      %add3A_326 = arith.addi %add3A_324, %add3A_325 : i32
      %add3A_327 = arith.constant 1 : i32
      %add3A_328 = arith.addi %add3A_326, %add3A_327 : i32
      %lt3A_329 = arith.constant 64 : i32
      %lt3A_330 = arith.cmpi slt, %add3A_328, %lt3A_329 : i32
      %convert_element_type3A_331 = arith.extui %lt3A_330 : i1 to i32
      %cond3A_332 = arith.constant 0 : i32
      %cond3A_333 = arith.cmpi ne, %convert_element_type3A_331, %cond3A_332 : i32
      scf.if %cond3A_333 {
        %add3A_518 = arith.constant 2 : i32
        %add3A_519 = arith.addi %add3A_324, %add3A_518 : i32
        %add3A_520 = arith.constant 1 : i32
        %add3A_521 = arith.addi %add3A_519, %add3A_520 : i32
        %dma_start3A_522 = arith.constant 0 : i32
        %dma_start3A_523 = tpu.memref_slice %arg2[%add3A, %add3A_521, %dma_start3A_522] : memref<32x64x400xi32, #tpu.memory_space<hbm>> -> memref<1x1x400xi32, #tpu.memory_space<hbm>>
        %dma_start3A_524 = tpu.memref_squeeze %dma_start3A_523 : memref<1x1x400xi32, #tpu.memory_space<hbm>> -> memref<400xi32, #tpu.memory_space<hbm>>
        %dma_start3A_525 = arith.constant 0 : i32
        %dma_start3A_526 = tpu.memref_slice %arg2[%add3A, %add3A_521, %dma_start3A_525] : memref<32x64x400xi32, #tpu.memory_space<hbm>> -> memref<1x1x400xi32, #tpu.memory_space<hbm>>
        %dma_start3A_527 = tpu.memref_squeeze %dma_start3A_526 : memref<1x1x400xi32, #tpu.memory_space<hbm>> -> memref<400xi32, #tpu.memory_space<hbm>>
        tpu.enqueue_dma source(%dma_start3A_527 : memref<400xi32, #tpu.memory_space<hbm>>) target(%arg6 : memref<400xi32, #tpu.memory_space<vmem>>) target_semaphore(%arg15 : memref<!tpu.dma_semaphore, #tpu.memory_space<semaphore_mem>>)
      } else {
      }
      %add3A_334 = arith.constant 2 : i32
      %add3A_335 = arith.addi %add3A_324, %add3A_334 : i32
      %lt3A_336 = arith.constant 64 : i32
      %lt3A_337 = arith.cmpi slt, %add3A_335, %lt3A_336 : i32
      %convert_element_type3A_338 = arith.extui %lt3A_337 : i1 to i32
      %cond3A_339 = arith.constant 0 : i32
      %cond3A_340 = arith.cmpi ne, %convert_element_type3A_338, %cond3A_339 : i32
      scf.if %cond3A_340 {
        %add3A_518 = arith.constant 2 : i32
        %add3A_519 = arith.addi %add3A_324, %add3A_518 : i32
        %ge3A = arith.constant 4 : i32
        %ge3A_520 = arith.cmpi sge, %add3A_519, %ge3A : i32
        %convert_element_type3A_521 = arith.extui %ge3A_520 : i1 to i32
        %cond3A_522 = arith.constant 0 : i32
        %cond3A_523 = arith.cmpi ne, %convert_element_type3A_521, %cond3A_522 : i32
        scf.if %cond3A_523 {
          %add3A_573 = arith.constant 2 : i32
          %add3A_574 = arith.addi %add3A_324, %add3A_573 : i32
          %sub3A = arith.constant 4 : i32
          %sub3A_575 = arith.subi %add3A_574, %sub3A : i32
          %mul3A_576 = arith.constant 2 : i32
          %mul3A_577 = arith.muli %mul3A_576, %sub3A_575 : i32
          %add3A_578 = arith.addi %mul3A_2, %mul3A_577 : i32
          %dma_wait3A_579 = arith.constant 0 : i32
          %dma_wait3A_580 = arith.constant 0 : i32
          %dma_wait3A_581 = tpu.memref_slice %arg13[%dma_wait3A_579, %dma_wait3A_580] : memref<400x64xf32, #tpu.memory_space<vmem>> -> memref<200x64xf32, #tpu.memory_space<vmem>>
          %dma_wait3A_582 = arith.constant 0 : i32
          %dma_wait3A_583 = arith.constant 0 : i32
          %dma_wait3A_584 = tpu.memref_slice %arg5[%add3A_578, %dma_wait3A_582, %dma_wait3A_583] : memref<4096x200x64xf32, #tpu.memory_space<hbm>> -> memref<1x200x64xf32, #tpu.memory_space<hbm>>
          %dma_wait3A_585 = tpu.memref_squeeze %dma_wait3A_584 : memref<1x200x64xf32, #tpu.memory_space<hbm>> -> memref<200x64xf32, #tpu.memory_space<hbm>>
          %dma_wait3A_586 = arith.constant 0 : i32
          %dma_wait3A_587 = arith.constant 0 : i32
          %dma_wait3A_588 = tpu.memref_slice %arg5[%add3A_578, %dma_wait3A_586, %dma_wait3A_587] : memref<4096x200x64xf32, #tpu.memory_space<hbm>> -> memref<1x200x64xf32, #tpu.memory_space<hbm>>
          %dma_wait3A_589 = tpu.memref_squeeze %dma_wait3A_588 : memref<1x200x64xf32, #tpu.memory_space<hbm>> -> memref<200x64xf32, #tpu.memory_space<hbm>>
          %dma_wait3A_590 = arith.constant 0 : i32
          %dma_wait3A_591 = arith.constant 0 : i32
          %dma_wait3A_592 = tpu.memref_slice %arg13[%dma_wait3A_590, %dma_wait3A_591] : memref<400x64xf32, #tpu.memory_space<vmem>> -> memref<200x64xf32, #tpu.memory_space<vmem>>
          tpu.wait_dma2 semaphore(%arg26 : memref<!tpu.dma_semaphore, #tpu.memory_space<semaphore_mem>>) src(%dma_wait3A_592 : memref<200x64xf32, #tpu.memory_space<vmem>>) dst(%dma_wait3A_589 : memref<200x64xf32, #tpu.memory_space<hbm>>)
          %mul3A_593 = arith.constant 2 : i32
          %mul3A_594 = arith.muli %mul3A_593, %sub3A_575 : i32
          %add3A_595 = arith.addi %mul3A_2, %mul3A_594 : i32
          %add3A_596 = arith.constant 1 : i32
          %add3A_597 = arith.addi %add3A_595, %add3A_596 : i32
          %dma_wait3A_598 = arith.constant 200 : i32
          %dma_wait3A_599 = arith.constant 0 : i32
          %dma_wait3A_600 = tpu.memref_slice %arg13[%dma_wait3A_598, %dma_wait3A_599] : memref<400x64xf32, #tpu.memory_space<vmem>> -> memref<200x64xf32, #tpu.memory_space<vmem>>
          %dma_wait3A_601 = arith.constant 0 : i32
          %dma_wait3A_602 = arith.constant 0 : i32
          %dma_wait3A_603 = tpu.memref_slice %arg5[%add3A_597, %dma_wait3A_601, %dma_wait3A_602] : memref<4096x200x64xf32, #tpu.memory_space<hbm>> -> memref<1x200x64xf32, #tpu.memory_space<hbm>>
          %dma_wait3A_604 = tpu.memref_squeeze %dma_wait3A_603 : memref<1x200x64xf32, #tpu.memory_space<hbm>> -> memref<200x64xf32, #tpu.memory_space<hbm>>
          %dma_wait3A_605 = arith.constant 0 : i32
          %dma_wait3A_606 = arith.constant 0 : i32
          %dma_wait3A_607 = tpu.memref_slice %arg5[%add3A_597, %dma_wait3A_605, %dma_wait3A_606] : memref<4096x200x64xf32, #tpu.memory_space<hbm>> -> memref<1x200x64xf32, #tpu.memory_space<hbm>>
          %dma_wait3A_608 = tpu.memref_squeeze %dma_wait3A_607 : memref<1x200x64xf32, #tpu.memory_space<hbm>> -> memref<200x64xf32, #tpu.memory_space<hbm>>
          %dma_wait3A_609 = arith.constant 200 : i32
          %dma_wait3A_610 = arith.constant 0 : i32
          %dma_wait3A_611 = tpu.memref_slice %arg13[%dma_wait3A_609, %dma_wait3A_610] : memref<400x64xf32, #tpu.memory_space<vmem>> -> memref<200x64xf32, #tpu.memory_space<vmem>>
          tpu.wait_dma2 semaphore(%arg26 : memref<!tpu.dma_semaphore, #tpu.memory_space<semaphore_mem>>) src(%dma_wait3A_611 : memref<200x64xf32, #tpu.memory_space<vmem>>) dst(%dma_wait3A_608 : memref<200x64xf32, #tpu.memory_space<hbm>>)
        } else {
        }
        %dma_wait3A_524 = arith.constant 0 : i32
        %dma_wait3A_525 = arith.constant 0 : i32
        %dma_wait3A_526 = tpu.memref_slice %arg2[%add3A, %dma_wait3A_524, %dma_wait3A_525] : memref<32x64x400xi32, #tpu.memory_space<hbm>> -> memref<1x1x400xi32, #tpu.memory_space<hbm>>
        %dma_wait3A_527 = tpu.memref_squeeze %dma_wait3A_526 : memref<1x1x400xi32, #tpu.memory_space<hbm>> -> memref<400xi32, #tpu.memory_space<hbm>>
        %dma_wait3A_528 = arith.constant 0 : i32
        %dma_wait3A_529 = tpu.memref_slice %arg2[%add3A, %dma_wait3A_524, %dma_wait3A_528] : memref<32x64x400xi32, #tpu.memory_space<hbm>> -> memref<1x1x400xi32, #tpu.memory_space<hbm>>
        %dma_wait3A_530 = tpu.memref_squeeze %dma_wait3A_529 : memref<1x1x400xi32, #tpu.memory_space<hbm>> -> memref<400xi32, #tpu.memory_space<hbm>>
        tpu.wait_dma2 semaphore(%arg18 : memref<!tpu.dma_semaphore, #tpu.memory_space<semaphore_mem>>) src(%dma_wait3A_530 : memref<400xi32, #tpu.memory_space<hbm>>) dst(%arg9 : memref<400xi32, #tpu.memory_space<vmem>>)
        %add3A_531 = arith.constant 2 : i32
        %add3A_532 = arith.addi %add3A_324, %add3A_531 : i32
        %dma_start3A_533 = arith.constant 0 : i32
        %dma_start3A_534 = arith.constant 0 : i32
        %dma_start3A_535 = tpu.memref_slice %arg13[%dma_start3A_533, %dma_start3A_534] : memref<400x64xf32, #tpu.memory_space<vmem>> -> memref<80x64xf32, #tpu.memory_space<vmem>>
        %dma_start3A_536 = arith.constant 0 : i32
        %dma_start3A_537 = tpu.memref_slice %arg9[%dma_start3A_536] : memref<400xi32, #tpu.memory_space<vmem>> -> memref<80xi32, #tpu.memory_space<vmem>>
        %dma_start3A_538 = arith.constant 0 : i32
        %dma_start3A_539 = arith.constant 0 : i32
        %dma_start3A_540 = tpu.memref_slice %arg3[%dma_start3A_538, %dma_start3A_539] : memref<100000x64xf32, #tpu.memory_space<hbm>> -> memref<100000x64xf32, #tpu.memory_space<hbm>>
        tpu.enqueue_indirect_dma source(%dma_start3A_540 : memref<100000x64xf32, #tpu.memory_space<hbm>>) target(%dma_start3A_535 : memref<80x64xf32, #tpu.memory_space<vmem>>) offsets(%dma_start3A_537 : memref<80xi32, #tpu.memory_space<vmem>>) semaphore(%arg22 : memref<!tpu.dma_semaphore, #tpu.memory_space<semaphore_mem>>)
        %dma_start3A_541 = arith.constant 80 : i32
        %dma_start3A_542 = arith.constant 0 : i32
        %dma_start3A_543 = tpu.memref_slice %arg13[%dma_start3A_541, %dma_start3A_542] : memref<400x64xf32, #tpu.memory_space<vmem>> -> memref<80x64xf32, #tpu.memory_space<vmem>>
        %dma_start3A_544 = arith.constant 80 : i32
        %dma_start3A_545 = tpu.memref_slice %arg9[%dma_start3A_544] : memref<400xi32, #tpu.memory_space<vmem>> -> memref<80xi32, #tpu.memory_space<vmem>>
        %dma_start3A_546 = arith.constant 0 : i32
        %dma_start3A_547 = arith.constant 0 : i32
        %dma_start3A_548 = tpu.memref_slice %arg3[%dma_start3A_546, %dma_start3A_547] : memref<100000x64xf32, #tpu.memory_space<hbm>> -> memref<100000x64xf32, #tpu.memory_space<hbm>>
        tpu.enqueue_indirect_dma source(%dma_start3A_548 : memref<100000x64xf32, #tpu.memory_space<hbm>>) target(%dma_start3A_543 : memref<80x64xf32, #tpu.memory_space<vmem>>) offsets(%dma_start3A_545 : memref<80xi32, #tpu.memory_space<vmem>>) semaphore(%arg22 : memref<!tpu.dma_semaphore, #tpu.memory_space<semaphore_mem>>)
        %dma_start3A_549 = arith.constant 160 : i32
        %dma_start3A_550 = arith.constant 0 : i32
        %dma_start3A_551 = tpu.memref_slice %arg13[%dma_start3A_549, %dma_start3A_550] : memref<400x64xf32, #tpu.memory_space<vmem>> -> memref<80x64xf32, #tpu.memory_space<vmem>>
        %dma_start3A_552 = arith.constant 160 : i32
        %dma_start3A_553 = tpu.memref_slice %arg9[%dma_start3A_552] : memref<400xi32, #tpu.memory_space<vmem>> -> memref<80xi32, #tpu.memory_space<vmem>>
        %dma_start3A_554 = arith.constant 0 : i32
        %dma_start3A_555 = arith.constant 0 : i32
        %dma_start3A_556 = tpu.memref_slice %arg3[%dma_start3A_554, %dma_start3A_555] : memref<100000x64xf32, #tpu.memory_space<hbm>> -> memref<100000x64xf32, #tpu.memory_space<hbm>>
        tpu.enqueue_indirect_dma source(%dma_start3A_556 : memref<100000x64xf32, #tpu.memory_space<hbm>>) target(%dma_start3A_551 : memref<80x64xf32, #tpu.memory_space<vmem>>) offsets(%dma_start3A_553 : memref<80xi32, #tpu.memory_space<vmem>>) semaphore(%arg22 : memref<!tpu.dma_semaphore, #tpu.memory_space<semaphore_mem>>)
        %dma_start3A_557 = arith.constant 240 : i32
        %dma_start3A_558 = arith.constant 0 : i32
        %dma_start3A_559 = tpu.memref_slice %arg13[%dma_start3A_557, %dma_start3A_558] : memref<400x64xf32, #tpu.memory_space<vmem>> -> memref<80x64xf32, #tpu.memory_space<vmem>>
        %dma_start3A_560 = arith.constant 240 : i32
        %dma_start3A_561 = tpu.memref_slice %arg9[%dma_start3A_560] : memref<400xi32, #tpu.memory_space<vmem>> -> memref<80xi32, #tpu.memory_space<vmem>>
        %dma_start3A_562 = arith.constant 0 : i32
        %dma_start3A_563 = arith.constant 0 : i32
        %dma_start3A_564 = tpu.memref_slice %arg3[%dma_start3A_562, %dma_start3A_563] : memref<100000x64xf32, #tpu.memory_space<hbm>> -> memref<100000x64xf32, #tpu.memory_space<hbm>>
        tpu.enqueue_indirect_dma source(%dma_start3A_564 : memref<100000x64xf32, #tpu.memory_space<hbm>>) target(%dma_start3A_559 : memref<80x64xf32, #tpu.memory_space<vmem>>) offsets(%dma_start3A_561 : memref<80xi32, #tpu.memory_space<vmem>>) semaphore(%arg22 : memref<!tpu.dma_semaphore, #tpu.memory_space<semaphore_mem>>)
        %dma_start3A_565 = arith.constant 320 : i32
        %dma_start3A_566 = arith.constant 0 : i32
        %dma_start3A_567 = tpu.memref_slice %arg13[%dma_start3A_565, %dma_start3A_566] : memref<400x64xf32, #tpu.memory_space<vmem>> -> memref<80x64xf32, #tpu.memory_space<vmem>>
        %dma_start3A_568 = arith.constant 320 : i32
        %dma_start3A_569 = tpu.memref_slice %arg9[%dma_start3A_568] : memref<400xi32, #tpu.memory_space<vmem>> -> memref<80xi32, #tpu.memory_space<vmem>>
        %dma_start3A_570 = arith.constant 0 : i32
        %dma_start3A_571 = arith.constant 0 : i32
        %dma_start3A_572 = tpu.memref_slice %arg3[%dma_start3A_570, %dma_start3A_571] : memref<100000x64xf32, #tpu.memory_space<hbm>> -> memref<100000x64xf32, #tpu.memory_space<hbm>>
        tpu.enqueue_indirect_dma source(%dma_start3A_572 : memref<100000x64xf32, #tpu.memory_space<hbm>>) target(%dma_start3A_567 : memref<80x64xf32, #tpu.memory_space<vmem>>) offsets(%dma_start3A_569 : memref<80xi32, #tpu.memory_space<vmem>>) semaphore(%arg22 : memref<!tpu.dma_semaphore, #tpu.memory_space<semaphore_mem>>)
      } else {
      }
      %dma_wait3A_341 = arith.constant 0 : i32
      %dma_wait3A_342 = arith.constant 0 : i32
      %dma_wait3A_343 = tpu.memref_slice %arg3[%dma_wait3A_341, %dma_wait3A_342] : memref<100000x64xf32, #tpu.memory_space<hbm>> -> memref<400x64xf32, #tpu.memory_space<hbm>>
      %dma_wait3A_344 = arith.constant 0 : i32
      %dma_wait3A_345 = arith.constant 0 : i32
      %dma_wait3A_346 = tpu.memref_slice %arg3[%dma_wait3A_344, %dma_wait3A_345] : memref<100000x64xf32, #tpu.memory_space<hbm>> -> memref<400x64xf32, #tpu.memory_space<hbm>>
      tpu.wait_dma2 semaphore(%arg20 : memref<!tpu.dma_semaphore, #tpu.memory_space<semaphore_mem>>) src(%dma_wait3A_346 : memref<400x64xf32, #tpu.memory_space<hbm>>) dst(%arg11 : memref<400x64xf32, #tpu.memory_space<vmem>>)
      %scan3A_347 = arith.constant 0 : i32
      %scan3A_348 = arith.constant 200 : i32
      %scan3A_349 = arith.addi %scan3A_347, %scan3A_348 : i32
      %scan3A_350 = arith.constant 8 : i32
      scf.for %scan3A_518 = %scan3A_347 to %scan3A_349 step %scan3A_350  : i32 {
        %mul3A_519 = arith.constant 1 : i32
        %mul3A_520 = arith.muli %scan3A_518, %mul3A_519 : i32
        %add3A_521 = arith.constant 0 : i32
        %add3A_522 = arith.addi %add3A_521, %mul3A_520 : i32
        %get3A = arith.index_cast %add3A_522 : i32 to index
        %get3A_523 = arith.constant 0 : index
        %get3A_524 = tpu.vector_load %arg14[%get3A, %get3A_523] {strides = array<i32>} : memref<200x64xf32, #tpu.memory_space<vmem>>, vector<1x16xf32>,
        %get3A_525 = vector.shape_cast %get3A_524 : vector<1x16xf32> to vector<16xf32>
        %swap3A = arith.index_cast %add3A_522 : i32 to index
        %swap3A_526 = arith.constant 0 : index
        %swap3A_527 = tpu.vector_load %arg11[%swap3A, %swap3A_526] {strides = array<i32>} : memref<400x64xf32, #tpu.memory_space<vmem>>, vector<1x16xf32>,
        %swap3A_528 = vector.shape_cast %swap3A_527 : vector<1x16xf32> to vector<16xf32>
        %swap3A_529 = vector.shape_cast %get3A_525 : vector<16xf32> to vector<1x16xf32>
        tpu.vector_store %arg11[%swap3A, %swap3A_526], %swap3A_529 {add = true, strides = array<i32>} : memref<400x64xf32, #tpu.memory_space<vmem>>, vector<1x16xf32>,
        %add3A_530 = arith.constant 200 : i32
        %add3A_531 = arith.addi %add3A_530, %add3A_522 : i32
        %swap3A_532 = arith.index_cast %add3A_531 : i32 to index
        %swap3A_533 = arith.constant 0 : index
        %swap3A_534 = tpu.vector_load %arg11[%swap3A_532, %swap3A_533] {strides = array<i32>} : memref<400x64xf32, #tpu.memory_space<vmem>>, vector<1x16xf32>,
        %swap3A_535 = vector.shape_cast %swap3A_534 : vector<1x16xf32> to vector<16xf32>
        %swap3A_536 = vector.shape_cast %get3A_525 : vector<16xf32> to vector<1x16xf32>
        tpu.vector_store %arg11[%swap3A_532, %swap3A_533], %swap3A_536 {add = true, strides = array<i32>} : memref<400x64xf32, #tpu.memory_space<vmem>>, vector<1x16xf32>,
        %get3A_537 = arith.index_cast %add3A_522 : i32 to index
        %get3A_538 = arith.constant 16 : index
        %get3A_539 = tpu.vector_load %arg14[%get3A_537, %get3A_538] {strides = array<i32>} : memref<200x64xf32, #tpu.memory_space<vmem>>, vector<1x16xf32>,
        %get3A_540 = vector.shape_cast %get3A_539 : vector<1x16xf32> to vector<16xf32>
        %swap3A_541 = arith.index_cast %add3A_522 : i32 to index
        %swap3A_542 = arith.constant 16 : index
        %swap3A_543 = tpu.vector_load %arg11[%swap3A_541, %swap3A_542] {strides = array<i32>} : memref<400x64xf32, #tpu.memory_space<vmem>>, vector<1x16xf32>,
        %swap3A_544 = vector.shape_cast %swap3A_543 : vector<1x16xf32> to vector<16xf32>
        %swap3A_545 = vector.shape_cast %get3A_540 : vector<16xf32> to vector<1x16xf32>
        tpu.vector_store %arg11[%swap3A_541, %swap3A_542], %swap3A_545 {add = true, strides = array<i32>} : memref<400x64xf32, #tpu.memory_space<vmem>>, vector<1x16xf32>,
        %add3A_546 = arith.constant 200 : i32
        %add3A_547 = arith.addi %add3A_546, %add3A_522 : i32
        %swap3A_548 = arith.index_cast %add3A_547 : i32 to index
        %swap3A_549 = arith.constant 16 : index
        %swap3A_550 = tpu.vector_load %arg11[%swap3A_548, %swap3A_549] {strides = array<i32>} : memref<400x64xf32, #tpu.memory_space<vmem>>, vector<1x16xf32>,
        %swap3A_551 = vector.shape_cast %swap3A_550 : vector<1x16xf32> to vector<16xf32>
        %swap3A_552 = vector.shape_cast %get3A_540 : vector<16xf32> to vector<1x16xf32>
        tpu.vector_store %arg11[%swap3A_548, %swap3A_549], %swap3A_552 {add = true, strides = array<i32>} : memref<400x64xf32, #tpu.memory_space<vmem>>, vector<1x16xf32>,
        %get3A_553 = arith.index_cast %add3A_522 : i32 to index
        %get3A_554 = arith.constant 32 : index
        %get3A_555 = tpu.vector_load %arg14[%get3A_553, %get3A_554] {strides = array<i32>} : memref<200x64xf32, #tpu.memory_space<vmem>>, vector<1x16xf32>,
        %get3A_556 = vector.shape_cast %get3A_555 : vector<1x16xf32> to vector<16xf32>
        %swap3A_557 = arith.index_cast %add3A_522 : i32 to index
        %swap3A_558 = arith.constant 32 : index
        %swap3A_559 = tpu.vector_load %arg11[%swap3A_557, %swap3A_558] {strides = array<i32>} : memref<400x64xf32, #tpu.memory_space<vmem>>, vector<1x16xf32>,
        %swap3A_560 = vector.shape_cast %swap3A_559 : vector<1x16xf32> to vector<16xf32>
        %swap3A_561 = vector.shape_cast %get3A_556 : vector<16xf32> to vector<1x16xf32>
        tpu.vector_store %arg11[%swap3A_557, %swap3A_558], %swap3A_561 {add = true, strides = array<i32>} : memref<400x64xf32, #tpu.memory_space<vmem>>, vector<1x16xf32>,
        %add3A_562 = arith.constant 200 : i32
        %add3A_563 = arith.addi %add3A_562, %add3A_522 : i32
        %swap3A_564 = arith.index_cast %add3A_563 : i32 to index
        %swap3A_565 = arith.constant 32 : index
        %swap3A_566 = tpu.vector_load %arg11[%swap3A_564, %swap3A_565] {strides = array<i32>} : memref<400x64xf32, #tpu.memory_space<vmem>>, vector<1x16xf32>,
        %swap3A_567 = vector.shape_cast %swap3A_566 : vector<1x16xf32> to vector<16xf32>
        %swap3A_568 = vector.shape_cast %get3A_556 : vector<16xf32> to vector<1x16xf32>
        tpu.vector_store %arg11[%swap3A_564, %swap3A_565], %swap3A_568 {add = true, strides = array<i32>} : memref<400x64xf32, #tpu.memory_space<vmem>>, vector<1x16xf32>,
        %get3A_569 = arith.index_cast %add3A_522 : i32 to index
        %get3A_570 = arith.constant 48 : index
        %get3A_571 = tpu.vector_load %arg14[%get3A_569, %get3A_570] {strides = array<i32>} : memref<200x64xf32, #tpu.memory_space<vmem>>, vector<1x16xf32>,
        %get3A_572 = vector.shape_cast %get3A_571 : vector<1x16xf32> to vector<16xf32>
        %swap3A_573 = arith.index_cast %add3A_522 : i32 to index
        %swap3A_574 = arith.constant 48 : index
        %swap3A_575 = tpu.vector_load %arg11[%swap3A_573, %swap3A_574] {strides = array<i32>} : memref<400x64xf32, #tpu.memory_space<vmem>>, vector<1x16xf32>,
        %swap3A_576 = vector.shape_cast %swap3A_575 : vector<1x16xf32> to vector<16xf32>
        %swap3A_577 = vector.shape_cast %get3A_572 : vector<16xf32> to vector<1x16xf32>
        tpu.vector_store %arg11[%swap3A_573, %swap3A_574], %swap3A_577 {add = true, strides = array<i32>} : memref<400x64xf32, #tpu.memory_space<vmem>>, vector<1x16xf32>,
        %add3A_578 = arith.constant 200 : i32
        %add3A_579 = arith.addi %add3A_578, %add3A_522 : i32
        %swap3A_580 = arith.index_cast %add3A_579 : i32 to index
        %swap3A_581 = arith.constant 48 : index
        %swap3A_582 = tpu.vector_load %arg11[%swap3A_580, %swap3A_581] {strides = array<i32>} : memref<400x64xf32, #tpu.memory_space<vmem>>, vector<1x16xf32>,
        %swap3A_583 = vector.shape_cast %swap3A_582 : vector<1x16xf32> to vector<16xf32>
        %swap3A_584 = vector.shape_cast %get3A_572 : vector<16xf32> to vector<1x16xf32>
        tpu.vector_store %arg11[%swap3A_580, %swap3A_581], %swap3A_584 {add = true, strides = array<i32>} : memref<400x64xf32, #tpu.memory_space<vmem>>, vector<1x16xf32>,
        %scan3A_585 = arith.constant 1 : i32
        %scan3A_586 = arith.addi %scan3A_518, %scan3A_585 : i32
        %mul3A_587 = arith.constant 1 : i32
        %mul3A_588 = arith.muli %scan3A_586, %mul3A_587 : i32
        %add3A_589 = arith.constant 0 : i32
        %add3A_590 = arith.addi %add3A_589, %mul3A_588 : i32
        %get3A_591 = arith.index_cast %add3A_590 : i32 to index
        %get3A_592 = arith.constant 0 : index
        %get3A_593 = tpu.vector_load %arg14[%get3A_591, %get3A_592] {strides = array<i32>} : memref<200x64xf32, #tpu.memory_space<vmem>>, vector<1x16xf32>,
        %get3A_594 = vector.shape_cast %get3A_593 : vector<1x16xf32> to vector<16xf32>
        %swap3A_595 = arith.index_cast %add3A_590 : i32 to index
        %swap3A_596 = arith.constant 0 : index
        %swap3A_597 = tpu.vector_load %arg11[%swap3A_595, %swap3A_596] {strides = array<i32>} : memref<400x64xf32, #tpu.memory_space<vmem>>, vector<1x16xf32>,
        %swap3A_598 = vector.shape_cast %swap3A_597 : vector<1x16xf32> to vector<16xf32>
        %swap3A_599 = vector.shape_cast %get3A_594 : vector<16xf32> to vector<1x16xf32>
        tpu.vector_store %arg11[%swap3A_595, %swap3A_596], %swap3A_599 {add = true, strides = array<i32>} : memref<400x64xf32, #tpu.memory_space<vmem>>, vector<1x16xf32>,
        %add3A_600 = arith.constant 200 : i32
        %add3A_601 = arith.addi %add3A_600, %add3A_590 : i32
        %swap3A_602 = arith.index_cast %add3A_601 : i32 to index
        %swap3A_603 = arith.constant 0 : index
        %swap3A_604 = tpu.vector_load %arg11[%swap3A_602, %swap3A_603] {strides = array<i32>} : memref<400x64xf32, #tpu.memory_space<vmem>>, vector<1x16xf32>,
        %swap3A_605 = vector.shape_cast %swap3A_604 : vector<1x16xf32> to vector<16xf32>
        %swap3A_606 = vector.shape_cast %get3A_594 : vector<16xf32> to vector<1x16xf32>
        tpu.vector_store %arg11[%swap3A_602, %swap3A_603], %swap3A_606 {add = true, strides = array<i32>} : memref<400x64xf32, #tpu.memory_space<vmem>>, vector<1x16xf32>,
        %get3A_607 = arith.index_cast %add3A_590 : i32 to index
        %get3A_608 = arith.constant 16 : index
        %get3A_609 = tpu.vector_load %arg14[%get3A_607, %get3A_608] {strides = array<i32>} : memref<200x64xf32, #tpu.memory_space<vmem>>, vector<1x16xf32>,
        %get3A_610 = vector.shape_cast %get3A_609 : vector<1x16xf32> to vector<16xf32>
        %swap3A_611 = arith.index_cast %add3A_590 : i32 to index
        %swap3A_612 = arith.constant 16 : index
        %swap3A_613 = tpu.vector_load %arg11[%swap3A_611, %swap3A_612] {strides = array<i32>} : memref<400x64xf32, #tpu.memory_space<vmem>>, vector<1x16xf32>,
        %swap3A_614 = vector.shape_cast %swap3A_613 : vector<1x16xf32> to vector<16xf32>
        %swap3A_615 = vector.shape_cast %get3A_610 : vector<16xf32> to vector<1x16xf32>
        tpu.vector_store %arg11[%swap3A_611, %swap3A_612], %swap3A_615 {add = true, strides = array<i32>} : memref<400x64xf32, #tpu.memory_space<vmem>>, vector<1x16xf32>,
        %add3A_616 = arith.constant 200 : i32
        %add3A_617 = arith.addi %add3A_616, %add3A_590 : i32
        %swap3A_618 = arith.index_cast %add3A_617 : i32 to index
        %swap3A_619 = arith.constant 16 : index
        %swap3A_620 = tpu.vector_load %arg11[%swap3A_618, %swap3A_619] {strides = array<i32>} : memref<400x64xf32, #tpu.memory_space<vmem>>, vector<1x16xf32>,
        %swap3A_621 = vector.shape_cast %swap3A_620 : vector<1x16xf32> to vector<16xf32>
        %swap3A_622 = vector.shape_cast %get3A_610 : vector<16xf32> to vector<1x16xf32>
        tpu.vector_store %arg11[%swap3A_618, %swap3A_619], %swap3A_622 {add = true, strides = array<i32>} : memref<400x64xf32, #tpu.memory_space<vmem>>, vector<1x16xf32>,
        %get3A_623 = arith.index_cast %add3A_590 : i32 to index
        %get3A_624 = arith.constant 32 : index
        %get3A_625 = tpu.vector_load %arg14[%get3A_623, %get3A_624] {strides = array<i32>} : memref<200x64xf32, #tpu.memory_space<vmem>>, vector<1x16xf32>,
        %get3A_626 = vector.shape_cast %get3A_625 : vector<1x16xf32> to vector<16xf32>
        %swap3A_627 = arith.index_cast %add3A_590 : i32 to index
        %swap3A_628 = arith.constant 32 : index
        %swap3A_629 = tpu.vector_load %arg11[%swap3A_627, %swap3A_628] {strides = array<i32>} : memref<400x64xf32, #tpu.memory_space<vmem>>, vector<1x16xf32>,
        %swap3A_630 = vector.shape_cast %swap3A_629 : vector<1x16xf32> to vector<16xf32>
        %swap3A_631 = vector.shape_cast %get3A_626 : vector<16xf32> to vector<1x16xf32>
        tpu.vector_store %arg11[%swap3A_627, %swap3A_628], %swap3A_631 {add = true, strides = array<i32>} : memref<400x64xf32, #tpu.memory_space<vmem>>, vector<1x16xf32>,
        %add3A_632 = arith.constant 200 : i32
        %add3A_633 = arith.addi %add3A_632, %add3A_590 : i32
        %swap3A_634 = arith.index_cast %add3A_633 : i32 to index
        %swap3A_635 = arith.constant 32 : index
        %swap3A_636 = tpu.vector_load %arg11[%swap3A_634, %swap3A_635] {strides = array<i32>} : memref<400x64xf32, #tpu.memory_space<vmem>>, vector<1x16xf32>,
        %swap3A_637 = vector.shape_cast %swap3A_636 : vector<1x16xf32> to vector<16xf32>
        %swap3A_638 = vector.shape_cast %get3A_626 : vector<16xf32> to vector<1x16xf32>
        tpu.vector_store %arg11[%swap3A_634, %swap3A_635], %swap3A_638 {add = true, strides = array<i32>} : memref<400x64xf32, #tpu.memory_space<vmem>>, vector<1x16xf32>,
        %get3A_639 = arith.index_cast %add3A_590 : i32 to index
        %get3A_640 = arith.constant 48 : index
        %get3A_641 = tpu.vector_load %arg14[%get3A_639, %get3A_640] {strides = array<i32>} : memref<200x64xf32, #tpu.memory_space<vmem>>, vector<1x16xf32>,
        %get3A_642 = vector.shape_cast %get3A_641 : vector<1x16xf32> to vector<16xf32>
        %swap3A_643 = arith.index_cast %add3A_590 : i32 to index
        %swap3A_644 = arith.constant 48 : index
        %swap3A_645 = tpu.vector_load %arg11[%swap3A_643, %swap3A_644] {strides = array<i32>} : memref<400x64xf32, #tpu.memory_space<vmem>>, vector<1x16xf32>,
        %swap3A_646 = vector.shape_cast %swap3A_645 : vector<1x16xf32> to vector<16xf32>
        %swap3A_647 = vector.shape_cast %get3A_642 : vector<16xf32> to vector<1x16xf32>
        tpu.vector_store %arg11[%swap3A_643, %swap3A_644], %swap3A_647 {add = true, strides = array<i32>} : memref<400x64xf32, #tpu.memory_space<vmem>>, vector<1x16xf32>,
        %add3A_648 = arith.constant 200 : i32
        %add3A_649 = arith.addi %add3A_648, %add3A_590 : i32
        %swap3A_650 = arith.index_cast %add3A_649 : i32 to index
        %swap3A_651 = arith.constant 48 : index
        %swap3A_652 = tpu.vector_load %arg11[%swap3A_650, %swap3A_651] {strides = array<i32>} : memref<400x64xf32, #tpu.memory_space<vmem>>, vector<1x16xf32>,
        %swap3A_653 = vector.shape_cast %swap3A_652 : vector<1x16xf32> to vector<16xf32>
        %swap3A_654 = vector.shape_cast %get3A_642 : vector<16xf32> to vector<1x16xf32>
        tpu.vector_store %arg11[%swap3A_650, %swap3A_651], %swap3A_654 {add = true, strides = array<i32>} : memref<400x64xf32, #tpu.memory_space<vmem>>, vector<1x16xf32>,
        %scan3A_655 = arith.constant 2 : i32
        %scan3A_656 = arith.addi %scan3A_518, %scan3A_655 : i32
        %mul3A_657 = arith.constant 1 : i32
        %mul3A_658 = arith.muli %scan3A_656, %mul3A_657 : i32
        %add3A_659 = arith.constant 0 : i32
        %add3A_660 = arith.addi %add3A_659, %mul3A_658 : i32
        %get3A_661 = arith.index_cast %add3A_660 : i32 to index
        %get3A_662 = arith.constant 0 : index
        %get3A_663 = tpu.vector_load %arg14[%get3A_661, %get3A_662] {strides = array<i32>} : memref<200x64xf32, #tpu.memory_space<vmem>>, vector<1x16xf32>,
        %get3A_664 = vector.shape_cast %get3A_663 : vector<1x16xf32> to vector<16xf32>
        %swap3A_665 = arith.index_cast %add3A_660 : i32 to index
        %swap3A_666 = arith.constant 0 : index
        %swap3A_667 = tpu.vector_load %arg11[%swap3A_665, %swap3A_666] {strides = array<i32>} : memref<400x64xf32, #tpu.memory_space<vmem>>, vector<1x16xf32>,
        %swap3A_668 = vector.shape_cast %swap3A_667 : vector<1x16xf32> to vector<16xf32>
        %swap3A_669 = vector.shape_cast %get3A_664 : vector<16xf32> to vector<1x16xf32>
        tpu.vector_store %arg11[%swap3A_665, %swap3A_666], %swap3A_669 {add = true, strides = array<i32>} : memref<400x64xf32, #tpu.memory_space<vmem>>, vector<1x16xf32>,
        %add3A_670 = arith.constant 200 : i32
        %add3A_671 = arith.addi %add3A_670, %add3A_660 : i32
        %swap3A_672 = arith.index_cast %add3A_671 : i32 to index
        %swap3A_673 = arith.constant 0 : index
        %swap3A_674 = tpu.vector_load %arg11[%swap3A_672, %swap3A_673] {strides = array<i32>} : memref<400x64xf32, #tpu.memory_space<vmem>>, vector<1x16xf32>,
        %swap3A_675 = vector.shape_cast %swap3A_674 : vector<1x16xf32> to vector<16xf32>
        %swap3A_676 = vector.shape_cast %get3A_664 : vector<16xf32> to vector<1x16xf32>
        tpu.vector_store %arg11[%swap3A_672, %swap3A_673], %swap3A_676 {add = true, strides = array<i32>} : memref<400x64xf32, #tpu.memory_space<vmem>>, vector<1x16xf32>,
        %get3A_677 = arith.index_cast %add3A_660 : i32 to index
        %get3A_678 = arith.constant 16 : index
        %get3A_679 = tpu.vector_load %arg14[%get3A_677, %get3A_678] {strides = array<i32>} : memref<200x64xf32, #tpu.memory_space<vmem>>, vector<1x16xf32>,
        %get3A_680 = vector.shape_cast %get3A_679 : vector<1x16xf32> to vector<16xf32>
        %swap3A_681 = arith.index_cast %add3A_660 : i32 to index
        %swap3A_682 = arith.constant 16 : index
        %swap3A_683 = tpu.vector_load %arg11[%swap3A_681, %swap3A_682] {strides = array<i32>} : memref<400x64xf32, #tpu.memory_space<vmem>>, vector<1x16xf32>,
        %swap3A_684 = vector.shape_cast %swap3A_683 : vector<1x16xf32> to vector<16xf32>
        %swap3A_685 = vector.shape_cast %get3A_680 : vector<16xf32> to vector<1x16xf32>
        tpu.vector_store %arg11[%swap3A_681, %swap3A_682], %swap3A_685 {add = true, strides = array<i32>} : memref<400x64xf32, #tpu.memory_space<vmem>>, vector<1x16xf32>,
        %add3A_686 = arith.constant 200 : i32
        %add3A_687 = arith.addi %add3A_686, %add3A_660 : i32
        %swap3A_688 = arith.index_cast %add3A_687 : i32 to index
        %swap3A_689 = arith.constant 16 : index
        %swap3A_690 = tpu.vector_load %arg11[%swap3A_688, %swap3A_689] {strides = array<i32>} : memref<400x64xf32, #tpu.memory_space<vmem>>, vector<1x16xf32>,
        %swap3A_691 = vector.shape_cast %swap3A_690 : vector<1x16xf32> to vector<16xf32>
        %swap3A_692 = vector.shape_cast %get3A_680 : vector<16xf32> to vector<1x16xf32>
        tpu.vector_store %arg11[%swap3A_688, %swap3A_689], %swap3A_692 {add = true, strides = array<i32>} : memref<400x64xf32, #tpu.memory_space<vmem>>, vector<1x16xf32>,
        %get3A_693 = arith.index_cast %add3A_660 : i32 to index
        %get3A_694 = arith.constant 32 : index
        %get3A_695 = tpu.vector_load %arg14[%get3A_693, %get3A_694] {strides = array<i32>} : memref<200x64xf32, #tpu.memory_space<vmem>>, vector<1x16xf32>,
        %get3A_696 = vector.shape_cast %get3A_695 : vector<1x16xf32> to vector<16xf32>
        %swap3A_697 = arith.index_cast %add3A_660 : i32 to index
        %swap3A_698 = arith.constant 32 : index
        %swap3A_699 = tpu.vector_load %arg11[%swap3A_697, %swap3A_698] {strides = array<i32>} : memref<400x64xf32, #tpu.memory_space<vmem>>, vector<1x16xf32>,
        %swap3A_700 = vector.shape_cast %swap3A_699 : vector<1x16xf32> to vector<16xf32>
        %swap3A_701 = vector.shape_cast %get3A_696 : vector<16xf32> to vector<1x16xf32>
        tpu.vector_store %arg11[%swap3A_697, %swap3A_698], %swap3A_701 {add = true, strides = array<i32>} : memref<400x64xf32, #tpu.memory_space<vmem>>, vector<1x16xf32>,
        %add3A_702 = arith.constant 200 : i32
        %add3A_703 = arith.addi %add3A_702, %add3A_660 : i32
        %swap3A_704 = arith.index_cast %add3A_703 : i32 to index
        %swap3A_705 = arith.constant 32 : index
        %swap3A_706 = tpu.vector_load %arg11[%swap3A_704, %swap3A_705] {strides = array<i32>} : memref<400x64xf32, #tpu.memory_space<vmem>>, vector<1x16xf32>,
        %swap3A_707 = vector.shape_cast %swap3A_706 : vector<1x16xf32> to vector<16xf32>
        %swap3A_708 = vector.shape_cast %get3A_696 : vector<16xf32> to vector<1x16xf32>
        tpu.vector_store %arg11[%swap3A_704, %swap3A_705], %swap3A_708 {add = true, strides = array<i32>} : memref<400x64xf32, #tpu.memory_space<vmem>>, vector<1x16xf32>,
        %get3A_709 = arith.index_cast %add3A_660 : i32 to index
        %get3A_710 = arith.constant 48 : index
        %get3A_711 = tpu.vector_load %arg14[%get3A_709, %get3A_710] {strides = array<i32>} : memref<200x64xf32, #tpu.memory_space<vmem>>, vector<1x16xf32>,
        %get3A_712 = vector.shape_cast %get3A_711 : vector<1x16xf32> to vector<16xf32>
        %swap3A_713 = arith.index_cast %add3A_660 : i32 to index
        %swap3A_714 = arith.constant 48 : index
        %swap3A_715 = tpu.vector_load %arg11[%swap3A_713, %swap3A_714] {strides = array<i32>} : memref<400x64xf32, #tpu.memory_space<vmem>>, vector<1x16xf32>,
        %swap3A_716 = vector.shape_cast %swap3A_715 : vector<1x16xf32> to vector<16xf32>
        %swap3A_717 = vector.shape_cast %get3A_712 : vector<16xf32> to vector<1x16xf32>
        tpu.vector_store %arg11[%swap3A_713, %swap3A_714], %swap3A_717 {add = true, strides = array<i32>} : memref<400x64xf32, #tpu.memory_space<vmem>>, vector<1x16xf32>,
        %add3A_718 = arith.constant 200 : i32
        %add3A_719 = arith.addi %add3A_718, %add3A_660 : i32
        %swap3A_720 = arith.index_cast %add3A_719 : i32 to index
        %swap3A_721 = arith.constant 48 : index
        %swap3A_722 = tpu.vector_load %arg11[%swap3A_720, %swap3A_721] {strides = array<i32>} : memref<400x64xf32, #tpu.memory_space<vmem>>, vector<1x16xf32>,
        %swap3A_723 = vector.shape_cast %swap3A_722 : vector<1x16xf32> to vector<16xf32>
        %swap3A_724 = vector.shape_cast %get3A_712 : vector<16xf32> to vector<1x16xf32>
        tpu.vector_store %arg11[%swap3A_720, %swap3A_721], %swap3A_724 {add = true, strides = array<i32>} : memref<400x64xf32, #tpu.memory_space<vmem>>, vector<1x16xf32>,
        %scan3A_725 = arith.constant 3 : i32
        %scan3A_726 = arith.addi %scan3A_518, %scan3A_725 : i32
        %mul3A_727 = arith.constant 1 : i32
        %mul3A_728 = arith.muli %scan3A_726, %mul3A_727 : i32
        %add3A_729 = arith.constant 0 : i32
        %add3A_730 = arith.addi %add3A_729, %mul3A_728 : i32
        %get3A_731 = arith.index_cast %add3A_730 : i32 to index
        %get3A_732 = arith.constant 0 : index
        %get3A_733 = tpu.vector_load %arg14[%get3A_731, %get3A_732] {strides = array<i32>} : memref<200x64xf32, #tpu.memory_space<vmem>>, vector<1x16xf32>,
        %get3A_734 = vector.shape_cast %get3A_733 : vector<1x16xf32> to vector<16xf32>
        %swap3A_735 = arith.index_cast %add3A_730 : i32 to index
        %swap3A_736 = arith.constant 0 : index
        %swap3A_737 = tpu.vector_load %arg11[%swap3A_735, %swap3A_736] {strides = array<i32>} : memref<400x64xf32, #tpu.memory_space<vmem>>, vector<1x16xf32>,
        %swap3A_738 = vector.shape_cast %swap3A_737 : vector<1x16xf32> to vector<16xf32>
        %swap3A_739 = vector.shape_cast %get3A_734 : vector<16xf32> to vector<1x16xf32>
        tpu.vector_store %arg11[%swap3A_735, %swap3A_736], %swap3A_739 {add = true, strides = array<i32>} : memref<400x64xf32, #tpu.memory_space<vmem>>, vector<1x16xf32>,
        %add3A_740 = arith.constant 200 : i32
        %add3A_741 = arith.addi %add3A_740, %add3A_730 : i32
        %swap3A_742 = arith.index_cast %add3A_741 : i32 to index
        %swap3A_743 = arith.constant 0 : index
        %swap3A_744 = tpu.vector_load %arg11[%swap3A_742, %swap3A_743] {strides = array<i32>} : memref<400x64xf32, #tpu.memory_space<vmem>>, vector<1x16xf32>,
        %swap3A_745 = vector.shape_cast %swap3A_744 : vector<1x16xf32> to vector<16xf32>
        %swap3A_746 = vector.shape_cast %get3A_734 : vector<16xf32> to vector<1x16xf32>
        tpu.vector_store %arg11[%swap3A_742, %swap3A_743], %swap3A_746 {add = true, strides = array<i32>} : memref<400x64xf32, #tpu.memory_space<vmem>>, vector<1x16xf32>,
        %get3A_747 = arith.index_cast %add3A_730 : i32 to index
        %get3A_748 = arith.constant 16 : index
        %get3A_749 = tpu.vector_load %arg14[%get3A_747, %get3A_748] {strides = array<i32>} : memref<200x64xf32, #tpu.memory_space<vmem>>, vector<1x16xf32>,
        %get3A_750 = vector.shape_cast %get3A_749 : vector<1x16xf32> to vector<16xf32>
        %swap3A_751 = arith.index_cast %add3A_730 : i32 to index
        %swap3A_752 = arith.constant 16 : index
        %swap3A_753 = tpu.vector_load %arg11[%swap3A_751, %swap3A_752] {strides = array<i32>} : memref<400x64xf32, #tpu.memory_space<vmem>>, vector<1x16xf32>,
        %swap3A_754 = vector.shape_cast %swap3A_753 : vector<1x16xf32> to vector<16xf32>
        %swap3A_755 = vector.shape_cast %get3A_750 : vector<16xf32> to vector<1x16xf32>
        tpu.vector_store %arg11[%swap3A_751, %swap3A_752], %swap3A_755 {add = true, strides = array<i32>} : memref<400x64xf32, #tpu.memory_space<vmem>>, vector<1x16xf32>,
        %add3A_756 = arith.constant 200 : i32
        %add3A_757 = arith.addi %add3A_756, %add3A_730 : i32
        %swap3A_758 = arith.index_cast %add3A_757 : i32 to index
        %swap3A_759 = arith.constant 16 : index
        %swap3A_760 = tpu.vector_load %arg11[%swap3A_758, %swap3A_759] {strides = array<i32>} : memref<400x64xf32, #tpu.memory_space<vmem>>, vector<1x16xf32>,
        %swap3A_761 = vector.shape_cast %swap3A_760 : vector<1x16xf32> to vector<16xf32>
        %swap3A_762 = vector.shape_cast %get3A_750 : vector<16xf32> to vector<1x16xf32>
        tpu.vector_store %arg11[%swap3A_758, %swap3A_759], %swap3A_762 {add = true, strides = array<i32>} : memref<400x64xf32, #tpu.memory_space<vmem>>, vector<1x16xf32>,
        %get3A_763 = arith.index_cast %add3A_730 : i32 to index
        %get3A_764 = arith.constant 32 : index
        %get3A_765 = tpu.vector_load %arg14[%get3A_763, %get3A_764] {strides = array<i32>} : memref<200x64xf32, #tpu.memory_space<vmem>>, vector<1x16xf32>,
        %get3A_766 = vector.shape_cast %get3A_765 : vector<1x16xf32> to vector<16xf32>
        %swap3A_767 = arith.index_cast %add3A_730 : i32 to index
        %swap3A_768 = arith.constant 32 : index
        %swap3A_769 = tpu.vector_load %arg11[%swap3A_767, %swap3A_768] {strides = array<i32>} : memref<400x64xf32, #tpu.memory_space<vmem>>, vector<1x16xf32>,
        %swap3A_770 = vector.shape_cast %swap3A_769 : vector<1x16xf32> to vector<16xf32>
        %swap3A_771 = vector.shape_cast %get3A_766 : vector<16xf32> to vector<1x16xf32>
        tpu.vector_store %arg11[%swap3A_767, %swap3A_768], %swap3A_771 {add = true, strides = array<i32>} : memref<400x64xf32, #tpu.memory_space<vmem>>, vector<1x16xf32>,
        %add3A_772 = arith.constant 200 : i32
        %add3A_773 = arith.addi %add3A_772, %add3A_730 : i32
        %swap3A_774 = arith.index_cast %add3A_773 : i32 to index
        %swap3A_775 = arith.constant 32 : index
        %swap3A_776 = tpu.vector_load %arg11[%swap3A_774, %swap3A_775] {strides = array<i32>} : memref<400x64xf32, #tpu.memory_space<vmem>>, vector<1x16xf32>,
        %swap3A_777 = vector.shape_cast %swap3A_776 : vector<1x16xf32> to vector<16xf32>
        %swap3A_778 = vector.shape_cast %get3A_766 : vector<16xf32> to vector<1x16xf32>
        tpu.vector_store %arg11[%swap3A_774, %swap3A_775], %swap3A_778 {add = true, strides = array<i32>} : memref<400x64xf32, #tpu.memory_space<vmem>>, vector<1x16xf32>,
        %get3A_779 = arith.index_cast %add3A_730 : i32 to index
        %get3A_780 = arith.constant 48 : index
        %get3A_781 = tpu.vector_load %arg14[%get3A_779, %get3A_780] {strides = array<i32>} : memref<200x64xf32, #tpu.memory_space<vmem>>, vector<1x16xf32>,
        %get3A_782 = vector.shape_cast %get3A_781 : vector<1x16xf32> to vector<16xf32>
        %swap3A_783 = arith.index_cast %add3A_730 : i32 to index
        %swap3A_784 = arith.constant 48 : index
        %swap3A_785 = tpu.vector_load %arg11[%swap3A_783, %swap3A_784] {strides = array<i32>} : memref<400x64xf32, #tpu.memory_space<vmem>>, vector<1x16xf32>,
        %swap3A_786 = vector.shape_cast %swap3A_785 : vector<1x16xf32> to vector<16xf32>
        %swap3A_787 = vector.shape_cast %get3A_782 : vector<16xf32> to vector<1x16xf32>
        tpu.vector_store %arg11[%swap3A_783, %swap3A_784], %swap3A_787 {add = true, strides = array<i32>} : memref<400x64xf32, #tpu.memory_space<vmem>>, vector<1x16xf32>,
        %add3A_788 = arith.constant 200 : i32
        %add3A_789 = arith.addi %add3A_788, %add3A_730 : i32
        %swap3A_790 = arith.index_cast %add3A_789 : i32 to index
        %swap3A_791 = arith.constant 48 : index
        %swap3A_792 = tpu.vector_load %arg11[%swap3A_790, %swap3A_791] {strides = array<i32>} : memref<400x64xf32, #tpu.memory_space<vmem>>, vector<1x16xf32>,
        %swap3A_793 = vector.shape_cast %swap3A_792 : vector<1x16xf32> to vector<16xf32>
        %swap3A_794 = vector.shape_cast %get3A_782 : vector<16xf32> to vector<1x16xf32>
        tpu.vector_store %arg11[%swap3A_790, %swap3A_791], %swap3A_794 {add = true, strides = array<i32>} : memref<400x64xf32, #tpu.memory_space<vmem>>, vector<1x16xf32>,
        %scan3A_795 = arith.constant 4 : i32
        %scan3A_796 = arith.addi %scan3A_518, %scan3A_795 : i32
        %mul3A_797 = arith.constant 1 : i32
        %mul3A_798 = arith.muli %scan3A_796, %mul3A_797 : i32
        %add3A_799 = arith.constant 0 : i32
        %add3A_800 = arith.addi %add3A_799, %mul3A_798 : i32
        %get3A_801 = arith.index_cast %add3A_800 : i32 to index
        %get3A_802 = arith.constant 0 : index
        %get3A_803 = tpu.vector_load %arg14[%get3A_801, %get3A_802] {strides = array<i32>} : memref<200x64xf32, #tpu.memory_space<vmem>>, vector<1x16xf32>,
        %get3A_804 = vector.shape_cast %get3A_803 : vector<1x16xf32> to vector<16xf32>
        %swap3A_805 = arith.index_cast %add3A_800 : i32 to index
        %swap3A_806 = arith.constant 0 : index
        %swap3A_807 = tpu.vector_load %arg11[%swap3A_805, %swap3A_806] {strides = array<i32>} : memref<400x64xf32, #tpu.memory_space<vmem>>, vector<1x16xf32>,
        %swap3A_808 = vector.shape_cast %swap3A_807 : vector<1x16xf32> to vector<16xf32>
        %swap3A_809 = vector.shape_cast %get3A_804 : vector<16xf32> to vector<1x16xf32>
        tpu.vector_store %arg11[%swap3A_805, %swap3A_806], %swap3A_809 {add = true, strides = array<i32>} : memref<400x64xf32, #tpu.memory_space<vmem>>, vector<1x16xf32>,
        %add3A_810 = arith.constant 200 : i32
        %add3A_811 = arith.addi %add3A_810, %add3A_800 : i32
        %swap3A_812 = arith.index_cast %add3A_811 : i32 to index
        %swap3A_813 = arith.constant 0 : index
        %swap3A_814 = tpu.vector_load %arg11[%swap3A_812, %swap3A_813] {strides = array<i32>} : memref<400x64xf32, #tpu.memory_space<vmem>>, vector<1x16xf32>,
        %swap3A_815 = vector.shape_cast %swap3A_814 : vector<1x16xf32> to vector<16xf32>
        %swap3A_816 = vector.shape_cast %get3A_804 : vector<16xf32> to vector<1x16xf32>
        tpu.vector_store %arg11[%swap3A_812, %swap3A_813], %swap3A_816 {add = true, strides = array<i32>} : memref<400x64xf32, #tpu.memory_space<vmem>>, vector<1x16xf32>,
        %get3A_817 = arith.index_cast %add3A_800 : i32 to index
        %get3A_818 = arith.constant 16 : index
        %get3A_819 = tpu.vector_load %arg14[%get3A_817, %get3A_818] {strides = array<i32>} : memref<200x64xf32, #tpu.memory_space<vmem>>, vector<1x16xf32>,
        %get3A_820 = vector.shape_cast %get3A_819 : vector<1x16xf32> to vector<16xf32>
        %swap3A_821 = arith.index_cast %add3A_800 : i32 to index
        %swap3A_822 = arith.constant 16 : index
        %swap3A_823 = tpu.vector_load %arg11[%swap3A_821, %swap3A_822] {strides = array<i32>} : memref<400x64xf32, #tpu.memory_space<vmem>>, vector<1x16xf32>,
        %swap3A_824 = vector.shape_cast %swap3A_823 : vector<1x16xf32> to vector<16xf32>
        %swap3A_825 = vector.shape_cast %get3A_820 : vector<16xf32> to vector<1x16xf32>
        tpu.vector_store %arg11[%swap3A_821, %swap3A_822], %swap3A_825 {add = true, strides = array<i32>} : memref<400x64xf32, #tpu.memory_space<vmem>>, vector<1x16xf32>,
        %add3A_826 = arith.constant 200 : i32
        %add3A_827 = arith.addi %add3A_826, %add3A_800 : i32
        %swap3A_828 = arith.index_cast %add3A_827 : i32 to index
        %swap3A_829 = arith.constant 16 : index
        %swap3A_830 = tpu.vector_load %arg11[%swap3A_828, %swap3A_829] {strides = array<i32>} : memref<400x64xf32, #tpu.memory_space<vmem>>, vector<1x16xf32>,
        %swap3A_831 = vector.shape_cast %swap3A_830 : vector<1x16xf32> to vector<16xf32>
        %swap3A_832 = vector.shape_cast %get3A_820 : vector<16xf32> to vector<1x16xf32>
        tpu.vector_store %arg11[%swap3A_828, %swap3A_829], %swap3A_832 {add = true, strides = array<i32>} : memref<400x64xf32, #tpu.memory_space<vmem>>, vector<1x16xf32>,
        %get3A_833 = arith.index_cast %add3A_800 : i32 to index
        %get3A_834 = arith.constant 32 : index
        %get3A_835 = tpu.vector_load %arg14[%get3A_833, %get3A_834] {strides = array<i32>} : memref<200x64xf32, #tpu.memory_space<vmem>>, vector<1x16xf32>,
        %get3A_836 = vector.shape_cast %get3A_835 : vector<1x16xf32> to vector<16xf32>
        %swap3A_837 = arith.index_cast %add3A_800 : i32 to index
        %swap3A_838 = arith.constant 32 : index
        %swap3A_839 = tpu.vector_load %arg11[%swap3A_837, %swap3A_838] {strides = array<i32>} : memref<400x64xf32, #tpu.memory_space<vmem>>, vector<1x16xf32>,
        %swap3A_840 = vector.shape_cast %swap3A_839 : vector<1x16xf32> to vector<16xf32>
        %swap3A_841 = vector.shape_cast %get3A_836 : vector<16xf32> to vector<1x16xf32>
        tpu.vector_store %arg11[%swap3A_837, %swap3A_838], %swap3A_841 {add = true, strides = array<i32>} : memref<400x64xf32, #tpu.memory_space<vmem>>, vector<1x16xf32>,
        %add3A_842 = arith.constant 200 : i32
        %add3A_843 = arith.addi %add3A_842, %add3A_800 : i32
        %swap3A_844 = arith.index_cast %add3A_843 : i32 to index
        %swap3A_845 = arith.constant 32 : index
        %swap3A_846 = tpu.vector_load %arg11[%swap3A_844, %swap3A_845] {strides = array<i32>} : memref<400x64xf32, #tpu.memory_space<vmem>>, vector<1x16xf32>,
        %swap3A_847 = vector.shape_cast %swap3A_846 : vector<1x16xf32> to vector<16xf32>
        %swap3A_848 = vector.shape_cast %get3A_836 : vector<16xf32> to vector<1x16xf32>
        tpu.vector_store %arg11[%swap3A_844, %swap3A_845], %swap3A_848 {add = true, strides = array<i32>} : memref<400x64xf32, #tpu.memory_space<vmem>>, vector<1x16xf32>,
        %get3A_849 = arith.index_cast %add3A_800 : i32 to index
        %get3A_850 = arith.constant 48 : index
        %get3A_851 = tpu.vector_load %arg14[%get3A_849, %get3A_850] {strides = array<i32>} : memref<200x64xf32, #tpu.memory_space<vmem>>, vector<1x16xf32>,
        %get3A_852 = vector.shape_cast %get3A_851 : vector<1x16xf32> to vector<16xf32>
        %swap3A_853 = arith.index_cast %add3A_800 : i32 to index
        %swap3A_854 = arith.constant 48 : index
        %swap3A_855 = tpu.vector_load %arg11[%swap3A_853, %swap3A_854] {strides = array<i32>} : memref<400x64xf32, #tpu.memory_space<vmem>>, vector<1x16xf32>,
        %swap3A_856 = vector.shape_cast %swap3A_855 : vector<1x16xf32> to vector<16xf32>
        %swap3A_857 = vector.shape_cast %get3A_852 : vector<16xf32> to vector<1x16xf32>
        tpu.vector_store %arg11[%swap3A_853, %swap3A_854], %swap3A_857 {add = true, strides = array<i32>} : memref<400x64xf32, #tpu.memory_space<vmem>>, vector<1x16xf32>,
        %add3A_858 = arith.constant 200 : i32
        %add3A_859 = arith.addi %add3A_858, %add3A_800 : i32
        %swap3A_860 = arith.index_cast %add3A_859 : i32 to index
        %swap3A_861 = arith.constant 48 : index
        %swap3A_862 = tpu.vector_load %arg11[%swap3A_860, %swap3A_861] {strides = array<i32>} : memref<400x64xf32, #tpu.memory_space<vmem>>, vector<1x16xf32>,
        %swap3A_863 = vector.shape_cast %swap3A_862 : vector<1x16xf32> to vector<16xf32>
        %swap3A_864 = vector.shape_cast %get3A_852 : vector<16xf32> to vector<1x16xf32>
        tpu.vector_store %arg11[%swap3A_860, %swap3A_861], %swap3A_864 {add = true, strides = array<i32>} : memref<400x64xf32, #tpu.memory_space<vmem>>, vector<1x16xf32>,
        %scan3A_865 = arith.constant 5 : i32
        %scan3A_866 = arith.addi %scan3A_518, %scan3A_865 : i32
        %mul3A_867 = arith.constant 1 : i32
        %mul3A_868 = arith.muli %scan3A_866, %mul3A_867 : i32
        %add3A_869 = arith.constant 0 : i32
        %add3A_870 = arith.addi %add3A_869, %mul3A_868 : i32
        %get3A_871 = arith.index_cast %add3A_870 : i32 to index
        %get3A_872 = arith.constant 0 : index
        %get3A_873 = tpu.vector_load %arg14[%get3A_871, %get3A_872] {strides = array<i32>} : memref<200x64xf32, #tpu.memory_space<vmem>>, vector<1x16xf32>,
        %get3A_874 = vector.shape_cast %get3A_873 : vector<1x16xf32> to vector<16xf32>
        %swap3A_875 = arith.index_cast %add3A_870 : i32 to index
        %swap3A_876 = arith.constant 0 : index
        %swap3A_877 = tpu.vector_load %arg11[%swap3A_875, %swap3A_876] {strides = array<i32>} : memref<400x64xf32, #tpu.memory_space<vmem>>, vector<1x16xf32>,
        %swap3A_878 = vector.shape_cast %swap3A_877 : vector<1x16xf32> to vector<16xf32>
        %swap3A_879 = vector.shape_cast %get3A_874 : vector<16xf32> to vector<1x16xf32>
        tpu.vector_store %arg11[%swap3A_875, %swap3A_876], %swap3A_879 {add = true, strides = array<i32>} : memref<400x64xf32, #tpu.memory_space<vmem>>, vector<1x16xf32>,
        %add3A_880 = arith.constant 200 : i32
        %add3A_881 = arith.addi %add3A_880, %add3A_870 : i32
        %swap3A_882 = arith.index_cast %add3A_881 : i32 to index
        %swap3A_883 = arith.constant 0 : index
        %swap3A_884 = tpu.vector_load %arg11[%swap3A_882, %swap3A_883] {strides = array<i32>} : memref<400x64xf32, #tpu.memory_space<vmem>>, vector<1x16xf32>,
        %swap3A_885 = vector.shape_cast %swap3A_884 : vector<1x16xf32> to vector<16xf32>
        %swap3A_886 = vector.shape_cast %get3A_874 : vector<16xf32> to vector<1x16xf32>
        tpu.vector_store %arg11[%swap3A_882, %swap3A_883], %swap3A_886 {add = true, strides = array<i32>} : memref<400x64xf32, #tpu.memory_space<vmem>>, vector<1x16xf32>,
        %get3A_887 = arith.index_cast %add3A_870 : i32 to index
        %get3A_888 = arith.constant 16 : index
        %get3A_889 = tpu.vector_load %arg14[%get3A_887, %get3A_888] {strides = array<i32>} : memref<200x64xf32, #tpu.memory_space<vmem>>, vector<1x16xf32>,
        %get3A_890 = vector.shape_cast %get3A_889 : vector<1x16xf32> to vector<16xf32>
        %swap3A_891 = arith.index_cast %add3A_870 : i32 to index
        %swap3A_892 = arith.constant 16 : index
        %swap3A_893 = tpu.vector_load %arg11[%swap3A_891, %swap3A_892] {strides = array<i32>} : memref<400x64xf32, #tpu.memory_space<vmem>>, vector<1x16xf32>,
        %swap3A_894 = vector.shape_cast %swap3A_893 : vector<1x16xf32> to vector<16xf32>
        %swap3A_895 = vector.shape_cast %get3A_890 : vector<16xf32> to vector<1x16xf32>
        tpu.vector_store %arg11[%swap3A_891, %swap3A_892], %swap3A_895 {add = true, strides = array<i32>} : memref<400x64xf32, #tpu.memory_space<vmem>>, vector<1x16xf32>,
        %add3A_896 = arith.constant 200 : i32
        %add3A_897 = arith.addi %add3A_896, %add3A_870 : i32
        %swap3A_898 = arith.index_cast %add3A_897 : i32 to index
        %swap3A_899 = arith.constant 16 : index
        %swap3A_900 = tpu.vector_load %arg11[%swap3A_898, %swap3A_899] {strides = array<i32>} : memref<400x64xf32, #tpu.memory_space<vmem>>, vector<1x16xf32>,
        %swap3A_901 = vector.shape_cast %swap3A_900 : vector<1x16xf32> to vector<16xf32>
        %swap3A_902 = vector.shape_cast %get3A_890 : vector<16xf32> to vector<1x16xf32>
        tpu.vector_store %arg11[%swap3A_898, %swap3A_899], %swap3A_902 {add = true, strides = array<i32>} : memref<400x64xf32, #tpu.memory_space<vmem>>, vector<1x16xf32>,
        %get3A_903 = arith.index_cast %add3A_870 : i32 to index
        %get3A_904 = arith.constant 32 : index
        %get3A_905 = tpu.vector_load %arg14[%get3A_903, %get3A_904] {strides = array<i32>} : memref<200x64xf32, #tpu.memory_space<vmem>>, vector<1x16xf32>,
        %get3A_906 = vector.shape_cast %get3A_905 : vector<1x16xf32> to vector<16xf32>
        %swap3A_907 = arith.index_cast %add3A_870 : i32 to index
        %swap3A_908 = arith.constant 32 : index
        %swap3A_909 = tpu.vector_load %arg11[%swap3A_907, %swap3A_908] {strides = array<i32>} : memref<400x64xf32, #tpu.memory_space<vmem>>, vector<1x16xf32>,
        %swap3A_910 = vector.shape_cast %swap3A_909 : vector<1x16xf32> to vector<16xf32>
        %swap3A_911 = vector.shape_cast %get3A_906 : vector<16xf32> to vector<1x16xf32>
        tpu.vector_store %arg11[%swap3A_907, %swap3A_908], %swap3A_911 {add = true, strides = array<i32>} : memref<400x64xf32, #tpu.memory_space<vmem>>, vector<1x16xf32>,
        %add3A_912 = arith.constant 200 : i32
        %add3A_913 = arith.addi %add3A_912, %add3A_870 : i32
        %swap3A_914 = arith.index_cast %add3A_913 : i32 to index
        %swap3A_915 = arith.constant 32 : index
        %swap3A_916 = tpu.vector_load %arg11[%swap3A_914, %swap3A_915] {strides = array<i32>} : memref<400x64xf32, #tpu.memory_space<vmem>>, vector<1x16xf32>,
        %swap3A_917 = vector.shape_cast %swap3A_916 : vector<1x16xf32> to vector<16xf32>
        %swap3A_918 = vector.shape_cast %get3A_906 : vector<16xf32> to vector<1x16xf32>
        tpu.vector_store %arg11[%swap3A_914, %swap3A_915], %swap3A_918 {add = true, strides = array<i32>} : memref<400x64xf32, #tpu.memory_space<vmem>>, vector<1x16xf32>,
        %get3A_919 = arith.index_cast %add3A_870 : i32 to index
        %get3A_920 = arith.constant 48 : index
        %get3A_921 = tpu.vector_load %arg14[%get3A_919, %get3A_920] {strides = array<i32>} : memref<200x64xf32, #tpu.memory_space<vmem>>, vector<1x16xf32>,
        %get3A_922 = vector.shape_cast %get3A_921 : vector<1x16xf32> to vector<16xf32>
        %swap3A_923 = arith.index_cast %add3A_870 : i32 to index
        %swap3A_924 = arith.constant 48 : index
        %swap3A_925 = tpu.vector_load %arg11[%swap3A_923, %swap3A_924] {strides = array<i32>} : memref<400x64xf32, #tpu.memory_space<vmem>>, vector<1x16xf32>,
        %swap3A_926 = vector.shape_cast %swap3A_925 : vector<1x16xf32> to vector<16xf32>
        %swap3A_927 = vector.shape_cast %get3A_922 : vector<16xf32> to vector<1x16xf32>
        tpu.vector_store %arg11[%swap3A_923, %swap3A_924], %swap3A_927 {add = true, strides = array<i32>} : memref<400x64xf32, #tpu.memory_space<vmem>>, vector<1x16xf32>,
        %add3A_928 = arith.constant 200 : i32
        %add3A_929 = arith.addi %add3A_928, %add3A_870 : i32
        %swap3A_930 = arith.index_cast %add3A_929 : i32 to index
        %swap3A_931 = arith.constant 48 : index
        %swap3A_932 = tpu.vector_load %arg11[%swap3A_930, %swap3A_931] {strides = array<i32>} : memref<400x64xf32, #tpu.memory_space<vmem>>, vector<1x16xf32>,
        %swap3A_933 = vector.shape_cast %swap3A_932 : vector<1x16xf32> to vector<16xf32>
        %swap3A_934 = vector.shape_cast %get3A_922 : vector<16xf32> to vector<1x16xf32>
        tpu.vector_store %arg11[%swap3A_930, %swap3A_931], %swap3A_934 {add = true, strides = array<i32>} : memref<400x64xf32, #tpu.memory_space<vmem>>, vector<1x16xf32>,
        %scan3A_935 = arith.constant 6 : i32
        %scan3A_936 = arith.addi %scan3A_518, %scan3A_935 : i32
        %mul3A_937 = arith.constant 1 : i32
        %mul3A_938 = arith.muli %scan3A_936, %mul3A_937 : i32
        %add3A_939 = arith.constant 0 : i32
        %add3A_940 = arith.addi %add3A_939, %mul3A_938 : i32
        %get3A_941 = arith.index_cast %add3A_940 : i32 to index
        %get3A_942 = arith.constant 0 : index
        %get3A_943 = tpu.vector_load %arg14[%get3A_941, %get3A_942] {strides = array<i32>} : memref<200x64xf32, #tpu.memory_space<vmem>>, vector<1x16xf32>,
        %get3A_944 = vector.shape_cast %get3A_943 : vector<1x16xf32> to vector<16xf32>
        %swap3A_945 = arith.index_cast %add3A_940 : i32 to index
        %swap3A_946 = arith.constant 0 : index
        %swap3A_947 = tpu.vector_load %arg11[%swap3A_945, %swap3A_946] {strides = array<i32>} : memref<400x64xf32, #tpu.memory_space<vmem>>, vector<1x16xf32>,
        %swap3A_948 = vector.shape_cast %swap3A_947 : vector<1x16xf32> to vector<16xf32>
        %swap3A_949 = vector.shape_cast %get3A_944 : vector<16xf32> to vector<1x16xf32>
        tpu.vector_store %arg11[%swap3A_945, %swap3A_946], %swap3A_949 {add = true, strides = array<i32>} : memref<400x64xf32, #tpu.memory_space<vmem>>, vector<1x16xf32>,
        %add3A_950 = arith.constant 200 : i32
        %add3A_951 = arith.addi %add3A_950, %add3A_940 : i32
        %swap3A_952 = arith.index_cast %add3A_951 : i32 to index
        %swap3A_953 = arith.constant 0 : index
        %swap3A_954 = tpu.vector_load %arg11[%swap3A_952, %swap3A_953] {strides = array<i32>} : memref<400x64xf32, #tpu.memory_space<vmem>>, vector<1x16xf32>,
        %swap3A_955 = vector.shape_cast %swap3A_954 : vector<1x16xf32> to vector<16xf32>
        %swap3A_956 = vector.shape_cast %get3A_944 : vector<16xf32> to vector<1x16xf32>
        tpu.vector_store %arg11[%swap3A_952, %swap3A_953], %swap3A_956 {add = true, strides = array<i32>} : memref<400x64xf32, #tpu.memory_space<vmem>>, vector<1x16xf32>,
        %get3A_957 = arith.index_cast %add3A_940 : i32 to index
        %get3A_958 = arith.constant 16 : index
        %get3A_959 = tpu.vector_load %arg14[%get3A_957, %get3A_958] {strides = array<i32>} : memref<200x64xf32, #tpu.memory_space<vmem>>, vector<1x16xf32>,
        %get3A_960 = vector.shape_cast %get3A_959 : vector<1x16xf32> to vector<16xf32>
        %swap3A_961 = arith.index_cast %add3A_940 : i32 to index
        %swap3A_962 = arith.constant 16 : index
        %swap3A_963 = tpu.vector_load %arg11[%swap3A_961, %swap3A_962] {strides = array<i32>} : memref<400x64xf32, #tpu.memory_space<vmem>>, vector<1x16xf32>,
        %swap3A_964 = vector.shape_cast %swap3A_963 : vector<1x16xf32> to vector<16xf32>
        %swap3A_965 = vector.shape_cast %get3A_960 : vector<16xf32> to vector<1x16xf32>
        tpu.vector_store %arg11[%swap3A_961, %swap3A_962], %swap3A_965 {add = true, strides = array<i32>} : memref<400x64xf32, #tpu.memory_space<vmem>>, vector<1x16xf32>,
        %add3A_966 = arith.constant 200 : i32
        %add3A_967 = arith.addi %add3A_966, %add3A_940 : i32
        %swap3A_968 = arith.index_cast %add3A_967 : i32 to index
        %swap3A_969 = arith.constant 16 : index
        %swap3A_970 = tpu.vector_load %arg11[%swap3A_968, %swap3A_969] {strides = array<i32>} : memref<400x64xf32, #tpu.memory_space<vmem>>, vector<1x16xf32>,
        %swap3A_971 = vector.shape_cast %swap3A_970 : vector<1x16xf32> to vector<16xf32>
        %swap3A_972 = vector.shape_cast %get3A_960 : vector<16xf32> to vector<1x16xf32>
        tpu.vector_store %arg11[%swap3A_968, %swap3A_969], %swap3A_972 {add = true, strides = array<i32>} : memref<400x64xf32, #tpu.memory_space<vmem>>, vector<1x16xf32>,
        %get3A_973 = arith.index_cast %add3A_940 : i32 to index
        %get3A_974 = arith.constant 32 : index
        %get3A_975 = tpu.vector_load %arg14[%get3A_973, %get3A_974] {strides = array<i32>} : memref<200x64xf32, #tpu.memory_space<vmem>>, vector<1x16xf32>,
        %get3A_976 = vector.shape_cast %get3A_975 : vector<1x16xf32> to vector<16xf32>
        %swap3A_977 = arith.index_cast %add3A_940 : i32 to index
        %swap3A_978 = arith.constant 32 : index
        %swap3A_979 = tpu.vector_load %arg11[%swap3A_977, %swap3A_978] {strides = array<i32>} : memref<400x64xf32, #tpu.memory_space<vmem>>, vector<1x16xf32>,
        %swap3A_980 = vector.shape_cast %swap3A_979 : vector<1x16xf32> to vector<16xf32>
        %swap3A_981 = vector.shape_cast %get3A_976 : vector<16xf32> to vector<1x16xf32>
        tpu.vector_store %arg11[%swap3A_977, %swap3A_978], %swap3A_981 {add = true, strides = array<i32>} : memref<400x64xf32, #tpu.memory_space<vmem>>, vector<1x16xf32>,
        %add3A_982 = arith.constant 200 : i32
        %add3A_983 = arith.addi %add3A_982, %add3A_940 : i32
        %swap3A_984 = arith.index_cast %add3A_983 : i32 to index
        %swap3A_985 = arith.constant 32 : index
        %swap3A_986 = tpu.vector_load %arg11[%swap3A_984, %swap3A_985] {strides = array<i32>} : memref<400x64xf32, #tpu.memory_space<vmem>>, vector<1x16xf32>,
        %swap3A_987 = vector.shape_cast %swap3A_986 : vector<1x16xf32> to vector<16xf32>
        %swap3A_988 = vector.shape_cast %get3A_976 : vector<16xf32> to vector<1x16xf32>
        tpu.vector_store %arg11[%swap3A_984, %swap3A_985], %swap3A_988 {add = true, strides = array<i32>} : memref<400x64xf32, #tpu.memory_space<vmem>>, vector<1x16xf32>,
        %get3A_989 = arith.index_cast %add3A_940 : i32 to index
        %get3A_990 = arith.constant 48 : index
        %get3A_991 = tpu.vector_load %arg14[%get3A_989, %get3A_990] {strides = array<i32>} : memref<200x64xf32, #tpu.memory_space<vmem>>, vector<1x16xf32>,
        %get3A_992 = vector.shape_cast %get3A_991 : vector<1x16xf32> to vector<16xf32>
        %swap3A_993 = arith.index_cast %add3A_940 : i32 to index
        %swap3A_994 = arith.constant 48 : index
        %swap3A_995 = tpu.vector_load %arg11[%swap3A_993, %swap3A_994] {strides = array<i32>} : memref<400x64xf32, #tpu.memory_space<vmem>>, vector<1x16xf32>,
        %swap3A_996 = vector.shape_cast %swap3A_995 : vector<1x16xf32> to vector<16xf32>
        %swap3A_997 = vector.shape_cast %get3A_992 : vector<16xf32> to vector<1x16xf32>
        tpu.vector_store %arg11[%swap3A_993, %swap3A_994], %swap3A_997 {add = true, strides = array<i32>} : memref<400x64xf32, #tpu.memory_space<vmem>>, vector<1x16xf32>,
        %add3A_998 = arith.constant 200 : i32
        %add3A_999 = arith.addi %add3A_998, %add3A_940 : i32
        %swap3A_1000 = arith.index_cast %add3A_999 : i32 to index
        %swap3A_1001 = arith.constant 48 : index
        %swap3A_1002 = tpu.vector_load %arg11[%swap3A_1000, %swap3A_1001] {strides = array<i32>} : memref<400x64xf32, #tpu.memory_space<vmem>>, vector<1x16xf32>,
        %swap3A_1003 = vector.shape_cast %swap3A_1002 : vector<1x16xf32> to vector<16xf32>
        %swap3A_1004 = vector.shape_cast %get3A_992 : vector<16xf32> to vector<1x16xf32>
        tpu.vector_store %arg11[%swap3A_1000, %swap3A_1001], %swap3A_1004 {add = true, strides = array<i32>} : memref<400x64xf32, #tpu.memory_space<vmem>>, vector<1x16xf32>,
        %scan3A_1005 = arith.constant 7 : i32
        %scan3A_1006 = arith.addi %scan3A_518, %scan3A_1005 : i32
        %mul3A_1007 = arith.constant 1 : i32
        %mul3A_1008 = arith.muli %scan3A_1006, %mul3A_1007 : i32
        %add3A_1009 = arith.constant 0 : i32
        %add3A_1010 = arith.addi %add3A_1009, %mul3A_1008 : i32
        %get3A_1011 = arith.index_cast %add3A_1010 : i32 to index
        %get3A_1012 = arith.constant 0 : index
        %get3A_1013 = tpu.vector_load %arg14[%get3A_1011, %get3A_1012] {strides = array<i32>} : memref<200x64xf32, #tpu.memory_space<vmem>>, vector<1x16xf32>,
        %get3A_1014 = vector.shape_cast %get3A_1013 : vector<1x16xf32> to vector<16xf32>
        %swap3A_1015 = arith.index_cast %add3A_1010 : i32 to index
        %swap3A_1016 = arith.constant 0 : index
        %swap3A_1017 = tpu.vector_load %arg11[%swap3A_1015, %swap3A_1016] {strides = array<i32>} : memref<400x64xf32, #tpu.memory_space<vmem>>, vector<1x16xf32>,
        %swap3A_1018 = vector.shape_cast %swap3A_1017 : vector<1x16xf32> to vector<16xf32>
        %swap3A_1019 = vector.shape_cast %get3A_1014 : vector<16xf32> to vector<1x16xf32>
        tpu.vector_store %arg11[%swap3A_1015, %swap3A_1016], %swap3A_1019 {add = true, strides = array<i32>} : memref<400x64xf32, #tpu.memory_space<vmem>>, vector<1x16xf32>,
        %add3A_1020 = arith.constant 200 : i32
        %add3A_1021 = arith.addi %add3A_1020, %add3A_1010 : i32
        %swap3A_1022 = arith.index_cast %add3A_1021 : i32 to index
        %swap3A_1023 = arith.constant 0 : index
        %swap3A_1024 = tpu.vector_load %arg11[%swap3A_1022, %swap3A_1023] {strides = array<i32>} : memref<400x64xf32, #tpu.memory_space<vmem>>, vector<1x16xf32>,
        %swap3A_1025 = vector.shape_cast %swap3A_1024 : vector<1x16xf32> to vector<16xf32>
        %swap3A_1026 = vector.shape_cast %get3A_1014 : vector<16xf32> to vector<1x16xf32>
        tpu.vector_store %arg11[%swap3A_1022, %swap3A_1023], %swap3A_1026 {add = true, strides = array<i32>} : memref<400x64xf32, #tpu.memory_space<vmem>>, vector<1x16xf32>,
        %get3A_1027 = arith.index_cast %add3A_1010 : i32 to index
        %get3A_1028 = arith.constant 16 : index
        %get3A_1029 = tpu.vector_load %arg14[%get3A_1027, %get3A_1028] {strides = array<i32>} : memref<200x64xf32, #tpu.memory_space<vmem>>, vector<1x16xf32>,
        %get3A_1030 = vector.shape_cast %get3A_1029 : vector<1x16xf32> to vector<16xf32>
        %swap3A_1031 = arith.index_cast %add3A_1010 : i32 to index
        %swap3A_1032 = arith.constant 16 : index
        %swap3A_1033 = tpu.vector_load %arg11[%swap3A_1031, %swap3A_1032] {strides = array<i32>} : memref<400x64xf32, #tpu.memory_space<vmem>>, vector<1x16xf32>,
        %swap3A_1034 = vector.shape_cast %swap3A_1033 : vector<1x16xf32> to vector<16xf32>
        %swap3A_1035 = vector.shape_cast %get3A_1030 : vector<16xf32> to vector<1x16xf32>
        tpu.vector_store %arg11[%swap3A_1031, %swap3A_1032], %swap3A_1035 {add = true, strides = array<i32>} : memref<400x64xf32, #tpu.memory_space<vmem>>, vector<1x16xf32>,
        %add3A_1036 = arith.constant 200 : i32
        %add3A_1037 = arith.addi %add3A_1036, %add3A_1010 : i32
        %swap3A_1038 = arith.index_cast %add3A_1037 : i32 to index
        %swap3A_1039 = arith.constant 16 : index
        %swap3A_1040 = tpu.vector_load %arg11[%swap3A_1038, %swap3A_1039] {strides = array<i32>} : memref<400x64xf32, #tpu.memory_space<vmem>>, vector<1x16xf32>,
        %swap3A_1041 = vector.shape_cast %swap3A_1040 : vector<1x16xf32> to vector<16xf32>
        %swap3A_1042 = vector.shape_cast %get3A_1030 : vector<16xf32> to vector<1x16xf32>
        tpu.vector_store %arg11[%swap3A_1038, %swap3A_1039], %swap3A_1042 {add = true, strides = array<i32>} : memref<400x64xf32, #tpu.memory_space<vmem>>, vector<1x16xf32>,
        %get3A_1043 = arith.index_cast %add3A_1010 : i32 to index
        %get3A_1044 = arith.constant 32 : index
        %get3A_1045 = tpu.vector_load %arg14[%get3A_1043, %get3A_1044] {strides = array<i32>} : memref<200x64xf32, #tpu.memory_space<vmem>>, vector<1x16xf32>,
        %get3A_1046 = vector.shape_cast %get3A_1045 : vector<1x16xf32> to vector<16xf32>
        %swap3A_1047 = arith.index_cast %add3A_1010 : i32 to index
        %swap3A_1048 = arith.constant 32 : index
        %swap3A_1049 = tpu.vector_load %arg11[%swap3A_1047, %swap3A_1048] {strides = array<i32>} : memref<400x64xf32, #tpu.memory_space<vmem>>, vector<1x16xf32>,
        %swap3A_1050 = vector.shape_cast %swap3A_1049 : vector<1x16xf32> to vector<16xf32>
        %swap3A_1051 = vector.shape_cast %get3A_1046 : vector<16xf32> to vector<1x16xf32>
        tpu.vector_store %arg11[%swap3A_1047, %swap3A_1048], %swap3A_1051 {add = true, strides = array<i32>} : memref<400x64xf32, #tpu.memory_space<vmem>>, vector<1x16xf32>,
        %add3A_1052 = arith.constant 200 : i32
        %add3A_1053 = arith.addi %add3A_1052, %add3A_1010 : i32
        %swap3A_1054 = arith.index_cast %add3A_1053 : i32 to index
        %swap3A_1055 = arith.constant 32 : index
        %swap3A_1056 = tpu.vector_load %arg11[%swap3A_1054, %swap3A_1055] {strides = array<i32>} : memref<400x64xf32, #tpu.memory_space<vmem>>, vector<1x16xf32>,
        %swap3A_1057 = vector.shape_cast %swap3A_1056 : vector<1x16xf32> to vector<16xf32>
        %swap3A_1058 = vector.shape_cast %get3A_1046 : vector<16xf32> to vector<1x16xf32>
        tpu.vector_store %arg11[%swap3A_1054, %swap3A_1055], %swap3A_1058 {add = true, strides = array<i32>} : memref<400x64xf32, #tpu.memory_space<vmem>>, vector<1x16xf32>,
        %get3A_1059 = arith.index_cast %add3A_1010 : i32 to index
        %get3A_1060 = arith.constant 48 : index
        %get3A_1061 = tpu.vector_load %arg14[%get3A_1059, %get3A_1060] {strides = array<i32>} : memref<200x64xf32, #tpu.memory_space<vmem>>, vector<1x16xf32>,
        %get3A_1062 = vector.shape_cast %get3A_1061 : vector<1x16xf32> to vector<16xf32>
        %swap3A_1063 = arith.index_cast %add3A_1010 : i32 to index
        %swap3A_1064 = arith.constant 48 : index
        %swap3A_1065 = tpu.vector_load %arg11[%swap3A_1063, %swap3A_1064] {strides = array<i32>} : memref<400x64xf32, #tpu.memory_space<vmem>>, vector<1x16xf32>,
        %swap3A_1066 = vector.shape_cast %swap3A_1065 : vector<1x16xf32> to vector<16xf32>
        %swap3A_1067 = vector.shape_cast %get3A_1062 : vector<16xf32> to vector<1x16xf32>
        tpu.vector_store %arg11[%swap3A_1063, %swap3A_1064], %swap3A_1067 {add = true, strides = array<i32>} : memref<400x64xf32, #tpu.memory_space<vmem>>, vector<1x16xf32>,
        %add3A_1068 = arith.constant 200 : i32
        %add3A_1069 = arith.addi %add3A_1068, %add3A_1010 : i32
        %swap3A_1070 = arith.index_cast %add3A_1069 : i32 to index
        %swap3A_1071 = arith.constant 48 : index
        %swap3A_1072 = tpu.vector_load %arg11[%swap3A_1070, %swap3A_1071] {strides = array<i32>} : memref<400x64xf32, #tpu.memory_space<vmem>>, vector<1x16xf32>,
        %swap3A_1073 = vector.shape_cast %swap3A_1072 : vector<1x16xf32> to vector<16xf32>
        %swap3A_1074 = vector.shape_cast %get3A_1062 : vector<16xf32> to vector<1x16xf32>
        tpu.vector_store %arg11[%swap3A_1070, %swap3A_1071], %swap3A_1074 {add = true, strides = array<i32>} : memref<400x64xf32, #tpu.memory_space<vmem>>, vector<1x16xf32>,
      }
      %scan3A_351 = arith.constant 200 : i32
      %mul3A_352 = arith.constant 2 : i32
      %mul3A_353 = arith.muli %mul3A_352, %add3A_324 : i32
      %add3A_354 = arith.addi %mul3A_2, %mul3A_353 : i32
      %dma_start3A_355 = arith.constant 0 : i32
      %dma_start3A_356 = arith.constant 0 : i32
      %dma_start3A_357 = tpu.memref_slice %arg11[%dma_start3A_355, %dma_start3A_356] : memref<400x64xf32, #tpu.memory_space<vmem>> -> memref<200x64xf32, #tpu.memory_space<vmem>>
      %dma_start3A_358 = arith.constant 0 : i32
      %dma_start3A_359 = arith.constant 0 : i32
      %dma_start3A_360 = tpu.memref_slice %arg5[%add3A_354, %dma_start3A_358, %dma_start3A_359] : memref<4096x200x64xf32, #tpu.memory_space<hbm>> -> memref<1x200x64xf32, #tpu.memory_space<hbm>>
      %dma_start3A_361 = tpu.memref_squeeze %dma_start3A_360 : memref<1x200x64xf32, #tpu.memory_space<hbm>> -> memref<200x64xf32, #tpu.memory_space<hbm>>
      %dma_start3A_362 = arith.constant 0 : i32
      %dma_start3A_363 = arith.constant 0 : i32
      %dma_start3A_364 = tpu.memref_slice %arg5[%add3A_354, %dma_start3A_362, %dma_start3A_363] : memref<4096x200x64xf32, #tpu.memory_space<hbm>> -> memref<1x200x64xf32, #tpu.memory_space<hbm>>
      %dma_start3A_365 = tpu.memref_squeeze %dma_start3A_364 : memref<1x200x64xf32, #tpu.memory_space<hbm>> -> memref<200x64xf32, #tpu.memory_space<hbm>>
      %dma_start3A_366 = arith.constant 0 : i32
      %dma_start3A_367 = arith.constant 0 : i32
      %dma_start3A_368 = tpu.memref_slice %arg11[%dma_start3A_366, %dma_start3A_367] : memref<400x64xf32, #tpu.memory_space<vmem>> -> memref<200x64xf32, #tpu.memory_space<vmem>>
      tpu.enqueue_dma source(%dma_start3A_368 : memref<200x64xf32, #tpu.memory_space<vmem>>) target(%dma_start3A_365 : memref<200x64xf32, #tpu.memory_space<hbm>>) target_semaphore(%arg24 : memref<!tpu.dma_semaphore, #tpu.memory_space<semaphore_mem>>)
      %mul3A_369 = arith.constant 2 : i32
      %mul3A_370 = arith.muli %mul3A_369, %add3A_324 : i32
      %add3A_371 = arith.addi %mul3A_2, %mul3A_370 : i32
      %add3A_372 = arith.constant 1 : i32
      %add3A_373 = arith.addi %add3A_371, %add3A_372 : i32
      %dma_start3A_374 = arith.constant 200 : i32
      %dma_start3A_375 = arith.constant 0 : i32
      %dma_start3A_376 = tpu.memref_slice %arg11[%dma_start3A_374, %dma_start3A_375] : memref<400x64xf32, #tpu.memory_space<vmem>> -> memref<200x64xf32, #tpu.memory_space<vmem>>
      %dma_start3A_377 = arith.constant 0 : i32
      %dma_start3A_378 = arith.constant 0 : i32
      %dma_start3A_379 = tpu.memref_slice %arg5[%add3A_373, %dma_start3A_377, %dma_start3A_378] : memref<4096x200x64xf32, #tpu.memory_space<hbm>> -> memref<1x200x64xf32, #tpu.memory_space<hbm>>
      %dma_start3A_380 = tpu.memref_squeeze %dma_start3A_379 : memref<1x200x64xf32, #tpu.memory_space<hbm>> -> memref<200x64xf32, #tpu.memory_space<hbm>>
      %dma_start3A_381 = arith.constant 0 : i32
      %dma_start3A_382 = arith.constant 0 : i32
      %dma_start3A_383 = tpu.memref_slice %arg5[%add3A_373, %dma_start3A_381, %dma_start3A_382] : memref<4096x200x64xf32, #tpu.memory_space<hbm>> -> memref<1x200x64xf32, #tpu.memory_space<hbm>>
      %dma_start3A_384 = tpu.memref_squeeze %dma_start3A_383 : memref<1x200x64xf32, #tpu.memory_space<hbm>> -> memref<200x64xf32, #tpu.memory_space<hbm>>
      %dma_start3A_385 = arith.constant 200 : i32
      %dma_start3A_386 = arith.constant 0 : i32
      %dma_start3A_387 = tpu.memref_slice %arg11[%dma_start3A_385, %dma_start3A_386] : memref<400x64xf32, #tpu.memory_space<vmem>> -> memref<200x64xf32, #tpu.memory_space<vmem>>
      tpu.enqueue_dma source(%dma_start3A_387 : memref<200x64xf32, #tpu.memory_space<vmem>>) target(%dma_start3A_384 : memref<200x64xf32, #tpu.memory_space<hbm>>) target_semaphore(%arg24 : memref<!tpu.dma_semaphore, #tpu.memory_space<semaphore_mem>>)
      %add3A_388 = arith.constant 2 : i32
      %add3A_389 = arith.addi %add3A_260, %add3A_388 : i32
      %add3A_390 = arith.constant 2 : i32
      %add3A_391 = arith.addi %add3A_389, %add3A_390 : i32
      %add3A_392 = arith.constant 1 : i32
      %add3A_393 = arith.addi %add3A_391, %add3A_392 : i32
      %lt3A_394 = arith.constant 64 : i32
      %lt3A_395 = arith.cmpi slt, %add3A_393, %lt3A_394 : i32
      %convert_element_type3A_396 = arith.extui %lt3A_395 : i1 to i32
      %cond3A_397 = arith.constant 0 : i32
      %cond3A_398 = arith.cmpi ne, %convert_element_type3A_396, %cond3A_397 : i32
      scf.if %cond3A_398 {
        %add3A_518 = arith.constant 2 : i32
        %add3A_519 = arith.addi %add3A_389, %add3A_518 : i32
        %add3A_520 = arith.constant 1 : i32
        %add3A_521 = arith.addi %add3A_519, %add3A_520 : i32
        %dma_start3A_522 = arith.constant 0 : i32
        %dma_start3A_523 = tpu.memref_slice %arg2[%add3A, %add3A_521, %dma_start3A_522] : memref<32x64x400xi32, #tpu.memory_space<hbm>> -> memref<1x1x400xi32, #tpu.memory_space<hbm>>
        %dma_start3A_524 = tpu.memref_squeeze %dma_start3A_523 : memref<1x1x400xi32, #tpu.memory_space<hbm>> -> memref<400xi32, #tpu.memory_space<hbm>>
        %dma_start3A_525 = arith.constant 0 : i32
        %dma_start3A_526 = tpu.memref_slice %arg2[%add3A, %add3A_521, %dma_start3A_525] : memref<32x64x400xi32, #tpu.memory_space<hbm>> -> memref<1x1x400xi32, #tpu.memory_space<hbm>>
        %dma_start3A_527 = tpu.memref_squeeze %dma_start3A_526 : memref<1x1x400xi32, #tpu.memory_space<hbm>> -> memref<400xi32, #tpu.memory_space<hbm>>
        tpu.enqueue_dma source(%dma_start3A_527 : memref<400xi32, #tpu.memory_space<hbm>>) target(%arg7 : memref<400xi32, #tpu.memory_space<vmem>>) target_semaphore(%arg16 : memref<!tpu.dma_semaphore, #tpu.memory_space<semaphore_mem>>)
      } else {
      }
      %add3A_399 = arith.constant 2 : i32
      %add3A_400 = arith.addi %add3A_389, %add3A_399 : i32
      %lt3A_401 = arith.constant 64 : i32
      %lt3A_402 = arith.cmpi slt, %add3A_400, %lt3A_401 : i32
      %convert_element_type3A_403 = arith.extui %lt3A_402 : i1 to i32
      %cond3A_404 = arith.constant 0 : i32
      %cond3A_405 = arith.cmpi ne, %convert_element_type3A_403, %cond3A_404 : i32
      scf.if %cond3A_405 {
        %add3A_518 = arith.constant 2 : i32
        %add3A_519 = arith.addi %add3A_389, %add3A_518 : i32
        %ge3A = arith.constant 4 : i32
        %ge3A_520 = arith.cmpi sge, %add3A_519, %ge3A : i32
        %convert_element_type3A_521 = arith.extui %ge3A_520 : i1 to i32
        %cond3A_522 = arith.constant 0 : i32
        %cond3A_523 = arith.cmpi ne, %convert_element_type3A_521, %cond3A_522 : i32
        scf.if %cond3A_523 {
          %add3A_573 = arith.constant 2 : i32
          %add3A_574 = arith.addi %add3A_389, %add3A_573 : i32
          %sub3A = arith.constant 4 : i32
          %sub3A_575 = arith.subi %add3A_574, %sub3A : i32
          %mul3A_576 = arith.constant 2 : i32
          %mul3A_577 = arith.muli %mul3A_576, %sub3A_575 : i32
          %add3A_578 = arith.addi %mul3A_2, %mul3A_577 : i32
          %dma_wait3A_579 = arith.constant 0 : i32
          %dma_wait3A_580 = arith.constant 0 : i32
          %dma_wait3A_581 = tpu.memref_slice %arg10[%dma_wait3A_579, %dma_wait3A_580] : memref<400x64xf32, #tpu.memory_space<vmem>> -> memref<200x64xf32, #tpu.memory_space<vmem>>
          %dma_wait3A_582 = arith.constant 0 : i32
          %dma_wait3A_583 = arith.constant 0 : i32
          %dma_wait3A_584 = tpu.memref_slice %arg5[%add3A_578, %dma_wait3A_582, %dma_wait3A_583] : memref<4096x200x64xf32, #tpu.memory_space<hbm>> -> memref<1x200x64xf32, #tpu.memory_space<hbm>>
          %dma_wait3A_585 = tpu.memref_squeeze %dma_wait3A_584 : memref<1x200x64xf32, #tpu.memory_space<hbm>> -> memref<200x64xf32, #tpu.memory_space<hbm>>
          %dma_wait3A_586 = arith.constant 0 : i32
          %dma_wait3A_587 = arith.constant 0 : i32
          %dma_wait3A_588 = tpu.memref_slice %arg5[%add3A_578, %dma_wait3A_586, %dma_wait3A_587] : memref<4096x200x64xf32, #tpu.memory_space<hbm>> -> memref<1x200x64xf32, #tpu.memory_space<hbm>>
          %dma_wait3A_589 = tpu.memref_squeeze %dma_wait3A_588 : memref<1x200x64xf32, #tpu.memory_space<hbm>> -> memref<200x64xf32, #tpu.memory_space<hbm>>
          %dma_wait3A_590 = arith.constant 0 : i32
          %dma_wait3A_591 = arith.constant 0 : i32
          %dma_wait3A_592 = tpu.memref_slice %arg10[%dma_wait3A_590, %dma_wait3A_591] : memref<400x64xf32, #tpu.memory_space<vmem>> -> memref<200x64xf32, #tpu.memory_space<vmem>>
          tpu.wait_dma2 semaphore(%arg23 : memref<!tpu.dma_semaphore, #tpu.memory_space<semaphore_mem>>) src(%dma_wait3A_592 : memref<200x64xf32, #tpu.memory_space<vmem>>) dst(%dma_wait3A_589 : memref<200x64xf32, #tpu.memory_space<hbm>>)
          %mul3A_593 = arith.constant 2 : i32
          %mul3A_594 = arith.muli %mul3A_593, %sub3A_575 : i32
          %add3A_595 = arith.addi %mul3A_2, %mul3A_594 : i32
          %add3A_596 = arith.constant 1 : i32
          %add3A_597 = arith.addi %add3A_595, %add3A_596 : i32
          %dma_wait3A_598 = arith.constant 200 : i32
          %dma_wait3A_599 = arith.constant 0 : i32
          %dma_wait3A_600 = tpu.memref_slice %arg10[%dma_wait3A_598, %dma_wait3A_599] : memref<400x64xf32, #tpu.memory_space<vmem>> -> memref<200x64xf32, #tpu.memory_space<vmem>>
          %dma_wait3A_601 = arith.constant 0 : i32
          %dma_wait3A_602 = arith.constant 0 : i32
          %dma_wait3A_603 = tpu.memref_slice %arg5[%add3A_597, %dma_wait3A_601, %dma_wait3A_602] : memref<4096x200x64xf32, #tpu.memory_space<hbm>> -> memref<1x200x64xf32, #tpu.memory_space<hbm>>
          %dma_wait3A_604 = tpu.memref_squeeze %dma_wait3A_603 : memref<1x200x64xf32, #tpu.memory_space<hbm>> -> memref<200x64xf32, #tpu.memory_space<hbm>>
          %dma_wait3A_605 = arith.constant 0 : i32
          %dma_wait3A_606 = arith.constant 0 : i32
          %dma_wait3A_607 = tpu.memref_slice %arg5[%add3A_597, %dma_wait3A_605, %dma_wait3A_606] : memref<4096x200x64xf32, #tpu.memory_space<hbm>> -> memref<1x200x64xf32, #tpu.memory_space<hbm>>
          %dma_wait3A_608 = tpu.memref_squeeze %dma_wait3A_607 : memref<1x200x64xf32, #tpu.memory_space<hbm>> -> memref<200x64xf32, #tpu.memory_space<hbm>>
          %dma_wait3A_609 = arith.constant 200 : i32
          %dma_wait3A_610 = arith.constant 0 : i32
          %dma_wait3A_611 = tpu.memref_slice %arg10[%dma_wait3A_609, %dma_wait3A_610] : memref<400x64xf32, #tpu.memory_space<vmem>> -> memref<200x64xf32, #tpu.memory_space<vmem>>
          tpu.wait_dma2 semaphore(%arg23 : memref<!tpu.dma_semaphore, #tpu.memory_space<semaphore_mem>>) src(%dma_wait3A_611 : memref<200x64xf32, #tpu.memory_space<vmem>>) dst(%dma_wait3A_608 : memref<200x64xf32, #tpu.memory_space<hbm>>)
        } else {
        }
        %dma_wait3A_524 = arith.constant 0 : i32
        %dma_wait3A_525 = arith.constant 0 : i32
        %dma_wait3A_526 = tpu.memref_slice %arg2[%add3A, %dma_wait3A_524, %dma_wait3A_525] : memref<32x64x400xi32, #tpu.memory_space<hbm>> -> memref<1x1x400xi32, #tpu.memory_space<hbm>>
        %dma_wait3A_527 = tpu.memref_squeeze %dma_wait3A_526 : memref<1x1x400xi32, #tpu.memory_space<hbm>> -> memref<400xi32, #tpu.memory_space<hbm>>
        %dma_wait3A_528 = arith.constant 0 : i32
        %dma_wait3A_529 = tpu.memref_slice %arg2[%add3A, %dma_wait3A_524, %dma_wait3A_528] : memref<32x64x400xi32, #tpu.memory_space<hbm>> -> memref<1x1x400xi32, #tpu.memory_space<hbm>>
        %dma_wait3A_530 = tpu.memref_squeeze %dma_wait3A_529 : memref<1x1x400xi32, #tpu.memory_space<hbm>> -> memref<400xi32, #tpu.memory_space<hbm>>
        tpu.wait_dma2 semaphore(%arg15 : memref<!tpu.dma_semaphore, #tpu.memory_space<semaphore_mem>>) src(%dma_wait3A_530 : memref<400xi32, #tpu.memory_space<hbm>>) dst(%arg6 : memref<400xi32, #tpu.memory_space<vmem>>)
        %add3A_531 = arith.constant 2 : i32
        %add3A_532 = arith.addi %add3A_389, %add3A_531 : i32
        %dma_start3A_533 = arith.constant 0 : i32
        %dma_start3A_534 = arith.constant 0 : i32
        %dma_start3A_535 = tpu.memref_slice %arg10[%dma_start3A_533, %dma_start3A_534] : memref<400x64xf32, #tpu.memory_space<vmem>> -> memref<80x64xf32, #tpu.memory_space<vmem>>
        %dma_start3A_536 = arith.constant 0 : i32
        %dma_start3A_537 = tpu.memref_slice %arg6[%dma_start3A_536] : memref<400xi32, #tpu.memory_space<vmem>> -> memref<80xi32, #tpu.memory_space<vmem>>
        %dma_start3A_538 = arith.constant 0 : i32
        %dma_start3A_539 = arith.constant 0 : i32
        %dma_start3A_540 = tpu.memref_slice %arg3[%dma_start3A_538, %dma_start3A_539] : memref<100000x64xf32, #tpu.memory_space<hbm>> -> memref<100000x64xf32, #tpu.memory_space<hbm>>
        tpu.enqueue_indirect_dma source(%dma_start3A_540 : memref<100000x64xf32, #tpu.memory_space<hbm>>) target(%dma_start3A_535 : memref<80x64xf32, #tpu.memory_space<vmem>>) offsets(%dma_start3A_537 : memref<80xi32, #tpu.memory_space<vmem>>) semaphore(%arg19 : memref<!tpu.dma_semaphore, #tpu.memory_space<semaphore_mem>>)
        %dma_start3A_541 = arith.constant 80 : i32
        %dma_start3A_542 = arith.constant 0 : i32
        %dma_start3A_543 = tpu.memref_slice %arg10[%dma_start3A_541, %dma_start3A_542] : memref<400x64xf32, #tpu.memory_space<vmem>> -> memref<80x64xf32, #tpu.memory_space<vmem>>
        %dma_start3A_544 = arith.constant 80 : i32
        %dma_start3A_545 = tpu.memref_slice %arg6[%dma_start3A_544] : memref<400xi32, #tpu.memory_space<vmem>> -> memref<80xi32, #tpu.memory_space<vmem>>
        %dma_start3A_546 = arith.constant 0 : i32
        %dma_start3A_547 = arith.constant 0 : i32
        %dma_start3A_548 = tpu.memref_slice %arg3[%dma_start3A_546, %dma_start3A_547] : memref<100000x64xf32, #tpu.memory_space<hbm>> -> memref<100000x64xf32, #tpu.memory_space<hbm>>
        tpu.enqueue_indirect_dma source(%dma_start3A_548 : memref<100000x64xf32, #tpu.memory_space<hbm>>) target(%dma_start3A_543 : memref<80x64xf32, #tpu.memory_space<vmem>>) offsets(%dma_start3A_545 : memref<80xi32, #tpu.memory_space<vmem>>) semaphore(%arg19 : memref<!tpu.dma_semaphore, #tpu.memory_space<semaphore_mem>>)
        %dma_start3A_549 = arith.constant 160 : i32
        %dma_start3A_550 = arith.constant 0 : i32
        %dma_start3A_551 = tpu.memref_slice %arg10[%dma_start3A_549, %dma_start3A_550] : memref<400x64xf32, #tpu.memory_space<vmem>> -> memref<80x64xf32, #tpu.memory_space<vmem>>
        %dma_start3A_552 = arith.constant 160 : i32
        %dma_start3A_553 = tpu.memref_slice %arg6[%dma_start3A_552] : memref<400xi32, #tpu.memory_space<vmem>> -> memref<80xi32, #tpu.memory_space<vmem>>
        %dma_start3A_554 = arith.constant 0 : i32
        %dma_start3A_555 = arith.constant 0 : i32
        %dma_start3A_556 = tpu.memref_slice %arg3[%dma_start3A_554, %dma_start3A_555] : memref<100000x64xf32, #tpu.memory_space<hbm>> -> memref<100000x64xf32, #tpu.memory_space<hbm>>
        tpu.enqueue_indirect_dma source(%dma_start3A_556 : memref<100000x64xf32, #tpu.memory_space<hbm>>) target(%dma_start3A_551 : memref<80x64xf32, #tpu.memory_space<vmem>>) offsets(%dma_start3A_553 : memref<80xi32, #tpu.memory_space<vmem>>) semaphore(%arg19 : memref<!tpu.dma_semaphore, #tpu.memory_space<semaphore_mem>>)
        %dma_start3A_557 = arith.constant 240 : i32
        %dma_start3A_558 = arith.constant 0 : i32
        %dma_start3A_559 = tpu.memref_slice %arg10[%dma_start3A_557, %dma_start3A_558] : memref<400x64xf32, #tpu.memory_space<vmem>> -> memref<80x64xf32, #tpu.memory_space<vmem>>
        %dma_start3A_560 = arith.constant 240 : i32
        %dma_start3A_561 = tpu.memref_slice %arg6[%dma_start3A_560] : memref<400xi32, #tpu.memory_space<vmem>> -> memref<80xi32, #tpu.memory_space<vmem>>
        %dma_start3A_562 = arith.constant 0 : i32
        %dma_start3A_563 = arith.constant 0 : i32
        %dma_start3A_564 = tpu.memref_slice %arg3[%dma_start3A_562, %dma_start3A_563] : memref<100000x64xf32, #tpu.memory_space<hbm>> -> memref<100000x64xf32, #tpu.memory_space<hbm>>
        tpu.enqueue_indirect_dma source(%dma_start3A_564 : memref<100000x64xf32, #tpu.memory_space<hbm>>) target(%dma_start3A_559 : memref<80x64xf32, #tpu.memory_space<vmem>>) offsets(%dma_start3A_561 : memref<80xi32, #tpu.memory_space<vmem>>) semaphore(%arg19 : memref<!tpu.dma_semaphore, #tpu.memory_space<semaphore_mem>>)
        %dma_start3A_565 = arith.constant 320 : i32
        %dma_start3A_566 = arith.constant 0 : i32
        %dma_start3A_567 = tpu.memref_slice %arg10[%dma_start3A_565, %dma_start3A_566] : memref<400x64xf32, #tpu.memory_space<vmem>> -> memref<80x64xf32, #tpu.memory_space<vmem>>
        %dma_start3A_568 = arith.constant 320 : i32
        %dma_start3A_569 = tpu.memref_slice %arg6[%dma_start3A_568] : memref<400xi32, #tpu.memory_space<vmem>> -> memref<80xi32, #tpu.memory_space<vmem>>
        %dma_start3A_570 = arith.constant 0 : i32
        %dma_start3A_571 = arith.constant 0 : i32
        %dma_start3A_572 = tpu.memref_slice %arg3[%dma_start3A_570, %dma_start3A_571] : memref<100000x64xf32, #tpu.memory_space<hbm>> -> memref<100000x64xf32, #tpu.memory_space<hbm>>
        tpu.enqueue_indirect_dma source(%dma_start3A_572 : memref<100000x64xf32, #tpu.memory_space<hbm>>) target(%dma_start3A_567 : memref<80x64xf32, #tpu.memory_space<vmem>>) offsets(%dma_start3A_569 : memref<80xi32, #tpu.memory_space<vmem>>) semaphore(%arg19 : memref<!tpu.dma_semaphore, #tpu.memory_space<semaphore_mem>>)
      } else {
      }
      %dma_wait3A_406 = arith.constant 0 : i32
      %dma_wait3A_407 = arith.constant 0 : i32
      %dma_wait3A_408 = tpu.memref_slice %arg3[%dma_wait3A_406, %dma_wait3A_407] : memref<100000x64xf32, #tpu.memory_space<hbm>> -> memref<400x64xf32, #tpu.memory_space<hbm>>
      %dma_wait3A_409 = arith.constant 0 : i32
      %dma_wait3A_410 = arith.constant 0 : i32
      %dma_wait3A_411 = tpu.memref_slice %arg3[%dma_wait3A_409, %dma_wait3A_410] : memref<100000x64xf32, #tpu.memory_space<hbm>> -> memref<400x64xf32, #tpu.memory_space<hbm>>
      tpu.wait_dma2 semaphore(%arg21 : memref<!tpu.dma_semaphore, #tpu.memory_space<semaphore_mem>>) src(%dma_wait3A_411 : memref<400x64xf32, #tpu.memory_space<hbm>>) dst(%arg12 : memref<400x64xf32, #tpu.memory_space<vmem>>)
      %scan3A_412 = arith.constant 0 : i32
      %scan3A_413 = arith.constant 200 : i32
      %scan3A_414 = arith.addi %scan3A_412, %scan3A_413 : i32
      %scan3A_415 = arith.constant 8 : i32
      scf.for %scan3A_518 = %scan3A_412 to %scan3A_414 step %scan3A_415  : i32 {
        %mul3A_519 = arith.constant 1 : i32
        %mul3A_520 = arith.muli %scan3A_518, %mul3A_519 : i32
        %add3A_521 = arith.constant 0 : i32
        %add3A_522 = arith.addi %add3A_521, %mul3A_520 : i32
        %get3A = arith.index_cast %add3A_522 : i32 to index
        %get3A_523 = arith.constant 0 : index
        %get3A_524 = tpu.vector_load %arg14[%get3A, %get3A_523] {strides = array<i32>} : memref<200x64xf32, #tpu.memory_space<vmem>>, vector<1x16xf32>,
        %get3A_525 = vector.shape_cast %get3A_524 : vector<1x16xf32> to vector<16xf32>
        %swap3A = arith.index_cast %add3A_522 : i32 to index
        %swap3A_526 = arith.constant 0 : index
        %swap3A_527 = tpu.vector_load %arg12[%swap3A, %swap3A_526] {strides = array<i32>} : memref<400x64xf32, #tpu.memory_space<vmem>>, vector<1x16xf32>,
        %swap3A_528 = vector.shape_cast %swap3A_527 : vector<1x16xf32> to vector<16xf32>
        %swap3A_529 = vector.shape_cast %get3A_525 : vector<16xf32> to vector<1x16xf32>
        tpu.vector_store %arg12[%swap3A, %swap3A_526], %swap3A_529 {add = true, strides = array<i32>} : memref<400x64xf32, #tpu.memory_space<vmem>>, vector<1x16xf32>,
        %add3A_530 = arith.constant 200 : i32
        %add3A_531 = arith.addi %add3A_530, %add3A_522 : i32
        %swap3A_532 = arith.index_cast %add3A_531 : i32 to index
        %swap3A_533 = arith.constant 0 : index
        %swap3A_534 = tpu.vector_load %arg12[%swap3A_532, %swap3A_533] {strides = array<i32>} : memref<400x64xf32, #tpu.memory_space<vmem>>, vector<1x16xf32>,
        %swap3A_535 = vector.shape_cast %swap3A_534 : vector<1x16xf32> to vector<16xf32>
        %swap3A_536 = vector.shape_cast %get3A_525 : vector<16xf32> to vector<1x16xf32>
        tpu.vector_store %arg12[%swap3A_532, %swap3A_533], %swap3A_536 {add = true, strides = array<i32>} : memref<400x64xf32, #tpu.memory_space<vmem>>, vector<1x16xf32>,
        %get3A_537 = arith.index_cast %add3A_522 : i32 to index
        %get3A_538 = arith.constant 16 : index
        %get3A_539 = tpu.vector_load %arg14[%get3A_537, %get3A_538] {strides = array<i32>} : memref<200x64xf32, #tpu.memory_space<vmem>>, vector<1x16xf32>,
        %get3A_540 = vector.shape_cast %get3A_539 : vector<1x16xf32> to vector<16xf32>
        %swap3A_541 = arith.index_cast %add3A_522 : i32 to index
        %swap3A_542 = arith.constant 16 : index
        %swap3A_543 = tpu.vector_load %arg12[%swap3A_541, %swap3A_542] {strides = array<i32>} : memref<400x64xf32, #tpu.memory_space<vmem>>, vector<1x16xf32>,
        %swap3A_544 = vector.shape_cast %swap3A_543 : vector<1x16xf32> to vector<16xf32>
        %swap3A_545 = vector.shape_cast %get3A_540 : vector<16xf32> to vector<1x16xf32>
        tpu.vector_store %arg12[%swap3A_541, %swap3A_542], %swap3A_545 {add = true, strides = array<i32>} : memref<400x64xf32, #tpu.memory_space<vmem>>, vector<1x16xf32>,
        %add3A_546 = arith.constant 200 : i32
        %add3A_547 = arith.addi %add3A_546, %add3A_522 : i32
        %swap3A_548 = arith.index_cast %add3A_547 : i32 to index
        %swap3A_549 = arith.constant 16 : index
        %swap3A_550 = tpu.vector_load %arg12[%swap3A_548, %swap3A_549] {strides = array<i32>} : memref<400x64xf32, #tpu.memory_space<vmem>>, vector<1x16xf32>,
        %swap3A_551 = vector.shape_cast %swap3A_550 : vector<1x16xf32> to vector<16xf32>
        %swap3A_552 = vector.shape_cast %get3A_540 : vector<16xf32> to vector<1x16xf32>
        tpu.vector_store %arg12[%swap3A_548, %swap3A_549], %swap3A_552 {add = true, strides = array<i32>} : memref<400x64xf32, #tpu.memory_space<vmem>>, vector<1x16xf32>,
        %get3A_553 = arith.index_cast %add3A_522 : i32 to index
        %get3A_554 = arith.constant 32 : index
        %get3A_555 = tpu.vector_load %arg14[%get3A_553, %get3A_554] {strides = array<i32>} : memref<200x64xf32, #tpu.memory_space<vmem>>, vector<1x16xf32>,
        %get3A_556 = vector.shape_cast %get3A_555 : vector<1x16xf32> to vector<16xf32>
        %swap3A_557 = arith.index_cast %add3A_522 : i32 to index
        %swap3A_558 = arith.constant 32 : index
        %swap3A_559 = tpu.vector_load %arg12[%swap3A_557, %swap3A_558] {strides = array<i32>} : memref<400x64xf32, #tpu.memory_space<vmem>>, vector<1x16xf32>,
        %swap3A_560 = vector.shape_cast %swap3A_559 : vector<1x16xf32> to vector<16xf32>
        %swap3A_561 = vector.shape_cast %get3A_556 : vector<16xf32> to vector<1x16xf32>
        tpu.vector_store %arg12[%swap3A_557, %swap3A_558], %swap3A_561 {add = true, strides = array<i32>} : memref<400x64xf32, #tpu.memory_space<vmem>>, vector<1x16xf32>,
        %add3A_562 = arith.constant 200 : i32
        %add3A_563 = arith.addi %add3A_562, %add3A_522 : i32
        %swap3A_564 = arith.index_cast %add3A_563 : i32 to index
        %swap3A_565 = arith.constant 32 : index
        %swap3A_566 = tpu.vector_load %arg12[%swap3A_564, %swap3A_565] {strides = array<i32>} : memref<400x64xf32, #tpu.memory_space<vmem>>, vector<1x16xf32>,
        %swap3A_567 = vector.shape_cast %swap3A_566 : vector<1x16xf32> to vector<16xf32>
        %swap3A_568 = vector.shape_cast %get3A_556 : vector<16xf32> to vector<1x16xf32>
        tpu.vector_store %arg12[%swap3A_564, %swap3A_565], %swap3A_568 {add = true, strides = array<i32>} : memref<400x64xf32, #tpu.memory_space<vmem>>, vector<1x16xf32>,
        %get3A_569 = arith.index_cast %add3A_522 : i32 to index
        %get3A_570 = arith.constant 48 : index
        %get3A_571 = tpu.vector_load %arg14[%get3A_569, %get3A_570] {strides = array<i32>} : memref<200x64xf32, #tpu.memory_space<vmem>>, vector<1x16xf32>,
        %get3A_572 = vector.shape_cast %get3A_571 : vector<1x16xf32> to vector<16xf32>
        %swap3A_573 = arith.index_cast %add3A_522 : i32 to index
        %swap3A_574 = arith.constant 48 : index
        %swap3A_575 = tpu.vector_load %arg12[%swap3A_573, %swap3A_574] {strides = array<i32>} : memref<400x64xf32, #tpu.memory_space<vmem>>, vector<1x16xf32>,
        %swap3A_576 = vector.shape_cast %swap3A_575 : vector<1x16xf32> to vector<16xf32>
        %swap3A_577 = vector.shape_cast %get3A_572 : vector<16xf32> to vector<1x16xf32>
        tpu.vector_store %arg12[%swap3A_573, %swap3A_574], %swap3A_577 {add = true, strides = array<i32>} : memref<400x64xf32, #tpu.memory_space<vmem>>, vector<1x16xf32>,
        %add3A_578 = arith.constant 200 : i32
        %add3A_579 = arith.addi %add3A_578, %add3A_522 : i32
        %swap3A_580 = arith.index_cast %add3A_579 : i32 to index
        %swap3A_581 = arith.constant 48 : index
        %swap3A_582 = tpu.vector_load %arg12[%swap3A_580, %swap3A_581] {strides = array<i32>} : memref<400x64xf32, #tpu.memory_space<vmem>>, vector<1x16xf32>,
        %swap3A_583 = vector.shape_cast %swap3A_582 : vector<1x16xf32> to vector<16xf32>
        %swap3A_584 = vector.shape_cast %get3A_572 : vector<16xf32> to vector<1x16xf32>
        tpu.vector_store %arg12[%swap3A_580, %swap3A_581], %swap3A_584 {add = true, strides = array<i32>} : memref<400x64xf32, #tpu.memory_space<vmem>>, vector<1x16xf32>,
        %scan3A_585 = arith.constant 1 : i32
        %scan3A_586 = arith.addi %scan3A_518, %scan3A_585 : i32
        %mul3A_587 = arith.constant 1 : i32
        %mul3A_588 = arith.muli %scan3A_586, %mul3A_587 : i32
        %add3A_589 = arith.constant 0 : i32
        %add3A_590 = arith.addi %add3A_589, %mul3A_588 : i32
        %get3A_591 = arith.index_cast %add3A_590 : i32 to index
        %get3A_592 = arith.constant 0 : index
        %get3A_593 = tpu.vector_load %arg14[%get3A_591, %get3A_592] {strides = array<i32>} : memref<200x64xf32, #tpu.memory_space<vmem>>, vector<1x16xf32>,
        %get3A_594 = vector.shape_cast %get3A_593 : vector<1x16xf32> to vector<16xf32>
        %swap3A_595 = arith.index_cast %add3A_590 : i32 to index
        %swap3A_596 = arith.constant 0 : index
        %swap3A_597 = tpu.vector_load %arg12[%swap3A_595, %swap3A_596] {strides = array<i32>} : memref<400x64xf32, #tpu.memory_space<vmem>>, vector<1x16xf32>,
        %swap3A_598 = vector.shape_cast %swap3A_597 : vector<1x16xf32> to vector<16xf32>
        %swap3A_599 = vector.shape_cast %get3A_594 : vector<16xf32> to vector<1x16xf32>
        tpu.vector_store %arg12[%swap3A_595, %swap3A_596], %swap3A_599 {add = true, strides = array<i32>} : memref<400x64xf32, #tpu.memory_space<vmem>>, vector<1x16xf32>,
        %add3A_600 = arith.constant 200 : i32
        %add3A_601 = arith.addi %add3A_600, %add3A_590 : i32
        %swap3A_602 = arith.index_cast %add3A_601 : i32 to index
        %swap3A_603 = arith.constant 0 : index
        %swap3A_604 = tpu.vector_load %arg12[%swap3A_602, %swap3A_603] {strides = array<i32>} : memref<400x64xf32, #tpu.memory_space<vmem>>, vector<1x16xf32>,
        %swap3A_605 = vector.shape_cast %swap3A_604 : vector<1x16xf32> to vector<16xf32>
        %swap3A_606 = vector.shape_cast %get3A_594 : vector<16xf32> to vector<1x16xf32>
        tpu.vector_store %arg12[%swap3A_602, %swap3A_603], %swap3A_606 {add = true, strides = array<i32>} : memref<400x64xf32, #tpu.memory_space<vmem>>, vector<1x16xf32>,
        %get3A_607 = arith.index_cast %add3A_590 : i32 to index
        %get3A_608 = arith.constant 16 : index
        %get3A_609 = tpu.vector_load %arg14[%get3A_607, %get3A_608] {strides = array<i32>} : memref<200x64xf32, #tpu.memory_space<vmem>>, vector<1x16xf32>,
        %get3A_610 = vector.shape_cast %get3A_609 : vector<1x16xf32> to vector<16xf32>
        %swap3A_611 = arith.index_cast %add3A_590 : i32 to index
        %swap3A_612 = arith.constant 16 : index
        %swap3A_613 = tpu.vector_load %arg12[%swap3A_611, %swap3A_612] {strides = array<i32>} : memref<400x64xf32, #tpu.memory_space<vmem>>, vector<1x16xf32>,
        %swap3A_614 = vector.shape_cast %swap3A_613 : vector<1x16xf32> to vector<16xf32>
        %swap3A_615 = vector.shape_cast %get3A_610 : vector<16xf32> to vector<1x16xf32>
        tpu.vector_store %arg12[%swap3A_611, %swap3A_612], %swap3A_615 {add = true, strides = array<i32>} : memref<400x64xf32, #tpu.memory_space<vmem>>, vector<1x16xf32>,
        %add3A_616 = arith.constant 200 : i32
        %add3A_617 = arith.addi %add3A_616, %add3A_590 : i32
        %swap3A_618 = arith.index_cast %add3A_617 : i32 to index
        %swap3A_619 = arith.constant 16 : index
        %swap3A_620 = tpu.vector_load %arg12[%swap3A_618, %swap3A_619] {strides = array<i32>} : memref<400x64xf32, #tpu.memory_space<vmem>>, vector<1x16xf32>,
        %swap3A_621 = vector.shape_cast %swap3A_620 : vector<1x16xf32> to vector<16xf32>
        %swap3A_622 = vector.shape_cast %get3A_610 : vector<16xf32> to vector<1x16xf32>
        tpu.vector_store %arg12[%swap3A_618, %swap3A_619], %swap3A_622 {add = true, strides = array<i32>} : memref<400x64xf32, #tpu.memory_space<vmem>>, vector<1x16xf32>,
        %get3A_623 = arith.index_cast %add3A_590 : i32 to index
        %get3A_624 = arith.constant 32 : index
        %get3A_625 = tpu.vector_load %arg14[%get3A_623, %get3A_624] {strides = array<i32>} : memref<200x64xf32, #tpu.memory_space<vmem>>, vector<1x16xf32>,
        %get3A_626 = vector.shape_cast %get3A_625 : vector<1x16xf32> to vector<16xf32>
        %swap3A_627 = arith.index_cast %add3A_590 : i32 to index
        %swap3A_628 = arith.constant 32 : index
        %swap3A_629 = tpu.vector_load %arg12[%swap3A_627, %swap3A_628] {strides = array<i32>} : memref<400x64xf32, #tpu.memory_space<vmem>>, vector<1x16xf32>,
        %swap3A_630 = vector.shape_cast %swap3A_629 : vector<1x16xf32> to vector<16xf32>
        %swap3A_631 = vector.shape_cast %get3A_626 : vector<16xf32> to vector<1x16xf32>
        tpu.vector_store %arg12[%swap3A_627, %swap3A_628], %swap3A_631 {add = true, strides = array<i32>} : memref<400x64xf32, #tpu.memory_space<vmem>>, vector<1x16xf32>,
        %add3A_632 = arith.constant 200 : i32
        %add3A_633 = arith.addi %add3A_632, %add3A_590 : i32
        %swap3A_634 = arith.index_cast %add3A_633 : i32 to index
        %swap3A_635 = arith.constant 32 : index
        %swap3A_636 = tpu.vector_load %arg12[%swap3A_634, %swap3A_635] {strides = array<i32>} : memref<400x64xf32, #tpu.memory_space<vmem>>, vector<1x16xf32>,
        %swap3A_637 = vector.shape_cast %swap3A_636 : vector<1x16xf32> to vector<16xf32>
        %swap3A_638 = vector.shape_cast %get3A_626 : vector<16xf32> to vector<1x16xf32>
        tpu.vector_store %arg12[%swap3A_634, %swap3A_635], %swap3A_638 {add = true, strides = array<i32>} : memref<400x64xf32, #tpu.memory_space<vmem>>, vector<1x16xf32>,
        %get3A_639 = arith.index_cast %add3A_590 : i32 to index
        %get3A_640 = arith.constant 48 : index
        %get3A_641 = tpu.vector_load %arg14[%get3A_639, %get3A_640] {strides = array<i32>} : memref<200x64xf32, #tpu.memory_space<vmem>>, vector<1x16xf32>,
        %get3A_642 = vector.shape_cast %get3A_641 : vector<1x16xf32> to vector<16xf32>
        %swap3A_643 = arith.index_cast %add3A_590 : i32 to index
        %swap3A_644 = arith.constant 48 : index
        %swap3A_645 = tpu.vector_load %arg12[%swap3A_643, %swap3A_644] {strides = array<i32>} : memref<400x64xf32, #tpu.memory_space<vmem>>, vector<1x16xf32>,
        %swap3A_646 = vector.shape_cast %swap3A_645 : vector<1x16xf32> to vector<16xf32>
        %swap3A_647 = vector.shape_cast %get3A_642 : vector<16xf32> to vector<1x16xf32>
        tpu.vector_store %arg12[%swap3A_643, %swap3A_644], %swap3A_647 {add = true, strides = array<i32>} : memref<400x64xf32, #tpu.memory_space<vmem>>, vector<1x16xf32>,
        %add3A_648 = arith.constant 200 : i32
        %add3A_649 = arith.addi %add3A_648, %add3A_590 : i32
        %swap3A_650 = arith.index_cast %add3A_649 : i32 to index
        %swap3A_651 = arith.constant 48 : index
        %swap3A_652 = tpu.vector_load %arg12[%swap3A_650, %swap3A_651] {strides = array<i32>} : memref<400x64xf32, #tpu.memory_space<vmem>>, vector<1x16xf32>,
        %swap3A_653 = vector.shape_cast %swap3A_652 : vector<1x16xf32> to vector<16xf32>
        %swap3A_654 = vector.shape_cast %get3A_642 : vector<16xf32> to vector<1x16xf32>
        tpu.vector_store %arg12[%swap3A_650, %swap3A_651], %swap3A_654 {add = true, strides = array<i32>} : memref<400x64xf32, #tpu.memory_space<vmem>>, vector<1x16xf32>,
        %scan3A_655 = arith.constant 2 : i32
        %scan3A_656 = arith.addi %scan3A_518, %scan3A_655 : i32
        %mul3A_657 = arith.constant 1 : i32
        %mul3A_658 = arith.muli %scan3A_656, %mul3A_657 : i32
        %add3A_659 = arith.constant 0 : i32
        %add3A_660 = arith.addi %add3A_659, %mul3A_658 : i32
        %get3A_661 = arith.index_cast %add3A_660 : i32 to index
        %get3A_662 = arith.constant 0 : index
        %get3A_663 = tpu.vector_load %arg14[%get3A_661, %get3A_662] {strides = array<i32>} : memref<200x64xf32, #tpu.memory_space<vmem>>, vector<1x16xf32>,
        %get3A_664 = vector.shape_cast %get3A_663 : vector<1x16xf32> to vector<16xf32>
        %swap3A_665 = arith.index_cast %add3A_660 : i32 to index
        %swap3A_666 = arith.constant 0 : index
        %swap3A_667 = tpu.vector_load %arg12[%swap3A_665, %swap3A_666] {strides = array<i32>} : memref<400x64xf32, #tpu.memory_space<vmem>>, vector<1x16xf32>,
        %swap3A_668 = vector.shape_cast %swap3A_667 : vector<1x16xf32> to vector<16xf32>
        %swap3A_669 = vector.shape_cast %get3A_664 : vector<16xf32> to vector<1x16xf32>
        tpu.vector_store %arg12[%swap3A_665, %swap3A_666], %swap3A_669 {add = true, strides = array<i32>} : memref<400x64xf32, #tpu.memory_space<vmem>>, vector<1x16xf32>,
        %add3A_670 = arith.constant 200 : i32
        %add3A_671 = arith.addi %add3A_670, %add3A_660 : i32
        %swap3A_672 = arith.index_cast %add3A_671 : i32 to index
        %swap3A_673 = arith.constant 0 : index
        %swap3A_674 = tpu.vector_load %arg12[%swap3A_672, %swap3A_673] {strides = array<i32>} : memref<400x64xf32, #tpu.memory_space<vmem>>, vector<1x16xf32>,
        %swap3A_675 = vector.shape_cast %swap3A_674 : vector<1x16xf32> to vector<16xf32>
        %swap3A_676 = vector.shape_cast %get3A_664 : vector<16xf32> to vector<1x16xf32>
        tpu.vector_store %arg12[%swap3A_672, %swap3A_673], %swap3A_676 {add = true, strides = array<i32>} : memref<400x64xf32, #tpu.memory_space<vmem>>, vector<1x16xf32>,
        %get3A_677 = arith.index_cast %add3A_660 : i32 to index
        %get3A_678 = arith.constant 16 : index
        %get3A_679 = tpu.vector_load %arg14[%get3A_677, %get3A_678] {strides = array<i32>} : memref<200x64xf32, #tpu.memory_space<vmem>>, vector<1x16xf32>,
        %get3A_680 = vector.shape_cast %get3A_679 : vector<1x16xf32> to vector<16xf32>
        %swap3A_681 = arith.index_cast %add3A_660 : i32 to index
        %swap3A_682 = arith.constant 16 : index
        %swap3A_683 = tpu.vector_load %arg12[%swap3A_681, %swap3A_682] {strides = array<i32>} : memref<400x64xf32, #tpu.memory_space<vmem>>, vector<1x16xf32>,
        %swap3A_684 = vector.shape_cast %swap3A_683 : vector<1x16xf32> to vector<16xf32>
        %swap3A_685 = vector.shape_cast %get3A_680 : vector<16xf32> to vector<1x16xf32>
        tpu.vector_store %arg12[%swap3A_681, %swap3A_682], %swap3A_685 {add = true, strides = array<i32>} : memref<400x64xf32, #tpu.memory_space<vmem>>, vector<1x16xf32>,
        %add3A_686 = arith.constant 200 : i32
        %add3A_687 = arith.addi %add3A_686, %add3A_660 : i32
        %swap3A_688 = arith.index_cast %add3A_687 : i32 to index
        %swap3A_689 = arith.constant 16 : index
        %swap3A_690 = tpu.vector_load %arg12[%swap3A_688, %swap3A_689] {strides = array<i32>} : memref<400x64xf32, #tpu.memory_space<vmem>>, vector<1x16xf32>,
        %swap3A_691 = vector.shape_cast %swap3A_690 : vector<1x16xf32> to vector<16xf32>
        %swap3A_692 = vector.shape_cast %get3A_680 : vector<16xf32> to vector<1x16xf32>
        tpu.vector_store %arg12[%swap3A_688, %swap3A_689], %swap3A_692 {add = true, strides = array<i32>} : memref<400x64xf32, #tpu.memory_space<vmem>>, vector<1x16xf32>,
        %get3A_693 = arith.index_cast %add3A_660 : i32 to index
        %get3A_694 = arith.constant 32 : index
        %get3A_695 = tpu.vector_load %arg14[%get3A_693, %get3A_694] {strides = array<i32>} : memref<200x64xf32, #tpu.memory_space<vmem>>, vector<1x16xf32>,
        %get3A_696 = vector.shape_cast %get3A_695 : vector<1x16xf32> to vector<16xf32>
        %swap3A_697 = arith.index_cast %add3A_660 : i32 to index
        %swap3A_698 = arith.constant 32 : index
        %swap3A_699 = tpu.vector_load %arg12[%swap3A_697, %swap3A_698] {strides = array<i32>} : memref<400x64xf32, #tpu.memory_space<vmem>>, vector<1x16xf32>,
        %swap3A_700 = vector.shape_cast %swap3A_699 : vector<1x16xf32> to vector<16xf32>
        %swap3A_701 = vector.shape_cast %get3A_696 : vector<16xf32> to vector<1x16xf32>
        tpu.vector_store %arg12[%swap3A_697, %swap3A_698], %swap3A_701 {add = true, strides = array<i32>} : memref<400x64xf32, #tpu.memory_space<vmem>>, vector<1x16xf32>,
        %add3A_702 = arith.constant 200 : i32
        %add3A_703 = arith.addi %add3A_702, %add3A_660 : i32
        %swap3A_704 = arith.index_cast %add3A_703 : i32 to index
        %swap3A_705 = arith.constant 32 : index
        %swap3A_706 = tpu.vector_load %arg12[%swap3A_704, %swap3A_705] {strides = array<i32>} : memref<400x64xf32, #tpu.memory_space<vmem>>, vector<1x16xf32>,
        %swap3A_707 = vector.shape_cast %swap3A_706 : vector<1x16xf32> to vector<16xf32>
        %swap3A_708 = vector.shape_cast %get3A_696 : vector<16xf32> to vector<1x16xf32>
        tpu.vector_store %arg12[%swap3A_704, %swap3A_705], %swap3A_708 {add = true, strides = array<i32>} : memref<400x64xf32, #tpu.memory_space<vmem>>, vector<1x16xf32>,
        %get3A_709 = arith.index_cast %add3A_660 : i32 to index
        %get3A_710 = arith.constant 48 : index
        %get3A_711 = tpu.vector_load %arg14[%get3A_709, %get3A_710] {strides = array<i32>} : memref<200x64xf32, #tpu.memory_space<vmem>>, vector<1x16xf32>,
        %get3A_712 = vector.shape_cast %get3A_711 : vector<1x16xf32> to vector<16xf32>
        %swap3A_713 = arith.index_cast %add3A_660 : i32 to index
        %swap3A_714 = arith.constant 48 : index
        %swap3A_715 = tpu.vector_load %arg12[%swap3A_713, %swap3A_714] {strides = array<i32>} : memref<400x64xf32, #tpu.memory_space<vmem>>, vector<1x16xf32>,
        %swap3A_716 = vector.shape_cast %swap3A_715 : vector<1x16xf32> to vector<16xf32>
        %swap3A_717 = vector.shape_cast %get3A_712 : vector<16xf32> to vector<1x16xf32>
        tpu.vector_store %arg12[%swap3A_713, %swap3A_714], %swap3A_717 {add = true, strides = array<i32>} : memref<400x64xf32, #tpu.memory_space<vmem>>, vector<1x16xf32>,
        %add3A_718 = arith.constant 200 : i32
        %add3A_719 = arith.addi %add3A_718, %add3A_660 : i32
        %swap3A_720 = arith.index_cast %add3A_719 : i32 to index
        %swap3A_721 = arith.constant 48 : index
        %swap3A_722 = tpu.vector_load %arg12[%swap3A_720, %swap3A_721] {strides = array<i32>} : memref<400x64xf32, #tpu.memory_space<vmem>>, vector<1x16xf32>,
        %swap3A_723 = vector.shape_cast %swap3A_722 : vector<1x16xf32> to vector<16xf32>
        %swap3A_724 = vector.shape_cast %get3A_712 : vector<16xf32> to vector<1x16xf32>
        tpu.vector_store %arg12[%swap3A_720, %swap3A_721], %swap3A_724 {add = true, strides = array<i32>} : memref<400x64xf32, #tpu.memory_space<vmem>>, vector<1x16xf32>,
        %scan3A_725 = arith.constant 3 : i32
        %scan3A_726 = arith.addi %scan3A_518, %scan3A_725 : i32
        %mul3A_727 = arith.constant 1 : i32
        %mul3A_728 = arith.muli %scan3A_726, %mul3A_727 : i32
        %add3A_729 = arith.constant 0 : i32
        %add3A_730 = arith.addi %add3A_729, %mul3A_728 : i32
        %get3A_731 = arith.index_cast %add3A_730 : i32 to index
        %get3A_732 = arith.constant 0 : index
        %get3A_733 = tpu.vector_load %arg14[%get3A_731, %get3A_732] {strides = array<i32>} : memref<200x64xf32, #tpu.memory_space<vmem>>, vector<1x16xf32>,
        %get3A_734 = vector.shape_cast %get3A_733 : vector<1x16xf32> to vector<16xf32>
        %swap3A_735 = arith.index_cast %add3A_730 : i32 to index
        %swap3A_736 = arith.constant 0 : index
        %swap3A_737 = tpu.vector_load %arg12[%swap3A_735, %swap3A_736] {strides = array<i32>} : memref<400x64xf32, #tpu.memory_space<vmem>>, vector<1x16xf32>,
        %swap3A_738 = vector.shape_cast %swap3A_737 : vector<1x16xf32> to vector<16xf32>
        %swap3A_739 = vector.shape_cast %get3A_734 : vector<16xf32> to vector<1x16xf32>
        tpu.vector_store %arg12[%swap3A_735, %swap3A_736], %swap3A_739 {add = true, strides = array<i32>} : memref<400x64xf32, #tpu.memory_space<vmem>>, vector<1x16xf32>,
        %add3A_740 = arith.constant 200 : i32
        %add3A_741 = arith.addi %add3A_740, %add3A_730 : i32
        %swap3A_742 = arith.index_cast %add3A_741 : i32 to index
        %swap3A_743 = arith.constant 0 : index
        %swap3A_744 = tpu.vector_load %arg12[%swap3A_742, %swap3A_743] {strides = array<i32>} : memref<400x64xf32, #tpu.memory_space<vmem>>, vector<1x16xf32>,
        %swap3A_745 = vector.shape_cast %swap3A_744 : vector<1x16xf32> to vector<16xf32>
        %swap3A_746 = vector.shape_cast %get3A_734 : vector<16xf32> to vector<1x16xf32>
        tpu.vector_store %arg12[%swap3A_742, %swap3A_743], %swap3A_746 {add = true, strides = array<i32>} : memref<400x64xf32, #tpu.memory_space<vmem>>, vector<1x16xf32>,
        %get3A_747 = arith.index_cast %add3A_730 : i32 to index
        %get3A_748 = arith.constant 16 : index
        %get3A_749 = tpu.vector_load %arg14[%get3A_747, %get3A_748] {strides = array<i32>} : memref<200x64xf32, #tpu.memory_space<vmem>>, vector<1x16xf32>,
        %get3A_750 = vector.shape_cast %get3A_749 : vector<1x16xf32> to vector<16xf32>
        %swap3A_751 = arith.index_cast %add3A_730 : i32 to index
        %swap3A_752 = arith.constant 16 : index
        %swap3A_753 = tpu.vector_load %arg12[%swap3A_751, %swap3A_752] {strides = array<i32>} : memref<400x64xf32, #tpu.memory_space<vmem>>, vector<1x16xf32>,
        %swap3A_754 = vector.shape_cast %swap3A_753 : vector<1x16xf32> to vector<16xf32>
        %swap3A_755 = vector.shape_cast %get3A_750 : vector<16xf32> to vector<1x16xf32>
        tpu.vector_store %arg12[%swap3A_751, %swap3A_752], %swap3A_755 {add = true, strides = array<i32>} : memref<400x64xf32, #tpu.memory_space<vmem>>, vector<1x16xf32>,
        %add3A_756 = arith.constant 200 : i32
        %add3A_757 = arith.addi %add3A_756, %add3A_730 : i32
        %swap3A_758 = arith.index_cast %add3A_757 : i32 to index
        %swap3A_759 = arith.constant 16 : index
        %swap3A_760 = tpu.vector_load %arg12[%swap3A_758, %swap3A_759] {strides = array<i32>} : memref<400x64xf32, #tpu.memory_space<vmem>>, vector<1x16xf32>,
        %swap3A_761 = vector.shape_cast %swap3A_760 : vector<1x16xf32> to vector<16xf32>
        %swap3A_762 = vector.shape_cast %get3A_750 : vector<16xf32> to vector<1x16xf32>
        tpu.vector_store %arg12[%swap3A_758, %swap3A_759], %swap3A_762 {add = true, strides = array<i32>} : memref<400x64xf32, #tpu.memory_space<vmem>>, vector<1x16xf32>,
        %get3A_763 = arith.index_cast %add3A_730 : i32 to index
        %get3A_764 = arith.constant 32 : index
        %get3A_765 = tpu.vector_load %arg14[%get3A_763, %get3A_764] {strides = array<i32>} : memref<200x64xf32, #tpu.memory_space<vmem>>, vector<1x16xf32>,
        %get3A_766 = vector.shape_cast %get3A_765 : vector<1x16xf32> to vector<16xf32>
        %swap3A_767 = arith.index_cast %add3A_730 : i32 to index
        %swap3A_768 = arith.constant 32 : index
        %swap3A_769 = tpu.vector_load %arg12[%swap3A_767, %swap3A_768] {strides = array<i32>} : memref<400x64xf32, #tpu.memory_space<vmem>>, vector<1x16xf32>,
        %swap3A_770 = vector.shape_cast %swap3A_769 : vector<1x16xf32> to vector<16xf32>
        %swap3A_771 = vector.shape_cast %get3A_766 : vector<16xf32> to vector<1x16xf32>
        tpu.vector_store %arg12[%swap3A_767, %swap3A_768], %swap3A_771 {add = true, strides = array<i32>} : memref<400x64xf32, #tpu.memory_space<vmem>>, vector<1x16xf32>,
        %add3A_772 = arith.constant 200 : i32
        %add3A_773 = arith.addi %add3A_772, %add3A_730 : i32
        %swap3A_774 = arith.index_cast %add3A_773 : i32 to index
        %swap3A_775 = arith.constant 32 : index
        %swap3A_776 = tpu.vector_load %arg12[%swap3A_774, %swap3A_775] {strides = array<i32>} : memref<400x64xf32, #tpu.memory_space<vmem>>, vector<1x16xf32>,
        %swap3A_777 = vector.shape_cast %swap3A_776 : vector<1x16xf32> to vector<16xf32>
        %swap3A_778 = vector.shape_cast %get3A_766 : vector<16xf32> to vector<1x16xf32>
        tpu.vector_store %arg12[%swap3A_774, %swap3A_775], %swap3A_778 {add = true, strides = array<i32>} : memref<400x64xf32, #tpu.memory_space<vmem>>, vector<1x16xf32>,
        %get3A_779 = arith.index_cast %add3A_730 : i32 to index
        %get3A_780 = arith.constant 48 : index
        %get3A_781 = tpu.vector_load %arg14[%get3A_779, %get3A_780] {strides = array<i32>} : memref<200x64xf32, #tpu.memory_space<vmem>>, vector<1x16xf32>,
        %get3A_782 = vector.shape_cast %get3A_781 : vector<1x16xf32> to vector<16xf32>
        %swap3A_783 = arith.index_cast %add3A_730 : i32 to index
        %swap3A_784 = arith.constant 48 : index
        %swap3A_785 = tpu.vector_load %arg12[%swap3A_783, %swap3A_784] {strides = array<i32>} : memref<400x64xf32, #tpu.memory_space<vmem>>, vector<1x16xf32>,
        %swap3A_786 = vector.shape_cast %swap3A_785 : vector<1x16xf32> to vector<16xf32>
        %swap3A_787 = vector.shape_cast %get3A_782 : vector<16xf32> to vector<1x16xf32>
        tpu.vector_store %arg12[%swap3A_783, %swap3A_784], %swap3A_787 {add = true, strides = array<i32>} : memref<400x64xf32, #tpu.memory_space<vmem>>, vector<1x16xf32>,
        %add3A_788 = arith.constant 200 : i32
        %add3A_789 = arith.addi %add3A_788, %add3A_730 : i32
        %swap3A_790 = arith.index_cast %add3A_789 : i32 to index
        %swap3A_791 = arith.constant 48 : index
        %swap3A_792 = tpu.vector_load %arg12[%swap3A_790, %swap3A_791] {strides = array<i32>} : memref<400x64xf32, #tpu.memory_space<vmem>>, vector<1x16xf32>,
        %swap3A_793 = vector.shape_cast %swap3A_792 : vector<1x16xf32> to vector<16xf32>
        %swap3A_794 = vector.shape_cast %get3A_782 : vector<16xf32> to vector<1x16xf32>
        tpu.vector_store %arg12[%swap3A_790, %swap3A_791], %swap3A_794 {add = true, strides = array<i32>} : memref<400x64xf32, #tpu.memory_space<vmem>>, vector<1x16xf32>,
        %scan3A_795 = arith.constant 4 : i32
        %scan3A_796 = arith.addi %scan3A_518, %scan3A_795 : i32
        %mul3A_797 = arith.constant 1 : i32
        %mul3A_798 = arith.muli %scan3A_796, %mul3A_797 : i32
        %add3A_799 = arith.constant 0 : i32
        %add3A_800 = arith.addi %add3A_799, %mul3A_798 : i32
        %get3A_801 = arith.index_cast %add3A_800 : i32 to index
        %get3A_802 = arith.constant 0 : index
        %get3A_803 = tpu.vector_load %arg14[%get3A_801, %get3A_802] {strides = array<i32>} : memref<200x64xf32, #tpu.memory_space<vmem>>, vector<1x16xf32>,
        %get3A_804 = vector.shape_cast %get3A_803 : vector<1x16xf32> to vector<16xf32>
        %swap3A_805 = arith.index_cast %add3A_800 : i32 to index
        %swap3A_806 = arith.constant 0 : index
        %swap3A_807 = tpu.vector_load %arg12[%swap3A_805, %swap3A_806] {strides = array<i32>} : memref<400x64xf32, #tpu.memory_space<vmem>>, vector<1x16xf32>,
        %swap3A_808 = vector.shape_cast %swap3A_807 : vector<1x16xf32> to vector<16xf32>
        %swap3A_809 = vector.shape_cast %get3A_804 : vector<16xf32> to vector<1x16xf32>
        tpu.vector_store %arg12[%swap3A_805, %swap3A_806], %swap3A_809 {add = true, strides = array<i32>} : memref<400x64xf32, #tpu.memory_space<vmem>>, vector<1x16xf32>,
        %add3A_810 = arith.constant 200 : i32
        %add3A_811 = arith.addi %add3A_810, %add3A_800 : i32
        %swap3A_812 = arith.index_cast %add3A_811 : i32 to index
        %swap3A_813 = arith.constant 0 : index
        %swap3A_814 = tpu.vector_load %arg12[%swap3A_812, %swap3A_813] {strides = array<i32>} : memref<400x64xf32, #tpu.memory_space<vmem>>, vector<1x16xf32>,
        %swap3A_815 = vector.shape_cast %swap3A_814 : vector<1x16xf32> to vector<16xf32>
        %swap3A_816 = vector.shape_cast %get3A_804 : vector<16xf32> to vector<1x16xf32>
        tpu.vector_store %arg12[%swap3A_812, %swap3A_813], %swap3A_816 {add = true, strides = array<i32>} : memref<400x64xf32, #tpu.memory_space<vmem>>, vector<1x16xf32>,
        %get3A_817 = arith.index_cast %add3A_800 : i32 to index
        %get3A_818 = arith.constant 16 : index
        %get3A_819 = tpu.vector_load %arg14[%get3A_817, %get3A_818] {strides = array<i32>} : memref<200x64xf32, #tpu.memory_space<vmem>>, vector<1x16xf32>,
        %get3A_820 = vector.shape_cast %get3A_819 : vector<1x16xf32> to vector<16xf32>
        %swap3A_821 = arith.index_cast %add3A_800 : i32 to index
        %swap3A_822 = arith.constant 16 : index
        %swap3A_823 = tpu.vector_load %arg12[%swap3A_821, %swap3A_822] {strides = array<i32>} : memref<400x64xf32, #tpu.memory_space<vmem>>, vector<1x16xf32>,
        %swap3A_824 = vector.shape_cast %swap3A_823 : vector<1x16xf32> to vector<16xf32>
        %swap3A_825 = vector.shape_cast %get3A_820 : vector<16xf32> to vector<1x16xf32>
        tpu.vector_store %arg12[%swap3A_821, %swap3A_822], %swap3A_825 {add = true, strides = array<i32>} : memref<400x64xf32, #tpu.memory_space<vmem>>, vector<1x16xf32>,
        %add3A_826 = arith.constant 200 : i32
        %add3A_827 = arith.addi %add3A_826, %add3A_800 : i32
        %swap3A_828 = arith.index_cast %add3A_827 : i32 to index
        %swap3A_829 = arith.constant 16 : index
        %swap3A_830 = tpu.vector_load %arg12[%swap3A_828, %swap3A_829] {strides = array<i32>} : memref<400x64xf32, #tpu.memory_space<vmem>>, vector<1x16xf32>,
        %swap3A_831 = vector.shape_cast %swap3A_830 : vector<1x16xf32> to vector<16xf32>
        %swap3A_832 = vector.shape_cast %get3A_820 : vector<16xf32> to vector<1x16xf32>
        tpu.vector_store %arg12[%swap3A_828, %swap3A_829], %swap3A_832 {add = true, strides = array<i32>} : memref<400x64xf32, #tpu.memory_space<vmem>>, vector<1x16xf32>,
        %get3A_833 = arith.index_cast %add3A_800 : i32 to index
        %get3A_834 = arith.constant 32 : index
        %get3A_835 = tpu.vector_load %arg14[%get3A_833, %get3A_834] {strides = array<i32>} : memref<200x64xf32, #tpu.memory_space<vmem>>, vector<1x16xf32>,
        %get3A_836 = vector.shape_cast %get3A_835 : vector<1x16xf32> to vector<16xf32>
        %swap3A_837 = arith.index_cast %add3A_800 : i32 to index
        %swap3A_838 = arith.constant 32 : index
        %swap3A_839 = tpu.vector_load %arg12[%swap3A_837, %swap3A_838] {strides = array<i32>} : memref<400x64xf32, #tpu.memory_space<vmem>>, vector<1x16xf32>,
        %swap3A_840 = vector.shape_cast %swap3A_839 : vector<1x16xf32> to vector<16xf32>
        %swap3A_841 = vector.shape_cast %get3A_836 : vector<16xf32> to vector<1x16xf32>
        tpu.vector_store %arg12[%swap3A_837, %swap3A_838], %swap3A_841 {add = true, strides = array<i32>} : memref<400x64xf32, #tpu.memory_space<vmem>>, vector<1x16xf32>,
        %add3A_842 = arith.constant 200 : i32
        %add3A_843 = arith.addi %add3A_842, %add3A_800 : i32
        %swap3A_844 = arith.index_cast %add3A_843 : i32 to index
        %swap3A_845 = arith.constant 32 : index
        %swap3A_846 = tpu.vector_load %arg12[%swap3A_844, %swap3A_845] {strides = array<i32>} : memref<400x64xf32, #tpu.memory_space<vmem>>, vector<1x16xf32>,
        %swap3A_847 = vector.shape_cast %swap3A_846 : vector<1x16xf32> to vector<16xf32>
        %swap3A_848 = vector.shape_cast %get3A_836 : vector<16xf32> to vector<1x16xf32>
        tpu.vector_store %arg12[%swap3A_844, %swap3A_845], %swap3A_848 {add = true, strides = array<i32>} : memref<400x64xf32, #tpu.memory_space<vmem>>, vector<1x16xf32>,
        %get3A_849 = arith.index_cast %add3A_800 : i32 to index
        %get3A_850 = arith.constant 48 : index
        %get3A_851 = tpu.vector_load %arg14[%get3A_849, %get3A_850] {strides = array<i32>} : memref<200x64xf32, #tpu.memory_space<vmem>>, vector<1x16xf32>,
        %get3A_852 = vector.shape_cast %get3A_851 : vector<1x16xf32> to vector<16xf32>
        %swap3A_853 = arith.index_cast %add3A_800 : i32 to index
        %swap3A_854 = arith.constant 48 : index
        %swap3A_855 = tpu.vector_load %arg12[%swap3A_853, %swap3A_854] {strides = array<i32>} : memref<400x64xf32, #tpu.memory_space<vmem>>, vector<1x16xf32>,
        %swap3A_856 = vector.shape_cast %swap3A_855 : vector<1x16xf32> to vector<16xf32>
        %swap3A_857 = vector.shape_cast %get3A_852 : vector<16xf32> to vector<1x16xf32>
        tpu.vector_store %arg12[%swap3A_853, %swap3A_854], %swap3A_857 {add = true, strides = array<i32>} : memref<400x64xf32, #tpu.memory_space<vmem>>, vector<1x16xf32>,
        %add3A_858 = arith.constant 200 : i32
        %add3A_859 = arith.addi %add3A_858, %add3A_800 : i32
        %swap3A_860 = arith.index_cast %add3A_859 : i32 to index
        %swap3A_861 = arith.constant 48 : index
        %swap3A_862 = tpu.vector_load %arg12[%swap3A_860, %swap3A_861] {strides = array<i32>} : memref<400x64xf32, #tpu.memory_space<vmem>>, vector<1x16xf32>,
        %swap3A_863 = vector.shape_cast %swap3A_862 : vector<1x16xf32> to vector<16xf32>
        %swap3A_864 = vector.shape_cast %get3A_852 : vector<16xf32> to vector<1x16xf32>
        tpu.vector_store %arg12[%swap3A_860, %swap3A_861], %swap3A_864 {add = true, strides = array<i32>} : memref<400x64xf32, #tpu.memory_space<vmem>>, vector<1x16xf32>,
        %scan3A_865 = arith.constant 5 : i32
        %scan3A_866 = arith.addi %scan3A_518, %scan3A_865 : i32
        %mul3A_867 = arith.constant 1 : i32
        %mul3A_868 = arith.muli %scan3A_866, %mul3A_867 : i32
        %add3A_869 = arith.constant 0 : i32
        %add3A_870 = arith.addi %add3A_869, %mul3A_868 : i32
        %get3A_871 = arith.index_cast %add3A_870 : i32 to index
        %get3A_872 = arith.constant 0 : index
        %get3A_873 = tpu.vector_load %arg14[%get3A_871, %get3A_872] {strides = array<i32>} : memref<200x64xf32, #tpu.memory_space<vmem>>, vector<1x16xf32>,
        %get3A_874 = vector.shape_cast %get3A_873 : vector<1x16xf32> to vector<16xf32>
        %swap3A_875 = arith.index_cast %add3A_870 : i32 to index
        %swap3A_876 = arith.constant 0 : index
        %swap3A_877 = tpu.vector_load %arg12[%swap3A_875, %swap3A_876] {strides = array<i32>} : memref<400x64xf32, #tpu.memory_space<vmem>>, vector<1x16xf32>,
        %swap3A_878 = vector.shape_cast %swap3A_877 : vector<1x16xf32> to vector<16xf32>
        %swap3A_879 = vector.shape_cast %get3A_874 : vector<16xf32> to vector<1x16xf32>
        tpu.vector_store %arg12[%swap3A_875, %swap3A_876], %swap3A_879 {add = true, strides = array<i32>} : memref<400x64xf32, #tpu.memory_space<vmem>>, vector<1x16xf32>,
        %add3A_880 = arith.constant 200 : i32
        %add3A_881 = arith.addi %add3A_880, %add3A_870 : i32
        %swap3A_882 = arith.index_cast %add3A_881 : i32 to index
        %swap3A_883 = arith.constant 0 : index
        %swap3A_884 = tpu.vector_load %arg12[%swap3A_882, %swap3A_883] {strides = array<i32>} : memref<400x64xf32, #tpu.memory_space<vmem>>, vector<1x16xf32>,
        %swap3A_885 = vector.shape_cast %swap3A_884 : vector<1x16xf32> to vector<16xf32>
        %swap3A_886 = vector.shape_cast %get3A_874 : vector<16xf32> to vector<1x16xf32>
        tpu.vector_store %arg12[%swap3A_882, %swap3A_883], %swap3A_886 {add = true, strides = array<i32>} : memref<400x64xf32, #tpu.memory_space<vmem>>, vector<1x16xf32>,
        %get3A_887 = arith.index_cast %add3A_870 : i32 to index
        %get3A_888 = arith.constant 16 : index
        %get3A_889 = tpu.vector_load %arg14[%get3A_887, %get3A_888] {strides = array<i32>} : memref<200x64xf32, #tpu.memory_space<vmem>>, vector<1x16xf32>,
        %get3A_890 = vector.shape_cast %get3A_889 : vector<1x16xf32> to vector<16xf32>
        %swap3A_891 = arith.index_cast %add3A_870 : i32 to index
        %swap3A_892 = arith.constant 16 : index
        %swap3A_893 = tpu.vector_load %arg12[%swap3A_891, %swap3A_892] {strides = array<i32>} : memref<400x64xf32, #tpu.memory_space<vmem>>, vector<1x16xf32>,
        %swap3A_894 = vector.shape_cast %swap3A_893 : vector<1x16xf32> to vector<16xf32>
        %swap3A_895 = vector.shape_cast %get3A_890 : vector<16xf32> to vector<1x16xf32>
        tpu.vector_store %arg12[%swap3A_891, %swap3A_892], %swap3A_895 {add = true, strides = array<i32>} : memref<400x64xf32, #tpu.memory_space<vmem>>, vector<1x16xf32>,
        %add3A_896 = arith.constant 200 : i32
        %add3A_897 = arith.addi %add3A_896, %add3A_870 : i32
        %swap3A_898 = arith.index_cast %add3A_897 : i32 to index
        %swap3A_899 = arith.constant 16 : index
        %swap3A_900 = tpu.vector_load %arg12[%swap3A_898, %swap3A_899] {strides = array<i32>} : memref<400x64xf32, #tpu.memory_space<vmem>>, vector<1x16xf32>,
        %swap3A_901 = vector.shape_cast %swap3A_900 : vector<1x16xf32> to vector<16xf32>
        %swap3A_902 = vector.shape_cast %get3A_890 : vector<16xf32> to vector<1x16xf32>
        tpu.vector_store %arg12[%swap3A_898, %swap3A_899], %swap3A_902 {add = true, strides = array<i32>} : memref<400x64xf32, #tpu.memory_space<vmem>>, vector<1x16xf32>,
        %get3A_903 = arith.index_cast %add3A_870 : i32 to index
        %get3A_904 = arith.constant 32 : index
        %get3A_905 = tpu.vector_load %arg14[%get3A_903, %get3A_904] {strides = array<i32>} : memref<200x64xf32, #tpu.memory_space<vmem>>, vector<1x16xf32>,
        %get3A_906 = vector.shape_cast %get3A_905 : vector<1x16xf32> to vector<16xf32>
        %swap3A_907 = arith.index_cast %add3A_870 : i32 to index
        %swap3A_908 = arith.constant 32 : index
        %swap3A_909 = tpu.vector_load %arg12[%swap3A_907, %swap3A_908] {strides = array<i32>} : memref<400x64xf32, #tpu.memory_space<vmem>>, vector<1x16xf32>,
        %swap3A_910 = vector.shape_cast %swap3A_909 : vector<1x16xf32> to vector<16xf32>
        %swap3A_911 = vector.shape_cast %get3A_906 : vector<16xf32> to vector<1x16xf32>
        tpu.vector_store %arg12[%swap3A_907, %swap3A_908], %swap3A_911 {add = true, strides = array<i32>} : memref<400x64xf32, #tpu.memory_space<vmem>>, vector<1x16xf32>,
        %add3A_912 = arith.constant 200 : i32
        %add3A_913 = arith.addi %add3A_912, %add3A_870 : i32
        %swap3A_914 = arith.index_cast %add3A_913 : i32 to index
        %swap3A_915 = arith.constant 32 : index
        %swap3A_916 = tpu.vector_load %arg12[%swap3A_914, %swap3A_915] {strides = array<i32>} : memref<400x64xf32, #tpu.memory_space<vmem>>, vector<1x16xf32>,
        %swap3A_917 = vector.shape_cast %swap3A_916 : vector<1x16xf32> to vector<16xf32>
        %swap3A_918 = vector.shape_cast %get3A_906 : vector<16xf32> to vector<1x16xf32>
        tpu.vector_store %arg12[%swap3A_914, %swap3A_915], %swap3A_918 {add = true, strides = array<i32>} : memref<400x64xf32, #tpu.memory_space<vmem>>, vector<1x16xf32>,
        %get3A_919 = arith.index_cast %add3A_870 : i32 to index
        %get3A_920 = arith.constant 48 : index
        %get3A_921 = tpu.vector_load %arg14[%get3A_919, %get3A_920] {strides = array<i32>} : memref<200x64xf32, #tpu.memory_space<vmem>>, vector<1x16xf32>,
        %get3A_922 = vector.shape_cast %get3A_921 : vector<1x16xf32> to vector<16xf32>
        %swap3A_923 = arith.index_cast %add3A_870 : i32 to index
        %swap3A_924 = arith.constant 48 : index
        %swap3A_925 = tpu.vector_load %arg12[%swap3A_923, %swap3A_924] {strides = array<i32>} : memref<400x64xf32, #tpu.memory_space<vmem>>, vector<1x16xf32>,
        %swap3A_926 = vector.shape_cast %swap3A_925 : vector<1x16xf32> to vector<16xf32>
        %swap3A_927 = vector.shape_cast %get3A_922 : vector<16xf32> to vector<1x16xf32>
        tpu.vector_store %arg12[%swap3A_923, %swap3A_924], %swap3A_927 {add = true, strides = array<i32>} : memref<400x64xf32, #tpu.memory_space<vmem>>, vector<1x16xf32>,
        %add3A_928 = arith.constant 200 : i32
        %add3A_929 = arith.addi %add3A_928, %add3A_870 : i32
        %swap3A_930 = arith.index_cast %add3A_929 : i32 to index
        %swap3A_931 = arith.constant 48 : index
        %swap3A_932 = tpu.vector_load %arg12[%swap3A_930, %swap3A_931] {strides = array<i32>} : memref<400x64xf32, #tpu.memory_space<vmem>>, vector<1x16xf32>,
        %swap3A_933 = vector.shape_cast %swap3A_932 : vector<1x16xf32> to vector<16xf32>
        %swap3A_934 = vector.shape_cast %get3A_922 : vector<16xf32> to vector<1x16xf32>
        tpu.vector_store %arg12[%swap3A_930, %swap3A_931], %swap3A_934 {add = true, strides = array<i32>} : memref<400x64xf32, #tpu.memory_space<vmem>>, vector<1x16xf32>,
        %scan3A_935 = arith.constant 6 : i32
        %scan3A_936 = arith.addi %scan3A_518, %scan3A_935 : i32
        %mul3A_937 = arith.constant 1 : i32
        %mul3A_938 = arith.muli %scan3A_936, %mul3A_937 : i32
        %add3A_939 = arith.constant 0 : i32
        %add3A_940 = arith.addi %add3A_939, %mul3A_938 : i32
        %get3A_941 = arith.index_cast %add3A_940 : i32 to index
        %get3A_942 = arith.constant 0 : index
        %get3A_943 = tpu.vector_load %arg14[%get3A_941, %get3A_942] {strides = array<i32>} : memref<200x64xf32, #tpu.memory_space<vmem>>, vector<1x16xf32>,
        %get3A_944 = vector.shape_cast %get3A_943 : vector<1x16xf32> to vector<16xf32>
        %swap3A_945 = arith.index_cast %add3A_940 : i32 to index
        %swap3A_946 = arith.constant 0 : index
        %swap3A_947 = tpu.vector_load %arg12[%swap3A_945, %swap3A_946] {strides = array<i32>} : memref<400x64xf32, #tpu.memory_space<vmem>>, vector<1x16xf32>,
        %swap3A_948 = vector.shape_cast %swap3A_947 : vector<1x16xf32> to vector<16xf32>
        %swap3A_949 = vector.shape_cast %get3A_944 : vector<16xf32> to vector<1x16xf32>
        tpu.vector_store %arg12[%swap3A_945, %swap3A_946], %swap3A_949 {add = true, strides = array<i32>} : memref<400x64xf32, #tpu.memory_space<vmem>>, vector<1x16xf32>,
        %add3A_950 = arith.constant 200 : i32
        %add3A_951 = arith.addi %add3A_950, %add3A_940 : i32
        %swap3A_952 = arith.index_cast %add3A_951 : i32 to index
        %swap3A_953 = arith.constant 0 : index
        %swap3A_954 = tpu.vector_load %arg12[%swap3A_952, %swap3A_953] {strides = array<i32>} : memref<400x64xf32, #tpu.memory_space<vmem>>, vector<1x16xf32>,
        %swap3A_955 = vector.shape_cast %swap3A_954 : vector<1x16xf32> to vector<16xf32>
        %swap3A_956 = vector.shape_cast %get3A_944 : vector<16xf32> to vector<1x16xf32>
        tpu.vector_store %arg12[%swap3A_952, %swap3A_953], %swap3A_956 {add = true, strides = array<i32>} : memref<400x64xf32, #tpu.memory_space<vmem>>, vector<1x16xf32>,
        %get3A_957 = arith.index_cast %add3A_940 : i32 to index
        %get3A_958 = arith.constant 16 : index
        %get3A_959 = tpu.vector_load %arg14[%get3A_957, %get3A_958] {strides = array<i32>} : memref<200x64xf32, #tpu.memory_space<vmem>>, vector<1x16xf32>,
        %get3A_960 = vector.shape_cast %get3A_959 : vector<1x16xf32> to vector<16xf32>
        %swap3A_961 = arith.index_cast %add3A_940 : i32 to index
        %swap3A_962 = arith.constant 16 : index
        %swap3A_963 = tpu.vector_load %arg12[%swap3A_961, %swap3A_962] {strides = array<i32>} : memref<400x64xf32, #tpu.memory_space<vmem>>, vector<1x16xf32>,
        %swap3A_964 = vector.shape_cast %swap3A_963 : vector<1x16xf32> to vector<16xf32>
        %swap3A_965 = vector.shape_cast %get3A_960 : vector<16xf32> to vector<1x16xf32>
        tpu.vector_store %arg12[%swap3A_961, %swap3A_962], %swap3A_965 {add = true, strides = array<i32>} : memref<400x64xf32, #tpu.memory_space<vmem>>, vector<1x16xf32>,
        %add3A_966 = arith.constant 200 : i32
        %add3A_967 = arith.addi %add3A_966, %add3A_940 : i32
        %swap3A_968 = arith.index_cast %add3A_967 : i32 to index
        %swap3A_969 = arith.constant 16 : index
        %swap3A_970 = tpu.vector_load %arg12[%swap3A_968, %swap3A_969] {strides = array<i32>} : memref<400x64xf32, #tpu.memory_space<vmem>>, vector<1x16xf32>,
        %swap3A_971 = vector.shape_cast %swap3A_970 : vector<1x16xf32> to vector<16xf32>
        %swap3A_972 = vector.shape_cast %get3A_960 : vector<16xf32> to vector<1x16xf32>
        tpu.vector_store %arg12[%swap3A_968, %swap3A_969], %swap3A_972 {add = true, strides = array<i32>} : memref<400x64xf32, #tpu.memory_space<vmem>>, vector<1x16xf32>,
        %get3A_973 = arith.index_cast %add3A_940 : i32 to index
        %get3A_974 = arith.constant 32 : index
        %get3A_975 = tpu.vector_load %arg14[%get3A_973, %get3A_974] {strides = array<i32>} : memref<200x64xf32, #tpu.memory_space<vmem>>, vector<1x16xf32>,
        %get3A_976 = vector.shape_cast %get3A_975 : vector<1x16xf32> to vector<16xf32>
        %swap3A_977 = arith.index_cast %add3A_940 : i32 to index
        %swap3A_978 = arith.constant 32 : index
        %swap3A_979 = tpu.vector_load %arg12[%swap3A_977, %swap3A_978] {strides = array<i32>} : memref<400x64xf32, #tpu.memory_space<vmem>>, vector<1x16xf32>,
        %swap3A_980 = vector.shape_cast %swap3A_979 : vector<1x16xf32> to vector<16xf32>
        %swap3A_981 = vector.shape_cast %get3A_976 : vector<16xf32> to vector<1x16xf32>
        tpu.vector_store %arg12[%swap3A_977, %swap3A_978], %swap3A_981 {add = true, strides = array<i32>} : memref<400x64xf32, #tpu.memory_space<vmem>>, vector<1x16xf32>,
        %add3A_982 = arith.constant 200 : i32
        %add3A_983 = arith.addi %add3A_982, %add3A_940 : i32
        %swap3A_984 = arith.index_cast %add3A_983 : i32 to index
        %swap3A_985 = arith.constant 32 : index
        %swap3A_986 = tpu.vector_load %arg12[%swap3A_984, %swap3A_985] {strides = array<i32>} : memref<400x64xf32, #tpu.memory_space<vmem>>, vector<1x16xf32>,
        %swap3A_987 = vector.shape_cast %swap3A_986 : vector<1x16xf32> to vector<16xf32>
        %swap3A_988 = vector.shape_cast %get3A_976 : vector<16xf32> to vector<1x16xf32>
        tpu.vector_store %arg12[%swap3A_984, %swap3A_985], %swap3A_988 {add = true, strides = array<i32>} : memref<400x64xf32, #tpu.memory_space<vmem>>, vector<1x16xf32>,
        %get3A_989 = arith.index_cast %add3A_940 : i32 to index
        %get3A_990 = arith.constant 48 : index
        %get3A_991 = tpu.vector_load %arg14[%get3A_989, %get3A_990] {strides = array<i32>} : memref<200x64xf32, #tpu.memory_space<vmem>>, vector<1x16xf32>,
        %get3A_992 = vector.shape_cast %get3A_991 : vector<1x16xf32> to vector<16xf32>
        %swap3A_993 = arith.index_cast %add3A_940 : i32 to index
        %swap3A_994 = arith.constant 48 : index
        %swap3A_995 = tpu.vector_load %arg12[%swap3A_993, %swap3A_994] {strides = array<i32>} : memref<400x64xf32, #tpu.memory_space<vmem>>, vector<1x16xf32>,
        %swap3A_996 = vector.shape_cast %swap3A_995 : vector<1x16xf32> to vector<16xf32>
        %swap3A_997 = vector.shape_cast %get3A_992 : vector<16xf32> to vector<1x16xf32>
        tpu.vector_store %arg12[%swap3A_993, %swap3A_994], %swap3A_997 {add = true, strides = array<i32>} : memref<400x64xf32, #tpu.memory_space<vmem>>, vector<1x16xf32>,
        %add3A_998 = arith.constant 200 : i32
        %add3A_999 = arith.addi %add3A_998, %add3A_940 : i32
        %swap3A_1000 = arith.index_cast %add3A_999 : i32 to index
        %swap3A_1001 = arith.constant 48 : index
        %swap3A_1002 = tpu.vector_load %arg12[%swap3A_1000, %swap3A_1001] {strides = array<i32>} : memref<400x64xf32, #tpu.memory_space<vmem>>, vector<1x16xf32>,
        %swap3A_1003 = vector.shape_cast %swap3A_1002 : vector<1x16xf32> to vector<16xf32>
        %swap3A_1004 = vector.shape_cast %get3A_992 : vector<16xf32> to vector<1x16xf32>
        tpu.vector_store %arg12[%swap3A_1000, %swap3A_1001], %swap3A_1004 {add = true, strides = array<i32>} : memref<400x64xf32, #tpu.memory_space<vmem>>, vector<1x16xf32>,
        %scan3A_1005 = arith.constant 7 : i32
        %scan3A_1006 = arith.addi %scan3A_518, %scan3A_1005 : i32
        %mul3A_1007 = arith.constant 1 : i32
        %mul3A_1008 = arith.muli %scan3A_1006, %mul3A_1007 : i32
        %add3A_1009 = arith.constant 0 : i32
        %add3A_1010 = arith.addi %add3A_1009, %mul3A_1008 : i32
        %get3A_1011 = arith.index_cast %add3A_1010 : i32 to index
        %get3A_1012 = arith.constant 0 : index
        %get3A_1013 = tpu.vector_load %arg14[%get3A_1011, %get3A_1012] {strides = array<i32>} : memref<200x64xf32, #tpu.memory_space<vmem>>, vector<1x16xf32>,
        %get3A_1014 = vector.shape_cast %get3A_1013 : vector<1x16xf32> to vector<16xf32>
        %swap3A_1015 = arith.index_cast %add3A_1010 : i32 to index
        %swap3A_1016 = arith.constant 0 : index
        %swap3A_1017 = tpu.vector_load %arg12[%swap3A_1015, %swap3A_1016] {strides = array<i32>} : memref<400x64xf32, #tpu.memory_space<vmem>>, vector<1x16xf32>,
        %swap3A_1018 = vector.shape_cast %swap3A_1017 : vector<1x16xf32> to vector<16xf32>
        %swap3A_1019 = vector.shape_cast %get3A_1014 : vector<16xf32> to vector<1x16xf32>
        tpu.vector_store %arg12[%swap3A_1015, %swap3A_1016], %swap3A_1019 {add = true, strides = array<i32>} : memref<400x64xf32, #tpu.memory_space<vmem>>, vector<1x16xf32>,
        %add3A_1020 = arith.constant 200 : i32
        %add3A_1021 = arith.addi %add3A_1020, %add3A_1010 : i32
        %swap3A_1022 = arith.index_cast %add3A_1021 : i32 to index
        %swap3A_1023 = arith.constant 0 : index
        %swap3A_1024 = tpu.vector_load %arg12[%swap3A_1022, %swap3A_1023] {strides = array<i32>} : memref<400x64xf32, #tpu.memory_space<vmem>>, vector<1x16xf32>,
        %swap3A_1025 = vector.shape_cast %swap3A_1024 : vector<1x16xf32> to vector<16xf32>
        %swap3A_1026 = vector.shape_cast %get3A_1014 : vector<16xf32> to vector<1x16xf32>
        tpu.vector_store %arg12[%swap3A_1022, %swap3A_1023], %swap3A_1026 {add = true, strides = array<i32>} : memref<400x64xf32, #tpu.memory_space<vmem>>, vector<1x16xf32>,
        %get3A_1027 = arith.index_cast %add3A_1010 : i32 to index
        %get3A_1028 = arith.constant 16 : index
        %get3A_1029 = tpu.vector_load %arg14[%get3A_1027, %get3A_1028] {strides = array<i32>} : memref<200x64xf32, #tpu.memory_space<vmem>>, vector<1x16xf32>,
        %get3A_1030 = vector.shape_cast %get3A_1029 : vector<1x16xf32> to vector<16xf32>
        %swap3A_1031 = arith.index_cast %add3A_1010 : i32 to index
        %swap3A_1032 = arith.constant 16 : index
        %swap3A_1033 = tpu.vector_load %arg12[%swap3A_1031, %swap3A_1032] {strides = array<i32>} : memref<400x64xf32, #tpu.memory_space<vmem>>, vector<1x16xf32>,
        %swap3A_1034 = vector.shape_cast %swap3A_1033 : vector<1x16xf32> to vector<16xf32>
        %swap3A_1035 = vector.shape_cast %get3A_1030 : vector<16xf32> to vector<1x16xf32>
        tpu.vector_store %arg12[%swap3A_1031, %swap3A_1032], %swap3A_1035 {add = true, strides = array<i32>} : memref<400x64xf32, #tpu.memory_space<vmem>>, vector<1x16xf32>,
        %add3A_1036 = arith.constant 200 : i32
        %add3A_1037 = arith.addi %add3A_1036, %add3A_1010 : i32
        %swap3A_1038 = arith.index_cast %add3A_1037 : i32 to index
        %swap3A_1039 = arith.constant 16 : index
        %swap3A_1040 = tpu.vector_load %arg12[%swap3A_1038, %swap3A_1039] {strides = array<i32>} : memref<400x64xf32, #tpu.memory_space<vmem>>, vector<1x16xf32>,
        %swap3A_1041 = vector.shape_cast %swap3A_1040 : vector<1x16xf32> to vector<16xf32>
        %swap3A_1042 = vector.shape_cast %get3A_1030 : vector<16xf32> to vector<1x16xf32>
        tpu.vector_store %arg12[%swap3A_1038, %swap3A_1039], %swap3A_1042 {add = true, strides = array<i32>} : memref<400x64xf32, #tpu.memory_space<vmem>>, vector<1x16xf32>,
        %get3A_1043 = arith.index_cast %add3A_1010 : i32 to index
        %get3A_1044 = arith.constant 32 : index
        %get3A_1045 = tpu.vector_load %arg14[%get3A_1043, %get3A_1044] {strides = array<i32>} : memref<200x64xf32, #tpu.memory_space<vmem>>, vector<1x16xf32>,
        %get3A_1046 = vector.shape_cast %get3A_1045 : vector<1x16xf32> to vector<16xf32>
        %swap3A_1047 = arith.index_cast %add3A_1010 : i32 to index
        %swap3A_1048 = arith.constant 32 : index
        %swap3A_1049 = tpu.vector_load %arg12[%swap3A_1047, %swap3A_1048] {strides = array<i32>} : memref<400x64xf32, #tpu.memory_space<vmem>>, vector<1x16xf32>,
        %swap3A_1050 = vector.shape_cast %swap3A_1049 : vector<1x16xf32> to vector<16xf32>
        %swap3A_1051 = vector.shape_cast %get3A_1046 : vector<16xf32> to vector<1x16xf32>
        tpu.vector_store %arg12[%swap3A_1047, %swap3A_1048], %swap3A_1051 {add = true, strides = array<i32>} : memref<400x64xf32, #tpu.memory_space<vmem>>, vector<1x16xf32>,
        %add3A_1052 = arith.constant 200 : i32
        %add3A_1053 = arith.addi %add3A_1052, %add3A_1010 : i32
        %swap3A_1054 = arith.index_cast %add3A_1053 : i32 to index
        %swap3A_1055 = arith.constant 32 : index
        %swap3A_1056 = tpu.vector_load %arg12[%swap3A_1054, %swap3A_1055] {strides = array<i32>} : memref<400x64xf32, #tpu.memory_space<vmem>>, vector<1x16xf32>,
        %swap3A_1057 = vector.shape_cast %swap3A_1056 : vector<1x16xf32> to vector<16xf32>
        %swap3A_1058 = vector.shape_cast %get3A_1046 : vector<16xf32> to vector<1x16xf32>
        tpu.vector_store %arg12[%swap3A_1054, %swap3A_1055], %swap3A_1058 {add = true, strides = array<i32>} : memref<400x64xf32, #tpu.memory_space<vmem>>, vector<1x16xf32>,
        %get3A_1059 = arith.index_cast %add3A_1010 : i32 to index
        %get3A_1060 = arith.constant 48 : index
        %get3A_1061 = tpu.vector_load %arg14[%get3A_1059, %get3A_1060] {strides = array<i32>} : memref<200x64xf32, #tpu.memory_space<vmem>>, vector<1x16xf32>,
        %get3A_1062 = vector.shape_cast %get3A_1061 : vector<1x16xf32> to vector<16xf32>
        %swap3A_1063 = arith.index_cast %add3A_1010 : i32 to index
        %swap3A_1064 = arith.constant 48 : index
        %swap3A_1065 = tpu.vector_load %arg12[%swap3A_1063, %swap3A_1064] {strides = array<i32>} : memref<400x64xf32, #tpu.memory_space<vmem>>, vector<1x16xf32>,
        %swap3A_1066 = vector.shape_cast %swap3A_1065 : vector<1x16xf32> to vector<16xf32>
        %swap3A_1067 = vector.shape_cast %get3A_1062 : vector<16xf32> to vector<1x16xf32>
        tpu.vector_store %arg12[%swap3A_1063, %swap3A_1064], %swap3A_1067 {add = true, strides = array<i32>} : memref<400x64xf32, #tpu.memory_space<vmem>>, vector<1x16xf32>,
        %add3A_1068 = arith.constant 200 : i32
        %add3A_1069 = arith.addi %add3A_1068, %add3A_1010 : i32
        %swap3A_1070 = arith.index_cast %add3A_1069 : i32 to index
        %swap3A_1071 = arith.constant 48 : index
        %swap3A_1072 = tpu.vector_load %arg12[%swap3A_1070, %swap3A_1071] {strides = array<i32>} : memref<400x64xf32, #tpu.memory_space<vmem>>, vector<1x16xf32>,
        %swap3A_1073 = vector.shape_cast %swap3A_1072 : vector<1x16xf32> to vector<16xf32>
        %swap3A_1074 = vector.shape_cast %get3A_1062 : vector<16xf32> to vector<1x16xf32>
        tpu.vector_store %arg12[%swap3A_1070, %swap3A_1071], %swap3A_1074 {add = true, strides = array<i32>} : memref<400x64xf32, #tpu.memory_space<vmem>>, vector<1x16xf32>,
      }
      %scan3A_416 = arith.constant 200 : i32
      %mul3A_417 = arith.constant 2 : i32
      %mul3A_418 = arith.muli %mul3A_417, %add3A_389 : i32
      %add3A_419 = arith.addi %mul3A_2, %mul3A_418 : i32
      %dma_start3A_420 = arith.constant 0 : i32
      %dma_start3A_421 = arith.constant 0 : i32
      %dma_start3A_422 = tpu.memref_slice %arg12[%dma_start3A_420, %dma_start3A_421] : memref<400x64xf32, #tpu.memory_space<vmem>> -> memref<200x64xf32, #tpu.memory_space<vmem>>
      %dma_start3A_423 = arith.constant 0 : i32
      %dma_start3A_424 = arith.constant 0 : i32
      %dma_start3A_425 = tpu.memref_slice %arg5[%add3A_419, %dma_start3A_423, %dma_start3A_424] : memref<4096x200x64xf32, #tpu.memory_space<hbm>> -> memref<1x200x64xf32, #tpu.memory_space<hbm>>
      %dma_start3A_426 = tpu.memref_squeeze %dma_start3A_425 : memref<1x200x64xf32, #tpu.memory_space<hbm>> -> memref<200x64xf32, #tpu.memory_space<hbm>>
      %dma_start3A_427 = arith.constant 0 : i32
      %dma_start3A_428 = arith.constant 0 : i32
      %dma_start3A_429 = tpu.memref_slice %arg5[%add3A_419, %dma_start3A_427, %dma_start3A_428] : memref<4096x200x64xf32, #tpu.memory_space<hbm>> -> memref<1x200x64xf32, #tpu.memory_space<hbm>>
      %dma_start3A_430 = tpu.memref_squeeze %dma_start3A_429 : memref<1x200x64xf32, #tpu.memory_space<hbm>> -> memref<200x64xf32, #tpu.memory_space<hbm>>
      %dma_start3A_431 = arith.constant 0 : i32
      %dma_start3A_432 = arith.constant 0 : i32
      %dma_start3A_433 = tpu.memref_slice %arg12[%dma_start3A_431, %dma_start3A_432] : memref<400x64xf32, #tpu.memory_space<vmem>> -> memref<200x64xf32, #tpu.memory_space<vmem>>
      tpu.enqueue_dma source(%dma_start3A_433 : memref<200x64xf32, #tpu.memory_space<vmem>>) target(%dma_start3A_430 : memref<200x64xf32, #tpu.memory_space<hbm>>) target_semaphore(%arg25 : memref<!tpu.dma_semaphore, #tpu.memory_space<semaphore_mem>>)
      %mul3A_434 = arith.constant 2 : i32
      %mul3A_435 = arith.muli %mul3A_434, %add3A_389 : i32
      %add3A_436 = arith.addi %mul3A_2, %mul3A_435 : i32
      %add3A_437 = arith.constant 1 : i32
      %add3A_438 = arith.addi %add3A_436, %add3A_437 : i32
      %dma_start3A_439 = arith.constant 200 : i32
      %dma_start3A_440 = arith.constant 0 : i32
      %dma_start3A_441 = tpu.memref_slice %arg12[%dma_start3A_439, %dma_start3A_440] : memref<400x64xf32, #tpu.memory_space<vmem>> -> memref<200x64xf32, #tpu.memory_space<vmem>>
      %dma_start3A_442 = arith.constant 0 : i32
      %dma_start3A_443 = arith.constant 0 : i32
      %dma_start3A_444 = tpu.memref_slice %arg5[%add3A_438, %dma_start3A_442, %dma_start3A_443] : memref<4096x200x64xf32, #tpu.memory_space<hbm>> -> memref<1x200x64xf32, #tpu.memory_space<hbm>>
      %dma_start3A_445 = tpu.memref_squeeze %dma_start3A_444 : memref<1x200x64xf32, #tpu.memory_space<hbm>> -> memref<200x64xf32, #tpu.memory_space<hbm>>
      %dma_start3A_446 = arith.constant 0 : i32
      %dma_start3A_447 = arith.constant 0 : i32
      %dma_start3A_448 = tpu.memref_slice %arg5[%add3A_438, %dma_start3A_446, %dma_start3A_447] : memref<4096x200x64xf32, #tpu.memory_space<hbm>> -> memref<1x200x64xf32, #tpu.memory_space<hbm>>
      %dma_start3A_449 = tpu.memref_squeeze %dma_start3A_448 : memref<1x200x64xf32, #tpu.memory_space<hbm>> -> memref<200x64xf32, #tpu.memory_space<hbm>>
      %dma_start3A_450 = arith.constant 200 : i32
      %dma_start3A_451 = arith.constant 0 : i32
      %dma_start3A_452 = tpu.memref_slice %arg12[%dma_start3A_450, %dma_start3A_451] : memref<400x64xf32, #tpu.memory_space<vmem>> -> memref<200x64xf32, #tpu.memory_space<vmem>>
      tpu.enqueue_dma source(%dma_start3A_452 : memref<200x64xf32, #tpu.memory_space<vmem>>) target(%dma_start3A_449 : memref<200x64xf32, #tpu.memory_space<hbm>>) target_semaphore(%arg25 : memref<!tpu.dma_semaphore, #tpu.memory_space<semaphore_mem>>)
      %add3A_453 = arith.constant 3 : i32
      %add3A_454 = arith.addi %add3A_260, %add3A_453 : i32
      %add3A_455 = arith.constant 2 : i32
      %add3A_456 = arith.addi %add3A_454, %add3A_455 : i32
      %add3A_457 = arith.constant 1 : i32
      %add3A_458 = arith.addi %add3A_456, %add3A_457 : i32
      %lt3A_459 = arith.constant 64 : i32
      %lt3A_460 = arith.cmpi slt, %add3A_458, %lt3A_459 : i32
      %convert_element_type3A_461 = arith.extui %lt3A_460 : i1 to i32
      %cond3A_462 = arith.constant 0 : i32
      %cond3A_463 = arith.cmpi ne, %convert_element_type3A_461, %cond3A_462 : i32
      scf.if %cond3A_463 {
        %add3A_518 = arith.constant 2 : i32
        %add3A_519 = arith.addi %add3A_454, %add3A_518 : i32
        %add3A_520 = arith.constant 1 : i32
        %add3A_521 = arith.addi %add3A_519, %add3A_520 : i32
        %dma_start3A_522 = arith.constant 0 : i32
        %dma_start3A_523 = tpu.memref_slice %arg2[%add3A, %add3A_521, %dma_start3A_522] : memref<32x64x400xi32, #tpu.memory_space<hbm>> -> memref<1x1x400xi32, #tpu.memory_space<hbm>>
        %dma_start3A_524 = tpu.memref_squeeze %dma_start3A_523 : memref<1x1x400xi32, #tpu.memory_space<hbm>> -> memref<400xi32, #tpu.memory_space<hbm>>
        %dma_start3A_525 = arith.constant 0 : i32
        %dma_start3A_526 = tpu.memref_slice %arg2[%add3A, %add3A_521, %dma_start3A_525] : memref<32x64x400xi32, #tpu.memory_space<hbm>> -> memref<1x1x400xi32, #tpu.memory_space<hbm>>
        %dma_start3A_527 = tpu.memref_squeeze %dma_start3A_526 : memref<1x1x400xi32, #tpu.memory_space<hbm>> -> memref<400xi32, #tpu.memory_space<hbm>>
        tpu.enqueue_dma source(%dma_start3A_527 : memref<400xi32, #tpu.memory_space<hbm>>) target(%arg8 : memref<400xi32, #tpu.memory_space<vmem>>) target_semaphore(%arg17 : memref<!tpu.dma_semaphore, #tpu.memory_space<semaphore_mem>>)
      } else {
      }
      %add3A_464 = arith.constant 2 : i32
      %add3A_465 = arith.addi %add3A_454, %add3A_464 : i32
      %lt3A_466 = arith.constant 64 : i32
      %lt3A_467 = arith.cmpi slt, %add3A_465, %lt3A_466 : i32
      %convert_element_type3A_468 = arith.extui %lt3A_467 : i1 to i32
      %cond3A_469 = arith.constant 0 : i32
      %cond3A_470 = arith.cmpi ne, %convert_element_type3A_468, %cond3A_469 : i32
      scf.if %cond3A_470 {
        %add3A_518 = arith.constant 2 : i32
        %add3A_519 = arith.addi %add3A_454, %add3A_518 : i32
        %ge3A = arith.constant 4 : i32
        %ge3A_520 = arith.cmpi sge, %add3A_519, %ge3A : i32
        %convert_element_type3A_521 = arith.extui %ge3A_520 : i1 to i32
        %cond3A_522 = arith.constant 0 : i32
        %cond3A_523 = arith.cmpi ne, %convert_element_type3A_521, %cond3A_522 : i32
        scf.if %cond3A_523 {
          %add3A_573 = arith.constant 2 : i32
          %add3A_574 = arith.addi %add3A_454, %add3A_573 : i32
          %sub3A = arith.constant 4 : i32
          %sub3A_575 = arith.subi %add3A_574, %sub3A : i32
          %mul3A_576 = arith.constant 2 : i32
          %mul3A_577 = arith.muli %mul3A_576, %sub3A_575 : i32
          %add3A_578 = arith.addi %mul3A_2, %mul3A_577 : i32
          %dma_wait3A_579 = arith.constant 0 : i32
          %dma_wait3A_580 = arith.constant 0 : i32
          %dma_wait3A_581 = tpu.memref_slice %arg11[%dma_wait3A_579, %dma_wait3A_580] : memref<400x64xf32, #tpu.memory_space<vmem>> -> memref<200x64xf32, #tpu.memory_space<vmem>>
          %dma_wait3A_582 = arith.constant 0 : i32
          %dma_wait3A_583 = arith.constant 0 : i32
          %dma_wait3A_584 = tpu.memref_slice %arg5[%add3A_578, %dma_wait3A_582, %dma_wait3A_583] : memref<4096x200x64xf32, #tpu.memory_space<hbm>> -> memref<1x200x64xf32, #tpu.memory_space<hbm>>
          %dma_wait3A_585 = tpu.memref_squeeze %dma_wait3A_584 : memref<1x200x64xf32, #tpu.memory_space<hbm>> -> memref<200x64xf32, #tpu.memory_space<hbm>>
          %dma_wait3A_586 = arith.constant 0 : i32
          %dma_wait3A_587 = arith.constant 0 : i32
          %dma_wait3A_588 = tpu.memref_slice %arg5[%add3A_578, %dma_wait3A_586, %dma_wait3A_587] : memref<4096x200x64xf32, #tpu.memory_space<hbm>> -> memref<1x200x64xf32, #tpu.memory_space<hbm>>
          %dma_wait3A_589 = tpu.memref_squeeze %dma_wait3A_588 : memref<1x200x64xf32, #tpu.memory_space<hbm>> -> memref<200x64xf32, #tpu.memory_space<hbm>>
          %dma_wait3A_590 = arith.constant 0 : i32
          %dma_wait3A_591 = arith.constant 0 : i32
          %dma_wait3A_592 = tpu.memref_slice %arg11[%dma_wait3A_590, %dma_wait3A_591] : memref<400x64xf32, #tpu.memory_space<vmem>> -> memref<200x64xf32, #tpu.memory_space<vmem>>
          tpu.wait_dma2 semaphore(%arg24 : memref<!tpu.dma_semaphore, #tpu.memory_space<semaphore_mem>>) src(%dma_wait3A_592 : memref<200x64xf32, #tpu.memory_space<vmem>>) dst(%dma_wait3A_589 : memref<200x64xf32, #tpu.memory_space<hbm>>)
          %mul3A_593 = arith.constant 2 : i32
          %mul3A_594 = arith.muli %mul3A_593, %sub3A_575 : i32
          %add3A_595 = arith.addi %mul3A_2, %mul3A_594 : i32
          %add3A_596 = arith.constant 1 : i32
          %add3A_597 = arith.addi %add3A_595, %add3A_596 : i32
          %dma_wait3A_598 = arith.constant 200 : i32
          %dma_wait3A_599 = arith.constant 0 : i32
          %dma_wait3A_600 = tpu.memref_slice %arg11[%dma_wait3A_598, %dma_wait3A_599] : memref<400x64xf32, #tpu.memory_space<vmem>> -> memref<200x64xf32, #tpu.memory_space<vmem>>
          %dma_wait3A_601 = arith.constant 0 : i32
          %dma_wait3A_602 = arith.constant 0 : i32
          %dma_wait3A_603 = tpu.memref_slice %arg5[%add3A_597, %dma_wait3A_601, %dma_wait3A_602] : memref<4096x200x64xf32, #tpu.memory_space<hbm>> -> memref<1x200x64xf32, #tpu.memory_space<hbm>>
          %dma_wait3A_604 = tpu.memref_squeeze %dma_wait3A_603 : memref<1x200x64xf32, #tpu.memory_space<hbm>> -> memref<200x64xf32, #tpu.memory_space<hbm>>
          %dma_wait3A_605 = arith.constant 0 : i32
          %dma_wait3A_606 = arith.constant 0 : i32
          %dma_wait3A_607 = tpu.memref_slice %arg5[%add3A_597, %dma_wait3A_605, %dma_wait3A_606] : memref<4096x200x64xf32, #tpu.memory_space<hbm>> -> memref<1x200x64xf32, #tpu.memory_space<hbm>>
          %dma_wait3A_608 = tpu.memref_squeeze %dma_wait3A_607 : memref<1x200x64xf32, #tpu.memory_space<hbm>> -> memref<200x64xf32, #tpu.memory_space<hbm>>
          %dma_wait3A_609 = arith.constant 200 : i32
          %dma_wait3A_610 = arith.constant 0 : i32
          %dma_wait3A_611 = tpu.memref_slice %arg11[%dma_wait3A_609, %dma_wait3A_610] : memref<400x64xf32, #tpu.memory_space<vmem>> -> memref<200x64xf32, #tpu.memory_space<vmem>>
          tpu.wait_dma2 semaphore(%arg24 : memref<!tpu.dma_semaphore, #tpu.memory_space<semaphore_mem>>) src(%dma_wait3A_611 : memref<200x64xf32, #tpu.memory_space<vmem>>) dst(%dma_wait3A_608 : memref<200x64xf32, #tpu.memory_space<hbm>>)
        } else {
        }
        %dma_wait3A_524 = arith.constant 0 : i32
        %dma_wait3A_525 = arith.constant 0 : i32
        %dma_wait3A_526 = tpu.memref_slice %arg2[%add3A, %dma_wait3A_524, %dma_wait3A_525] : memref<32x64x400xi32, #tpu.memory_space<hbm>> -> memref<1x1x400xi32, #tpu.memory_space<hbm>>
        %dma_wait3A_527 = tpu.memref_squeeze %dma_wait3A_526 : memref<1x1x400xi32, #tpu.memory_space<hbm>> -> memref<400xi32, #tpu.memory_space<hbm>>
        %dma_wait3A_528 = arith.constant 0 : i32
        %dma_wait3A_529 = tpu.memref_slice %arg2[%add3A, %dma_wait3A_524, %dma_wait3A_528] : memref<32x64x400xi32, #tpu.memory_space<hbm>> -> memref<1x1x400xi32, #tpu.memory_space<hbm>>
        %dma_wait3A_530 = tpu.memref_squeeze %dma_wait3A_529 : memref<1x1x400xi32, #tpu.memory_space<hbm>> -> memref<400xi32, #tpu.memory_space<hbm>>
        tpu.wait_dma2 semaphore(%arg16 : memref<!tpu.dma_semaphore, #tpu.memory_space<semaphore_mem>>) src(%dma_wait3A_530 : memref<400xi32, #tpu.memory_space<hbm>>) dst(%arg7 : memref<400xi32, #tpu.memory_space<vmem>>)
        %add3A_531 = arith.constant 2 : i32
        %add3A_532 = arith.addi %add3A_454, %add3A_531 : i32
        %dma_start3A_533 = arith.constant 0 : i32
        %dma_start3A_534 = arith.constant 0 : i32
        %dma_start3A_535 = tpu.memref_slice %arg11[%dma_start3A_533, %dma_start3A_534] : memref<400x64xf32, #tpu.memory_space<vmem>> -> memref<80x64xf32, #tpu.memory_space<vmem>>
        %dma_start3A_536 = arith.constant 0 : i32
        %dma_start3A_537 = tpu.memref_slice %arg7[%dma_start3A_536] : memref<400xi32, #tpu.memory_space<vmem>> -> memref<80xi32, #tpu.memory_space<vmem>>
        %dma_start3A_538 = arith.constant 0 : i32
        %dma_start3A_539 = arith.constant 0 : i32
        %dma_start3A_540 = tpu.memref_slice %arg3[%dma_start3A_538, %dma_start3A_539] : memref<100000x64xf32, #tpu.memory_space<hbm>> -> memref<100000x64xf32, #tpu.memory_space<hbm>>
        tpu.enqueue_indirect_dma source(%dma_start3A_540 : memref<100000x64xf32, #tpu.memory_space<hbm>>) target(%dma_start3A_535 : memref<80x64xf32, #tpu.memory_space<vmem>>) offsets(%dma_start3A_537 : memref<80xi32, #tpu.memory_space<vmem>>) semaphore(%arg20 : memref<!tpu.dma_semaphore, #tpu.memory_space<semaphore_mem>>)
        %dma_start3A_541 = arith.constant 80 : i32
        %dma_start3A_542 = arith.constant 0 : i32
        %dma_start3A_543 = tpu.memref_slice %arg11[%dma_start3A_541, %dma_start3A_542] : memref<400x64xf32, #tpu.memory_space<vmem>> -> memref<80x64xf32, #tpu.memory_space<vmem>>
        %dma_start3A_544 = arith.constant 80 : i32
        %dma_start3A_545 = tpu.memref_slice %arg7[%dma_start3A_544] : memref<400xi32, #tpu.memory_space<vmem>> -> memref<80xi32, #tpu.memory_space<vmem>>
        %dma_start3A_546 = arith.constant 0 : i32
        %dma_start3A_547 = arith.constant 0 : i32
        %dma_start3A_548 = tpu.memref_slice %arg3[%dma_start3A_546, %dma_start3A_547] : memref<100000x64xf32, #tpu.memory_space<hbm>> -> memref<100000x64xf32, #tpu.memory_space<hbm>>
        tpu.enqueue_indirect_dma source(%dma_start3A_548 : memref<100000x64xf32, #tpu.memory_space<hbm>>) target(%dma_start3A_543 : memref<80x64xf32, #tpu.memory_space<vmem>>) offsets(%dma_start3A_545 : memref<80xi32, #tpu.memory_space<vmem>>) semaphore(%arg20 : memref<!tpu.dma_semaphore, #tpu.memory_space<semaphore_mem>>)
        %dma_start3A_549 = arith.constant 160 : i32
        %dma_start3A_550 = arith.constant 0 : i32
        %dma_start3A_551 = tpu.memref_slice %arg11[%dma_start3A_549, %dma_start3A_550] : memref<400x64xf32, #tpu.memory_space<vmem>> -> memref<80x64xf32, #tpu.memory_space<vmem>>
        %dma_start3A_552 = arith.constant 160 : i32
        %dma_start3A_553 = tpu.memref_slice %arg7[%dma_start3A_552] : memref<400xi32, #tpu.memory_space<vmem>> -> memref<80xi32, #tpu.memory_space<vmem>>
        %dma_start3A_554 = arith.constant 0 : i32
        %dma_start3A_555 = arith.constant 0 : i32
        %dma_start3A_556 = tpu.memref_slice %arg3[%dma_start3A_554, %dma_start3A_555] : memref<100000x64xf32, #tpu.memory_space<hbm>> -> memref<100000x64xf32, #tpu.memory_space<hbm>>
        tpu.enqueue_indirect_dma source(%dma_start3A_556 : memref<100000x64xf32, #tpu.memory_space<hbm>>) target(%dma_start3A_551 : memref<80x64xf32, #tpu.memory_space<vmem>>) offsets(%dma_start3A_553 : memref<80xi32, #tpu.memory_space<vmem>>) semaphore(%arg20 : memref<!tpu.dma_semaphore, #tpu.memory_space<semaphore_mem>>)
        %dma_start3A_557 = arith.constant 240 : i32
        %dma_start3A_558 = arith.constant 0 : i32
        %dma_start3A_559 = tpu.memref_slice %arg11[%dma_start3A_557, %dma_start3A_558] : memref<400x64xf32, #tpu.memory_space<vmem>> -> memref<80x64xf32, #tpu.memory_space<vmem>>
        %dma_start3A_560 = arith.constant 240 : i32
        %dma_start3A_561 = tpu.memref_slice %arg7[%dma_start3A_560] : memref<400xi32, #tpu.memory_space<vmem>> -> memref<80xi32, #tpu.memory_space<vmem>>
        %dma_start3A_562 = arith.constant 0 : i32
        %dma_start3A_563 = arith.constant 0 : i32
        %dma_start3A_564 = tpu.memref_slice %arg3[%dma_start3A_562, %dma_start3A_563] : memref<100000x64xf32, #tpu.memory_space<hbm>> -> memref<100000x64xf32, #tpu.memory_space<hbm>>
        tpu.enqueue_indirect_dma source(%dma_start3A_564 : memref<100000x64xf32, #tpu.memory_space<hbm>>) target(%dma_start3A_559 : memref<80x64xf32, #tpu.memory_space<vmem>>) offsets(%dma_start3A_561 : memref<80xi32, #tpu.memory_space<vmem>>) semaphore(%arg20 : memref<!tpu.dma_semaphore, #tpu.memory_space<semaphore_mem>>)
        %dma_start3A_565 = arith.constant 320 : i32
        %dma_start3A_566 = arith.constant 0 : i32
        %dma_start3A_567 = tpu.memref_slice %arg11[%dma_start3A_565, %dma_start3A_566] : memref<400x64xf32, #tpu.memory_space<vmem>> -> memref<80x64xf32, #tpu.memory_space<vmem>>
        %dma_start3A_568 = arith.constant 320 : i32
        %dma_start3A_569 = tpu.memref_slice %arg7[%dma_start3A_568] : memref<400xi32, #tpu.memory_space<vmem>> -> memref<80xi32, #tpu.memory_space<vmem>>
        %dma_start3A_570 = arith.constant 0 : i32
        %dma_start3A_571 = arith.constant 0 : i32
        %dma_start3A_572 = tpu.memref_slice %arg3[%dma_start3A_570, %dma_start3A_571] : memref<100000x64xf32, #tpu.memory_space<hbm>> -> memref<100000x64xf32, #tpu.memory_space<hbm>>
        tpu.enqueue_indirect_dma source(%dma_start3A_572 : memref<100000x64xf32, #tpu.memory_space<hbm>>) target(%dma_start3A_567 : memref<80x64xf32, #tpu.memory_space<vmem>>) offsets(%dma_start3A_569 : memref<80xi32, #tpu.memory_space<vmem>>) semaphore(%arg20 : memref<!tpu.dma_semaphore, #tpu.memory_space<semaphore_mem>>)
      } else {
      }
      %dma_wait3A_471 = arith.constant 0 : i32
      %dma_wait3A_472 = arith.constant 0 : i32
      %dma_wait3A_473 = tpu.memref_slice %arg3[%dma_wait3A_471, %dma_wait3A_472] : memref<100000x64xf32, #tpu.memory_space<hbm>> -> memref<400x64xf32, #tpu.memory_space<hbm>>
      %dma_wait3A_474 = arith.constant 0 : i32
      %dma_wait3A_475 = arith.constant 0 : i32
      %dma_wait3A_476 = tpu.memref_slice %arg3[%dma_wait3A_474, %dma_wait3A_475] : memref<100000x64xf32, #tpu.memory_space<hbm>> -> memref<400x64xf32, #tpu.memory_space<hbm>>
      tpu.wait_dma2 semaphore(%arg22 : memref<!tpu.dma_semaphore, #tpu.memory_space<semaphore_mem>>) src(%dma_wait3A_476 : memref<400x64xf32, #tpu.memory_space<hbm>>) dst(%arg13 : memref<400x64xf32, #tpu.memory_space<vmem>>)
      %scan3A_477 = arith.constant 0 : i32
      %scan3A_478 = arith.constant 200 : i32
      %scan3A_479 = arith.addi %scan3A_477, %scan3A_478 : i32
      %scan3A_480 = arith.constant 8 : i32
      scf.for %scan3A_518 = %scan3A_477 to %scan3A_479 step %scan3A_480  : i32 {
        %mul3A_519 = arith.constant 1 : i32
        %mul3A_520 = arith.muli %scan3A_518, %mul3A_519 : i32
        %add3A_521 = arith.constant 0 : i32
        %add3A_522 = arith.addi %add3A_521, %mul3A_520 : i32
        %get3A = arith.index_cast %add3A_522 : i32 to index
        %get3A_523 = arith.constant 0 : index
        %get3A_524 = tpu.vector_load %arg14[%get3A, %get3A_523] {strides = array<i32>} : memref<200x64xf32, #tpu.memory_space<vmem>>, vector<1x16xf32>,
        %get3A_525 = vector.shape_cast %get3A_524 : vector<1x16xf32> to vector<16xf32>
        %swap3A = arith.index_cast %add3A_522 : i32 to index
        %swap3A_526 = arith.constant 0 : index
        %swap3A_527 = tpu.vector_load %arg13[%swap3A, %swap3A_526] {strides = array<i32>} : memref<400x64xf32, #tpu.memory_space<vmem>>, vector<1x16xf32>,
        %swap3A_528 = vector.shape_cast %swap3A_527 : vector<1x16xf32> to vector<16xf32>
        %swap3A_529 = vector.shape_cast %get3A_525 : vector<16xf32> to vector<1x16xf32>
        tpu.vector_store %arg13[%swap3A, %swap3A_526], %swap3A_529 {add = true, strides = array<i32>} : memref<400x64xf32, #tpu.memory_space<vmem>>, vector<1x16xf32>,
        %add3A_530 = arith.constant 200 : i32
        %add3A_531 = arith.addi %add3A_530, %add3A_522 : i32
        %swap3A_532 = arith.index_cast %add3A_531 : i32 to index
        %swap3A_533 = arith.constant 0 : index
        %swap3A_534 = tpu.vector_load %arg13[%swap3A_532, %swap3A_533] {strides = array<i32>} : memref<400x64xf32, #tpu.memory_space<vmem>>, vector<1x16xf32>,
        %swap3A_535 = vector.shape_cast %swap3A_534 : vector<1x16xf32> to vector<16xf32>
        %swap3A_536 = vector.shape_cast %get3A_525 : vector<16xf32> to vector<1x16xf32>
        tpu.vector_store %arg13[%swap3A_532, %swap3A_533], %swap3A_536 {add = true, strides = array<i32>} : memref<400x64xf32, #tpu.memory_space<vmem>>, vector<1x16xf32>,
        %get3A_537 = arith.index_cast %add3A_522 : i32 to index
        %get3A_538 = arith.constant 16 : index
        %get3A_539 = tpu.vector_load %arg14[%get3A_537, %get3A_538] {strides = array<i32>} : memref<200x64xf32, #tpu.memory_space<vmem>>, vector<1x16xf32>,
        %get3A_540 = vector.shape_cast %get3A_539 : vector<1x16xf32> to vector<16xf32>
        %swap3A_541 = arith.index_cast %add3A_522 : i32 to index
        %swap3A_542 = arith.constant 16 : index
        %swap3A_543 = tpu.vector_load %arg13[%swap3A_541, %swap3A_542] {strides = array<i32>} : memref<400x64xf32, #tpu.memory_space<vmem>>, vector<1x16xf32>,
        %swap3A_544 = vector.shape_cast %swap3A_543 : vector<1x16xf32> to vector<16xf32>
        %swap3A_545 = vector.shape_cast %get3A_540 : vector<16xf32> to vector<1x16xf32>
        tpu.vector_store %arg13[%swap3A_541, %swap3A_542], %swap3A_545 {add = true, strides = array<i32>} : memref<400x64xf32, #tpu.memory_space<vmem>>, vector<1x16xf32>,
        %add3A_546 = arith.constant 200 : i32
        %add3A_547 = arith.addi %add3A_546, %add3A_522 : i32
        %swap3A_548 = arith.index_cast %add3A_547 : i32 to index
        %swap3A_549 = arith.constant 16 : index
        %swap3A_550 = tpu.vector_load %arg13[%swap3A_548, %swap3A_549] {strides = array<i32>} : memref<400x64xf32, #tpu.memory_space<vmem>>, vector<1x16xf32>,
        %swap3A_551 = vector.shape_cast %swap3A_550 : vector<1x16xf32> to vector<16xf32>
        %swap3A_552 = vector.shape_cast %get3A_540 : vector<16xf32> to vector<1x16xf32>
        tpu.vector_store %arg13[%swap3A_548, %swap3A_549], %swap3A_552 {add = true, strides = array<i32>} : memref<400x64xf32, #tpu.memory_space<vmem>>, vector<1x16xf32>,
        %get3A_553 = arith.index_cast %add3A_522 : i32 to index
        %get3A_554 = arith.constant 32 : index
        %get3A_555 = tpu.vector_load %arg14[%get3A_553, %get3A_554] {strides = array<i32>} : memref<200x64xf32, #tpu.memory_space<vmem>>, vector<1x16xf32>,
        %get3A_556 = vector.shape_cast %get3A_555 : vector<1x16xf32> to vector<16xf32>
        %swap3A_557 = arith.index_cast %add3A_522 : i32 to index
        %swap3A_558 = arith.constant 32 : index
        %swap3A_559 = tpu.vector_load %arg13[%swap3A_557, %swap3A_558] {strides = array<i32>} : memref<400x64xf32, #tpu.memory_space<vmem>>, vector<1x16xf32>,
        %swap3A_560 = vector.shape_cast %swap3A_559 : vector<1x16xf32> to vector<16xf32>
        %swap3A_561 = vector.shape_cast %get3A_556 : vector<16xf32> to vector<1x16xf32>
        tpu.vector_store %arg13[%swap3A_557, %swap3A_558], %swap3A_561 {add = true, strides = array<i32>} : memref<400x64xf32, #tpu.memory_space<vmem>>, vector<1x16xf32>,
        %add3A_562 = arith.constant 200 : i32
        %add3A_563 = arith.addi %add3A_562, %add3A_522 : i32
        %swap3A_564 = arith.index_cast %add3A_563 : i32 to index
        %swap3A_565 = arith.constant 32 : index
        %swap3A_566 = tpu.vector_load %arg13[%swap3A_564, %swap3A_565] {strides = array<i32>} : memref<400x64xf32, #tpu.memory_space<vmem>>, vector<1x16xf32>,
        %swap3A_567 = vector.shape_cast %swap3A_566 : vector<1x16xf32> to vector<16xf32>
        %swap3A_568 = vector.shape_cast %get3A_556 : vector<16xf32> to vector<1x16xf32>
        tpu.vector_store %arg13[%swap3A_564, %swap3A_565], %swap3A_568 {add = true, strides = array<i32>} : memref<400x64xf32, #tpu.memory_space<vmem>>, vector<1x16xf32>,
        %get3A_569 = arith.index_cast %add3A_522 : i32 to index
        %get3A_570 = arith.constant 48 : index
        %get3A_571 = tpu.vector_load %arg14[%get3A_569, %get3A_570] {strides = array<i32>} : memref<200x64xf32, #tpu.memory_space<vmem>>, vector<1x16xf32>,
        %get3A_572 = vector.shape_cast %get3A_571 : vector<1x16xf32> to vector<16xf32>
        %swap3A_573 = arith.index_cast %add3A_522 : i32 to index
        %swap3A_574 = arith.constant 48 : index
        %swap3A_575 = tpu.vector_load %arg13[%swap3A_573, %swap3A_574] {strides = array<i32>} : memref<400x64xf32, #tpu.memory_space<vmem>>, vector<1x16xf32>,
        %swap3A_576 = vector.shape_cast %swap3A_575 : vector<1x16xf32> to vector<16xf32>
        %swap3A_577 = vector.shape_cast %get3A_572 : vector<16xf32> to vector<1x16xf32>
        tpu.vector_store %arg13[%swap3A_573, %swap3A_574], %swap3A_577 {add = true, strides = array<i32>} : memref<400x64xf32, #tpu.memory_space<vmem>>, vector<1x16xf32>,
        %add3A_578 = arith.constant 200 : i32
        %add3A_579 = arith.addi %add3A_578, %add3A_522 : i32
        %swap3A_580 = arith.index_cast %add3A_579 : i32 to index
        %swap3A_581 = arith.constant 48 : index
        %swap3A_582 = tpu.vector_load %arg13[%swap3A_580, %swap3A_581] {strides = array<i32>} : memref<400x64xf32, #tpu.memory_space<vmem>>, vector<1x16xf32>,
        %swap3A_583 = vector.shape_cast %swap3A_582 : vector<1x16xf32> to vector<16xf32>
        %swap3A_584 = vector.shape_cast %get3A_572 : vector<16xf32> to vector<1x16xf32>
        tpu.vector_store %arg13[%swap3A_580, %swap3A_581], %swap3A_584 {add = true, strides = array<i32>} : memref<400x64xf32, #tpu.memory_space<vmem>>, vector<1x16xf32>,
        %scan3A_585 = arith.constant 1 : i32
        %scan3A_586 = arith.addi %scan3A_518, %scan3A_585 : i32
        %mul3A_587 = arith.constant 1 : i32
        %mul3A_588 = arith.muli %scan3A_586, %mul3A_587 : i32
        %add3A_589 = arith.constant 0 : i32
        %add3A_590 = arith.addi %add3A_589, %mul3A_588 : i32
        %get3A_591 = arith.index_cast %add3A_590 : i32 to index
        %get3A_592 = arith.constant 0 : index
        %get3A_593 = tpu.vector_load %arg14[%get3A_591, %get3A_592] {strides = array<i32>} : memref<200x64xf32, #tpu.memory_space<vmem>>, vector<1x16xf32>,
        %get3A_594 = vector.shape_cast %get3A_593 : vector<1x16xf32> to vector<16xf32>
        %swap3A_595 = arith.index_cast %add3A_590 : i32 to index
        %swap3A_596 = arith.constant 0 : index
        %swap3A_597 = tpu.vector_load %arg13[%swap3A_595, %swap3A_596] {strides = array<i32>} : memref<400x64xf32, #tpu.memory_space<vmem>>, vector<1x16xf32>,
        %swap3A_598 = vector.shape_cast %swap3A_597 : vector<1x16xf32> to vector<16xf32>
        %swap3A_599 = vector.shape_cast %get3A_594 : vector<16xf32> to vector<1x16xf32>
        tpu.vector_store %arg13[%swap3A_595, %swap3A_596], %swap3A_599 {add = true, strides = array<i32>} : memref<400x64xf32, #tpu.memory_space<vmem>>, vector<1x16xf32>,
        %add3A_600 = arith.constant 200 : i32
        %add3A_601 = arith.addi %add3A_600, %add3A_590 : i32
        %swap3A_602 = arith.index_cast %add3A_601 : i32 to index
        %swap3A_603 = arith.constant 0 : index
        %swap3A_604 = tpu.vector_load %arg13[%swap3A_602, %swap3A_603] {strides = array<i32>} : memref<400x64xf32, #tpu.memory_space<vmem>>, vector<1x16xf32>,
        %swap3A_605 = vector.shape_cast %swap3A_604 : vector<1x16xf32> to vector<16xf32>
        %swap3A_606 = vector.shape_cast %get3A_594 : vector<16xf32> to vector<1x16xf32>
        tpu.vector_store %arg13[%swap3A_602, %swap3A_603], %swap3A_606 {add = true, strides = array<i32>} : memref<400x64xf32, #tpu.memory_space<vmem>>, vector<1x16xf32>,
        %get3A_607 = arith.index_cast %add3A_590 : i32 to index
        %get3A_608 = arith.constant 16 : index
        %get3A_609 = tpu.vector_load %arg14[%get3A_607, %get3A_608] {strides = array<i32>} : memref<200x64xf32, #tpu.memory_space<vmem>>, vector<1x16xf32>,
        %get3A_610 = vector.shape_cast %get3A_609 : vector<1x16xf32> to vector<16xf32>
        %swap3A_611 = arith.index_cast %add3A_590 : i32 to index
        %swap3A_612 = arith.constant 16 : index
        %swap3A_613 = tpu.vector_load %arg13[%swap3A_611, %swap3A_612] {strides = array<i32>} : memref<400x64xf32, #tpu.memory_space<vmem>>, vector<1x16xf32>,
        %swap3A_614 = vector.shape_cast %swap3A_613 : vector<1x16xf32> to vector<16xf32>
        %swap3A_615 = vector.shape_cast %get3A_610 : vector<16xf32> to vector<1x16xf32>
        tpu.vector_store %arg13[%swap3A_611, %swap3A_612], %swap3A_615 {add = true, strides = array<i32>} : memref<400x64xf32, #tpu.memory_space<vmem>>, vector<1x16xf32>,
        %add3A_616 = arith.constant 200 : i32
        %add3A_617 = arith.addi %add3A_616, %add3A_590 : i32
        %swap3A_618 = arith.index_cast %add3A_617 : i32 to index
        %swap3A_619 = arith.constant 16 : index
        %swap3A_620 = tpu.vector_load %arg13[%swap3A_618, %swap3A_619] {strides = array<i32>} : memref<400x64xf32, #tpu.memory_space<vmem>>, vector<1x16xf32>,
        %swap3A_621 = vector.shape_cast %swap3A_620 : vector<1x16xf32> to vector<16xf32>
        %swap3A_622 = vector.shape_cast %get3A_610 : vector<16xf32> to vector<1x16xf32>
        tpu.vector_store %arg13[%swap3A_618, %swap3A_619], %swap3A_622 {add = true, strides = array<i32>} : memref<400x64xf32, #tpu.memory_space<vmem>>, vector<1x16xf32>,
        %get3A_623 = arith.index_cast %add3A_590 : i32 to index
        %get3A_624 = arith.constant 32 : index
        %get3A_625 = tpu.vector_load %arg14[%get3A_623, %get3A_624] {strides = array<i32>} : memref<200x64xf32, #tpu.memory_space<vmem>>, vector<1x16xf32>,
        %get3A_626 = vector.shape_cast %get3A_625 : vector<1x16xf32> to vector<16xf32>
        %swap3A_627 = arith.index_cast %add3A_590 : i32 to index
        %swap3A_628 = arith.constant 32 : index
        %swap3A_629 = tpu.vector_load %arg13[%swap3A_627, %swap3A_628] {strides = array<i32>} : memref<400x64xf32, #tpu.memory_space<vmem>>, vector<1x16xf32>,
        %swap3A_630 = vector.shape_cast %swap3A_629 : vector<1x16xf32> to vector<16xf32>
        %swap3A_631 = vector.shape_cast %get3A_626 : vector<16xf32> to vector<1x16xf32>
        tpu.vector_store %arg13[%swap3A_627, %swap3A_628], %swap3A_631 {add = true, strides = array<i32>} : memref<400x64xf32, #tpu.memory_space<vmem>>, vector<1x16xf32>,
        %add3A_632 = arith.constant 200 : i32
        %add3A_633 = arith.addi %add3A_632, %add3A_590 : i32
        %swap3A_634 = arith.index_cast %add3A_633 : i32 to index
        %swap3A_635 = arith.constant 32 : index
        %swap3A_636 = tpu.vector_load %arg13[%swap3A_634, %swap3A_635] {strides = array<i32>} : memref<400x64xf32, #tpu.memory_space<vmem>>, vector<1x16xf32>,
        %swap3A_637 = vector.shape_cast %swap3A_636 : vector<1x16xf32> to vector<16xf32>
        %swap3A_638 = vector.shape_cast %get3A_626 : vector<16xf32> to vector<1x16xf32>
        tpu.vector_store %arg13[%swap3A_634, %swap3A_635], %swap3A_638 {add = true, strides = array<i32>} : memref<400x64xf32, #tpu.memory_space<vmem>>, vector<1x16xf32>,
        %get3A_639 = arith.index_cast %add3A_590 : i32 to index
        %get3A_640 = arith.constant 48 : index
        %get3A_641 = tpu.vector_load %arg14[%get3A_639, %get3A_640] {strides = array<i32>} : memref<200x64xf32, #tpu.memory_space<vmem>>, vector<1x16xf32>,
        %get3A_642 = vector.shape_cast %get3A_641 : vector<1x16xf32> to vector<16xf32>
        %swap3A_643 = arith.index_cast %add3A_590 : i32 to index
        %swap3A_644 = arith.constant 48 : index
        %swap3A_645 = tpu.vector_load %arg13[%swap3A_643, %swap3A_644] {strides = array<i32>} : memref<400x64xf32, #tpu.memory_space<vmem>>, vector<1x16xf32>,
        %swap3A_646 = vector.shape_cast %swap3A_645 : vector<1x16xf32> to vector<16xf32>
        %swap3A_647 = vector.shape_cast %get3A_642 : vector<16xf32> to vector<1x16xf32>
        tpu.vector_store %arg13[%swap3A_643, %swap3A_644], %swap3A_647 {add = true, strides = array<i32>} : memref<400x64xf32, #tpu.memory_space<vmem>>, vector<1x16xf32>,
        %add3A_648 = arith.constant 200 : i32
        %add3A_649 = arith.addi %add3A_648, %add3A_590 : i32
        %swap3A_650 = arith.index_cast %add3A_649 : i32 to index
        %swap3A_651 = arith.constant 48 : index
        %swap3A_652 = tpu.vector_load %arg13[%swap3A_650, %swap3A_651] {strides = array<i32>} : memref<400x64xf32, #tpu.memory_space<vmem>>, vector<1x16xf32>,
        %swap3A_653 = vector.shape_cast %swap3A_652 : vector<1x16xf32> to vector<16xf32>
        %swap3A_654 = vector.shape_cast %get3A_642 : vector<16xf32> to vector<1x16xf32>
        tpu.vector_store %arg13[%swap3A_650, %swap3A_651], %swap3A_654 {add = true, strides = array<i32>} : memref<400x64xf32, #tpu.memory_space<vmem>>, vector<1x16xf32>,
        %scan3A_655 = arith.constant 2 : i32
        %scan3A_656 = arith.addi %scan3A_518, %scan3A_655 : i32
        %mul3A_657 = arith.constant 1 : i32
        %mul3A_658 = arith.muli %scan3A_656, %mul3A_657 : i32
        %add3A_659 = arith.constant 0 : i32
        %add3A_660 = arith.addi %add3A_659, %mul3A_658 : i32
        %get3A_661 = arith.index_cast %add3A_660 : i32 to index
        %get3A_662 = arith.constant 0 : index
        %get3A_663 = tpu.vector_load %arg14[%get3A_661, %get3A_662] {strides = array<i32>} : memref<200x64xf32, #tpu.memory_space<vmem>>, vector<1x16xf32>,
        %get3A_664 = vector.shape_cast %get3A_663 : vector<1x16xf32> to vector<16xf32>
        %swap3A_665 = arith.index_cast %add3A_660 : i32 to index
        %swap3A_666 = arith.constant 0 : index
        %swap3A_667 = tpu.vector_load %arg13[%swap3A_665, %swap3A_666] {strides = array<i32>} : memref<400x64xf32, #tpu.memory_space<vmem>>, vector<1x16xf32>,
        %swap3A_668 = vector.shape_cast %swap3A_667 : vector<1x16xf32> to vector<16xf32>
        %swap3A_669 = vector.shape_cast %get3A_664 : vector<16xf32> to vector<1x16xf32>
        tpu.vector_store %arg13[%swap3A_665, %swap3A_666], %swap3A_669 {add = true, strides = array<i32>} : memref<400x64xf32, #tpu.memory_space<vmem>>, vector<1x16xf32>,
        %add3A_670 = arith.constant 200 : i32
        %add3A_671 = arith.addi %add3A_670, %add3A_660 : i32
        %swap3A_672 = arith.index_cast %add3A_671 : i32 to index
        %swap3A_673 = arith.constant 0 : index
        %swap3A_674 = tpu.vector_load %arg13[%swap3A_672, %swap3A_673] {strides = array<i32>} : memref<400x64xf32, #tpu.memory_space<vmem>>, vector<1x16xf32>,
        %swap3A_675 = vector.shape_cast %swap3A_674 : vector<1x16xf32> to vector<16xf32>
        %swap3A_676 = vector.shape_cast %get3A_664 : vector<16xf32> to vector<1x16xf32>
        tpu.vector_store %arg13[%swap3A_672, %swap3A_673], %swap3A_676 {add = true, strides = array<i32>} : memref<400x64xf32, #tpu.memory_space<vmem>>, vector<1x16xf32>,
        %get3A_677 = arith.index_cast %add3A_660 : i32 to index
        %get3A_678 = arith.constant 16 : index
        %get3A_679 = tpu.vector_load %arg14[%get3A_677, %get3A_678] {strides = array<i32>} : memref<200x64xf32, #tpu.memory_space<vmem>>, vector<1x16xf32>,
        %get3A_680 = vector.shape_cast %get3A_679 : vector<1x16xf32> to vector<16xf32>
        %swap3A_681 = arith.index_cast %add3A_660 : i32 to index
        %swap3A_682 = arith.constant 16 : index
        %swap3A_683 = tpu.vector_load %arg13[%swap3A_681, %swap3A_682] {strides = array<i32>} : memref<400x64xf32, #tpu.memory_space<vmem>>, vector<1x16xf32>,
        %swap3A_684 = vector.shape_cast %swap3A_683 : vector<1x16xf32> to vector<16xf32>
        %swap3A_685 = vector.shape_cast %get3A_680 : vector<16xf32> to vector<1x16xf32>
        tpu.vector_store %arg13[%swap3A_681, %swap3A_682], %swap3A_685 {add = true, strides = array<i32>} : memref<400x64xf32, #tpu.memory_space<vmem>>, vector<1x16xf32>,
        %add3A_686 = arith.constant 200 : i32
        %add3A_687 = arith.addi %add3A_686, %add3A_660 : i32
        %swap3A_688 = arith.index_cast %add3A_687 : i32 to index
        %swap3A_689 = arith.constant 16 : index
        %swap3A_690 = tpu.vector_load %arg13[%swap3A_688, %swap3A_689] {strides = array<i32>} : memref<400x64xf32, #tpu.memory_space<vmem>>, vector<1x16xf32>,
        %swap3A_691 = vector.shape_cast %swap3A_690 : vector<1x16xf32> to vector<16xf32>
        %swap3A_692 = vector.shape_cast %get3A_680 : vector<16xf32> to vector<1x16xf32>
        tpu.vector_store %arg13[%swap3A_688, %swap3A_689], %swap3A_692 {add = true, strides = array<i32>} : memref<400x64xf32, #tpu.memory_space<vmem>>, vector<1x16xf32>,
        %get3A_693 = arith.index_cast %add3A_660 : i32 to index
        %get3A_694 = arith.constant 32 : index
        %get3A_695 = tpu.vector_load %arg14[%get3A_693, %get3A_694] {strides = array<i32>} : memref<200x64xf32, #tpu.memory_space<vmem>>, vector<1x16xf32>,
        %get3A_696 = vector.shape_cast %get3A_695 : vector<1x16xf32> to vector<16xf32>
        %swap3A_697 = arith.index_cast %add3A_660 : i32 to index
        %swap3A_698 = arith.constant 32 : index
        %swap3A_699 = tpu.vector_load %arg13[%swap3A_697, %swap3A_698] {strides = array<i32>} : memref<400x64xf32, #tpu.memory_space<vmem>>, vector<1x16xf32>,
        %swap3A_700 = vector.shape_cast %swap3A_699 : vector<1x16xf32> to vector<16xf32>
        %swap3A_701 = vector.shape_cast %get3A_696 : vector<16xf32> to vector<1x16xf32>
        tpu.vector_store %arg13[%swap3A_697, %swap3A_698], %swap3A_701 {add = true, strides = array<i32>} : memref<400x64xf32, #tpu.memory_space<vmem>>, vector<1x16xf32>,
        %add3A_702 = arith.constant 200 : i32
        %add3A_703 = arith.addi %add3A_702, %add3A_660 : i32
        %swap3A_704 = arith.index_cast %add3A_703 : i32 to index
        %swap3A_705 = arith.constant 32 : index
        %swap3A_706 = tpu.vector_load %arg13[%swap3A_704, %swap3A_705] {strides = array<i32>} : memref<400x64xf32, #tpu.memory_space<vmem>>, vector<1x16xf32>,
        %swap3A_707 = vector.shape_cast %swap3A_706 : vector<1x16xf32> to vector<16xf32>
        %swap3A_708 = vector.shape_cast %get3A_696 : vector<16xf32> to vector<1x16xf32>
        tpu.vector_store %arg13[%swap3A_704, %swap3A_705], %swap3A_708 {add = true, strides = array<i32>} : memref<400x64xf32, #tpu.memory_space<vmem>>, vector<1x16xf32>,
        %get3A_709 = arith.index_cast %add3A_660 : i32 to index
        %get3A_710 = arith.constant 48 : index
        %get3A_711 = tpu.vector_load %arg14[%get3A_709, %get3A_710] {strides = array<i32>} : memref<200x64xf32, #tpu.memory_space<vmem>>, vector<1x16xf32>,
        %get3A_712 = vector.shape_cast %get3A_711 : vector<1x16xf32> to vector<16xf32>
        %swap3A_713 = arith.index_cast %add3A_660 : i32 to index
        %swap3A_714 = arith.constant 48 : index
        %swap3A_715 = tpu.vector_load %arg13[%swap3A_713, %swap3A_714] {strides = array<i32>} : memref<400x64xf32, #tpu.memory_space<vmem>>, vector<1x16xf32>,
        %swap3A_716 = vector.shape_cast %swap3A_715 : vector<1x16xf32> to vector<16xf32>
        %swap3A_717 = vector.shape_cast %get3A_712 : vector<16xf32> to vector<1x16xf32>
        tpu.vector_store %arg13[%swap3A_713, %swap3A_714], %swap3A_717 {add = true, strides = array<i32>} : memref<400x64xf32, #tpu.memory_space<vmem>>, vector<1x16xf32>,
        %add3A_718 = arith.constant 200 : i32
        %add3A_719 = arith.addi %add3A_718, %add3A_660 : i32
        %swap3A_720 = arith.index_cast %add3A_719 : i32 to index
        %swap3A_721 = arith.constant 48 : index
        %swap3A_722 = tpu.vector_load %arg13[%swap3A_720, %swap3A_721] {strides = array<i32>} : memref<400x64xf32, #tpu.memory_space<vmem>>, vector<1x16xf32>,
        %swap3A_723 = vector.shape_cast %swap3A_722 : vector<1x16xf32> to vector<16xf32>
        %swap3A_724 = vector.shape_cast %get3A_712 : vector<16xf32> to vector<1x16xf32>
        tpu.vector_store %arg13[%swap3A_720, %swap3A_721], %swap3A_724 {add = true, strides = array<i32>} : memref<400x64xf32, #tpu.memory_space<vmem>>, vector<1x16xf32>,
        %scan3A_725 = arith.constant 3 : i32
        %scan3A_726 = arith.addi %scan3A_518, %scan3A_725 : i32
        %mul3A_727 = arith.constant 1 : i32
        %mul3A_728 = arith.muli %scan3A_726, %mul3A_727 : i32
        %add3A_729 = arith.constant 0 : i32
        %add3A_730 = arith.addi %add3A_729, %mul3A_728 : i32
        %get3A_731 = arith.index_cast %add3A_730 : i32 to index
        %get3A_732 = arith.constant 0 : index
        %get3A_733 = tpu.vector_load %arg14[%get3A_731, %get3A_732] {strides = array<i32>} : memref<200x64xf32, #tpu.memory_space<vmem>>, vector<1x16xf32>,
        %get3A_734 = vector.shape_cast %get3A_733 : vector<1x16xf32> to vector<16xf32>
        %swap3A_735 = arith.index_cast %add3A_730 : i32 to index
        %swap3A_736 = arith.constant 0 : index
        %swap3A_737 = tpu.vector_load %arg13[%swap3A_735, %swap3A_736] {strides = array<i32>} : memref<400x64xf32, #tpu.memory_space<vmem>>, vector<1x16xf32>,
        %swap3A_738 = vector.shape_cast %swap3A_737 : vector<1x16xf32> to vector<16xf32>
        %swap3A_739 = vector.shape_cast %get3A_734 : vector<16xf32> to vector<1x16xf32>
        tpu.vector_store %arg13[%swap3A_735, %swap3A_736], %swap3A_739 {add = true, strides = array<i32>} : memref<400x64xf32, #tpu.memory_space<vmem>>, vector<1x16xf32>,
        %add3A_740 = arith.constant 200 : i32
        %add3A_741 = arith.addi %add3A_740, %add3A_730 : i32
        %swap3A_742 = arith.index_cast %add3A_741 : i32 to index
        %swap3A_743 = arith.constant 0 : index
        %swap3A_744 = tpu.vector_load %arg13[%swap3A_742, %swap3A_743] {strides = array<i32>} : memref<400x64xf32, #tpu.memory_space<vmem>>, vector<1x16xf32>,
        %swap3A_745 = vector.shape_cast %swap3A_744 : vector<1x16xf32> to vector<16xf32>
        %swap3A_746 = vector.shape_cast %get3A_734 : vector<16xf32> to vector<1x16xf32>
        tpu.vector_store %arg13[%swap3A_742, %swap3A_743], %swap3A_746 {add = true, strides = array<i32>} : memref<400x64xf32, #tpu.memory_space<vmem>>, vector<1x16xf32>,
        %get3A_747 = arith.index_cast %add3A_730 : i32 to index
        %get3A_748 = arith.constant 16 : index
        %get3A_749 = tpu.vector_load %arg14[%get3A_747, %get3A_748] {strides = array<i32>} : memref<200x64xf32, #tpu.memory_space<vmem>>, vector<1x16xf32>,
        %get3A_750 = vector.shape_cast %get3A_749 : vector<1x16xf32> to vector<16xf32>
        %swap3A_751 = arith.index_cast %add3A_730 : i32 to index
        %swap3A_752 = arith.constant 16 : index
        %swap3A_753 = tpu.vector_load %arg13[%swap3A_751, %swap3A_752] {strides = array<i32>} : memref<400x64xf32, #tpu.memory_space<vmem>>, vector<1x16xf32>,
        %swap3A_754 = vector.shape_cast %swap3A_753 : vector<1x16xf32> to vector<16xf32>
        %swap3A_755 = vector.shape_cast %get3A_750 : vector<16xf32> to vector<1x16xf32>
        tpu.vector_store %arg13[%swap3A_751, %swap3A_752], %swap3A_755 {add = true, strides = array<i32>} : memref<400x64xf32, #tpu.memory_space<vmem>>, vector<1x16xf32>,
        %add3A_756 = arith.constant 200 : i32
        %add3A_757 = arith.addi %add3A_756, %add3A_730 : i32
        %swap3A_758 = arith.index_cast %add3A_757 : i32 to index
        %swap3A_759 = arith.constant 16 : index
        %swap3A_760 = tpu.vector_load %arg13[%swap3A_758, %swap3A_759] {strides = array<i32>} : memref<400x64xf32, #tpu.memory_space<vmem>>, vector<1x16xf32>,
        %swap3A_761 = vector.shape_cast %swap3A_760 : vector<1x16xf32> to vector<16xf32>
        %swap3A_762 = vector.shape_cast %get3A_750 : vector<16xf32> to vector<1x16xf32>
        tpu.vector_store %arg13[%swap3A_758, %swap3A_759], %swap3A_762 {add = true, strides = array<i32>} : memref<400x64xf32, #tpu.memory_space<vmem>>, vector<1x16xf32>,
        %get3A_763 = arith.index_cast %add3A_730 : i32 to index
        %get3A_764 = arith.constant 32 : index
        %get3A_765 = tpu.vector_load %arg14[%get3A_763, %get3A_764] {strides = array<i32>} : memref<200x64xf32, #tpu.memory_space<vmem>>, vector<1x16xf32>,
        %get3A_766 = vector.shape_cast %get3A_765 : vector<1x16xf32> to vector<16xf32>
        %swap3A_767 = arith.index_cast %add3A_730 : i32 to index
        %swap3A_768 = arith.constant 32 : index
        %swap3A_769 = tpu.vector_load %arg13[%swap3A_767, %swap3A_768] {strides = array<i32>} : memref<400x64xf32, #tpu.memory_space<vmem>>, vector<1x16xf32>,
        %swap3A_770 = vector.shape_cast %swap3A_769 : vector<1x16xf32> to vector<16xf32>
        %swap3A_771 = vector.shape_cast %get3A_766 : vector<16xf32> to vector<1x16xf32>
        tpu.vector_store %arg13[%swap3A_767, %swap3A_768], %swap3A_771 {add = true, strides = array<i32>} : memref<400x64xf32, #tpu.memory_space<vmem>>, vector<1x16xf32>,
        %add3A_772 = arith.constant 200 : i32
        %add3A_773 = arith.addi %add3A_772, %add3A_730 : i32
        %swap3A_774 = arith.index_cast %add3A_773 : i32 to index
        %swap3A_775 = arith.constant 32 : index
        %swap3A_776 = tpu.vector_load %arg13[%swap3A_774, %swap3A_775] {strides = array<i32>} : memref<400x64xf32, #tpu.memory_space<vmem>>, vector<1x16xf32>,
        %swap3A_777 = vector.shape_cast %swap3A_776 : vector<1x16xf32> to vector<16xf32>
        %swap3A_778 = vector.shape_cast %get3A_766 : vector<16xf32> to vector<1x16xf32>
        tpu.vector_store %arg13[%swap3A_774, %swap3A_775], %swap3A_778 {add = true, strides = array<i32>} : memref<400x64xf32, #tpu.memory_space<vmem>>, vector<1x16xf32>,
        %get3A_779 = arith.index_cast %add3A_730 : i32 to index
        %get3A_780 = arith.constant 48 : index
        %get3A_781 = tpu.vector_load %arg14[%get3A_779, %get3A_780] {strides = array<i32>} : memref<200x64xf32, #tpu.memory_space<vmem>>, vector<1x16xf32>,
        %get3A_782 = vector.shape_cast %get3A_781 : vector<1x16xf32> to vector<16xf32>
        %swap3A_783 = arith.index_cast %add3A_730 : i32 to index
        %swap3A_784 = arith.constant 48 : index
        %swap3A_785 = tpu.vector_load %arg13[%swap3A_783, %swap3A_784] {strides = array<i32>} : memref<400x64xf32, #tpu.memory_space<vmem>>, vector<1x16xf32>,
        %swap3A_786 = vector.shape_cast %swap3A_785 : vector<1x16xf32> to vector<16xf32>
        %swap3A_787 = vector.shape_cast %get3A_782 : vector<16xf32> to vector<1x16xf32>
        tpu.vector_store %arg13[%swap3A_783, %swap3A_784], %swap3A_787 {add = true, strides = array<i32>} : memref<400x64xf32, #tpu.memory_space<vmem>>, vector<1x16xf32>,
        %add3A_788 = arith.constant 200 : i32
        %add3A_789 = arith.addi %add3A_788, %add3A_730 : i32
        %swap3A_790 = arith.index_cast %add3A_789 : i32 to index
        %swap3A_791 = arith.constant 48 : index
        %swap3A_792 = tpu.vector_load %arg13[%swap3A_790, %swap3A_791] {strides = array<i32>} : memref<400x64xf32, #tpu.memory_space<vmem>>, vector<1x16xf32>,
        %swap3A_793 = vector.shape_cast %swap3A_792 : vector<1x16xf32> to vector<16xf32>
        %swap3A_794 = vector.shape_cast %get3A_782 : vector<16xf32> to vector<1x16xf32>
        tpu.vector_store %arg13[%swap3A_790, %swap3A_791], %swap3A_794 {add = true, strides = array<i32>} : memref<400x64xf32, #tpu.memory_space<vmem>>, vector<1x16xf32>,
        %scan3A_795 = arith.constant 4 : i32
        %scan3A_796 = arith.addi %scan3A_518, %scan3A_795 : i32
        %mul3A_797 = arith.constant 1 : i32
        %mul3A_798 = arith.muli %scan3A_796, %mul3A_797 : i32
        %add3A_799 = arith.constant 0 : i32
        %add3A_800 = arith.addi %add3A_799, %mul3A_798 : i32
        %get3A_801 = arith.index_cast %add3A_800 : i32 to index
        %get3A_802 = arith.constant 0 : index
        %get3A_803 = tpu.vector_load %arg14[%get3A_801, %get3A_802] {strides = array<i32>} : memref<200x64xf32, #tpu.memory_space<vmem>>, vector<1x16xf32>,
        %get3A_804 = vector.shape_cast %get3A_803 : vector<1x16xf32> to vector<16xf32>
        %swap3A_805 = arith.index_cast %add3A_800 : i32 to index
        %swap3A_806 = arith.constant 0 : index
        %swap3A_807 = tpu.vector_load %arg13[%swap3A_805, %swap3A_806] {strides = array<i32>} : memref<400x64xf32, #tpu.memory_space<vmem>>, vector<1x16xf32>,
        %swap3A_808 = vector.shape_cast %swap3A_807 : vector<1x16xf32> to vector<16xf32>
        %swap3A_809 = vector.shape_cast %get3A_804 : vector<16xf32> to vector<1x16xf32>
        tpu.vector_store %arg13[%swap3A_805, %swap3A_806], %swap3A_809 {add = true, strides = array<i32>} : memref<400x64xf32, #tpu.memory_space<vmem>>, vector<1x16xf32>,
        %add3A_810 = arith.constant 200 : i32
        %add3A_811 = arith.addi %add3A_810, %add3A_800 : i32
        %swap3A_812 = arith.index_cast %add3A_811 : i32 to index
        %swap3A_813 = arith.constant 0 : index
        %swap3A_814 = tpu.vector_load %arg13[%swap3A_812, %swap3A_813] {strides = array<i32>} : memref<400x64xf32, #tpu.memory_space<vmem>>, vector<1x16xf32>,
        %swap3A_815 = vector.shape_cast %swap3A_814 : vector<1x16xf32> to vector<16xf32>
        %swap3A_816 = vector.shape_cast %get3A_804 : vector<16xf32> to vector<1x16xf32>
        tpu.vector_store %arg13[%swap3A_812, %swap3A_813], %swap3A_816 {add = true, strides = array<i32>} : memref<400x64xf32, #tpu.memory_space<vmem>>, vector<1x16xf32>,
        %get3A_817 = arith.index_cast %add3A_800 : i32 to index
        %get3A_818 = arith.constant 16 : index
        %get3A_819 = tpu.vector_load %arg14[%get3A_817, %get3A_818] {strides = array<i32>} : memref<200x64xf32, #tpu.memory_space<vmem>>, vector<1x16xf32>,
        %get3A_820 = vector.shape_cast %get3A_819 : vector<1x16xf32> to vector<16xf32>
        %swap3A_821 = arith.index_cast %add3A_800 : i32 to index
        %swap3A_822 = arith.constant 16 : index
        %swap3A_823 = tpu.vector_load %arg13[%swap3A_821, %swap3A_822] {strides = array<i32>} : memref<400x64xf32, #tpu.memory_space<vmem>>, vector<1x16xf32>,
        %swap3A_824 = vector.shape_cast %swap3A_823 : vector<1x16xf32> to vector<16xf32>
        %swap3A_825 = vector.shape_cast %get3A_820 : vector<16xf32> to vector<1x16xf32>
        tpu.vector_store %arg13[%swap3A_821, %swap3A_822], %swap3A_825 {add = true, strides = array<i32>} : memref<400x64xf32, #tpu.memory_space<vmem>>, vector<1x16xf32>,
        %add3A_826 = arith.constant 200 : i32
        %add3A_827 = arith.addi %add3A_826, %add3A_800 : i32
        %swap3A_828 = arith.index_cast %add3A_827 : i32 to index
        %swap3A_829 = arith.constant 16 : index
        %swap3A_830 = tpu.vector_load %arg13[%swap3A_828, %swap3A_829] {strides = array<i32>} : memref<400x64xf32, #tpu.memory_space<vmem>>, vector<1x16xf32>,
        %swap3A_831 = vector.shape_cast %swap3A_830 : vector<1x16xf32> to vector<16xf32>
        %swap3A_832 = vector.shape_cast %get3A_820 : vector<16xf32> to vector<1x16xf32>
        tpu.vector_store %arg13[%swap3A_828, %swap3A_829], %swap3A_832 {add = true, strides = array<i32>} : memref<400x64xf32, #tpu.memory_space<vmem>>, vector<1x16xf32>,
        %get3A_833 = arith.index_cast %add3A_800 : i32 to index
        %get3A_834 = arith.constant 32 : index
        %get3A_835 = tpu.vector_load %arg14[%get3A_833, %get3A_834] {strides = array<i32>} : memref<200x64xf32, #tpu.memory_space<vmem>>, vector<1x16xf32>,
        %get3A_836 = vector.shape_cast %get3A_835 : vector<1x16xf32> to vector<16xf32>
        %swap3A_837 = arith.index_cast %add3A_800 : i32 to index
        %swap3A_838 = arith.constant 32 : index
        %swap3A_839 = tpu.vector_load %arg13[%swap3A_837, %swap3A_838] {strides = array<i32>} : memref<400x64xf32, #tpu.memory_space<vmem>>, vector<1x16xf32>,
        %swap3A_840 = vector.shape_cast %swap3A_839 : vector<1x16xf32> to vector<16xf32>
        %swap3A_841 = vector.shape_cast %get3A_836 : vector<16xf32> to vector<1x16xf32>
        tpu.vector_store %arg13[%swap3A_837, %swap3A_838], %swap3A_841 {add = true, strides = array<i32>} : memref<400x64xf32, #tpu.memory_space<vmem>>, vector<1x16xf32>,
        %add3A_842 = arith.constant 200 : i32
        %add3A_843 = arith.addi %add3A_842, %add3A_800 : i32
        %swap3A_844 = arith.index_cast %add3A_843 : i32 to index
        %swap3A_845 = arith.constant 32 : index
        %swap3A_846 = tpu.vector_load %arg13[%swap3A_844, %swap3A_845] {strides = array<i32>} : memref<400x64xf32, #tpu.memory_space<vmem>>, vector<1x16xf32>,
        %swap3A_847 = vector.shape_cast %swap3A_846 : vector<1x16xf32> to vector<16xf32>
        %swap3A_848 = vector.shape_cast %get3A_836 : vector<16xf32> to vector<1x16xf32>
        tpu.vector_store %arg13[%swap3A_844, %swap3A_845], %swap3A_848 {add = true, strides = array<i32>} : memref<400x64xf32, #tpu.memory_space<vmem>>, vector<1x16xf32>,
        %get3A_849 = arith.index_cast %add3A_800 : i32 to index
        %get3A_850 = arith.constant 48 : index
        %get3A_851 = tpu.vector_load %arg14[%get3A_849, %get3A_850] {strides = array<i32>} : memref<200x64xf32, #tpu.memory_space<vmem>>, vector<1x16xf32>,
        %get3A_852 = vector.shape_cast %get3A_851 : vector<1x16xf32> to vector<16xf32>
        %swap3A_853 = arith.index_cast %add3A_800 : i32 to index
        %swap3A_854 = arith.constant 48 : index
        %swap3A_855 = tpu.vector_load %arg13[%swap3A_853, %swap3A_854] {strides = array<i32>} : memref<400x64xf32, #tpu.memory_space<vmem>>, vector<1x16xf32>,
        %swap3A_856 = vector.shape_cast %swap3A_855 : vector<1x16xf32> to vector<16xf32>
        %swap3A_857 = vector.shape_cast %get3A_852 : vector<16xf32> to vector<1x16xf32>
        tpu.vector_store %arg13[%swap3A_853, %swap3A_854], %swap3A_857 {add = true, strides = array<i32>} : memref<400x64xf32, #tpu.memory_space<vmem>>, vector<1x16xf32>,
        %add3A_858 = arith.constant 200 : i32
        %add3A_859 = arith.addi %add3A_858, %add3A_800 : i32
        %swap3A_860 = arith.index_cast %add3A_859 : i32 to index
        %swap3A_861 = arith.constant 48 : index
        %swap3A_862 = tpu.vector_load %arg13[%swap3A_860, %swap3A_861] {strides = array<i32>} : memref<400x64xf32, #tpu.memory_space<vmem>>, vector<1x16xf32>,
        %swap3A_863 = vector.shape_cast %swap3A_862 : vector<1x16xf32> to vector<16xf32>
        %swap3A_864 = vector.shape_cast %get3A_852 : vector<16xf32> to vector<1x16xf32>
        tpu.vector_store %arg13[%swap3A_860, %swap3A_861], %swap3A_864 {add = true, strides = array<i32>} : memref<400x64xf32, #tpu.memory_space<vmem>>, vector<1x16xf32>,
        %scan3A_865 = arith.constant 5 : i32
        %scan3A_866 = arith.addi %scan3A_518, %scan3A_865 : i32
        %mul3A_867 = arith.constant 1 : i32
        %mul3A_868 = arith.muli %scan3A_866, %mul3A_867 : i32
        %add3A_869 = arith.constant 0 : i32
        %add3A_870 = arith.addi %add3A_869, %mul3A_868 : i32
        %get3A_871 = arith.index_cast %add3A_870 : i32 to index
        %get3A_872 = arith.constant 0 : index
        %get3A_873 = tpu.vector_load %arg14[%get3A_871, %get3A_872] {strides = array<i32>} : memref<200x64xf32, #tpu.memory_space<vmem>>, vector<1x16xf32>,
        %get3A_874 = vector.shape_cast %get3A_873 : vector<1x16xf32> to vector<16xf32>
        %swap3A_875 = arith.index_cast %add3A_870 : i32 to index
        %swap3A_876 = arith.constant 0 : index
        %swap3A_877 = tpu.vector_load %arg13[%swap3A_875, %swap3A_876] {strides = array<i32>} : memref<400x64xf32, #tpu.memory_space<vmem>>, vector<1x16xf32>,
        %swap3A_878 = vector.shape_cast %swap3A_877 : vector<1x16xf32> to vector<16xf32>
        %swap3A_879 = vector.shape_cast %get3A_874 : vector<16xf32> to vector<1x16xf32>
        tpu.vector_store %arg13[%swap3A_875, %swap3A_876], %swap3A_879 {add = true, strides = array<i32>} : memref<400x64xf32, #tpu.memory_space<vmem>>, vector<1x16xf32>,
        %add3A_880 = arith.constant 200 : i32
        %add3A_881 = arith.addi %add3A_880, %add3A_870 : i32
        %swap3A_882 = arith.index_cast %add3A_881 : i32 to index
        %swap3A_883 = arith.constant 0 : index
        %swap3A_884 = tpu.vector_load %arg13[%swap3A_882, %swap3A_883] {strides = array<i32>} : memref<400x64xf32, #tpu.memory_space<vmem>>, vector<1x16xf32>,
        %swap3A_885 = vector.shape_cast %swap3A_884 : vector<1x16xf32> to vector<16xf32>
        %swap3A_886 = vector.shape_cast %get3A_874 : vector<16xf32> to vector<1x16xf32>
        tpu.vector_store %arg13[%swap3A_882, %swap3A_883], %swap3A_886 {add = true, strides = array<i32>} : memref<400x64xf32, #tpu.memory_space<vmem>>, vector<1x16xf32>,
        %get3A_887 = arith.index_cast %add3A_870 : i32 to index
        %get3A_888 = arith.constant 16 : index
        %get3A_889 = tpu.vector_load %arg14[%get3A_887, %get3A_888] {strides = array<i32>} : memref<200x64xf32, #tpu.memory_space<vmem>>, vector<1x16xf32>,
        %get3A_890 = vector.shape_cast %get3A_889 : vector<1x16xf32> to vector<16xf32>
        %swap3A_891 = arith.index_cast %add3A_870 : i32 to index
        %swap3A_892 = arith.constant 16 : index
        %swap3A_893 = tpu.vector_load %arg13[%swap3A_891, %swap3A_892] {strides = array<i32>} : memref<400x64xf32, #tpu.memory_space<vmem>>, vector<1x16xf32>,
        %swap3A_894 = vector.shape_cast %swap3A_893 : vector<1x16xf32> to vector<16xf32>
        %swap3A_895 = vector.shape_cast %get3A_890 : vector<16xf32> to vector<1x16xf32>
        tpu.vector_store %arg13[%swap3A_891, %swap3A_892], %swap3A_895 {add = true, strides = array<i32>} : memref<400x64xf32, #tpu.memory_space<vmem>>, vector<1x16xf32>,
        %add3A_896 = arith.constant 200 : i32
        %add3A_897 = arith.addi %add3A_896, %add3A_870 : i32
        %swap3A_898 = arith.index_cast %add3A_897 : i32 to index
        %swap3A_899 = arith.constant 16 : index
        %swap3A_900 = tpu.vector_load %arg13[%swap3A_898, %swap3A_899] {strides = array<i32>} : memref<400x64xf32, #tpu.memory_space<vmem>>, vector<1x16xf32>,
        %swap3A_901 = vector.shape_cast %swap3A_900 : vector<1x16xf32> to vector<16xf32>
        %swap3A_902 = vector.shape_cast %get3A_890 : vector<16xf32> to vector<1x16xf32>
        tpu.vector_store %arg13[%swap3A_898, %swap3A_899], %swap3A_902 {add = true, strides = array<i32>} : memref<400x64xf32, #tpu.memory_space<vmem>>, vector<1x16xf32>,
        %get3A_903 = arith.index_cast %add3A_870 : i32 to index
        %get3A_904 = arith.constant 32 : index
        %get3A_905 = tpu.vector_load %arg14[%get3A_903, %get3A_904] {strides = array<i32>} : memref<200x64xf32, #tpu.memory_space<vmem>>, vector<1x16xf32>,
        %get3A_906 = vector.shape_cast %get3A_905 : vector<1x16xf32> to vector<16xf32>
        %swap3A_907 = arith.index_cast %add3A_870 : i32 to index
        %swap3A_908 = arith.constant 32 : index
        %swap3A_909 = tpu.vector_load %arg13[%swap3A_907, %swap3A_908] {strides = array<i32>} : memref<400x64xf32, #tpu.memory_space<vmem>>, vector<1x16xf32>,
        %swap3A_910 = vector.shape_cast %swap3A_909 : vector<1x16xf32> to vector<16xf32>
        %swap3A_911 = vector.shape_cast %get3A_906 : vector<16xf32> to vector<1x16xf32>
        tpu.vector_store %arg13[%swap3A_907, %swap3A_908], %swap3A_911 {add = true, strides = array<i32>} : memref<400x64xf32, #tpu.memory_space<vmem>>, vector<1x16xf32>,
        %add3A_912 = arith.constant 200 : i32
        %add3A_913 = arith.addi %add3A_912, %add3A_870 : i32
        %swap3A_914 = arith.index_cast %add3A_913 : i32 to index
        %swap3A_915 = arith.constant 32 : index
        %swap3A_916 = tpu.vector_load %arg13[%swap3A_914, %swap3A_915] {strides = array<i32>} : memref<400x64xf32, #tpu.memory_space<vmem>>, vector<1x16xf32>,
        %swap3A_917 = vector.shape_cast %swap3A_916 : vector<1x16xf32> to vector<16xf32>
        %swap3A_918 = vector.shape_cast %get3A_906 : vector<16xf32> to vector<1x16xf32>
        tpu.vector_store %arg13[%swap3A_914, %swap3A_915], %swap3A_918 {add = true, strides = array<i32>} : memref<400x64xf32, #tpu.memory_space<vmem>>, vector<1x16xf32>,
        %get3A_919 = arith.index_cast %add3A_870 : i32 to index
        %get3A_920 = arith.constant 48 : index
        %get3A_921 = tpu.vector_load %arg14[%get3A_919, %get3A_920] {strides = array<i32>} : memref<200x64xf32, #tpu.memory_space<vmem>>, vector<1x16xf32>,
        %get3A_922 = vector.shape_cast %get3A_921 : vector<1x16xf32> to vector<16xf32>
        %swap3A_923 = arith.index_cast %add3A_870 : i32 to index
        %swap3A_924 = arith.constant 48 : index
        %swap3A_925 = tpu.vector_load %arg13[%swap3A_923, %swap3A_924] {strides = array<i32>} : memref<400x64xf32, #tpu.memory_space<vmem>>, vector<1x16xf32>,
        %swap3A_926 = vector.shape_cast %swap3A_925 : vector<1x16xf32> to vector<16xf32>
        %swap3A_927 = vector.shape_cast %get3A_922 : vector<16xf32> to vector<1x16xf32>
        tpu.vector_store %arg13[%swap3A_923, %swap3A_924], %swap3A_927 {add = true, strides = array<i32>} : memref<400x64xf32, #tpu.memory_space<vmem>>, vector<1x16xf32>,
        %add3A_928 = arith.constant 200 : i32
        %add3A_929 = arith.addi %add3A_928, %add3A_870 : i32
        %swap3A_930 = arith.index_cast %add3A_929 : i32 to index
        %swap3A_931 = arith.constant 48 : index
        %swap3A_932 = tpu.vector_load %arg13[%swap3A_930, %swap3A_931] {strides = array<i32>} : memref<400x64xf32, #tpu.memory_space<vmem>>, vector<1x16xf32>,
        %swap3A_933 = vector.shape_cast %swap3A_932 : vector<1x16xf32> to vector<16xf32>
        %swap3A_934 = vector.shape_cast %get3A_922 : vector<16xf32> to vector<1x16xf32>
        tpu.vector_store %arg13[%swap3A_930, %swap3A_931], %swap3A_934 {add = true, strides = array<i32>} : memref<400x64xf32, #tpu.memory_space<vmem>>, vector<1x16xf32>,
        %scan3A_935 = arith.constant 6 : i32
        %scan3A_936 = arith.addi %scan3A_518, %scan3A_935 : i32
        %mul3A_937 = arith.constant 1 : i32
        %mul3A_938 = arith.muli %scan3A_936, %mul3A_937 : i32
        %add3A_939 = arith.constant 0 : i32
        %add3A_940 = arith.addi %add3A_939, %mul3A_938 : i32
        %get3A_941 = arith.index_cast %add3A_940 : i32 to index
        %get3A_942 = arith.constant 0 : index
        %get3A_943 = tpu.vector_load %arg14[%get3A_941, %get3A_942] {strides = array<i32>} : memref<200x64xf32, #tpu.memory_space<vmem>>, vector<1x16xf32>,
        %get3A_944 = vector.shape_cast %get3A_943 : vector<1x16xf32> to vector<16xf32>
        %swap3A_945 = arith.index_cast %add3A_940 : i32 to index
        %swap3A_946 = arith.constant 0 : index
        %swap3A_947 = tpu.vector_load %arg13[%swap3A_945, %swap3A_946] {strides = array<i32>} : memref<400x64xf32, #tpu.memory_space<vmem>>, vector<1x16xf32>,
        %swap3A_948 = vector.shape_cast %swap3A_947 : vector<1x16xf32> to vector<16xf32>
        %swap3A_949 = vector.shape_cast %get3A_944 : vector<16xf32> to vector<1x16xf32>
        tpu.vector_store %arg13[%swap3A_945, %swap3A_946], %swap3A_949 {add = true, strides = array<i32>} : memref<400x64xf32, #tpu.memory_space<vmem>>, vector<1x16xf32>,
        %add3A_950 = arith.constant 200 : i32
        %add3A_951 = arith.addi %add3A_950, %add3A_940 : i32
        %swap3A_952 = arith.index_cast %add3A_951 : i32 to index
        %swap3A_953 = arith.constant 0 : index
        %swap3A_954 = tpu.vector_load %arg13[%swap3A_952, %swap3A_953] {strides = array<i32>} : memref<400x64xf32, #tpu.memory_space<vmem>>, vector<1x16xf32>,
        %swap3A_955 = vector.shape_cast %swap3A_954 : vector<1x16xf32> to vector<16xf32>
        %swap3A_956 = vector.shape_cast %get3A_944 : vector<16xf32> to vector<1x16xf32>
        tpu.vector_store %arg13[%swap3A_952, %swap3A_953], %swap3A_956 {add = true, strides = array<i32>} : memref<400x64xf32, #tpu.memory_space<vmem>>, vector<1x16xf32>,
        %get3A_957 = arith.index_cast %add3A_940 : i32 to index
        %get3A_958 = arith.constant 16 : index
        %get3A_959 = tpu.vector_load %arg14[%get3A_957, %get3A_958] {strides = array<i32>} : memref<200x64xf32, #tpu.memory_space<vmem>>, vector<1x16xf32>,
        %get3A_960 = vector.shape_cast %get3A_959 : vector<1x16xf32> to vector<16xf32>
        %swap3A_961 = arith.index_cast %add3A_940 : i32 to index
        %swap3A_962 = arith.constant 16 : index
        %swap3A_963 = tpu.vector_load %arg13[%swap3A_961, %swap3A_962] {strides = array<i32>} : memref<400x64xf32, #tpu.memory_space<vmem>>, vector<1x16xf32>,
        %swap3A_964 = vector.shape_cast %swap3A_963 : vector<1x16xf32> to vector<16xf32>
        %swap3A_965 = vector.shape_cast %get3A_960 : vector<16xf32> to vector<1x16xf32>
        tpu.vector_store %arg13[%swap3A_961, %swap3A_962], %swap3A_965 {add = true, strides = array<i32>} : memref<400x64xf32, #tpu.memory_space<vmem>>, vector<1x16xf32>,
        %add3A_966 = arith.constant 200 : i32
        %add3A_967 = arith.addi %add3A_966, %add3A_940 : i32
        %swap3A_968 = arith.index_cast %add3A_967 : i32 to index
        %swap3A_969 = arith.constant 16 : index
        %swap3A_970 = tpu.vector_load %arg13[%swap3A_968, %swap3A_969] {strides = array<i32>} : memref<400x64xf32, #tpu.memory_space<vmem>>, vector<1x16xf32>,
        %swap3A_971 = vector.shape_cast %swap3A_970 : vector<1x16xf32> to vector<16xf32>
        %swap3A_972 = vector.shape_cast %get3A_960 : vector<16xf32> to vector<1x16xf32>
        tpu.vector_store %arg13[%swap3A_968, %swap3A_969], %swap3A_972 {add = true, strides = array<i32>} : memref<400x64xf32, #tpu.memory_space<vmem>>, vector<1x16xf32>,
        %get3A_973 = arith.index_cast %add3A_940 : i32 to index
        %get3A_974 = arith.constant 32 : index
        %get3A_975 = tpu.vector_load %arg14[%get3A_973, %get3A_974] {strides = array<i32>} : memref<200x64xf32, #tpu.memory_space<vmem>>, vector<1x16xf32>,
        %get3A_976 = vector.shape_cast %get3A_975 : vector<1x16xf32> to vector<16xf32>
        %swap3A_977 = arith.index_cast %add3A_940 : i32 to index
        %swap3A_978 = arith.constant 32 : index
        %swap3A_979 = tpu.vector_load %arg13[%swap3A_977, %swap3A_978] {strides = array<i32>} : memref<400x64xf32, #tpu.memory_space<vmem>>, vector<1x16xf32>,
        %swap3A_980 = vector.shape_cast %swap3A_979 : vector<1x16xf32> to vector<16xf32>
        %swap3A_981 = vector.shape_cast %get3A_976 : vector<16xf32> to vector<1x16xf32>
        tpu.vector_store %arg13[%swap3A_977, %swap3A_978], %swap3A_981 {add = true, strides = array<i32>} : memref<400x64xf32, #tpu.memory_space<vmem>>, vector<1x16xf32>,
        %add3A_982 = arith.constant 200 : i32
        %add3A_983 = arith.addi %add3A_982, %add3A_940 : i32
        %swap3A_984 = arith.index_cast %add3A_983 : i32 to index
        %swap3A_985 = arith.constant 32 : index
        %swap3A_986 = tpu.vector_load %arg13[%swap3A_984, %swap3A_985] {strides = array<i32>} : memref<400x64xf32, #tpu.memory_space<vmem>>, vector<1x16xf32>,
        %swap3A_987 = vector.shape_cast %swap3A_986 : vector<1x16xf32> to vector<16xf32>
        %swap3A_988 = vector.shape_cast %get3A_976 : vector<16xf32> to vector<1x16xf32>
        tpu.vector_store %arg13[%swap3A_984, %swap3A_985], %swap3A_988 {add = true, strides = array<i32>} : memref<400x64xf32, #tpu.memory_space<vmem>>, vector<1x16xf32>,
        %get3A_989 = arith.index_cast %add3A_940 : i32 to index
        %get3A_990 = arith.constant 48 : index
        %get3A_991 = tpu.vector_load %arg14[%get3A_989, %get3A_990] {strides = array<i32>} : memref<200x64xf32, #tpu.memory_space<vmem>>, vector<1x16xf32>,
        %get3A_992 = vector.shape_cast %get3A_991 : vector<1x16xf32> to vector<16xf32>
        %swap3A_993 = arith.index_cast %add3A_940 : i32 to index
        %swap3A_994 = arith.constant 48 : index
        %swap3A_995 = tpu.vector_load %arg13[%swap3A_993, %swap3A_994] {strides = array<i32>} : memref<400x64xf32, #tpu.memory_space<vmem>>, vector<1x16xf32>,
        %swap3A_996 = vector.shape_cast %swap3A_995 : vector<1x16xf32> to vector<16xf32>
        %swap3A_997 = vector.shape_cast %get3A_992 : vector<16xf32> to vector<1x16xf32>
        tpu.vector_store %arg13[%swap3A_993, %swap3A_994], %swap3A_997 {add = true, strides = array<i32>} : memref<400x64xf32, #tpu.memory_space<vmem>>, vector<1x16xf32>,
        %add3A_998 = arith.constant 200 : i32
        %add3A_999 = arith.addi %add3A_998, %add3A_940 : i32
        %swap3A_1000 = arith.index_cast %add3A_999 : i32 to index
        %swap3A_1001 = arith.constant 48 : index
        %swap3A_1002 = tpu.vector_load %arg13[%swap3A_1000, %swap3A_1001] {strides = array<i32>} : memref<400x64xf32, #tpu.memory_space<vmem>>, vector<1x16xf32>,
        %swap3A_1003 = vector.shape_cast %swap3A_1002 : vector<1x16xf32> to vector<16xf32>
        %swap3A_1004 = vector.shape_cast %get3A_992 : vector<16xf32> to vector<1x16xf32>
        tpu.vector_store %arg13[%swap3A_1000, %swap3A_1001], %swap3A_1004 {add = true, strides = array<i32>} : memref<400x64xf32, #tpu.memory_space<vmem>>, vector<1x16xf32>,
        %scan3A_1005 = arith.constant 7 : i32
        %scan3A_1006 = arith.addi %scan3A_518, %scan3A_1005 : i32
        %mul3A_1007 = arith.constant 1 : i32
        %mul3A_1008 = arith.muli %scan3A_1006, %mul3A_1007 : i32
        %add3A_1009 = arith.constant 0 : i32
        %add3A_1010 = arith.addi %add3A_1009, %mul3A_1008 : i32
        %get3A_1011 = arith.index_cast %add3A_1010 : i32 to index
        %get3A_1012 = arith.constant 0 : index
        %get3A_1013 = tpu.vector_load %arg14[%get3A_1011, %get3A_1012] {strides = array<i32>} : memref<200x64xf32, #tpu.memory_space<vmem>>, vector<1x16xf32>,
        %get3A_1014 = vector.shape_cast %get3A_1013 : vector<1x16xf32> to vector<16xf32>
        %swap3A_1015 = arith.index_cast %add3A_1010 : i32 to index
        %swap3A_1016 = arith.constant 0 : index
        %swap3A_1017 = tpu.vector_load %arg13[%swap3A_1015, %swap3A_1016] {strides = array<i32>} : memref<400x64xf32, #tpu.memory_space<vmem>>, vector<1x16xf32>,
        %swap3A_1018 = vector.shape_cast %swap3A_1017 : vector<1x16xf32> to vector<16xf32>
        %swap3A_1019 = vector.shape_cast %get3A_1014 : vector<16xf32> to vector<1x16xf32>
        tpu.vector_store %arg13[%swap3A_1015, %swap3A_1016], %swap3A_1019 {add = true, strides = array<i32>} : memref<400x64xf32, #tpu.memory_space<vmem>>, vector<1x16xf32>,
        %add3A_1020 = arith.constant 200 : i32
        %add3A_1021 = arith.addi %add3A_1020, %add3A_1010 : i32
        %swap3A_1022 = arith.index_cast %add3A_1021 : i32 to index
        %swap3A_1023 = arith.constant 0 : index
        %swap3A_1024 = tpu.vector_load %arg13[%swap3A_1022, %swap3A_1023] {strides = array<i32>} : memref<400x64xf32, #tpu.memory_space<vmem>>, vector<1x16xf32>,
        %swap3A_1025 = vector.shape_cast %swap3A_1024 : vector<1x16xf32> to vector<16xf32>
        %swap3A_1026 = vector.shape_cast %get3A_1014 : vector<16xf32> to vector<1x16xf32>
        tpu.vector_store %arg13[%swap3A_1022, %swap3A_1023], %swap3A_1026 {add = true, strides = array<i32>} : memref<400x64xf32, #tpu.memory_space<vmem>>, vector<1x16xf32>,
        %get3A_1027 = arith.index_cast %add3A_1010 : i32 to index
        %get3A_1028 = arith.constant 16 : index
        %get3A_1029 = tpu.vector_load %arg14[%get3A_1027, %get3A_1028] {strides = array<i32>} : memref<200x64xf32, #tpu.memory_space<vmem>>, vector<1x16xf32>,
        %get3A_1030 = vector.shape_cast %get3A_1029 : vector<1x16xf32> to vector<16xf32>
        %swap3A_1031 = arith.index_cast %add3A_1010 : i32 to index
        %swap3A_1032 = arith.constant 16 : index
        %swap3A_1033 = tpu.vector_load %arg13[%swap3A_1031, %swap3A_1032] {strides = array<i32>} : memref<400x64xf32, #tpu.memory_space<vmem>>, vector<1x16xf32>,
        %swap3A_1034 = vector.shape_cast %swap3A_1033 : vector<1x16xf32> to vector<16xf32>
        %swap3A_1035 = vector.shape_cast %get3A_1030 : vector<16xf32> to vector<1x16xf32>
        tpu.vector_store %arg13[%swap3A_1031, %swap3A_1032], %swap3A_1035 {add = true, strides = array<i32>} : memref<400x64xf32, #tpu.memory_space<vmem>>, vector<1x16xf32>,
        %add3A_1036 = arith.constant 200 : i32
        %add3A_1037 = arith.addi %add3A_1036, %add3A_1010 : i32
        %swap3A_1038 = arith.index_cast %add3A_1037 : i32 to index
        %swap3A_1039 = arith.constant 16 : index
        %swap3A_1040 = tpu.vector_load %arg13[%swap3A_1038, %swap3A_1039] {strides = array<i32>} : memref<400x64xf32, #tpu.memory_space<vmem>>, vector<1x16xf32>,
        %swap3A_1041 = vector.shape_cast %swap3A_1040 : vector<1x16xf32> to vector<16xf32>
        %swap3A_1042 = vector.shape_cast %get3A_1030 : vector<16xf32> to vector<1x16xf32>
        tpu.vector_store %arg13[%swap3A_1038, %swap3A_1039], %swap3A_1042 {add = true, strides = array<i32>} : memref<400x64xf32, #tpu.memory_space<vmem>>, vector<1x16xf32>,
        %get3A_1043 = arith.index_cast %add3A_1010 : i32 to index
        %get3A_1044 = arith.constant 32 : index
        %get3A_1045 = tpu.vector_load %arg14[%get3A_1043, %get3A_1044] {strides = array<i32>} : memref<200x64xf32, #tpu.memory_space<vmem>>, vector<1x16xf32>,
        %get3A_1046 = vector.shape_cast %get3A_1045 : vector<1x16xf32> to vector<16xf32>
        %swap3A_1047 = arith.index_cast %add3A_1010 : i32 to index
        %swap3A_1048 = arith.constant 32 : index
        %swap3A_1049 = tpu.vector_load %arg13[%swap3A_1047, %swap3A_1048] {strides = array<i32>} : memref<400x64xf32, #tpu.memory_space<vmem>>, vector<1x16xf32>,
        %swap3A_1050 = vector.shape_cast %swap3A_1049 : vector<1x16xf32> to vector<16xf32>
        %swap3A_1051 = vector.shape_cast %get3A_1046 : vector<16xf32> to vector<1x16xf32>
        tpu.vector_store %arg13[%swap3A_1047, %swap3A_1048], %swap3A_1051 {add = true, strides = array<i32>} : memref<400x64xf32, #tpu.memory_space<vmem>>, vector<1x16xf32>,
        %add3A_1052 = arith.constant 200 : i32
        %add3A_1053 = arith.addi %add3A_1052, %add3A_1010 : i32
        %swap3A_1054 = arith.index_cast %add3A_1053 : i32 to index
        %swap3A_1055 = arith.constant 32 : index
        %swap3A_1056 = tpu.vector_load %arg13[%swap3A_1054, %swap3A_1055] {strides = array<i32>} : memref<400x64xf32, #tpu.memory_space<vmem>>, vector<1x16xf32>,
        %swap3A_1057 = vector.shape_cast %swap3A_1056 : vector<1x16xf32> to vector<16xf32>
        %swap3A_1058 = vector.shape_cast %get3A_1046 : vector<16xf32> to vector<1x16xf32>
        tpu.vector_store %arg13[%swap3A_1054, %swap3A_1055], %swap3A_1058 {add = true, strides = array<i32>} : memref<400x64xf32, #tpu.memory_space<vmem>>, vector<1x16xf32>,
        %get3A_1059 = arith.index_cast %add3A_1010 : i32 to index
        %get3A_1060 = arith.constant 48 : index
        %get3A_1061 = tpu.vector_load %arg14[%get3A_1059, %get3A_1060] {strides = array<i32>} : memref<200x64xf32, #tpu.memory_space<vmem>>, vector<1x16xf32>,
        %get3A_1062 = vector.shape_cast %get3A_1061 : vector<1x16xf32> to vector<16xf32>
        %swap3A_1063 = arith.index_cast %add3A_1010 : i32 to index
        %swap3A_1064 = arith.constant 48 : index
        %swap3A_1065 = tpu.vector_load %arg13[%swap3A_1063, %swap3A_1064] {strides = array<i32>} : memref<400x64xf32, #tpu.memory_space<vmem>>, vector<1x16xf32>,
        %swap3A_1066 = vector.shape_cast %swap3A_1065 : vector<1x16xf32> to vector<16xf32>
        %swap3A_1067 = vector.shape_cast %get3A_1062 : vector<16xf32> to vector<1x16xf32>
        tpu.vector_store %arg13[%swap3A_1063, %swap3A_1064], %swap3A_1067 {add = true, strides = array<i32>} : memref<400x64xf32, #tpu.memory_space<vmem>>, vector<1x16xf32>,
        %add3A_1068 = arith.constant 200 : i32
        %add3A_1069 = arith.addi %add3A_1068, %add3A_1010 : i32
        %swap3A_1070 = arith.index_cast %add3A_1069 : i32 to index
        %swap3A_1071 = arith.constant 48 : index
        %swap3A_1072 = tpu.vector_load %arg13[%swap3A_1070, %swap3A_1071] {strides = array<i32>} : memref<400x64xf32, #tpu.memory_space<vmem>>, vector<1x16xf32>,
        %swap3A_1073 = vector.shape_cast %swap3A_1072 : vector<1x16xf32> to vector<16xf32>
        %swap3A_1074 = vector.shape_cast %get3A_1062 : vector<16xf32> to vector<1x16xf32>
        tpu.vector_store %arg13[%swap3A_1070, %swap3A_1071], %swap3A_1074 {add = true, strides = array<i32>} : memref<400x64xf32, #tpu.memory_space<vmem>>, vector<1x16xf32>,
      }
      %scan3A_481 = arith.constant 200 : i32
      %mul3A_482 = arith.constant 2 : i32
      %mul3A_483 = arith.muli %mul3A_482, %add3A_454 : i32
      %add3A_484 = arith.addi %mul3A_2, %mul3A_483 : i32
      %dma_start3A_485 = arith.constant 0 : i32
      %dma_start3A_486 = arith.constant 0 : i32
      %dma_start3A_487 = tpu.memref_slice %arg13[%dma_start3A_485, %dma_start3A_486] : memref<400x64xf32, #tpu.memory_space<vmem>> -> memref<200x64xf32, #tpu.memory_space<vmem>>
      %dma_start3A_488 = arith.constant 0 : i32
      %dma_start3A_489 = arith.constant 0 : i32
      %dma_start3A_490 = tpu.memref_slice %arg5[%add3A_484, %dma_start3A_488, %dma_start3A_489] : memref<4096x200x64xf32, #tpu.memory_space<hbm>> -> memref<1x200x64xf32, #tpu.memory_space<hbm>>
      %dma_start3A_491 = tpu.memref_squeeze %dma_start3A_490 : memref<1x200x64xf32, #tpu.memory_space<hbm>> -> memref<200x64xf32, #tpu.memory_space<hbm>>
      %dma_start3A_492 = arith.constant 0 : i32
      %dma_start3A_493 = arith.constant 0 : i32
      %dma_start3A_494 = tpu.memref_slice %arg5[%add3A_484, %dma_start3A_492, %dma_start3A_493] : memref<4096x200x64xf32, #tpu.memory_space<hbm>> -> memref<1x200x64xf32, #tpu.memory_space<hbm>>
      %dma_start3A_495 = tpu.memref_squeeze %dma_start3A_494 : memref<1x200x64xf32, #tpu.memory_space<hbm>> -> memref<200x64xf32, #tpu.memory_space<hbm>>
      %dma_start3A_496 = arith.constant 0 : i32
      %dma_start3A_497 = arith.constant 0 : i32
      %dma_start3A_498 = tpu.memref_slice %arg13[%dma_start3A_496, %dma_start3A_497] : memref<400x64xf32, #tpu.memory_space<vmem>> -> memref<200x64xf32, #tpu.memory_space<vmem>>
      tpu.enqueue_dma source(%dma_start3A_498 : memref<200x64xf32, #tpu.memory_space<vmem>>) target(%dma_start3A_495 : memref<200x64xf32, #tpu.memory_space<hbm>>) target_semaphore(%arg26 : memref<!tpu.dma_semaphore, #tpu.memory_space<semaphore_mem>>)
      %mul3A_499 = arith.constant 2 : i32
      %mul3A_500 = arith.muli %mul3A_499, %add3A_454 : i32
      %add3A_501 = arith.addi %mul3A_2, %mul3A_500 : i32
      %add3A_502 = arith.constant 1 : i32
      %add3A_503 = arith.addi %add3A_501, %add3A_502 : i32
      %dma_start3A_504 = arith.constant 200 : i32
      %dma_start3A_505 = arith.constant 0 : i32
      %dma_start3A_506 = tpu.memref_slice %arg13[%dma_start3A_504, %dma_start3A_505] : memref<400x64xf32, #tpu.memory_space<vmem>> -> memref<200x64xf32, #tpu.memory_space<vmem>>
      %dma_start3A_507 = arith.constant 0 : i32
      %dma_start3A_508 = arith.constant 0 : i32
      %dma_start3A_509 = tpu.memref_slice %arg5[%add3A_503, %dma_start3A_507, %dma_start3A_508] : memref<4096x200x64xf32, #tpu.memory_space<hbm>> -> memref<1x200x64xf32, #tpu.memory_space<hbm>>
      %dma_start3A_510 = tpu.memref_squeeze %dma_start3A_509 : memref<1x200x64xf32, #tpu.memory_space<hbm>> -> memref<200x64xf32, #tpu.memory_space<hbm>>
      %dma_start3A_511 = arith.constant 0 : i32
      %dma_start3A_512 = arith.constant 0 : i32
      %dma_start3A_513 = tpu.memref_slice %arg5[%add3A_503, %dma_start3A_511, %dma_start3A_512] : memref<4096x200x64xf32, #tpu.memory_space<hbm>> -> memref<1x200x64xf32, #tpu.memory_space<hbm>>
      %dma_start3A_514 = tpu.memref_squeeze %dma_start3A_513 : memref<1x200x64xf32, #tpu.memory_space<hbm>> -> memref<200x64xf32, #tpu.memory_space<hbm>>
      %dma_start3A_515 = arith.constant 200 : i32
      %dma_start3A_516 = arith.constant 0 : i32
      %dma_start3A_517 = tpu.memref_slice %arg13[%dma_start3A_515, %dma_start3A_516] : memref<400x64xf32, #tpu.memory_space<vmem>> -> memref<200x64xf32, #tpu.memory_space<vmem>>
      tpu.enqueue_dma source(%dma_start3A_517 : memref<200x64xf32, #tpu.memory_space<vmem>>) target(%dma_start3A_514 : memref<200x64xf32, #tpu.memory_space<hbm>>) target_semaphore(%arg26 : memref<!tpu.dma_semaphore, #tpu.memory_space<semaphore_mem>>)
    }
    %scan3A_119 = arith.constant 16 : i32
    %add3A_120 = arith.constant 120 : i32
    %add3A_121 = arith.addi %mul3A_2, %add3A_120 : i32
    %dma_wait3A_122 = arith.constant 0 : i32
    %dma_wait3A_123 = arith.constant 0 : i32
    %dma_wait3A_124 = tpu.memref_slice %arg10[%dma_wait3A_122, %dma_wait3A_123] : memref<400x64xf32, #tpu.memory_space<vmem>> -> memref<200x64xf32, #tpu.memory_space<vmem>>
    %dma_wait3A_125 = arith.constant 0 : i32
    %dma_wait3A_126 = arith.constant 0 : i32
    %dma_wait3A_127 = tpu.memref_slice %arg5[%add3A_121, %dma_wait3A_125, %dma_wait3A_126] : memref<4096x200x64xf32, #tpu.memory_space<hbm>> -> memref<1x200x64xf32, #tpu.memory_space<hbm>>
    %dma_wait3A_128 = tpu.memref_squeeze %dma_wait3A_127 : memref<1x200x64xf32, #tpu.memory_space<hbm>> -> memref<200x64xf32, #tpu.memory_space<hbm>>
    %dma_wait3A_129 = arith.constant 0 : i32
    %dma_wait3A_130 = arith.constant 0 : i32
    %dma_wait3A_131 = tpu.memref_slice %arg5[%add3A_121, %dma_wait3A_129, %dma_wait3A_130] : memref<4096x200x64xf32, #tpu.memory_space<hbm>> -> memref<1x200x64xf32, #tpu.memory_space<hbm>>
    %dma_wait3A_132 = tpu.memref_squeeze %dma_wait3A_131 : memref<1x200x64xf32, #tpu.memory_space<hbm>> -> memref<200x64xf32, #tpu.memory_space<hbm>>
    %dma_wait3A_133 = arith.constant 0 : i32
    %dma_wait3A_134 = arith.constant 0 : i32
    %dma_wait3A_135 = tpu.memref_slice %arg10[%dma_wait3A_133, %dma_wait3A_134] : memref<400x64xf32, #tpu.memory_space<vmem>> -> memref<200x64xf32, #tpu.memory_space<vmem>>
    tpu.wait_dma2 semaphore(%arg23 : memref<!tpu.dma_semaphore, #tpu.memory_space<semaphore_mem>>) src(%dma_wait3A_135 : memref<200x64xf32, #tpu.memory_space<vmem>>) dst(%dma_wait3A_132 : memref<200x64xf32, #tpu.memory_space<hbm>>)
    %add3A_136 = arith.constant 120 : i32
    %add3A_137 = arith.addi %mul3A_2, %add3A_136 : i32
    %add3A_138 = arith.constant 1 : i32
    %add3A_139 = arith.addi %add3A_137, %add3A_138 : i32
    %dma_wait3A_140 = arith.constant 200 : i32
    %dma_wait3A_141 = arith.constant 0 : i32
    %dma_wait3A_142 = tpu.memref_slice %arg10[%dma_wait3A_140, %dma_wait3A_141] : memref<400x64xf32, #tpu.memory_space<vmem>> -> memref<200x64xf32, #tpu.memory_space<vmem>>
    %dma_wait3A_143 = arith.constant 0 : i32
    %dma_wait3A_144 = arith.constant 0 : i32
    %dma_wait3A_145 = tpu.memref_slice %arg5[%add3A_139, %dma_wait3A_143, %dma_wait3A_144] : memref<4096x200x64xf32, #tpu.memory_space<hbm>> -> memref<1x200x64xf32, #tpu.memory_space<hbm>>
    %dma_wait3A_146 = tpu.memref_squeeze %dma_wait3A_145 : memref<1x200x64xf32, #tpu.memory_space<hbm>> -> memref<200x64xf32, #tpu.memory_space<hbm>>
    %dma_wait3A_147 = arith.constant 0 : i32
    %dma_wait3A_148 = arith.constant 0 : i32
    %dma_wait3A_149 = tpu.memref_slice %arg5[%add3A_139, %dma_wait3A_147, %dma_wait3A_148] : memref<4096x200x64xf32, #tpu.memory_space<hbm>> -> memref<1x200x64xf32, #tpu.memory_space<hbm>>
    %dma_wait3A_150 = tpu.memref_squeeze %dma_wait3A_149 : memref<1x200x64xf32, #tpu.memory_space<hbm>> -> memref<200x64xf32, #tpu.memory_space<hbm>>
    %dma_wait3A_151 = arith.constant 200 : i32
    %dma_wait3A_152 = arith.constant 0 : i32
    %dma_wait3A_153 = tpu.memref_slice %arg10[%dma_wait3A_151, %dma_wait3A_152] : memref<400x64xf32, #tpu.memory_space<vmem>> -> memref<200x64xf32, #tpu.memory_space<vmem>>
    tpu.wait_dma2 semaphore(%arg23 : memref<!tpu.dma_semaphore, #tpu.memory_space<semaphore_mem>>) src(%dma_wait3A_153 : memref<200x64xf32, #tpu.memory_space<vmem>>) dst(%dma_wait3A_150 : memref<200x64xf32, #tpu.memory_space<hbm>>)
    %add3A_154 = arith.constant 122 : i32
    %add3A_155 = arith.addi %mul3A_2, %add3A_154 : i32
    %dma_wait3A_156 = arith.constant 0 : i32
    %dma_wait3A_157 = arith.constant 0 : i32
    %dma_wait3A_158 = tpu.memref_slice %arg11[%dma_wait3A_156, %dma_wait3A_157] : memref<400x64xf32, #tpu.memory_space<vmem>> -> memref<200x64xf32, #tpu.memory_space<vmem>>
    %dma_wait3A_159 = arith.constant 0 : i32
    %dma_wait3A_160 = arith.constant 0 : i32
    %dma_wait3A_161 = tpu.memref_slice %arg5[%add3A_155, %dma_wait3A_159, %dma_wait3A_160] : memref<4096x200x64xf32, #tpu.memory_space<hbm>> -> memref<1x200x64xf32, #tpu.memory_space<hbm>>
    %dma_wait3A_162 = tpu.memref_squeeze %dma_wait3A_161 : memref<1x200x64xf32, #tpu.memory_space<hbm>> -> memref<200x64xf32, #tpu.memory_space<hbm>>
    %dma_wait3A_163 = arith.constant 0 : i32
    %dma_wait3A_164 = arith.constant 0 : i32
    %dma_wait3A_165 = tpu.memref_slice %arg5[%add3A_155, %dma_wait3A_163, %dma_wait3A_164] : memref<4096x200x64xf32, #tpu.memory_space<hbm>> -> memref<1x200x64xf32, #tpu.memory_space<hbm>>
    %dma_wait3A_166 = tpu.memref_squeeze %dma_wait3A_165 : memref<1x200x64xf32, #tpu.memory_space<hbm>> -> memref<200x64xf32, #tpu.memory_space<hbm>>
    %dma_wait3A_167 = arith.constant 0 : i32
    %dma_wait3A_168 = arith.constant 0 : i32
    %dma_wait3A_169 = tpu.memref_slice %arg11[%dma_wait3A_167, %dma_wait3A_168] : memref<400x64xf32, #tpu.memory_space<vmem>> -> memref<200x64xf32, #tpu.memory_space<vmem>>
    tpu.wait_dma2 semaphore(%arg24 : memref<!tpu.dma_semaphore, #tpu.memory_space<semaphore_mem>>) src(%dma_wait3A_169 : memref<200x64xf32, #tpu.memory_space<vmem>>) dst(%dma_wait3A_166 : memref<200x64xf32, #tpu.memory_space<hbm>>)
    %add3A_170 = arith.constant 122 : i32
    %add3A_171 = arith.addi %mul3A_2, %add3A_170 : i32
    %add3A_172 = arith.constant 1 : i32
    %add3A_173 = arith.addi %add3A_171, %add3A_172 : i32
    %dma_wait3A_174 = arith.constant 200 : i32
    %dma_wait3A_175 = arith.constant 0 : i32
    %dma_wait3A_176 = tpu.memref_slice %arg11[%dma_wait3A_174, %dma_wait3A_175] : memref<400x64xf32, #tpu.memory_space<vmem>> -> memref<200x64xf32, #tpu.memory_space<vmem>>
    %dma_wait3A_177 = arith.constant 0 : i32
    %dma_wait3A_178 = arith.constant 0 : i32
    %dma_wait3A_179 = tpu.memref_slice %arg5[%add3A_173, %dma_wait3A_177, %dma_wait3A_178] : memref<4096x200x64xf32, #tpu.memory_space<hbm>> -> memref<1x200x64xf32, #tpu.memory_space<hbm>>
    %dma_wait3A_180 = tpu.memref_squeeze %dma_wait3A_179 : memref<1x200x64xf32, #tpu.memory_space<hbm>> -> memref<200x64xf32, #tpu.memory_space<hbm>>
    %dma_wait3A_181 = arith.constant 0 : i32
    %dma_wait3A_182 = arith.constant 0 : i32
    %dma_wait3A_183 = tpu.memref_slice %arg5[%add3A_173, %dma_wait3A_181, %dma_wait3A_182] : memref<4096x200x64xf32, #tpu.memory_space<hbm>> -> memref<1x200x64xf32, #tpu.memory_space<hbm>>
    %dma_wait3A_184 = tpu.memref_squeeze %dma_wait3A_183 : memref<1x200x64xf32, #tpu.memory_space<hbm>> -> memref<200x64xf32, #tpu.memory_space<hbm>>
    %dma_wait3A_185 = arith.constant 200 : i32
    %dma_wait3A_186 = arith.constant 0 : i32
    %dma_wait3A_187 = tpu.memref_slice %arg11[%dma_wait3A_185, %dma_wait3A_186] : memref<400x64xf32, #tpu.memory_space<vmem>> -> memref<200x64xf32, #tpu.memory_space<vmem>>
    tpu.wait_dma2 semaphore(%arg24 : memref<!tpu.dma_semaphore, #tpu.memory_space<semaphore_mem>>) src(%dma_wait3A_187 : memref<200x64xf32, #tpu.memory_space<vmem>>) dst(%dma_wait3A_184 : memref<200x64xf32, #tpu.memory_space<hbm>>)
    %add3A_188 = arith.constant 124 : i32
    %add3A_189 = arith.addi %mul3A_2, %add3A_188 : i32
    %dma_wait3A_190 = arith.constant 0 : i32
    %dma_wait3A_191 = arith.constant 0 : i32
    %dma_wait3A_192 = tpu.memref_slice %arg12[%dma_wait3A_190, %dma_wait3A_191] : memref<400x64xf32, #tpu.memory_space<vmem>> -> memref<200x64xf32, #tpu.memory_space<vmem>>
    %dma_wait3A_193 = arith.constant 0 : i32
    %dma_wait3A_194 = arith.constant 0 : i32
    %dma_wait3A_195 = tpu.memref_slice %arg5[%add3A_189, %dma_wait3A_193, %dma_wait3A_194] : memref<4096x200x64xf32, #tpu.memory_space<hbm>> -> memref<1x200x64xf32, #tpu.memory_space<hbm>>
    %dma_wait3A_196 = tpu.memref_squeeze %dma_wait3A_195 : memref<1x200x64xf32, #tpu.memory_space<hbm>> -> memref<200x64xf32, #tpu.memory_space<hbm>>
    %dma_wait3A_197 = arith.constant 0 : i32
    %dma_wait3A_198 = arith.constant 0 : i32
    %dma_wait3A_199 = tpu.memref_slice %arg5[%add3A_189, %dma_wait3A_197, %dma_wait3A_198] : memref<4096x200x64xf32, #tpu.memory_space<hbm>> -> memref<1x200x64xf32, #tpu.memory_space<hbm>>
    %dma_wait3A_200 = tpu.memref_squeeze %dma_wait3A_199 : memref<1x200x64xf32, #tpu.memory_space<hbm>> -> memref<200x64xf32, #tpu.memory_space<hbm>>
    %dma_wait3A_201 = arith.constant 0 : i32
    %dma_wait3A_202 = arith.constant 0 : i32
    %dma_wait3A_203 = tpu.memref_slice %arg12[%dma_wait3A_201, %dma_wait3A_202] : memref<400x64xf32, #tpu.memory_space<vmem>> -> memref<200x64xf32, #tpu.memory_space<vmem>>
    tpu.wait_dma2 semaphore(%arg25 : memref<!tpu.dma_semaphore, #tpu.memory_space<semaphore_mem>>) src(%dma_wait3A_203 : memref<200x64xf32, #tpu.memory_space<vmem>>) dst(%dma_wait3A_200 : memref<200x64xf32, #tpu.memory_space<hbm>>)
    %add3A_204 = arith.constant 124 : i32
    %add3A_205 = arith.addi %mul3A_2, %add3A_204 : i32
    %add3A_206 = arith.constant 1 : i32
    %add3A_207 = arith.addi %add3A_205, %add3A_206 : i32
    %dma_wait3A_208 = arith.constant 200 : i32
    %dma_wait3A_209 = arith.constant 0 : i32
    %dma_wait3A_210 = tpu.memref_slice %arg12[%dma_wait3A_208, %dma_wait3A_209] : memref<400x64xf32, #tpu.memory_space<vmem>> -> memref<200x64xf32, #tpu.memory_space<vmem>>
    %dma_wait3A_211 = arith.constant 0 : i32
    %dma_wait3A_212 = arith.constant 0 : i32
    %dma_wait3A_213 = tpu.memref_slice %arg5[%add3A_207, %dma_wait3A_211, %dma_wait3A_212] : memref<4096x200x64xf32, #tpu.memory_space<hbm>> -> memref<1x200x64xf32, #tpu.memory_space<hbm>>
    %dma_wait3A_214 = tpu.memref_squeeze %dma_wait3A_213 : memref<1x200x64xf32, #tpu.memory_space<hbm>> -> memref<200x64xf32, #tpu.memory_space<hbm>>
    %dma_wait3A_215 = arith.constant 0 : i32
    %dma_wait3A_216 = arith.constant 0 : i32
    %dma_wait3A_217 = tpu.memref_slice %arg5[%add3A_207, %dma_wait3A_215, %dma_wait3A_216] : memref<4096x200x64xf32, #tpu.memory_space<hbm>> -> memref<1x200x64xf32, #tpu.memory_space<hbm>>
    %dma_wait3A_218 = tpu.memref_squeeze %dma_wait3A_217 : memref<1x200x64xf32, #tpu.memory_space<hbm>> -> memref<200x64xf32, #tpu.memory_space<hbm>>
    %dma_wait3A_219 = arith.constant 200 : i32
    %dma_wait3A_220 = arith.constant 0 : i32
    %dma_wait3A_221 = tpu.memref_slice %arg12[%dma_wait3A_219, %dma_wait3A_220] : memref<400x64xf32, #tpu.memory_space<vmem>> -> memref<200x64xf32, #tpu.memory_space<vmem>>
    tpu.wait_dma2 semaphore(%arg25 : memref<!tpu.dma_semaphore, #tpu.memory_space<semaphore_mem>>) src(%dma_wait3A_221 : memref<200x64xf32, #tpu.memory_space<vmem>>) dst(%dma_wait3A_218 : memref<200x64xf32, #tpu.memory_space<hbm>>)
    %add3A_222 = arith.constant 126 : i32
    %add3A_223 = arith.addi %mul3A_2, %add3A_222 : i32
    %dma_wait3A_224 = arith.constant 0 : i32
    %dma_wait3A_225 = arith.constant 0 : i32
    %dma_wait3A_226 = tpu.memref_slice %arg13[%dma_wait3A_224, %dma_wait3A_225] : memref<400x64xf32, #tpu.memory_space<vmem>> -> memref<200x64xf32, #tpu.memory_space<vmem>>
    %dma_wait3A_227 = arith.constant 0 : i32
    %dma_wait3A_228 = arith.constant 0 : i32
    %dma_wait3A_229 = tpu.memref_slice %arg5[%add3A_223, %dma_wait3A_227, %dma_wait3A_228] : memref<4096x200x64xf32, #tpu.memory_space<hbm>> -> memref<1x200x64xf32, #tpu.memory_space<hbm>>
    %dma_wait3A_230 = tpu.memref_squeeze %dma_wait3A_229 : memref<1x200x64xf32, #tpu.memory_space<hbm>> -> memref<200x64xf32, #tpu.memory_space<hbm>>
    %dma_wait3A_231 = arith.constant 0 : i32
    %dma_wait3A_232 = arith.constant 0 : i32
    %dma_wait3A_233 = tpu.memref_slice %arg5[%add3A_223, %dma_wait3A_231, %dma_wait3A_232] : memref<4096x200x64xf32, #tpu.memory_space<hbm>> -> memref<1x200x64xf32, #tpu.memory_space<hbm>>
    %dma_wait3A_234 = tpu.memref_squeeze %dma_wait3A_233 : memref<1x200x64xf32, #tpu.memory_space<hbm>> -> memref<200x64xf32, #tpu.memory_space<hbm>>
    %dma_wait3A_235 = arith.constant 0 : i32
    %dma_wait3A_236 = arith.constant 0 : i32
    %dma_wait3A_237 = tpu.memref_slice %arg13[%dma_wait3A_235, %dma_wait3A_236] : memref<400x64xf32, #tpu.memory_space<vmem>> -> memref<200x64xf32, #tpu.memory_space<vmem>>
    tpu.wait_dma2 semaphore(%arg26 : memref<!tpu.dma_semaphore, #tpu.memory_space<semaphore_mem>>) src(%dma_wait3A_237 : memref<200x64xf32, #tpu.memory_space<vmem>>) dst(%dma_wait3A_234 : memref<200x64xf32, #tpu.memory_space<hbm>>)
    %add3A_238 = arith.constant 126 : i32
    %add3A_239 = arith.addi %mul3A_2, %add3A_238 : i32
    %add3A_240 = arith.constant 1 : i32
    %add3A_241 = arith.addi %add3A_239, %add3A_240 : i32
    %dma_wait3A_242 = arith.constant 200 : i32
    %dma_wait3A_243 = arith.constant 0 : i32
    %dma_wait3A_244 = tpu.memref_slice %arg13[%dma_wait3A_242, %dma_wait3A_243] : memref<400x64xf32, #tpu.memory_space<vmem>> -> memref<200x64xf32, #tpu.memory_space<vmem>>
    %dma_wait3A_245 = arith.constant 0 : i32
    %dma_wait3A_246 = arith.constant 0 : i32
    %dma_wait3A_247 = tpu.memref_slice %arg5[%add3A_241, %dma_wait3A_245, %dma_wait3A_246] : memref<4096x200x64xf32, #tpu.memory_space<hbm>> -> memref<1x200x64xf32, #tpu.memory_space<hbm>>
    %dma_wait3A_248 = tpu.memref_squeeze %dma_wait3A_247 : memref<1x200x64xf32, #tpu.memory_space<hbm>> -> memref<200x64xf32, #tpu.memory_space<hbm>>
    %dma_wait3A_249 = arith.constant 0 : i32
    %dma_wait3A_250 = arith.constant 0 : i32
    %dma_wait3A_251 = tpu.memref_slice %arg5[%add3A_241, %dma_wait3A_249, %dma_wait3A_250] : memref<4096x200x64xf32, #tpu.memory_space<hbm>> -> memref<1x200x64xf32, #tpu.memory_space<hbm>>
    %dma_wait3A_252 = tpu.memref_squeeze %dma_wait3A_251 : memref<1x200x64xf32, #tpu.memory_space<hbm>> -> memref<200x64xf32, #tpu.memory_space<hbm>>
    %dma_wait3A_253 = arith.constant 200 : i32
    %dma_wait3A_254 = arith.constant 0 : i32
    %dma_wait3A_255 = tpu.memref_slice %arg13[%dma_wait3A_253, %dma_wait3A_254] : memref<400x64xf32, #tpu.memory_space<vmem>> -> memref<200x64xf32, #tpu.memory_space<vmem>>
    tpu.wait_dma2 semaphore(%arg26 : memref<!tpu.dma_semaphore, #tpu.memory_space<semaphore_mem>>) src(%dma_wait3A_255 : memref<200x64xf32, #tpu.memory_space<vmem>>) dst(%dma_wait3A_252 : memref<200x64xf32, #tpu.memory_space<hbm>>)
    return
  }
}

</mosaic_0001>

<sc_bundles>
// kernel: kernel.3.cloned.1.call-start
scs
__scs_entry_jumppad:
0x0: {  	(pc) =	sbr.rel $0x88, $3  }
0x1: {  	(tag) =	ssettag $0x0;
	lr =	simm.s32 $0x1  }
0x2: {  	[smem:$0x3F9E] =	sst lr;
	_ =	strace $0xD0000000  }
0x3: {  	_ = 	snop  }
0x4: {  	_ = 	snop  }
0x5: {  	_ = 	snop  }
0x6: {  	_ = 	snop  }
0x7: {  	_ = 	snop  }
__scs_overlays_trampoline_lowered:
0x8: {  	[smem:$0x3FAD] =	sst s0  }
0x9: {  	[smem:$0x3FAE] =	sst s1  }
0xa: {  	[smem:$0x3FAF] =	sst s2  }
0xb: {  	[smem:$0x3FB0] =	sst s3  }
0xc: {  	[smem:$0x3FB1] =	sst s4  }
0xd: {  	[smem:$0x3FB2] =	sst s5  }
0xe: {  	[smem:$0x3FB3] =	sst s6  }
0xf: {  	[smem:$0x3FB4] =	sst s7  }
0x10: {  	[smem:$0x3FB5] =	sst s8  }
0x11: {  	[smem:$0x3FB6] =	sst s9;
	s0 =	simm.s32 @!p0 $0x0  }
0x12: {  	s1 =	sld [smem:$0x3F9C];
	s0 =	simm.s32 @p0 $0x1  }
0x13: {  	[smem:$0x3FB7] =	sst s0;
	s0 =	simm.s32 @!p1 $0x0  }
0x14: {  	s2 =	sld [smem:$0x3F9B];
	s0 =	simm.s32 @p1 $0x1  }
0x15: {  	[smem:$0x3FB8] =	sst s0;
	s0 =	simm.s32 @!p2 $0x0  }
0x16: {  	s3 =	sld [smem:$0x3FDB];
	s0 =	simm.s32 @p2 $0x1  }
0x17: {  	s4 =	simm.s32 $0x1BF5;
	[smem:$0x3FBA] =	sst s0  }
0x18: {  	s0 =	sld [smem:$0x3F9D];
	_ =	swait.ge [sflag:s4], $0x0  }
0x19: {  	s7 =	sld [smem:$0x3F9E]  }
0x1a: {  	s8 =	sadd.s32 $0xFFFFE003, lr  }
0x1b: {  	s9 =	sadd.s32 $0xFFFFFEF7, lr;
	s5 =	simm.s32 $0xFFFFFFFF;
	p2 =	slt.u32 s8, $0xFFFFF086  }
0x1c: {  	p1 =	slt.u32 s9, $0xF7A;
	s5 =	simm.s32 @!p2 $0x0  }
0x1d: {  	s5 =	simm.s32 @p1 $0x1;
	p0 =	seq.s32 s7, s2  }
0x1e: {  	s7 =	smul.u32 @!p0 $0xF7A, s2;
	p2 =	seq.s32 @!p0 s5, $0x0  }
0x1f: {  	s9 =	smul.u32 $0xF7A, s1;
	s8 =	simm.s32 @!p0 $0x1BF5;
	p2 =	por !p2, p0  }
0x20: {  	[sflag:s8] =	ssyncset.s32 @!p0 $0xFFFFF086;
	s6 =	sadd.s32 @!p0 s3, s7;
	s7 =	simm.s32 @!p0 $0x108  }
0x21: {  	s3 =	sadd.s32 s3, s9;
	s6 =	sadd.s32 @!p0 $0x88, s6;
	s7 =	simm.s32 @p2 $0x1082  }
0x22: {  	[simem:s7], [sflag:s8] =	dma.local @!p0 [hbm:s6], $0xF7A  }
0x23: {  	s9 =	sor.u32 $0xD0000000, s2;
	s6 =	simm.s32 $0x108;
	_ =	swait.ge @!p0 [sflag:s8], $0x0  }
0x24: {  	s3 =	sadd.s32 $0x88, s3;
	s6 =	simm.s32 @!p1 $0x1082;
	[sflag:s4] =	ssyncset.s32 $0xFFFFF086  }
0x25: {  	[simem:s6], [sflag:s4] =	dma.local [hbm:s3], $0xF7A  }
0x26: {  	[smem:$0x3F9E] =	sst s1;
	(tag) =	ssettag s2;
	_ =	strace s9  }
0x27: {  	s1 =	sld [smem:$0x3FAE]  }
0x28: {  	s2 =	sld [smem:$0x3FAF]  }
0x29: {  	s4 =	sld [smem:$0x3FB1]  }
0x2a: {  	p0 =	seq.s32 s5, $0x0;
	s5 =	sld [smem:$0x3FB2]  }
0x2b: {  	s6 =	sld [smem:$0x3FB3]  }
0x2c: {  	s7 =	sld [smem:$0x3FB4]  }
0x2d: {  	s3 =	simm.s32 $0x108;
	s8 =	sld [smem:$0x3FB5]  }
0x2e: {  	s3 =	simm.s32 @!p0 $0x1082;
	s9 =	sld [smem:$0x3FB6]  }
0x2f: {  	lr =	sadd.s32 s0, s3;
	s0 =	sld [smem:$0x3FAD]  }
0x30: {  	s3 =	sld [smem:$0x3FB0]  }
0x31: {  	[smem:$0x3FB9] =	sst s10  }
0x32: {  	s10 =	sld [smem:$0x3FB7];
	_ =	sdelay $0x3  }
0x33: {  	p0 =	seq.s32 s10, $0x1;
	s10 =	sld [smem:$0x3FB9];
	_ =	sdelay $0x3  }
0x34: {  	[smem:$0x3FB9] =	sst s10  }
0x35: {  	s10 =	sld [smem:$0x3FB8];
	_ =	sdelay $0x3  }
0x36: {  	p1 =	seq.s32 s10, $0x1;
	s10 =	sld [smem:$0x3FB9];
	_ =	sdelay $0x3  }
0x37: {  	[smem:$0x3FB9] =	sst s10  }
0x38: {  	s10 =	sld [smem:$0x3FBA]  }
0x39: {  	_ = 	snop;
	(pc) =	sbr.ind lr, $3  }
0x3a: {  	_ = 	snop  }
0x3b: {  	_ = 	snop  }
0x3c: {  	p2 =	seq.s32 s10, $0x1;
	s10 =	sld [smem:$0x3FB9]  }
0x3d: {  	_ =	shalt  }
0x3e: {  	_ =	shalt  }
0x3f: {  	_ =	shalt  }
0x40: {  	_ =	shalt  }
0x41: {  	_ =	shalt  }
0x42: {  	_ =	shalt  }
0x43: {  	_ =	shalt  }
0x44: {  	_ =	shalt  }
0x45: {  	_ =	shalt  }
0x46: {  	_ =	shalt  }
0x47: {  	_ =	shalt  }
0x48: {  	_ =	shalt  }
0x49: {  	_ =	shalt  }
0x4a: {  	_ =	shalt  }
0x4b: {  	_ =	shalt  }
0x4c: {  	_ =	shalt  }
0x4d: {  	_ =	shalt  }
0x4e: {  	_ =	shalt  }
0x4f: {  	_ =	shalt  }
0x50: {  	_ =	shalt  }
0x51: {  	_ =	shalt  }
0x52: {  	_ =	shalt  }
0x53: {  	_ =	shalt  }
0x54: {  	_ =	shalt  }
0x55: {  	_ =	shalt  }
0x56: {  	_ =	shalt  }
0x57: {  	_ =	shalt  }
0x58: {  	_ =	shalt  }
0x59: {  	_ =	shalt  }
0x5a: {  	_ =	shalt  }
0x5b: {  	_ =	shalt  }
0x5c: {  	_ =	shalt  }
0x5d: {  	_ =	shalt  }
0x5e: {  	_ =	shalt  }
0x5f: {  	_ =	shalt  }
0x60: {  	_ =	shalt  }
0x61: {  	_ =	shalt  }
0x62: {  	_ =	shalt  }
0x63: {  	_ =	shalt  }
0x64: {  	_ =	shalt  }
0x65: {  	_ =	shalt  }
0x66: {  	_ =	shalt  }
0x67: {  	_ =	shalt  }
0x68: {  	_ =	shalt  }
0x69: {  	_ =	shalt  }
0x6a: {  	_ =	shalt  }
0x6b: {  	_ =	shalt  }
0x6c: {  	_ =	shalt  }
0x6d: {  	_ =	shalt  }
0x6e: {  	_ =	shalt  }
0x6f: {  	_ =	shalt  }
0x70: {  	_ =	shalt  }
0x71: {  	_ =	shalt  }
0x72: {  	_ =	shalt  }
0x73: {  	_ =	shalt  }
0x74: {  	_ =	shalt  }
0x75: {  	_ =	shalt  }
0x76: {  	_ =	shalt  }
0x77: {  	_ =	shalt  }
0x78: {  	_ =	shalt  }
0x79: {  	_ =	shalt  }
0x7a: {  	_ =	shalt  }
0x7b: {  	_ =	shalt  }
0x7c: {  	_ =	shalt  }
0x7d: {  	_ =	shalt  }
0x7e: {  	_ =	shalt  }
0x7f: {  	_ =	shalt  }
0x80: {  	_ =	shalt  }
0x81: {  	_ =	shalt  }
0x82: {  	_ =	shalt  }
0x83: {  	_ =	shalt  }
0x84: {  	_ =	shalt  }
0x85: {  	_ =	shalt  }
0x86: {  	_ =	shalt  }
0x87: {  	_ =	shalt  }
.Lfunc_end0:
.L_simem_size_0:
called_computation.1_lowered:
.L_overlay_start_0:
0x88: {  	s2 =	sld [smem:$0x3FD9]  }
0x89: {  	s3 =	sld [smem:$0x3FFE];
	_ =	sdelay $0x1  }
0x8a: {  	s1 =	srdreg.scid  }
0x8b: {  	s0 =	sand.u32 $0x1, s1  }
0x8c: {  	s17 =	sshll.u32 s0, $0xA;
	s2 =	sadd.s32 s3, s2  }
0x8d: {  	s2 =	sadd.s32 s2, s17  }
0x8e: {  	[smem:$0x3FC5] =	sst s2  }
0x8f: {  	_ = 	snop  }
0x90: {  	s2 =	sld [smem:$0x3FD0];
	(tm) =	ssettm $0x1  }
0x91: {  	s18 =	sld [smem:$0x3FFB];
	_ =	sdelay $0x3  }
0x92: {  	_ =	strace s18  }
0x93: {  	s3 =	sld [smem:$0x3FFC];
	_ =	sdelay $0x3  }
0x94: {  	_ =	strace s3  }
0x95: {  	s3 =	sld [smem:$0x3FFD];
	_ =	sdelay $0x3  }
0x96: {  	_ =	strace s3  }
0x97: {  	_ =	strace $0x8FFFFFFF  }
0x98: {  	s19 =	sld [smem:$0x3FDB];
	_ =	sdelay $0x1  }
0x99: {  	s4 =	simm.s32 $_scs_section_size  }
0x9a: {  	s5 =	simm.s32 $_size__tile_overlayer_lowered;
	s6 =	simm.s32 $_tile_overlayer_lowered  }
0x9b: {  	s22 =	simm.s32 $0x1BFF;
	s21 =	sshll.u32 s6, $0x1;
	s3 =	sadd.s32 s4, s19  }
0x9c: {  	s7 =	simm.s32 $0x0;
	s20 =	sshll.u32 s5, $0x1;
	s5 =	sadd.s32 s21, s3  }
0x9d: {  	[timem:s7], [sflag:s22] =	dma.local [hbm:s5], s20  }
0x9e: {  	_ =	swait.ge [sflag:s22], s20  }
0x9f: {  	s4 =	ssub.s32 $0x0, s20;
	[sflag:s22] =	ssyncset.done $0x0  }
0xa0: {  	[sflag:s22] =	ssyncadd.s32 s4;
	_ =	sdelay $0x1  }
0xa1: {  	s23 =	simm.s32 $0x1B8B  }
0xa2: {  	_ =	swait.ge [sflag:s23], $0x1  }
0xa3: {  	[sflag:s23] =	ssyncset.done $0x0  }
0xa4: {  	s25 =	simm.s32 $0x1B8E;
	s24 =	sld [smem:$0x3FFE];
	[sflag:s23] =	ssyncadd.s32 $0xFFFFFFFF  }
0xa5: {  	s26 =	simm.s32 $execute0_lowered;
	[smem:$0x3FD2] =	sst s25  }
0xa6: {  	s5 =	sshll.u32 s26, $0x1;
	_ =	strace $0x80000046;
	[dreg:$0x1] =	wrdreg $0xFFFFFFFF  }
0xa7: {  	s28 =	simm.s32 $_size_execute0_lowered;
	s3 =	sadd.s32 s3, s5;
	[dreg:$0x0] =	wrdreg $0x0  }
0xa8: {  	s5 =	sshll.u32 s28, $0x1;
	[dreg:$0x2] =	wrdreg s3  }
0xa9: {  	[dreg:$0x3] =	wrdreg s5  }
0xaa: {  	[dreg:$0x4] =	wrdreg $0xC0  }
0xab: {  	_ =	task [dreg:s7], $0x5FFFF  }
0xac: {  	[dreg:$0x1] =	wrdreg $0xFFFFFFFF  }
0xad: {  	[dreg:$0x0] =	wrdreg $0x60  }
0xae: {  	[dreg:$0x2] =	wrdreg s24  }
0xaf: {  	[dreg:$0x3] =	wrdreg s2  }
0xb0: {  	[dreg:$0x4] =	wrdreg $0x9  }
0xb1: {  	_ =	task.clear_ibuf [dreg:s7], $0x5FFFF;
	_ =	strace $0x90000046  }
0xb2: {  	s29 =	simm.s32 $0x9;
	_ =	strace $0x80000048  }
0xb3: {  	_ =	swait.ge [sflag:s29], $0x1  }
0xb4: {  	[sflag:s29] =	ssyncadd.s32 $0xFFFFFFFF  }
0xb5: {  	_ =	strace $0x90000048  }
0xb6: {  	_ =	sfence  }
0xb7: {  	s30 =	sld [smem:$0x0];
	_ =	sdelay $0x2  }
0xb8: {  	s31 =	sshll.u32 s1, $0xD;
	s1 =	sshrl.u32 s1, $0x2  }
0xb9: {  	s3 =	sand.u32 $0x4000, s31;
	s1 =	sadd.s32 s1, s30  }
0xba: {  	s0 =	sor.u32 s3, s0;
	s1 =	sshll.u32 s1, $0x11  }
0xbb: {  	s0 =	sor.u32 s1, s0  }
0xbc: {  	s0 =	sadd.s32 $0x8F2B, s0  }
0xbd: {  	[sflag:s0] =	ssyncadd.remote.s32 $0x1  }
0xbe: {  	_ =	sfence.sel $0xFFFF  }
0xbf: {  	[dreg:$0x0] =	wrdreg $0xFFFFFFFF;
	(pc) =	sbr.abs _section_cstart, $3  }
0xc0: {  	[dreg:$0x1] =	wrdreg $0xFFFFFFFF  }
0xc1: {  	_ =	task.clear_ibuf [dreg:s7], $0x2FFFF;
	_ =	strace $0x9FFFFFFF  }
0xc2: {  	(tm) =	ssettm $0x7FFFFFFF  }
0xc3: {  	_ =	shalt  }
tec
execute0_lowered:
.L_overlay_start_1:
0x0: {  	(tag) =	ssettag $0x1  }
0x1: {  	s0 =	rddreg [dreg:$0x0];
	s1 =	srdreg.scid  }
0x2: {  	s3 =	stileid.u32;
	s2 =	rddreg [dreg:$0x1];
	s21 =	simm.s32 $0x50  }
0x3: {  	s22 =	simm.s32 $0x640;
	s30 =	simm.s32 $0x4B0;
	s16 =	simm.s32 $0xCE40  }
0x4: {  	s10 =	simm.s32 $0x5;
	s15 =	simm.s32 $0x4;
	s29 =	simm.s32 $0x6  }
0x5: {  	s11 =	simm.s32 $0x10040;
	s17 =	simm.s32 $0x8;
	s20 =	simm.s32 $0x16440  }
0x6: {  	s31 =	simm.s32 $0xC;
	s19 =	simm.s32 $0x0;
	s1 =	sand.u32 $0x1, s1  }
0x7: {  	s4 =	sshll.u32 s3, $0x1;
	s3 =	simm.s32 $0x0;
	s5 =	sadd.s32 $0x2200, s0  }
0x8: {  	s6 =	sadd.s32 $0x1B200, s0;
	s0 =	sadd.s32 $0x800, s0;
	s7 =	sor.u32 s1, s4  }
0x9: {  	[smem:$0x7FF] =	sst s3;
	s1 =	ssub.s32 $0x2, s1;
	s4 =	smul.u32 $0x6400, s7  }
0xa: {  	_ =	strace $0x80000047;
	[dreg:$0x3] =	wrdreg s0;
	s25 =	sshrl.u32 s1, $0x1  }
0xb: {  	s9 =	sshll.u32 s7, $0x7;
	s7 =	simm.s32 $0x7;
	s0 =	ssub.s32 s1, s25  }
0xc: {  	s1 =	simm.s32 $0x6A40;
	s8 =	sshrl.u32 s4, $0x3;
	s0 =	smax.u32 s0, $0x1  }
0xd: {  	s12 =	sadd.s32 $0x640, s4;
	s8 =	sadd.s32 s5, s8;
	[dreg:$0x7] =	wrdreg s0  }
0xe: {  	s13 =	sadd.s32 $0x7D0, s4;
	s26 =	sadd.s32 $0x32, s8;
	[dreg:$0x4] =	wrdreg s8  }
0xf: {  	s14 =	sadd.s32 $0x960, s4;
	s28 =	sadd.s32 $0x64, s8;
	[dreg:$0x5] =	wrdreg s26  }
0x10: {  	s0 =	simm.s32 $0x3;
	s8 =	simm.s32 $0x13240;
	[dreg:$0x6] =	wrdreg s28  }
.LBB2_1:
0x11: {  	[dreg:$0x8] =	wrdreg s19  }
0x12: {  	s18 =	rddreg [dreg:$0x3];
	s28 =	simm.s32 $0x19640;
	s23 =	simm.s32 $0xD  }
0x13: {  	[tilespmem:s28], [sflag:$0xD] =	stream.linear.gather [hbm4b:s18+s3], $0x3200, $0x38;
	[tilespmem:$0x1C840] =	vst v63  }
0x14: {  	_ =	swait.ge [sflag:s23], $0x3200  }
0x15: {  	[sflag:s23] =	ssyncset.done $0x0  }
0x16: {  	s24 =	rddreg [dreg:$0x4];
	[sflag:s23] =	ssyncadd.s32 $0xFFFFCE00  }
0x17: {  	[tilespmem:s3], [sflag:$0x1] =	stream.linear.gather [hbm4b:s24+s3], $0x190, $0x38;
	[tilespmem:$0x1C840] =	vst v63  }
0x18: {  	s19 =	simm.s32 $0x190;
	s25 =	rddreg [dreg:$0x5]  }
0x19: {  	[tilespmem:s19], [sflag:$0x2] =	stream.linear.gather [hbm4b:s25+s3], $0x190, $0x38;
	[tilespmem:$0x1C840] =	vst v63  }
0x1a: {  	s28 =	simm.s32 $0x1;
	s26 =	rddreg [dreg:$0x6];
	s23 =	simm.s32 $0x320  }
0x1b: {  	[tilespmem:s23], [sflag:$0x3] =	stream.linear.gather [hbm4b:s26+s3], $0x190, $0x38;
	[tilespmem:$0x1C840] =	vst v63  }
0x1c: {  	_ =	swait.ge [sflag:s28], $0x190  }
0x1d: {  	[sflag:s28] =	ssyncset.done $0x0  }
0x1e: {  	[sflag:s28] =	ssyncadd.s32 $0xFFFFFE70  }
0x1f: {  	[tilespmem:s22], [sflag:$0x5] =	stream.indirect.gather [hbm4b:s6+s21], $0x40, s3, s21, $0xb8;
	[tilespmem:$0x1C840] =	vst v63  }
0x20: {  	s23 =	simm.s32 $0x1A40  }
0x21: {  	[tilespmem:s23], [sflag:$0x5] =	stream.indirect.gather [hbm4b:s6+s21], $0x40, s21, s21, $0xb8;
	[tilespmem:$0x1C840] =	vst v63  }
0x22: {  	s24 =	simm.s32 $0xA0;
	s25 =	simm.s32 $0x2E40  }
0x23: {  	[tilespmem:s25], [sflag:$0x5] =	stream.indirect.gather [hbm4b:s6+s21], $0x40, s24, s21, $0xb8;
	[tilespmem:$0x1C840] =	vst v63  }
0x24: {  	s26 =	simm.s32 $0xF0;
	s28 =	simm.s32 $0x4240  }
0x25: {  	[tilespmem:s28], [sflag:$0x5] =	stream.indirect.gather [hbm4b:s6+s21], $0x40, s26, s21, $0xb8;
	[tilespmem:$0x1C840] =	vst v63  }
0x26: {  	s23 =	simm.s32 $0x140;
	s24 =	simm.s32 $0x5640;
	s25 =	simm.s32 $0x2  }
0x27: {  	[tilespmem:s24], [sflag:$0x5] =	stream.indirect.gather [hbm4b:s6+s21], $0x40, s23, s21, $0xb8;
	[tilespmem:$0x1C840] =	vst v63  }
0x28: {  	_ =	swait.ge [sflag:s25], $0x190  }
0x29: {  	[sflag:s25] =	ssyncset.done $0x0  }
0x2a: {  	[sflag:s25] =	ssyncadd.s32 $0xFFFFFE70  }
0x2b: {  	[tilespmem:s1], [sflag:$0x6] =	stream.indirect.gather [hbm4b:s6+s21], $0x40, s19, s21, $0xb8;
	[tilespmem:$0x1C840] =	vst v63  }
0x2c: {  	s26 =	simm.s32 $0x1E0;
	s28 =	simm.s32 $0x7E40  }
0x2d: {  	[tilespmem:s28], [sflag:$0x6] =	stream.indirect.gather [hbm4b:s6+s21], $0x40, s26, s21, $0xb8;
	[tilespmem:$0x1C840] =	vst v63  }
0x2e: {  	s23 =	simm.s32 $0x9240;
	s19 =	simm.s32 $0x230  }
0x2f: {  	[tilespmem:s23], [sflag:$0x6] =	stream.indirect.gather [hbm4b:s6+s21], $0x40, s19, s21, $0xb8;
	[tilespmem:$0x1C840] =	vst v63  }
0x30: {  	s24 =	simm.s32 $0x280;
	s25 =	simm.s32 $0xA640  }
0x31: {  	[tilespmem:s25], [sflag:$0x6] =	stream.indirect.gather [hbm4b:s6+s21], $0x40, s24, s21, $0xb8;
	[tilespmem:$0x1C840] =	vst v63  }
0x32: {  	s26 =	simm.s32 $0x2D0;
	s28 =	simm.s32 $0xBA40;
	s23 =	simm.s32 $0x0  }
0x33: {  	[tilespmem:s28], [sflag:$0x6] =	stream.indirect.gather [hbm4b:s6+s21], $0x40, s26, s21, $0xb8;
	[tilespmem:$0x1C840] =	vst v63  }
.LBB2_2:
0x34: {  	s24 =	sshllo.u32 s23, $0x2  }
0x35: {  	s18 =	smul.u32 $0x190, s24;
	_ =	sdelay $0x1  }
0x36: {  	s18 =	sadd.s32 s4, s18  }
0x37: {  	s18 =	sshrl.u32 s18, $0x3  }
0x38: {  	p0 =	seq.s32 s23, $0x0;
	s18 =	sadd.s32 s5, s18  }
0x39: {  	[tilespmem:s30], [sflag:$0x4] =	stream.linear.gather [hbm4b:s18+s3], $0x190, $0x38;
	[tilespmem:$0x1C840] =	vst v63  }
0x3a: {  	s18 =	simm.s32 @!p0 $0xB  }
0x3b: {  	_ =	swait.ge @!p0 [sflag:s18], $0x3200  }
0x3c: {  	[sflag:s18] =	ssyncset.done @!p0 $0x0  }
0x3d: {  	[sflag:s18] =	ssyncadd.s32 @!p0 $0xFFFFCE00  }
0x3e: {  	_ =	swait.ge @!p0 [sflag:s18], $0x3200  }
0x3f: {  	[sflag:s18] =	ssyncset.done @!p0 $0x0  }
0x40: {  	[sflag:s18] =	ssyncadd.s32 @!p0 $0xFFFFCE00  }
0x41: {  	_ =	swait.ge [sflag:s0], $0x190  }
0x42: {  	[sflag:s0] =	ssyncset.done $0x0  }
0x43: {  	s19 =	simm.s32 $0x320;
	[sflag:s0] =	ssyncadd.s32 $0xFFFFFE70  }
0x44: {  	[tilespmem:s16], [sflag:$0x7] =	stream.indirect.gather [hbm4b:s6+s21], $0x40, s19, s21, $0xb8;
	[tilespmem:$0x1C840] =	vst v63  }
0x45: {  	s25 =	simm.s32 $0x370;
	s19 =	simm.s32 $0xE240  }
0x46: {  	[tilespmem:s19], [sflag:$0x7] =	stream.indirect.gather [hbm4b:s6+s21], $0x40, s25, s21, $0xb8;
	[tilespmem:$0x1C840] =	vst v63  }
0x47: {  	s26 =	simm.s32 $0x3C0;
	s28 =	simm.s32 $0xF640  }
0x48: {  	[tilespmem:s28], [sflag:$0x7] =	stream.indirect.gather [hbm4b:s6+s21], $0x40, s26, s21, $0xb8;
	[tilespmem:$0x1C840] =	vst v63  }
0x49: {  	s19 =	simm.s32 $0x410;
	s25 =	simm.s32 $0x10A40  }
0x4a: {  	[tilespmem:s25], [sflag:$0x7] =	stream.indirect.gather [hbm4b:s6+s21], $0x40, s19, s21, $0xb8;
	[tilespmem:$0x1C840] =	vst v63  }
0x4b: {  	s26 =	simm.s32 $0x460;
	s28 =	simm.s32 $0x11E40  }
0x4c: {  	[tilespmem:s28], [sflag:$0x7] =	stream.indirect.gather [hbm4b:s6+s21], $0x40, s26, s21, $0xb8;
	[tilespmem:$0x1C840] =	vst v63  }
0x4d: {  	_ =	swait.ge [sflag:s10], $0x6400  }
0x4e: {  	[sflag:s10] =	ssyncset.done $0x0  }
0x4f: {  	s26 =	simm.s32 $0x0;
	[sflag:s10] =	ssyncadd.s32 $0xFFFF9C00  }
0x50: {  	v0 =	vld [tilespmem:s26+$0x19830]  }
0x51: {  	v1 =	vld [tilespmem:s26+$0x19640]  }
0x52: {  	v2 =	vld [tilespmem:s26+$0x19650]  }
0x53: {  	v3 =	vld [tilespmem:s26+$0x19660]  }
0x54: {  	v4 =	vld [tilespmem:s26+$0x19670]  }
0x55: {  	v5 =	vld [tilespmem:s26+$0x19680]  }
0x56: {  	v6 =	vld [tilespmem:s26+$0x19690]  }
0x57: {  	v7 =	vld [tilespmem:s26+$0x196A0]  }
0x58: {  	v8 =	vld [tilespmem:s26+$0x196B0]  }
0x59: {  	v9 =	vld [tilespmem:s26+$0x196C0]  }
0x5a: {  	v10 =	vld [tilespmem:s26+$0x196D0]  }
0x5b: {  	v11 =	vld [tilespmem:s26+$0x196E0]  }
0x5c: {  	v12 =	vld [tilespmem:s26+$0x196F0]  }
0x5d: {  	v13 =	vld [tilespmem:s26+$0x19700]  }
0x5e: {  	v14 =	vld [tilespmem:s26+$0x19710]  }
0x5f: {  	v15 =	vld [tilespmem:s26+$0x19720]  }
0x60: {  	v16 =	vld [tilespmem:s26+$0x19730]  }
0x61: {  	v17 =	vld [tilespmem:s26+$0x19740]  }
0x62: {  	v18 =	vld [tilespmem:s26+$0x19750]  }
0x63: {  	v19 =	vld [tilespmem:s26+$0x19760]  }
0x64: {  	v20 =	vld [tilespmem:s26+$0x19770]  }
0x65: {  	v21 =	vld [tilespmem:s26+$0x19780]  }
0x66: {  	v22 =	vld [tilespmem:s26+$0x19790]  }
0x67: {  	v23 =	vld [tilespmem:s26+$0x197A0]  }
0x68: {  	v24 =	vld [tilespmem:s26+$0x197B0]  }
0x69: {  	v25 =	vld [tilespmem:s26+$0x197C0]  }
0x6a: {  	v26 =	vld [tilespmem:s26+$0x197D0]  }
0x6b: {  	v27 =	vld [tilespmem:s26+$0x197E0]  }
0x6c: {  	v28 =	vld [tilespmem:s26+$0x197F0]  }
0x6d: {  	v29 =	vld [tilespmem:s26+$0x19800]  }
0x6e: {  	v30 =	vld [tilespmem:s26+$0x19810]  }
0x6f: {  	v31 =	vld [tilespmem:s26+$0x19820]  }
0x70: {  	[tilespmem:s26+$0x3A30] =	vst.add.f32.msk $0xffff, v0  }
0x71: {  	[tilespmem:s26+$0x640] =	vst.add.f32.msk $0xffff, v1  }
0x72: {  	[tilespmem:s26+$0x3840] =	vst.add.f32.msk $0xffff, v1  }
0x73: {  	[tilespmem:s26+$0x650] =	vst.add.f32.msk $0xffff, v2  }
0x74: {  	[tilespmem:s26+$0x3850] =	vst.add.f32.msk $0xffff, v2  }
0x75: {  	[tilespmem:s26+$0x660] =	vst.add.f32.msk $0xffff, v3  }
0x76: {  	[tilespmem:s26+$0x3860] =	vst.add.f32.msk $0xffff, v3  }
0x77: {  	[tilespmem:s26+$0x670] =	vst.add.f32.msk $0xffff, v4  }
0x78: {  	[tilespmem:s26+$0x3870] =	vst.add.f32.msk $0xffff, v4  }
0x79: {  	[tilespmem:s26+$0x680] =	vst.add.f32.msk $0xffff, v5  }
0x7a: {  	[tilespmem:s26+$0x3880] =	vst.add.f32.msk $0xffff, v5  }
0x7b: {  	[tilespmem:s26+$0x690] =	vst.add.f32.msk $0xffff, v6  }
0x7c: {  	[tilespmem:s26+$0x3890] =	vst.add.f32.msk $0xffff, v6  }
0x7d: {  	[tilespmem:s26+$0x6A0] =	vst.add.f32.msk $0xffff, v7  }
0x7e: {  	[tilespmem:s26+$0x38A0] =	vst.add.f32.msk $0xffff, v7  }
0x7f: {  	[tilespmem:s26+$0x6B0] =	vst.add.f32.msk $0xffff, v8  }
0x80: {  	[tilespmem:s26+$0x38B0] =	vst.add.f32.msk $0xffff, v8  }
0x81: {  	[tilespmem:s26+$0x6C0] =	vst.add.f32.msk $0xffff, v9  }
0x82: {  	[tilespmem:s26+$0x38C0] =	vst.add.f32.msk $0xffff, v9  }
0x83: {  	[tilespmem:s26+$0x6D0] =	vst.add.f32.msk $0xffff, v10  }
0x84: {  	[tilespmem:s26+$0x38D0] =	vst.add.f32.msk $0xffff, v10  }
0x85: {  	[tilespmem:s26+$0x6E0] =	vst.add.f32.msk $0xffff, v11  }
0x86: {  	[tilespmem:s26+$0x38E0] =	vst.add.f32.msk $0xffff, v11  }
0x87: {  	[tilespmem:s26+$0x6F0] =	vst.add.f32.msk $0xffff, v12  }
0x88: {  	[tilespmem:s26+$0x38F0] =	vst.add.f32.msk $0xffff, v12  }
0x89: {  	[tilespmem:s26+$0x700] =	vst.add.f32.msk $0xffff, v13  }
0x8a: {  	[tilespmem:s26+$0x3900] =	vst.add.f32.msk $0xffff, v13  }
0x8b: {  	[tilespmem:s26+$0x710] =	vst.add.f32.msk $0xffff, v14  }
0x8c: {  	[tilespmem:s26+$0x3910] =	vst.add.f32.msk $0xffff, v14  }
0x8d: {  	[tilespmem:s26+$0x720] =	vst.add.f32.msk $0xffff, v15  }
0x8e: {  	[tilespmem:s26+$0x3920] =	vst.add.f32.msk $0xffff, v15  }
0x8f: {  	[tilespmem:s26+$0x730] =	vst.add.f32.msk $0xffff, v16  }
0x90: {  	[tilespmem:s26+$0x3930] =	vst.add.f32.msk $0xffff, v16  }
0x91: {  	[tilespmem:s26+$0x740] =	vst.add.f32.msk $0xffff, v17  }
0x92: {  	[tilespmem:s26+$0x3940] =	vst.add.f32.msk $0xffff, v17  }
0x93: {  	[tilespmem:s26+$0x750] =	vst.add.f32.msk $0xffff, v18  }
0x94: {  	[tilespmem:s26+$0x3950] =	vst.add.f32.msk $0xffff, v18  }
0x95: {  	[tilespmem:s26+$0x760] =	vst.add.f32.msk $0xffff, v19  }
0x96: {  	[tilespmem:s26+$0x3960] =	vst.add.f32.msk $0xffff, v19  }
0x97: {  	[tilespmem:s26+$0x770] =	vst.add.f32.msk $0xffff, v20  }
0x98: {  	[tilespmem:s26+$0x3970] =	vst.add.f32.msk $0xffff, v20  }
0x99: {  	[tilespmem:s26+$0x780] =	vst.add.f32.msk $0xffff, v21  }
0x9a: {  	[tilespmem:s26+$0x3980] =	vst.add.f32.msk $0xffff, v21  }
0x9b: {  	[tilespmem:s26+$0x790] =	vst.add.f32.msk $0xffff, v22  }
0x9c: {  	[tilespmem:s26+$0x3990] =	vst.add.f32.msk $0xffff, v22  }
0x9d: {  	[tilespmem:s26+$0x7A0] =	vst.add.f32.msk $0xffff, v23  }
0x9e: {  	[tilespmem:s26+$0x39A0] =	vst.add.f32.msk $0xffff, v23  }
0x9f: {  	[tilespmem:s26+$0x7B0] =	vst.add.f32.msk $0xffff, v24  }
0xa0: {  	[tilespmem:s26+$0x39B0] =	vst.add.f32.msk $0xffff, v24  }
0xa1: {  	[tilespmem:s26+$0x7C0] =	vst.add.f32.msk $0xffff, v25  }
0xa2: {  	[tilespmem:s26+$0x39C0] =	vst.add.f32.msk $0xffff, v25  }
0xa3: {  	[tilespmem:s26+$0x7D0] =	vst.add.f32.msk $0xffff, v26  }
0xa4: {  	[tilespmem:s26+$0x39D0] =	vst.add.f32.msk $0xffff, v26  }
0xa5: {  	[tilespmem:s26+$0x7E0] =	vst.add.f32.msk $0xffff, v27  }
0xa6: {  	[tilespmem:s26+$0x39E0] =	vst.add.f32.msk $0xffff, v27  }
0xa7: {  	[tilespmem:s26+$0x7F0] =	vst.add.f32.msk $0xffff, v28  }
0xa8: {  	[tilespmem:s26+$0x39F0] =	vst.add.f32.msk $0xffff, v28  }
0xa9: {  	[tilespmem:s26+$0x800] =	vst.add.f32.msk $0xffff, v29  }
0xaa: {  	[tilespmem:s26+$0x3A00] =	vst.add.f32.msk $0xffff, v29  }
0xab: {  	[tilespmem:s26+$0x810] =	vst.add.f32.msk $0xffff, v30  }
0xac: {  	[tilespmem:s26+$0x3A10] =	vst.add.f32.msk $0xffff, v30  }
0xad: {  	[tilespmem:s26+$0x820] =	vst.add.f32.msk $0xffff, v31  }
0xae: {  	s18 =	simm.s32 $0x800;
	s25 =	simm.s32 $0x0;
	[tilespmem:s26+$0x3A20] =	vst.add.f32.msk $0xffff, v31  }
.LBB2_3:
0xaf: {  	s25 =	sadd.s32 $0x8, s25;
	[tilespmem:s26+$0x830] =	vst.add.f32.msk $0xffff, v0;
	s26 =	sshra.s32 s18, $0x2  }
0xb0: {  	v0 =	vld [tilespmem:s26+$0x19830];
	p0 =	slt.u32 s25, $0xC0  }
0xb1: {  	v1 =	vld [tilespmem:s26+$0x19640]  }
0xb2: {  	v2 =	vld [tilespmem:s26+$0x19650]  }
0xb3: {  	v3 =	vld [tilespmem:s26+$0x19660]  }
0xb4: {  	v4 =	vld [tilespmem:s26+$0x19670]  }
0xb5: {  	[tilespmem:s26+$0x3A30] =	vst.add.f32.msk $0xffff, v0  }
0xb6: {  	v5 =	vld [tilespmem:s26+$0x19680]  }
0xb7: {  	v6 =	vld [tilespmem:s26+$0x19690]  }
0xb8: {  	v7 =	vld [tilespmem:s26+$0x196A0]  }
0xb9: {  	v8 =	vld [tilespmem:s26+$0x196B0]  }
0xba: {  	v9 =	vld [tilespmem:s26+$0x196C0]  }
0xbb: {  	v10 =	vld [tilespmem:s26+$0x196D0]  }
0xbc: {  	v11 =	vld [tilespmem:s26+$0x196E0]  }
0xbd: {  	v12 =	vld [tilespmem:s26+$0x196F0]  }
0xbe: {  	v13 =	vld [tilespmem:s26+$0x19700]  }
0xbf: {  	v14 =	vld [tilespmem:s26+$0x19710]  }
0xc0: {  	v15 =	vld [tilespmem:s26+$0x19720]  }
0xc1: {  	v16 =	vld [tilespmem:s26+$0x19730]  }
0xc2: {  	v17 =	vld [tilespmem:s26+$0x19740]  }
0xc3: {  	v18 =	vld [tilespmem:s26+$0x19750]  }
0xc4: {  	v19 =	vld [tilespmem:s26+$0x19760]  }
0xc5: {  	v20 =	vld [tilespmem:s26+$0x19770]  }
0xc6: {  	v21 =	vld [tilespmem:s26+$0x19780]  }
0xc7: {  	v22 =	vld [tilespmem:s26+$0x19790]  }
0xc8: {  	v23 =	vld [tilespmem:s26+$0x197A0]  }
0xc9: {  	v24 =	vld [tilespmem:s26+$0x197B0]  }
0xca: {  	v25 =	vld [tilespmem:s26+$0x197C0]  }
0xcb: {  	v26 =	vld [tilespmem:s26+$0x197D0]  }
0xcc: {  	v27 =	vld [tilespmem:s26+$0x197E0]  }
0xcd: {  	v28 =	vld [tilespmem:s26+$0x197F0]  }
0xce: {  	v29 =	vld [tilespmem:s26+$0x19800]  }
0xcf: {  	v30 =	vld [tilespmem:s26+$0x19810]  }
0xd0: {  	v31 =	vld [tilespmem:s26+$0x19820]  }
0xd1: {  	[tilespmem:s26+$0x640] =	vst.add.f32.msk $0xffff, v1  }
0xd2: {  	[tilespmem:s26+$0x3840] =	vst.add.f32.msk $0xffff, v1  }
0xd3: {  	[tilespmem:s26+$0x650] =	vst.add.f32.msk $0xffff, v2  }
0xd4: {  	[tilespmem:s26+$0x3850] =	vst.add.f32.msk $0xffff, v2  }
0xd5: {  	[tilespmem:s26+$0x660] =	vst.add.f32.msk $0xffff, v3  }
0xd6: {  	[tilespmem:s26+$0x3860] =	vst.add.f32.msk $0xffff, v3  }
0xd7: {  	[tilespmem:s26+$0x670] =	vst.add.f32.msk $0xffff, v4  }
0xd8: {  	[tilespmem:s26+$0x3870] =	vst.add.f32.msk $0xffff, v4  }
0xd9: {  	[tilespmem:s26+$0x680] =	vst.add.f32.msk $0xffff, v5  }
0xda: {  	[tilespmem:s26+$0x3880] =	vst.add.f32.msk $0xffff, v5  }
0xdb: {  	[tilespmem:s26+$0x690] =	vst.add.f32.msk $0xffff, v6  }
0xdc: {  	[tilespmem:s26+$0x3890] =	vst.add.f32.msk $0xffff, v6  }
0xdd: {  	[tilespmem:s26+$0x6A0] =	vst.add.f32.msk $0xffff, v7  }
0xde: {  	[tilespmem:s26+$0x38A0] =	vst.add.f32.msk $0xffff, v7  }
0xdf: {  	[tilespmem:s26+$0x6B0] =	vst.add.f32.msk $0xffff, v8  }
0xe0: {  	[tilespmem:s26+$0x38B0] =	vst.add.f32.msk $0xffff, v8  }
0xe1: {  	[tilespmem:s26+$0x6C0] =	vst.add.f32.msk $0xffff, v9  }
0xe2: {  	[tilespmem:s26+$0x38C0] =	vst.add.f32.msk $0xffff, v9  }
0xe3: {  	[tilespmem:s26+$0x6D0] =	vst.add.f32.msk $0xffff, v10  }
0xe4: {  	[tilespmem:s26+$0x38D0] =	vst.add.f32.msk $0xffff, v10  }
0xe5: {  	[tilespmem:s26+$0x6E0] =	vst.add.f32.msk $0xffff, v11  }
0xe6: {  	[tilespmem:s26+$0x38E0] =	vst.add.f32.msk $0xffff, v11  }
0xe7: {  	[tilespmem:s26+$0x6F0] =	vst.add.f32.msk $0xffff, v12  }
0xe8: {  	[tilespmem:s26+$0x38F0] =	vst.add.f32.msk $0xffff, v12  }
0xe9: {  	[tilespmem:s26+$0x700] =	vst.add.f32.msk $0xffff, v13  }
0xea: {  	[tilespmem:s26+$0x3900] =	vst.add.f32.msk $0xffff, v13  }
0xeb: {  	[tilespmem:s26+$0x710] =	vst.add.f32.msk $0xffff, v14  }
0xec: {  	[tilespmem:s26+$0x3910] =	vst.add.f32.msk $0xffff, v14  }
0xed: {  	[tilespmem:s26+$0x720] =	vst.add.f32.msk $0xffff, v15  }
0xee: {  	[tilespmem:s26+$0x3920] =	vst.add.f32.msk $0xffff, v15  }
0xef: {  	[tilespmem:s26+$0x730] =	vst.add.f32.msk $0xffff, v16  }
0xf0: {  	[tilespmem:s26+$0x3930] =	vst.add.f32.msk $0xffff, v16  }
0xf1: {  	[tilespmem:s26+$0x740] =	vst.add.f32.msk $0xffff, v17  }
0xf2: {  	[tilespmem:s26+$0x3940] =	vst.add.f32.msk $0xffff, v17  }
0xf3: {  	[tilespmem:s26+$0x750] =	vst.add.f32.msk $0xffff, v18  }
0xf4: {  	[tilespmem:s26+$0x3950] =	vst.add.f32.msk $0xffff, v18  }
0xf5: {  	[tilespmem:s26+$0x760] =	vst.add.f32.msk $0xffff, v19  }
0xf6: {  	[tilespmem:s26+$0x3960] =	vst.add.f32.msk $0xffff, v19  }
0xf7: {  	[tilespmem:s26+$0x770] =	vst.add.f32.msk $0xffff, v20  }
0xf8: {  	[tilespmem:s26+$0x3970] =	vst.add.f32.msk $0xffff, v20  }
0xf9: {  	[tilespmem:s26+$0x780] =	vst.add.f32.msk $0xffff, v21  }
0xfa: {  	[tilespmem:s26+$0x3980] =	vst.add.f32.msk $0xffff, v21  }
0xfb: {  	[tilespmem:s26+$0x790] =	vst.add.f32.msk $0xffff, v22  }
0xfc: {  	[tilespmem:s26+$0x3990] =	vst.add.f32.msk $0xffff, v22  }
0xfd: {  	[tilespmem:s26+$0x7A0] =	vst.add.f32.msk $0xffff, v23  }
0xfe: {  	[tilespmem:s26+$0x39A0] =	vst.add.f32.msk $0xffff, v23  }
0xff: {  	[tilespmem:s26+$0x7B0] =	vst.add.f32.msk $0xffff, v24  }
0x100: {  	[tilespmem:s26+$0x39B0] =	vst.add.f32.msk $0xffff, v24  }
0x101: {  	[tilespmem:s26+$0x7C0] =	vst.add.f32.msk $0xffff, v25  }
0x102: {  	[tilespmem:s26+$0x39C0] =	vst.add.f32.msk $0xffff, v25  }
0x103: {  	[tilespmem:s26+$0x7D0] =	vst.add.f32.msk $0xffff, v26  }
0x104: {  	[tilespmem:s26+$0x39D0] =	vst.add.f32.msk $0xffff, v26  }
0x105: {  	[tilespmem:s26+$0x7E0] =	vst.add.f32.msk $0xffff, v27  }
0x106: {  	[tilespmem:s26+$0x39E0] =	vst.add.f32.msk $0xffff, v27  }
0x107: {  	[tilespmem:s26+$0x7F0] =	vst.add.f32.msk $0xffff, v28  }
0x108: {  	[tilespmem:s26+$0x39F0] =	vst.add.f32.msk $0xffff, v28  }
0x109: {  	[tilespmem:s26+$0x800] =	vst.add.f32.msk $0xffff, v29  }
.Ltmp0:
0x10a: {  	[tilespmem:s26+$0x3A00] =	vst.add.f32.msk $0xffff, v29;
	(pc) =	sbr.rel @p0 .LBB2_3-.Ltmp0, $4  }
0x10b: {  	[tilespmem:s26+$0x810] =	vst.add.f32.msk $0xffff, v30  }
0x10c: {  	[tilespmem:s26+$0x3A10] =	vst.add.f32.msk $0xffff, v30  }
0x10d: {  	[tilespmem:s26+$0x820] =	vst.add.f32.msk $0xffff, v31  }
0x10e: {  	s18 =	sadd.s32 $0x800, s18;
	[tilespmem:s26+$0x3A20] =	vst.add.f32.msk $0xffff, v31  }
0x10f: {  	s18 =	sshll.u32 s23, $0x3  }
0x110: {  	s25 =	sor.u32 s9, s18  }
0x111: {  	s18 =	smul.u32 $0x640, s25  }
0x112: {  	s19 =	smul.u32 $0x3200, s25;
	_ =	sdelay $0x1  }
0x113: {  	[tilespmem:s26+$0x830] =	vst.add.f32.msk $0xffff, v0;
	s18 =	sadd.s32 s2, s18;
	s26 =	sshrl.u32 s19, $0x3  }
0x114: {  	[hbm4b:s18+s3] =	stream.linear.scatter [tilespmem:s22], [sflag:$0x9], $0x3200, $0x38;
	[tilespmem:$0x1C840] =	vst v63  }
0x115: {  	p0 =	seq.s32 s23, $0xF;
	s18 =	sadd.s32 s2, s26  }
0x116: {  	s19 =	simm.s32 $0x3840;
	s26 =	smul.u32 @!p0 $0x640, s23;
	s18 =	sadd.s32 $0x640, s18  }
0x117: {  	[hbm4b:s18+s3] =	stream.linear.scatter [tilespmem:s19], [sflag:$0x9], $0x3200, $0x38;
	[tilespmem:$0x1C840] =	vst v63  }
0x118: {  	s18 =	sadd.s32 @!p0 s26, s12  }
0x119: {  	p1 =	seq.s32 @!p0 s23, $0x0;
	s18 =	sshrl.u32 @!p0 s18, $0x3  }
0x11a: {  	p1 =	por p0, !p1;
	s19 =	simm.s32 @!p0 $0x0;
	s18 =	sadd.s32 @!p0 s5, s18  }
0x11b: {  	[tilespmem:s19], [sflag:$0x1] =	stream.linear.gather @!p0 [hbm4b:s18+s19], $0x190, $0x38;
	[tilespmem:$0x1C840] =	vst v63  }
0x11c: {  	_ =	swait.ge @p1 [sflag:s31], $0x3200  }
0x11d: {  	[sflag:s31] =	ssyncset.done @p1 $0x0  }
0x11e: {  	[sflag:s31] =	ssyncadd.s32 @p1 $0xFFFFCE00  }
0x11f: {  	_ =	swait.ge @p1 [sflag:s31], $0x3200  }
0x120: {  	[sflag:s31] =	ssyncset.done @p1 $0x0  }
0x121: {  	[sflag:s31] =	ssyncadd.s32 @p1 $0xFFFFCE00  }
0x122: {  	_ =	swait.ge [sflag:s15], $0x190  }
0x123: {  	[sflag:s15] =	ssyncset.done $0x0  }
0x124: {  	[sflag:s15] =	ssyncadd.s32 $0xFFFFFE70  }
0x125: {  	[tilespmem:s8], [sflag:$0x8] =	stream.indirect.gather [hbm4b:s6+s21], $0x40, s30, s21, $0xb8;
	[tilespmem:$0x1C840] =	vst v63  }
0x126: {  	s18 =	simm.s32 $0x500;
	s19 =	simm.s32 $0x14640  }
0x127: {  	[tilespmem:s19], [sflag:$0x8] =	stream.indirect.gather [hbm4b:s6+s21], $0x40, s18, s21, $0xb8;
	[tilespmem:$0x1C840] =	vst v63  }
0x128: {  	s18 =	simm.s32 $0x550;
	s19 =	simm.s32 $0x15A40  }
0x129: {  	[tilespmem:s19], [sflag:$0x8] =	stream.indirect.gather [hbm4b:s6+s21], $0x40, s18, s21, $0xb8;
	[tilespmem:$0x1C840] =	vst v63  }
0x12a: {  	s18 =	simm.s32 $0x5A0;
	s19 =	simm.s32 $0x16E40  }
0x12b: {  	[tilespmem:s19], [sflag:$0x8] =	stream.indirect.gather [hbm4b:s6+s21], $0x40, s18, s21, $0xb8;
	[tilespmem:$0x1C840] =	vst v63  }
0x12c: {  	s18 =	simm.s32 $0x5F0;
	s19 =	simm.s32 $0x18240  }
0x12d: {  	[tilespmem:s19], [sflag:$0x8] =	stream.indirect.gather [hbm4b:s6+s21], $0x40, s18, s21, $0xb8;
	[tilespmem:$0x1C840] =	vst v63  }
0x12e: {  	_ =	swait.ge [sflag:s29], $0x6400  }
0x12f: {  	[sflag:s29] =	ssyncset.done $0x0  }
0x130: {  	s28 =	simm.s32 $0x0;
	[sflag:s29] =	ssyncadd.s32 $0xFFFF9C00  }
0x131: {  	v0 =	vld [tilespmem:s28+$0x19830]  }
0x132: {  	v1 =	vld [tilespmem:s28+$0x19640]  }
0x133: {  	v2 =	vld [tilespmem:s28+$0x19650]  }
0x134: {  	v3 =	vld [tilespmem:s28+$0x19660]  }
0x135: {  	v4 =	vld [tilespmem:s28+$0x19670]  }
0x136: {  	v5 =	vld [tilespmem:s28+$0x19680]  }
0x137: {  	v6 =	vld [tilespmem:s28+$0x19690]  }
0x138: {  	v7 =	vld [tilespmem:s28+$0x196A0]  }
0x139: {  	v8 =	vld [tilespmem:s28+$0x196B0]  }
0x13a: {  	v9 =	vld [tilespmem:s28+$0x196C0]  }
0x13b: {  	v10 =	vld [tilespmem:s28+$0x196D0]  }
0x13c: {  	v11 =	vld [tilespmem:s28+$0x196E0]  }
0x13d: {  	v12 =	vld [tilespmem:s28+$0x196F0]  }
0x13e: {  	v13 =	vld [tilespmem:s28+$0x19700]  }
0x13f: {  	v14 =	vld [tilespmem:s28+$0x19710]  }
0x140: {  	v15 =	vld [tilespmem:s28+$0x19720]  }
0x141: {  	v16 =	vld [tilespmem:s28+$0x19730]  }
0x142: {  	v17 =	vld [tilespmem:s28+$0x19740]  }
0x143: {  	v18 =	vld [tilespmem:s28+$0x19750]  }
0x144: {  	v19 =	vld [tilespmem:s28+$0x19760]  }
0x145: {  	v20 =	vld [tilespmem:s28+$0x19770]  }
0x146: {  	v21 =	vld [tilespmem:s28+$0x19780]  }
0x147: {  	v22 =	vld [tilespmem:s28+$0x19790]  }
0x148: {  	v23 =	vld [tilespmem:s28+$0x197A0]  }
0x149: {  	v24 =	vld [tilespmem:s28+$0x197B0]  }
0x14a: {  	v25 =	vld [tilespmem:s28+$0x197C0]  }
0x14b: {  	v26 =	vld [tilespmem:s28+$0x197D0]  }
0x14c: {  	v27 =	vld [tilespmem:s28+$0x197E0]  }
0x14d: {  	v28 =	vld [tilespmem:s28+$0x197F0]  }
0x14e: {  	v29 =	vld [tilespmem:s28+$0x19800]  }
0x14f: {  	v30 =	vld [tilespmem:s28+$0x19810]  }
0x150: {  	v31 =	vld [tilespmem:s28+$0x19820]  }
0x151: {  	[tilespmem:s28+$0x9E30] =	vst.add.f32.msk $0xffff, v0  }
0x152: {  	[tilespmem:s28+$0x6A40] =	vst.add.f32.msk $0xffff, v1  }
0x153: {  	[tilespmem:s28+$0x9C40] =	vst.add.f32.msk $0xffff, v1  }
0x154: {  	[tilespmem:s28+$0x6A50] =	vst.add.f32.msk $0xffff, v2  }
0x155: {  	[tilespmem:s28+$0x9C50] =	vst.add.f32.msk $0xffff, v2  }
0x156: {  	[tilespmem:s28+$0x6A60] =	vst.add.f32.msk $0xffff, v3  }
0x157: {  	[tilespmem:s28+$0x9C60] =	vst.add.f32.msk $0xffff, v3  }
0x158: {  	[tilespmem:s28+$0x6A70] =	vst.add.f32.msk $0xffff, v4  }
0x159: {  	[tilespmem:s28+$0x9C70] =	vst.add.f32.msk $0xffff, v4  }
0x15a: {  	[tilespmem:s28+$0x6A80] =	vst.add.f32.msk $0xffff, v5  }
0x15b: {  	[tilespmem:s28+$0x9C80] =	vst.add.f32.msk $0xffff, v5  }
0x15c: {  	[tilespmem:s28+$0x6A90] =	vst.add.f32.msk $0xffff, v6  }
0x15d: {  	[tilespmem:s28+$0x9C90] =	vst.add.f32.msk $0xffff, v6  }
0x15e: {  	[tilespmem:s28+$0x6AA0] =	vst.add.f32.msk $0xffff, v7  }
0x15f: {  	[tilespmem:s28+$0x9CA0] =	vst.add.f32.msk $0xffff, v7  }
0x160: {  	[tilespmem:s28+$0x6AB0] =	vst.add.f32.msk $0xffff, v8  }
0x161: {  	[tilespmem:s28+$0x9CB0] =	vst.add.f32.msk $0xffff, v8  }
0x162: {  	[tilespmem:s28+$0x6AC0] =	vst.add.f32.msk $0xffff, v9  }
0x163: {  	[tilespmem:s28+$0x9CC0] =	vst.add.f32.msk $0xffff, v9  }
0x164: {  	[tilespmem:s28+$0x6AD0] =	vst.add.f32.msk $0xffff, v10  }
0x165: {  	[tilespmem:s28+$0x9CD0] =	vst.add.f32.msk $0xffff, v10  }
0x166: {  	[tilespmem:s28+$0x6AE0] =	vst.add.f32.msk $0xffff, v11  }
0x167: {  	[tilespmem:s28+$0x9CE0] =	vst.add.f32.msk $0xffff, v11  }
0x168: {  	[tilespmem:s28+$0x6AF0] =	vst.add.f32.msk $0xffff, v12  }
0x169: {  	[tilespmem:s28+$0x9CF0] =	vst.add.f32.msk $0xffff, v12  }
0x16a: {  	[tilespmem:s28+$0x6B00] =	vst.add.f32.msk $0xffff, v13  }
0x16b: {  	[tilespmem:s28+$0x9D00] =	vst.add.f32.msk $0xffff, v13  }
0x16c: {  	[tilespmem:s28+$0x6B10] =	vst.add.f32.msk $0xffff, v14  }
0x16d: {  	[tilespmem:s28+$0x9D10] =	vst.add.f32.msk $0xffff, v14  }
0x16e: {  	[tilespmem:s28+$0x6B20] =	vst.add.f32.msk $0xffff, v15  }
0x16f: {  	[tilespmem:s28+$0x9D20] =	vst.add.f32.msk $0xffff, v15  }
0x170: {  	[tilespmem:s28+$0x6B30] =	vst.add.f32.msk $0xffff, v16  }
0x171: {  	[tilespmem:s28+$0x9D30] =	vst.add.f32.msk $0xffff, v16  }
0x172: {  	[tilespmem:s28+$0x6B40] =	vst.add.f32.msk $0xffff, v17  }
0x173: {  	[tilespmem:s28+$0x9D40] =	vst.add.f32.msk $0xffff, v17  }
0x174: {  	[tilespmem:s28+$0x6B50] =	vst.add.f32.msk $0xffff, v18  }
0x175: {  	[tilespmem:s28+$0x9D50] =	vst.add.f32.msk $0xffff, v18  }
0x176: {  	[tilespmem:s28+$0x6B60] =	vst.add.f32.msk $0xffff, v19  }
0x177: {  	[tilespmem:s28+$0x9D60] =	vst.add.f32.msk $0xffff, v19  }
0x178: {  	[tilespmem:s28+$0x6B70] =	vst.add.f32.msk $0xffff, v20  }
0x179: {  	[tilespmem:s28+$0x9D70] =	vst.add.f32.msk $0xffff, v20  }
0x17a: {  	[tilespmem:s28+$0x6B80] =	vst.add.f32.msk $0xffff, v21  }
0x17b: {  	[tilespmem:s28+$0x9D80] =	vst.add.f32.msk $0xffff, v21  }
0x17c: {  	[tilespmem:s28+$0x6B90] =	vst.add.f32.msk $0xffff, v22  }
0x17d: {  	[tilespmem:s28+$0x9D90] =	vst.add.f32.msk $0xffff, v22  }
0x17e: {  	[tilespmem:s28+$0x6BA0] =	vst.add.f32.msk $0xffff, v23  }
0x17f: {  	[tilespmem:s28+$0x9DA0] =	vst.add.f32.msk $0xffff, v23  }
0x180: {  	[tilespmem:s28+$0x6BB0] =	vst.add.f32.msk $0xffff, v24  }
0x181: {  	[tilespmem:s28+$0x9DB0] =	vst.add.f32.msk $0xffff, v24  }
0x182: {  	[tilespmem:s28+$0x6BC0] =	vst.add.f32.msk $0xffff, v25  }
0x183: {  	[tilespmem:s28+$0x9DC0] =	vst.add.f32.msk $0xffff, v25  }
0x184: {  	[tilespmem:s28+$0x6BD0] =	vst.add.f32.msk $0xffff, v26  }
0x185: {  	[tilespmem:s28+$0x9DD0] =	vst.add.f32.msk $0xffff, v26  }
0x186: {  	[tilespmem:s28+$0x6BE0] =	vst.add.f32.msk $0xffff, v27  }
0x187: {  	[tilespmem:s28+$0x9DE0] =	vst.add.f32.msk $0xffff, v27  }
0x188: {  	[tilespmem:s28+$0x6BF0] =	vst.add.f32.msk $0xffff, v28  }
0x189: {  	[tilespmem:s28+$0x9DF0] =	vst.add.f32.msk $0xffff, v28  }
0x18a: {  	[tilespmem:s28+$0x6C00] =	vst.add.f32.msk $0xffff, v29  }
0x18b: {  	[tilespmem:s28+$0x9E00] =	vst.add.f32.msk $0xffff, v29  }
0x18c: {  	[tilespmem:s28+$0x6C10] =	vst.add.f32.msk $0xffff, v30  }
0x18d: {  	[tilespmem:s28+$0x9E10] =	vst.add.f32.msk $0xffff, v30  }
0x18e: {  	[tilespmem:s28+$0x6C20] =	vst.add.f32.msk $0xffff, v31  }
0x18f: {  	s18 =	simm.s32 $0x0;
	s19 =	simm.s32 $0x800;
	[tilespmem:s28+$0x9E20] =	vst.add.f32.msk $0xffff, v31  }
.LBB2_5:
0x190: {  	s18 =	sadd.s32 $0x8, s18;
	[tilespmem:s28+$0x6C30] =	vst.add.f32.msk $0xffff, v0;
	s28 =	sshra.s32 s19, $0x2  }
0x191: {  	v0 =	vld [tilespmem:s28+$0x19830];
	p1 =	slt.u32 s18, $0xC0  }
0x192: {  	v1 =	vld [tilespmem:s28+$0x19640]  }
0x193: {  	v2 =	vld [tilespmem:s28+$0x19650]  }
0x194: {  	v3 =	vld [tilespmem:s28+$0x19660]  }
0x195: {  	v4 =	vld [tilespmem:s28+$0x19670]  }
0x196: {  	[tilespmem:s28+$0x9E30] =	vst.add.f32.msk $0xffff, v0  }
0x197: {  	v5 =	vld [tilespmem:s28+$0x19680]  }
0x198: {  	v6 =	vld [tilespmem:s28+$0x19690]  }
0x199: {  	v7 =	vld [tilespmem:s28+$0x196A0]  }
0x19a: {  	v8 =	vld [tilespmem:s28+$0x196B0]  }
0x19b: {  	v9 =	vld [tilespmem:s28+$0x196C0]  }
0x19c: {  	v10 =	vld [tilespmem:s28+$0x196D0]  }
0x19d: {  	v11 =	vld [tilespmem:s28+$0x196E0]  }
0x19e: {  	v12 =	vld [tilespmem:s28+$0x196F0]  }
0x19f: {  	v13 =	vld [tilespmem:s28+$0x19700]  }
0x1a0: {  	v14 =	vld [tilespmem:s28+$0x19710]  }
0x1a1: {  	v15 =	vld [tilespmem:s28+$0x19720]  }
0x1a2: {  	v16 =	vld [tilespmem:s28+$0x19730]  }
0x1a3: {  	v17 =	vld [tilespmem:s28+$0x19740]  }
0x1a4: {  	v18 =	vld [tilespmem:s28+$0x19750]  }
0x1a5: {  	v19 =	vld [tilespmem:s28+$0x19760]  }
0x1a6: {  	v20 =	vld [tilespmem:s28+$0x19770]  }
0x1a7: {  	v21 =	vld [tilespmem:s28+$0x19780]  }
0x1a8: {  	v22 =	vld [tilespmem:s28+$0x19790]  }
0x1a9: {  	v23 =	vld [tilespmem:s28+$0x197A0]  }
0x1aa: {  	v24 =	vld [tilespmem:s28+$0x197B0]  }
0x1ab: {  	v25 =	vld [tilespmem:s28+$0x197C0]  }
0x1ac: {  	v26 =	vld [tilespmem:s28+$0x197D0]  }
0x1ad: {  	v27 =	vld [tilespmem:s28+$0x197E0]  }
0x1ae: {  	v28 =	vld [tilespmem:s28+$0x197F0]  }
0x1af: {  	v29 =	vld [tilespmem:s28+$0x19800]  }
0x1b0: {  	v30 =	vld [tilespmem:s28+$0x19810]  }
0x1b1: {  	v31 =	vld [tilespmem:s28+$0x19820]  }
0x1b2: {  	[tilespmem:s28+$0x6A40] =	vst.add.f32.msk $0xffff, v1  }
0x1b3: {  	[tilespmem:s28+$0x9C40] =	vst.add.f32.msk $0xffff, v1  }
0x1b4: {  	[tilespmem:s28+$0x6A50] =	vst.add.f32.msk $0xffff, v2  }
0x1b5: {  	[tilespmem:s28+$0x9C50] =	vst.add.f32.msk $0xffff, v2  }
0x1b6: {  	[tilespmem:s28+$0x6A60] =	vst.add.f32.msk $0xffff, v3  }
0x1b7: {  	[tilespmem:s28+$0x9C60] =	vst.add.f32.msk $0xffff, v3  }
0x1b8: {  	[tilespmem:s28+$0x6A70] =	vst.add.f32.msk $0xffff, v4  }
0x1b9: {  	[tilespmem:s28+$0x9C70] =	vst.add.f32.msk $0xffff, v4  }
0x1ba: {  	[tilespmem:s28+$0x6A80] =	vst.add.f32.msk $0xffff, v5  }
0x1bb: {  	[tilespmem:s28+$0x9C80] =	vst.add.f32.msk $0xffff, v5  }
0x1bc: {  	[tilespmem:s28+$0x6A90] =	vst.add.f32.msk $0xffff, v6  }
0x1bd: {  	[tilespmem:s28+$0x9C90] =	vst.add.f32.msk $0xffff, v6  }
0x1be: {  	[tilespmem:s28+$0x6AA0] =	vst.add.f32.msk $0xffff, v7  }
0x1bf: {  	[tilespmem:s28+$0x9CA0] =	vst.add.f32.msk $0xffff, v7  }
0x1c0: {  	[tilespmem:s28+$0x6AB0] =	vst.add.f32.msk $0xffff, v8  }
0x1c1: {  	[tilespmem:s28+$0x9CB0] =	vst.add.f32.msk $0xffff, v8  }
0x1c2: {  	[tilespmem:s28+$0x6AC0] =	vst.add.f32.msk $0xffff, v9  }
0x1c3: {  	[tilespmem:s28+$0x9CC0] =	vst.add.f32.msk $0xffff, v9  }
0x1c4: {  	[tilespmem:s28+$0x6AD0] =	vst.add.f32.msk $0xffff, v10  }
0x1c5: {  	[tilespmem:s28+$0x9CD0] =	vst.add.f32.msk $0xffff, v10  }
0x1c6: {  	[tilespmem:s28+$0x6AE0] =	vst.add.f32.msk $0xffff, v11  }
0x1c7: {  	[tilespmem:s28+$0x9CE0] =	vst.add.f32.msk $0xffff, v11  }
0x1c8: {  	[tilespmem:s28+$0x6AF0] =	vst.add.f32.msk $0xffff, v12  }
0x1c9: {  	[tilespmem:s28+$0x9CF0] =	vst.add.f32.msk $0xffff, v12  }
0x1ca: {  	[tilespmem:s28+$0x6B00] =	vst.add.f32.msk $0xffff, v13  }
0x1cb: {  	[tilespmem:s28+$0x9D00] =	vst.add.f32.msk $0xffff, v13  }
0x1cc: {  	[tilespmem:s28+$0x6B10] =	vst.add.f32.msk $0xffff, v14  }
0x1cd: {  	[tilespmem:s28+$0x9D10] =	vst.add.f32.msk $0xffff, v14  }
0x1ce: {  	[tilespmem:s28+$0x6B20] =	vst.add.f32.msk $0xffff, v15  }
0x1cf: {  	[tilespmem:s28+$0x9D20] =	vst.add.f32.msk $0xffff, v15  }
0x1d0: {  	[tilespmem:s28+$0x6B30] =	vst.add.f32.msk $0xffff, v16  }
0x1d1: {  	[tilespmem:s28+$0x9D30] =	vst.add.f32.msk $0xffff, v16  }
0x1d2: {  	[tilespmem:s28+$0x6B40] =	vst.add.f32.msk $0xffff, v17  }
0x1d3: {  	[tilespmem:s28+$0x9D40] =	vst.add.f32.msk $0xffff, v17  }
0x1d4: {  	[tilespmem:s28+$0x6B50] =	vst.add.f32.msk $0xffff, v18  }
0x1d5: {  	[tilespmem:s28+$0x9D50] =	vst.add.f32.msk $0xffff, v18  }
0x1d6: {  	[tilespmem:s28+$0x6B60] =	vst.add.f32.msk $0xffff, v19  }
0x1d7: {  	[tilespmem:s28+$0x9D60] =	vst.add.f32.msk $0xffff, v19  }
0x1d8: {  	[tilespmem:s28+$0x6B70] =	vst.add.f32.msk $0xffff, v20  }
0x1d9: {  	[tilespmem:s28+$0x9D70] =	vst.add.f32.msk $0xffff, v20  }
0x1da: {  	[tilespmem:s28+$0x6B80] =	vst.add.f32.msk $0xffff, v21  }
0x1db: {  	[tilespmem:s28+$0x9D80] =	vst.add.f32.msk $0xffff, v21  }
0x1dc: {  	[tilespmem:s28+$0x6B90] =	vst.add.f32.msk $0xffff, v22  }
0x1dd: {  	[tilespmem:s28+$0x9D90] =	vst.add.f32.msk $0xffff, v22  }
0x1de: {  	[tilespmem:s28+$0x6BA0] =	vst.add.f32.msk $0xffff, v23  }
0x1df: {  	[tilespmem:s28+$0x9DA0] =	vst.add.f32.msk $0xffff, v23  }
0x1e0: {  	[tilespmem:s28+$0x6BB0] =	vst.add.f32.msk $0xffff, v24  }
0x1e1: {  	[tilespmem:s28+$0x9DB0] =	vst.add.f32.msk $0xffff, v24  }
0x1e2: {  	[tilespmem:s28+$0x6BC0] =	vst.add.f32.msk $0xffff, v25  }
0x1e3: {  	[tilespmem:s28+$0x9DC0] =	vst.add.f32.msk $0xffff, v25  }
0x1e4: {  	[tilespmem:s28+$0x6BD0] =	vst.add.f32.msk $0xffff, v26  }
0x1e5: {  	[tilespmem:s28+$0x9DD0] =	vst.add.f32.msk $0xffff, v26  }
0x1e6: {  	[tilespmem:s28+$0x6BE0] =	vst.add.f32.msk $0xffff, v27  }
0x1e7: {  	[tilespmem:s28+$0x9DE0] =	vst.add.f32.msk $0xffff, v27  }
0x1e8: {  	[tilespmem:s28+$0x6BF0] =	vst.add.f32.msk $0xffff, v28  }
0x1e9: {  	[tilespmem:s28+$0x9DF0] =	vst.add.f32.msk $0xffff, v28  }
0x1ea: {  	[tilespmem:s28+$0x6C00] =	vst.add.f32.msk $0xffff, v29  }
.Ltmp1:
0x1eb: {  	[tilespmem:s28+$0x9E00] =	vst.add.f32.msk $0xffff, v29;
	(pc) =	sbr.rel @p1 .LBB2_5-.Ltmp1, $4  }
0x1ec: {  	[tilespmem:s28+$0x6C10] =	vst.add.f32.msk $0xffff, v30  }
0x1ed: {  	[tilespmem:s28+$0x9E10] =	vst.add.f32.msk $0xffff, v30  }
0x1ee: {  	[tilespmem:s28+$0x6C20] =	vst.add.f32.msk $0xffff, v31  }
0x1ef: {  	s19 =	sadd.s32 $0x800, s19;
	[tilespmem:s28+$0x9E20] =	vst.add.f32.msk $0xffff, v31  }
0x1f0: {  	s18 =	sor.u32 $0x2, s25  }
0x1f1: {  	s19 =	smul.u32 $0x640, s18  }
0x1f2: {  	s18 =	smul.u32 $0x3200, s18;
	_ =	sdelay $0x1  }
0x1f3: {  	[tilespmem:s28+$0x6C30] =	vst.add.f32.msk $0xffff, v0;
	s19 =	sadd.s32 s2, s19;
	s18 =	sshrl.u32 s18, $0x3  }
0x1f4: {  	[hbm4b:s19+s3] =	stream.linear.scatter [tilespmem:s1], [sflag:$0xA], $0x3200, $0x38;
	[tilespmem:$0x1C840] =	vst v63  }
0x1f5: {  	s18 =	sadd.s32 s2, s18  }
0x1f6: {  	s19 =	simm.s32 $0x9C40;
	s18 =	sadd.s32 $0x640, s18  }
0x1f7: {  	[hbm4b:s18+s3] =	stream.linear.scatter [tilespmem:s19], [sflag:$0xA], $0x3200, $0x38;
	[tilespmem:$0x1C840] =	vst v63  }
0x1f8: {  	s18 =	sadd.s32 @!p0 s26, s13  }
0x1f9: {  	s18 =	sshrl.u32 @!p0 s18, $0x3  }
0x1fa: {  	s28 =	simm.s32 @!p0 $0x190;
	s19 =	simm.s32 @!p0 $0x0;
	s18 =	sadd.s32 @!p0 s5, s18  }
0x1fb: {  	[tilespmem:s28], [sflag:$0x2] =	stream.linear.gather @!p0 [hbm4b:s18+s19], $0x190, $0x38;
	[tilespmem:$0x1C840] =	vst v63  }
0x1fc: {  	s18 =	simm.s32 @!p0 $0x9  }
0x1fd: {  	_ =	swait.ge @!p0 [sflag:s18], $0x3200  }
0x1fe: {  	[sflag:s18] =	ssyncset.done @!p0 $0x0  }
0x1ff: {  	[sflag:s18] =	ssyncadd.s32 @!p0 $0xFFFFCE00  }
0x200: {  	_ =	swait.ge @!p0 [sflag:s18], $0x3200  }
0x201: {  	[sflag:s18] =	ssyncset.done @!p0 $0x0  }
0x202: {  	[sflag:s18] =	ssyncadd.s32 @!p0 $0xFFFFCE00;
	s18 =	simm.s32 @!p0 $0x1  }
0x203: {  	_ =	swait.ge @!p0 [sflag:s18], $0x190  }
0x204: {  	[sflag:s18] =	ssyncset.done @!p0 $0x0  }
0x205: {  	s28 =	simm.s32 @!p0 $0x640;
	[sflag:s18] =	ssyncadd.s32 @!p0 $0xFFFFFE70;
	s18 =	simm.s32 @!p0 $0x50  }
0x206: {  	[tilespmem:s28], [sflag:$0x5] =	stream.indirect.gather @!p0 [hbm4b:s6+s18], $0x40, s19, s18, $0xb8;
	[tilespmem:$0x1C840] =	vst v63  }
0x207: {  	s19 =	simm.s32 @!p0 $0x1A40  }
0x208: {  	[tilespmem:s19], [sflag:$0x5] =	stream.indirect.gather @!p0 [hbm4b:s6+s18], $0x40, s18, s18, $0xb8;
	[tilespmem:$0x1C840] =	vst v63  }
0x209: {  	s28 =	simm.s32 @!p0 $0x2E40;
	s19 =	simm.s32 @!p0 $0xA0  }
0x20a: {  	[tilespmem:s28], [sflag:$0x5] =	stream.indirect.gather @!p0 [hbm4b:s6+s18], $0x40, s19, s18, $0xb8;
	[tilespmem:$0x1C840] =	vst v63  }
0x20b: {  	s19 =	simm.s32 @!p0 $0xF0;
	s28 =	simm.s32 @!p0 $0x4240  }
0x20c: {  	[tilespmem:s28], [sflag:$0x5] =	stream.indirect.gather @!p0 [hbm4b:s6+s18], $0x40, s19, s18, $0xb8;
	[tilespmem:$0x1C840] =	vst v63  }
0x20d: {  	s19 =	simm.s32 @!p0 $0x140;
	s28 =	simm.s32 @!p0 $0x5640  }
0x20e: {  	[tilespmem:s28], [sflag:$0x5] =	stream.indirect.gather @!p0 [hbm4b:s6+s18], $0x40, s19, s18, $0xb8;
	[tilespmem:$0x1C840] =	vst v63  }
0x20f: {  	_ =	swait.ge [sflag:s7], $0x6400  }
0x210: {  	[sflag:s7] =	ssyncset.done $0x0  }
0x211: {  	s28 =	simm.s32 $0x0;
	[sflag:s7] =	ssyncadd.s32 $0xFFFF9C00  }
0x212: {  	v0 =	vld [tilespmem:s28+$0x19830]  }
0x213: {  	v1 =	vld [tilespmem:s28+$0x19640]  }
0x214: {  	v2 =	vld [tilespmem:s28+$0x19650]  }
0x215: {  	v3 =	vld [tilespmem:s28+$0x19660]  }
0x216: {  	v4 =	vld [tilespmem:s28+$0x19670]  }
0x217: {  	v5 =	vld [tilespmem:s28+$0x19680]  }
0x218: {  	v6 =	vld [tilespmem:s28+$0x19690]  }
0x219: {  	v7 =	vld [tilespmem:s28+$0x196A0]  }
0x21a: {  	v8 =	vld [tilespmem:s28+$0x196B0]  }
0x21b: {  	v9 =	vld [tilespmem:s28+$0x196C0]  }
0x21c: {  	v10 =	vld [tilespmem:s28+$0x196D0]  }
0x21d: {  	v11 =	vld [tilespmem:s28+$0x196E0]  }
0x21e: {  	v12 =	vld [tilespmem:s28+$0x196F0]  }
0x21f: {  	v13 =	vld [tilespmem:s28+$0x19700]  }
0x220: {  	v14 =	vld [tilespmem:s28+$0x19710]  }
0x221: {  	v15 =	vld [tilespmem:s28+$0x19720]  }
0x222: {  	v16 =	vld [tilespmem:s28+$0x19730]  }
0x223: {  	v17 =	vld [tilespmem:s28+$0x19740]  }
0x224: {  	v18 =	vld [tilespmem:s28+$0x19750]  }
0x225: {  	v19 =	vld [tilespmem:s28+$0x19760]  }
0x226: {  	v20 =	vld [tilespmem:s28+$0x19770]  }
0x227: {  	v21 =	vld [tilespmem:s28+$0x19780]  }
0x228: {  	v22 =	vld [tilespmem:s28+$0x19790]  }
0x229: {  	v23 =	vld [tilespmem:s28+$0x197A0]  }
0x22a: {  	v24 =	vld [tilespmem:s28+$0x197B0]  }
0x22b: {  	v25 =	vld [tilespmem:s28+$0x197C0]  }
0x22c: {  	v26 =	vld [tilespmem:s28+$0x197D0]  }
0x22d: {  	v27 =	vld [tilespmem:s28+$0x197E0]  }
0x22e: {  	v28 =	vld [tilespmem:s28+$0x197F0]  }
0x22f: {  	v29 =	vld [tilespmem:s28+$0x19800]  }
0x230: {  	v30 =	vld [tilespmem:s28+$0x19810]  }
0x231: {  	v31 =	vld [tilespmem:s28+$0x19820]  }
0x232: {  	[tilespmem:s28+$0x10230] =	vst.add.f32.msk $0xffff, v0  }
0x233: {  	[tilespmem:s28+$0xCE40] =	vst.add.f32.msk $0xffff, v1  }
0x234: {  	[tilespmem:s28+$0x10040] =	vst.add.f32.msk $0xffff, v1  }
0x235: {  	[tilespmem:s28+$0xCE50] =	vst.add.f32.msk $0xffff, v2  }
0x236: {  	[tilespmem:s28+$0x10050] =	vst.add.f32.msk $0xffff, v2  }
0x237: {  	[tilespmem:s28+$0xCE60] =	vst.add.f32.msk $0xffff, v3  }
0x238: {  	[tilespmem:s28+$0x10060] =	vst.add.f32.msk $0xffff, v3  }
0x239: {  	[tilespmem:s28+$0xCE70] =	vst.add.f32.msk $0xffff, v4  }
0x23a: {  	[tilespmem:s28+$0x10070] =	vst.add.f32.msk $0xffff, v4  }
0x23b: {  	[tilespmem:s28+$0xCE80] =	vst.add.f32.msk $0xffff, v5  }
0x23c: {  	[tilespmem:s28+$0x10080] =	vst.add.f32.msk $0xffff, v5  }
0x23d: {  	[tilespmem:s28+$0xCE90] =	vst.add.f32.msk $0xffff, v6  }
0x23e: {  	[tilespmem:s28+$0x10090] =	vst.add.f32.msk $0xffff, v6  }
0x23f: {  	[tilespmem:s28+$0xCEA0] =	vst.add.f32.msk $0xffff, v7  }
0x240: {  	[tilespmem:s28+$0x100A0] =	vst.add.f32.msk $0xffff, v7  }
0x241: {  	[tilespmem:s28+$0xCEB0] =	vst.add.f32.msk $0xffff, v8  }
0x242: {  	[tilespmem:s28+$0x100B0] =	vst.add.f32.msk $0xffff, v8  }
0x243: {  	[tilespmem:s28+$0xCEC0] =	vst.add.f32.msk $0xffff, v9  }
0x244: {  	[tilespmem:s28+$0x100C0] =	vst.add.f32.msk $0xffff, v9  }
0x245: {  	[tilespmem:s28+$0xCED0] =	vst.add.f32.msk $0xffff, v10  }
0x246: {  	[tilespmem:s28+$0x100D0] =	vst.add.f32.msk $0xffff, v10  }
0x247: {  	[tilespmem:s28+$0xCEE0] =	vst.add.f32.msk $0xffff, v11  }
0x248: {  	[tilespmem:s28+$0x100E0] =	vst.add.f32.msk $0xffff, v11  }
0x249: {  	[tilespmem:s28+$0xCEF0] =	vst.add.f32.msk $0xffff, v12  }
0x24a: {  	[tilespmem:s28+$0x100F0] =	vst.add.f32.msk $0xffff, v12  }
0x24b: {  	[tilespmem:s28+$0xCF00] =	vst.add.f32.msk $0xffff, v13  }
0x24c: {  	[tilespmem:s28+$0x10100] =	vst.add.f32.msk $0xffff, v13  }
0x24d: {  	[tilespmem:s28+$0xCF10] =	vst.add.f32.msk $0xffff, v14  }
0x24e: {  	[tilespmem:s28+$0x10110] =	vst.add.f32.msk $0xffff, v14  }
0x24f: {  	[tilespmem:s28+$0xCF20] =	vst.add.f32.msk $0xffff, v15  }
0x250: {  	[tilespmem:s28+$0x10120] =	vst.add.f32.msk $0xffff, v15  }
0x251: {  	[tilespmem:s28+$0xCF30] =	vst.add.f32.msk $0xffff, v16  }
0x252: {  	[tilespmem:s28+$0x10130] =	vst.add.f32.msk $0xffff, v16  }
0x253: {  	[tilespmem:s28+$0xCF40] =	vst.add.f32.msk $0xffff, v17  }
0x254: {  	[tilespmem:s28+$0x10140] =	vst.add.f32.msk $0xffff, v17  }
0x255: {  	[tilespmem:s28+$0xCF50] =	vst.add.f32.msk $0xffff, v18  }
0x256: {  	[tilespmem:s28+$0x10150] =	vst.add.f32.msk $0xffff, v18  }
0x257: {  	[tilespmem:s28+$0xCF60] =	vst.add.f32.msk $0xffff, v19  }
0x258: {  	[tilespmem:s28+$0x10160] =	vst.add.f32.msk $0xffff, v19  }
0x259: {  	[tilespmem:s28+$0xCF70] =	vst.add.f32.msk $0xffff, v20  }
0x25a: {  	[tilespmem:s28+$0x10170] =	vst.add.f32.msk $0xffff, v20  }
0x25b: {  	[tilespmem:s28+$0xCF80] =	vst.add.f32.msk $0xffff, v21  }
0x25c: {  	[tilespmem:s28+$0x10180] =	vst.add.f32.msk $0xffff, v21  }
0x25d: {  	[tilespmem:s28+$0xCF90] =	vst.add.f32.msk $0xffff, v22  }
0x25e: {  	[tilespmem:s28+$0x10190] =	vst.add.f32.msk $0xffff, v22  }
0x25f: {  	[tilespmem:s28+$0xCFA0] =	vst.add.f32.msk $0xffff, v23  }
0x260: {  	[tilespmem:s28+$0x101A0] =	vst.add.f32.msk $0xffff, v23  }
0x261: {  	[tilespmem:s28+$0xCFB0] =	vst.add.f32.msk $0xffff, v24  }
0x262: {  	[tilespmem:s28+$0x101B0] =	vst.add.f32.msk $0xffff, v24  }
0x263: {  	[tilespmem:s28+$0xCFC0] =	vst.add.f32.msk $0xffff, v25  }
0x264: {  	[tilespmem:s28+$0x101C0] =	vst.add.f32.msk $0xffff, v25  }
0x265: {  	[tilespmem:s28+$0xCFD0] =	vst.add.f32.msk $0xffff, v26  }
0x266: {  	[tilespmem:s28+$0x101D0] =	vst.add.f32.msk $0xffff, v26  }
0x267: {  	[tilespmem:s28+$0xCFE0] =	vst.add.f32.msk $0xffff, v27  }
0x268: {  	[tilespmem:s28+$0x101E0] =	vst.add.f32.msk $0xffff, v27  }
0x269: {  	[tilespmem:s28+$0xCFF0] =	vst.add.f32.msk $0xffff, v28  }
0x26a: {  	[tilespmem:s28+$0x101F0] =	vst.add.f32.msk $0xffff, v28  }
0x26b: {  	[tilespmem:s28+$0xD000] =	vst.add.f32.msk $0xffff, v29  }
0x26c: {  	[tilespmem:s28+$0x10200] =	vst.add.f32.msk $0xffff, v29  }
0x26d: {  	[tilespmem:s28+$0xD010] =	vst.add.f32.msk $0xffff, v30  }
0x26e: {  	[tilespmem:s28+$0x10210] =	vst.add.f32.msk $0xffff, v30  }
0x26f: {  	[tilespmem:s28+$0xD020] =	vst.add.f32.msk $0xffff, v31  }
0x270: {  	s18 =	simm.s32 $0x0;
	s19 =	simm.s32 $0x800;
	[tilespmem:s28+$0x10220] =	vst.add.f32.msk $0xffff, v31  }
.LBB2_7:
0x271: {  	s18 =	sadd.s32 $0x8, s18;
	[tilespmem:s28+$0xD030] =	vst.add.f32.msk $0xffff, v0;
	s28 =	sshra.s32 s19, $0x2  }
0x272: {  	v0 =	vld [tilespmem:s28+$0x19830];
	p1 =	slt.u32 s18, $0xC0  }
0x273: {  	v1 =	vld [tilespmem:s28+$0x19640]  }
0x274: {  	v2 =	vld [tilespmem:s28+$0x19650]  }
0x275: {  	v3 =	vld [tilespmem:s28+$0x19660]  }
0x276: {  	v4 =	vld [tilespmem:s28+$0x19670]  }
0x277: {  	[tilespmem:s28+$0x10230] =	vst.add.f32.msk $0xffff, v0  }
0x278: {  	v5 =	vld [tilespmem:s28+$0x19680]  }
0x279: {  	v6 =	vld [tilespmem:s28+$0x19690]  }
0x27a: {  	v7 =	vld [tilespmem:s28+$0x196A0]  }
0x27b: {  	v8 =	vld [tilespmem:s28+$0x196B0]  }
0x27c: {  	v9 =	vld [tilespmem:s28+$0x196C0]  }
0x27d: {  	v10 =	vld [tilespmem:s28+$0x196D0]  }
0x27e: {  	v11 =	vld [tilespmem:s28+$0x196E0]  }
0x27f: {  	v12 =	vld [tilespmem:s28+$0x196F0]  }
0x280: {  	v13 =	vld [tilespmem:s28+$0x19700]  }
0x281: {  	v14 =	vld [tilespmem:s28+$0x19710]  }
0x282: {  	v15 =	vld [tilespmem:s28+$0x19720]  }
0x283: {  	v16 =	vld [tilespmem:s28+$0x19730]  }
0x284: {  	v17 =	vld [tilespmem:s28+$0x19740]  }
0x285: {  	v18 =	vld [tilespmem:s28+$0x19750]  }
0x286: {  	v19 =	vld [tilespmem:s28+$0x19760]  }
0x287: {  	v20 =	vld [tilespmem:s28+$0x19770]  }
0x288: {  	v21 =	vld [tilespmem:s28+$0x19780]  }
0x289: {  	v22 =	vld [tilespmem:s28+$0x19790]  }
0x28a: {  	v23 =	vld [tilespmem:s28+$0x197A0]  }
0x28b: {  	v24 =	vld [tilespmem:s28+$0x197B0]  }
0x28c: {  	v25 =	vld [tilespmem:s28+$0x197C0]  }
0x28d: {  	v26 =	vld [tilespmem:s28+$0x197D0]  }
0x28e: {  	v27 =	vld [tilespmem:s28+$0x197E0]  }
0x28f: {  	v28 =	vld [tilespmem:s28+$0x197F0]  }
0x290: {  	v29 =	vld [tilespmem:s28+$0x19800]  }
0x291: {  	v30 =	vld [tilespmem:s28+$0x19810]  }
0x292: {  	v31 =	vld [tilespmem:s28+$0x19820]  }
0x293: {  	[tilespmem:s28+$0xCE40] =	vst.add.f32.msk $0xffff, v1  }
0x294: {  	[tilespmem:s28+$0x10040] =	vst.add.f32.msk $0xffff, v1  }
0x295: {  	[tilespmem:s28+$0xCE50] =	vst.add.f32.msk $0xffff, v2  }
0x296: {  	[tilespmem:s28+$0x10050] =	vst.add.f32.msk $0xffff, v2  }
0x297: {  	[tilespmem:s28+$0xCE60] =	vst.add.f32.msk $0xffff, v3  }
0x298: {  	[tilespmem:s28+$0x10060] =	vst.add.f32.msk $0xffff, v3  }
0x299: {  	[tilespmem:s28+$0xCE70] =	vst.add.f32.msk $0xffff, v4  }
0x29a: {  	[tilespmem:s28+$0x10070] =	vst.add.f32.msk $0xffff, v4  }
0x29b: {  	[tilespmem:s28+$0xCE80] =	vst.add.f32.msk $0xffff, v5  }
0x29c: {  	[tilespmem:s28+$0x10080] =	vst.add.f32.msk $0xffff, v5  }
0x29d: {  	[tilespmem:s28+$0xCE90] =	vst.add.f32.msk $0xffff, v6  }
0x29e: {  	[tilespmem:s28+$0x10090] =	vst.add.f32.msk $0xffff, v6  }
0x29f: {  	[tilespmem:s28+$0xCEA0] =	vst.add.f32.msk $0xffff, v7  }
0x2a0: {  	[tilespmem:s28+$0x100A0] =	vst.add.f32.msk $0xffff, v7  }
0x2a1: {  	[tilespmem:s28+$0xCEB0] =	vst.add.f32.msk $0xffff, v8  }
0x2a2: {  	[tilespmem:s28+$0x100B0] =	vst.add.f32.msk $0xffff, v8  }
0x2a3: {  	[tilespmem:s28+$0xCEC0] =	vst.add.f32.msk $0xffff, v9  }
0x2a4: {  	[tilespmem:s28+$0x100C0] =	vst.add.f32.msk $0xffff, v9  }
0x2a5: {  	[tilespmem:s28+$0xCED0] =	vst.add.f32.msk $0xffff, v10  }
0x2a6: {  	[tilespmem:s28+$0x100D0] =	vst.add.f32.msk $0xffff, v10  }
0x2a7: {  	[tilespmem:s28+$0xCEE0] =	vst.add.f32.msk $0xffff, v11  }
0x2a8: {  	[tilespmem:s28+$0x100E0] =	vst.add.f32.msk $0xffff, v11  }
0x2a9: {  	[tilespmem:s28+$0xCEF0] =	vst.add.f32.msk $0xffff, v12  }
0x2aa: {  	[tilespmem:s28+$0x100F0] =	vst.add.f32.msk $0xffff, v12  }
0x2ab: {  	[tilespmem:s28+$0xCF00] =	vst.add.f32.msk $0xffff, v13  }
0x2ac: {  	[tilespmem:s28+$0x10100] =	vst.add.f32.msk $0xffff, v13  }
0x2ad: {  	[tilespmem:s28+$0xCF10] =	vst.add.f32.msk $0xffff, v14  }
0x2ae: {  	[tilespmem:s28+$0x10110] =	vst.add.f32.msk $0xffff, v14  }
0x2af: {  	[tilespmem:s28+$0xCF20] =	vst.add.f32.msk $0xffff, v15  }
0x2b0: {  	[tilespmem:s28+$0x10120] =	vst.add.f32.msk $0xffff, v15  }
0x2b1: {  	[tilespmem:s28+$0xCF30] =	vst.add.f32.msk $0xffff, v16  }
0x2b2: {  	[tilespmem:s28+$0x10130] =	vst.add.f32.msk $0xffff, v16  }
0x2b3: {  	[tilespmem:s28+$0xCF40] =	vst.add.f32.msk $0xffff, v17  }
0x2b4: {  	[tilespmem:s28+$0x10140] =	vst.add.f32.msk $0xffff, v17  }
0x2b5: {  	[tilespmem:s28+$0xCF50] =	vst.add.f32.msk $0xffff, v18  }
0x2b6: {  	[tilespmem:s28+$0x10150] =	vst.add.f32.msk $0xffff, v18  }
0x2b7: {  	[tilespmem:s28+$0xCF60] =	vst.add.f32.msk $0xffff, v19  }
0x2b8: {  	[tilespmem:s28+$0x10160] =	vst.add.f32.msk $0xffff, v19  }
0x2b9: {  	[tilespmem:s28+$0xCF70] =	vst.add.f32.msk $0xffff, v20  }
0x2ba: {  	[tilespmem:s28+$0x10170] =	vst.add.f32.msk $0xffff, v20  }
0x2bb: {  	[tilespmem:s28+$0xCF80] =	vst.add.f32.msk $0xffff, v21  }
0x2bc: {  	[tilespmem:s28+$0x10180] =	vst.add.f32.msk $0xffff, v21  }
0x2bd: {  	[tilespmem:s28+$0xCF90] =	vst.add.f32.msk $0xffff, v22  }
0x2be: {  	[tilespmem:s28+$0x10190] =	vst.add.f32.msk $0xffff, v22  }
0x2bf: {  	[tilespmem:s28+$0xCFA0] =	vst.add.f32.msk $0xffff, v23  }
0x2c0: {  	[tilespmem:s28+$0x101A0] =	vst.add.f32.msk $0xffff, v23  }
0x2c1: {  	[tilespmem:s28+$0xCFB0] =	vst.add.f32.msk $0xffff, v24  }
0x2c2: {  	[tilespmem:s28+$0x101B0] =	vst.add.f32.msk $0xffff, v24  }
0x2c3: {  	[tilespmem:s28+$0xCFC0] =	vst.add.f32.msk $0xffff, v25  }
0x2c4: {  	[tilespmem:s28+$0x101C0] =	vst.add.f32.msk $0xffff, v25  }
0x2c5: {  	[tilespmem:s28+$0xCFD0] =	vst.add.f32.msk $0xffff, v26  }
0x2c6: {  	[tilespmem:s28+$0x101D0] =	vst.add.f32.msk $0xffff, v26  }
0x2c7: {  	[tilespmem:s28+$0xCFE0] =	vst.add.f32.msk $0xffff, v27  }
0x2c8: {  	[tilespmem:s28+$0x101E0] =	vst.add.f32.msk $0xffff, v27  }
0x2c9: {  	[tilespmem:s28+$0xCFF0] =	vst.add.f32.msk $0xffff, v28  }
0x2ca: {  	[tilespmem:s28+$0x101F0] =	vst.add.f32.msk $0xffff, v28  }
0x2cb: {  	[tilespmem:s28+$0xD000] =	vst.add.f32.msk $0xffff, v29  }
.Ltmp2:
0x2cc: {  	[tilespmem:s28+$0x10200] =	vst.add.f32.msk $0xffff, v29;
	(pc) =	sbr.rel @p1 .LBB2_7-.Ltmp2, $4  }
0x2cd: {  	[tilespmem:s28+$0xD010] =	vst.add.f32.msk $0xffff, v30  }
0x2ce: {  	[tilespmem:s28+$0x10210] =	vst.add.f32.msk $0xffff, v30  }
0x2cf: {  	[tilespmem:s28+$0xD020] =	vst.add.f32.msk $0xffff, v31  }
0x2d0: {  	s19 =	sadd.s32 $0x800, s19;
	[tilespmem:s28+$0x10220] =	vst.add.f32.msk $0xffff, v31  }
0x2d1: {  	s18 =	sor.u32 $0x4, s25  }
0x2d2: {  	s19 =	smul.u32 $0x640, s18  }
0x2d3: {  	s18 =	smul.u32 $0x3200, s18;
	_ =	sdelay $0x1  }
0x2d4: {  	[tilespmem:s28+$0xD030] =	vst.add.f32.msk $0xffff, v0;
	s19 =	sadd.s32 s2, s19;
	s18 =	sshrl.u32 s18, $0x3  }
0x2d5: {  	[hbm4b:s19+s3] =	stream.linear.scatter [tilespmem:s16], [sflag:$0xB], $0x3200, $0x38;
	[tilespmem:$0x1C840] =	vst v63  }
0x2d6: {  	s18 =	sadd.s32 s2, s18  }
0x2d7: {  	s18 =	sadd.s32 $0x640, s18  }
0x2d8: {  	[hbm4b:s18+s3] =	stream.linear.scatter [tilespmem:s11], [sflag:$0xB], $0x3200, $0x38;
	[tilespmem:$0x1C840] =	vst v63  }
0x2d9: {  	s18 =	sadd.s32 @!p0 s26, s14  }
0x2da: {  	s18 =	sshrl.u32 @!p0 s18, $0x3  }
0x2db: {  	s25 =	simm.s32 @!p0 $0x320;
	s19 =	simm.s32 @!p0 $0x0;
	s18 =	sadd.s32 @!p0 s5, s18  }
0x2dc: {  	[tilespmem:s25], [sflag:$0x3] =	stream.linear.gather @!p0 [hbm4b:s18+s19], $0x190, $0x38;
	[tilespmem:$0x1C840] =	vst v63  }
0x2dd: {  	s18 =	simm.s32 @!p0 $0xA  }
0x2de: {  	_ =	swait.ge @!p0 [sflag:s18], $0x3200  }
0x2df: {  	[sflag:s18] =	ssyncset.done @!p0 $0x0  }
0x2e0: {  	[sflag:s18] =	ssyncadd.s32 @!p0 $0xFFFFCE00  }
0x2e1: {  	_ =	swait.ge @!p0 [sflag:s18], $0x3200  }
0x2e2: {  	[sflag:s18] =	ssyncset.done @!p0 $0x0  }
0x2e3: {  	[sflag:s18] =	ssyncadd.s32 @!p0 $0xFFFFCE00;
	s18 =	simm.s32 @!p0 $0x2  }
0x2e4: {  	_ =	swait.ge @!p0 [sflag:s18], $0x190  }
0x2e5: {  	s19 =	simm.s32 @!p0 $0x190;
	[sflag:s18] =	ssyncset.done @!p0 $0x0  }
0x2e6: {  	s25 =	simm.s32 @!p0 $0x6A40;
	[sflag:s18] =	ssyncadd.s32 @!p0 $0xFFFFFE70;
	s18 =	simm.s32 @!p0 $0x50  }
0x2e7: {  	[tilespmem:s25], [sflag:$0x6] =	stream.indirect.gather @!p0 [hbm4b:s6+s18], $0x40, s19, s18, $0xb8;
	[tilespmem:$0x1C840] =	vst v63  }
0x2e8: {  	s19 =	simm.s32 @!p0 $0x1E0;
	s25 =	simm.s32 @!p0 $0x7E40  }
0x2e9: {  	[tilespmem:s25], [sflag:$0x6] =	stream.indirect.gather @!p0 [hbm4b:s6+s18], $0x40, s19, s18, $0xb8;
	[tilespmem:$0x1C840] =	vst v63  }
0x2ea: {  	s19 =	simm.s32 @!p0 $0x230;
	s25 =	simm.s32 @!p0 $0x9240  }
0x2eb: {  	[tilespmem:s25], [sflag:$0x6] =	stream.indirect.gather @!p0 [hbm4b:s6+s18], $0x40, s19, s18, $0xb8;
	[tilespmem:$0x1C840] =	vst v63  }
0x2ec: {  	s19 =	simm.s32 @!p0 $0x280;
	s25 =	simm.s32 @!p0 $0xA640  }
0x2ed: {  	[tilespmem:s25], [sflag:$0x6] =	stream.indirect.gather @!p0 [hbm4b:s6+s18], $0x40, s19, s18, $0xb8;
	[tilespmem:$0x1C840] =	vst v63  }
0x2ee: {  	s19 =	simm.s32 @!p0 $0x2D0;
	s25 =	simm.s32 @!p0 $0xBA40  }
0x2ef: {  	[tilespmem:s25], [sflag:$0x6] =	stream.indirect.gather @!p0 [hbm4b:s6+s18], $0x40, s19, s18, $0xb8;
	[tilespmem:$0x1C840] =	vst v63  }
0x2f0: {  	_ =	swait.ge [sflag:s17], $0x6400  }
0x2f1: {  	[sflag:s17] =	ssyncset.done $0x0  }
0x2f2: {  	s25 =	simm.s32 $0x0;
	[sflag:s17] =	ssyncadd.s32 $0xFFFF9C00  }
0x2f3: {  	v0 =	vld [tilespmem:s25+$0x19830]  }
0x2f4: {  	v1 =	vld [tilespmem:s25+$0x19640]  }
0x2f5: {  	v2 =	vld [tilespmem:s25+$0x19650]  }
0x2f6: {  	v3 =	vld [tilespmem:s25+$0x19660]  }
0x2f7: {  	v4 =	vld [tilespmem:s25+$0x19670]  }
0x2f8: {  	v5 =	vld [tilespmem:s25+$0x19680]  }
0x2f9: {  	v6 =	vld [tilespmem:s25+$0x19690]  }
0x2fa: {  	v7 =	vld [tilespmem:s25+$0x196A0]  }
0x2fb: {  	v8 =	vld [tilespmem:s25+$0x196B0]  }
0x2fc: {  	v9 =	vld [tilespmem:s25+$0x196C0]  }
0x2fd: {  	v10 =	vld [tilespmem:s25+$0x196D0]  }
0x2fe: {  	v11 =	vld [tilespmem:s25+$0x196E0]  }
0x2ff: {  	v12 =	vld [tilespmem:s25+$0x196F0]  }
0x300: {  	v13 =	vld [tilespmem:s25+$0x19700]  }
0x301: {  	v14 =	vld [tilespmem:s25+$0x19710]  }
0x302: {  	v15 =	vld [tilespmem:s25+$0x19720]  }
0x303: {  	v16 =	vld [tilespmem:s25+$0x19730]  }
0x304: {  	v17 =	vld [tilespmem:s25+$0x19740]  }
0x305: {  	v18 =	vld [tilespmem:s25+$0x19750]  }
0x306: {  	v19 =	vld [tilespmem:s25+$0x19760]  }
0x307: {  	v20 =	vld [tilespmem:s25+$0x19770]  }
0x308: {  	v21 =	vld [tilespmem:s25+$0x19780]  }
0x309: {  	v22 =	vld [tilespmem:s25+$0x19790]  }
0x30a: {  	v23 =	vld [tilespmem:s25+$0x197A0]  }
0x30b: {  	v24 =	vld [tilespmem:s25+$0x197B0]  }
0x30c: {  	v25 =	vld [tilespmem:s25+$0x197C0]  }
0x30d: {  	v26 =	vld [tilespmem:s25+$0x197D0]  }
0x30e: {  	v27 =	vld [tilespmem:s25+$0x197E0]  }
0x30f: {  	v28 =	vld [tilespmem:s25+$0x197F0]  }
0x310: {  	v29 =	vld [tilespmem:s25+$0x19800]  }
0x311: {  	v30 =	vld [tilespmem:s25+$0x19810]  }
0x312: {  	v31 =	vld [tilespmem:s25+$0x19820]  }
0x313: {  	[tilespmem:s25+$0x16630] =	vst.add.f32.msk $0xffff, v0  }
0x314: {  	[tilespmem:s25+$0x13240] =	vst.add.f32.msk $0xffff, v1  }
0x315: {  	[tilespmem:s25+$0x16440] =	vst.add.f32.msk $0xffff, v1  }
0x316: {  	[tilespmem:s25+$0x13250] =	vst.add.f32.msk $0xffff, v2  }
0x317: {  	[tilespmem:s25+$0x16450] =	vst.add.f32.msk $0xffff, v2  }
0x318: {  	[tilespmem:s25+$0x13260] =	vst.add.f32.msk $0xffff, v3  }
0x319: {  	[tilespmem:s25+$0x16460] =	vst.add.f32.msk $0xffff, v3  }
0x31a: {  	[tilespmem:s25+$0x13270] =	vst.add.f32.msk $0xffff, v4  }
0x31b: {  	[tilespmem:s25+$0x16470] =	vst.add.f32.msk $0xffff, v4  }
0x31c: {  	[tilespmem:s25+$0x13280] =	vst.add.f32.msk $0xffff, v5  }
0x31d: {  	[tilespmem:s25+$0x16480] =	vst.add.f32.msk $0xffff, v5  }
0x31e: {  	[tilespmem:s25+$0x13290] =	vst.add.f32.msk $0xffff, v6  }
0x31f: {  	[tilespmem:s25+$0x16490] =	vst.add.f32.msk $0xffff, v6  }
0x320: {  	[tilespmem:s25+$0x132A0] =	vst.add.f32.msk $0xffff, v7  }
0x321: {  	[tilespmem:s25+$0x164A0] =	vst.add.f32.msk $0xffff, v7  }
0x322: {  	[tilespmem:s25+$0x132B0] =	vst.add.f32.msk $0xffff, v8  }
0x323: {  	[tilespmem:s25+$0x164B0] =	vst.add.f32.msk $0xffff, v8  }
0x324: {  	[tilespmem:s25+$0x132C0] =	vst.add.f32.msk $0xffff, v9  }
0x325: {  	[tilespmem:s25+$0x164C0] =	vst.add.f32.msk $0xffff, v9  }
0x326: {  	[tilespmem:s25+$0x132D0] =	vst.add.f32.msk $0xffff, v10  }
0x327: {  	[tilespmem:s25+$0x164D0] =	vst.add.f32.msk $0xffff, v10  }
0x328: {  	[tilespmem:s25+$0x132E0] =	vst.add.f32.msk $0xffff, v11  }
0x329: {  	[tilespmem:s25+$0x164E0] =	vst.add.f32.msk $0xffff, v11  }
0x32a: {  	[tilespmem:s25+$0x132F0] =	vst.add.f32.msk $0xffff, v12  }
0x32b: {  	[tilespmem:s25+$0x164F0] =	vst.add.f32.msk $0xffff, v12  }
0x32c: {  	[tilespmem:s25+$0x13300] =	vst.add.f32.msk $0xffff, v13  }
0x32d: {  	[tilespmem:s25+$0x16500] =	vst.add.f32.msk $0xffff, v13  }
0x32e: {  	[tilespmem:s25+$0x13310] =	vst.add.f32.msk $0xffff, v14  }
0x32f: {  	[tilespmem:s25+$0x16510] =	vst.add.f32.msk $0xffff, v14  }
0x330: {  	[tilespmem:s25+$0x13320] =	vst.add.f32.msk $0xffff, v15  }
0x331: {  	[tilespmem:s25+$0x16520] =	vst.add.f32.msk $0xffff, v15  }
0x332: {  	[tilespmem:s25+$0x13330] =	vst.add.f32.msk $0xffff, v16  }
0x333: {  	[tilespmem:s25+$0x16530] =	vst.add.f32.msk $0xffff, v16  }
0x334: {  	[tilespmem:s25+$0x13340] =	vst.add.f32.msk $0xffff, v17  }
0x335: {  	[tilespmem:s25+$0x16540] =	vst.add.f32.msk $0xffff, v17  }
0x336: {  	[tilespmem:s25+$0x13350] =	vst.add.f32.msk $0xffff, v18  }
0x337: {  	[tilespmem:s25+$0x16550] =	vst.add.f32.msk $0xffff, v18  }
0x338: {  	[tilespmem:s25+$0x13360] =	vst.add.f32.msk $0xffff, v19  }
0x339: {  	[tilespmem:s25+$0x16560] =	vst.add.f32.msk $0xffff, v19  }
0x33a: {  	[tilespmem:s25+$0x13370] =	vst.add.f32.msk $0xffff, v20  }
0x33b: {  	[tilespmem:s25+$0x16570] =	vst.add.f32.msk $0xffff, v20  }
0x33c: {  	[tilespmem:s25+$0x13380] =	vst.add.f32.msk $0xffff, v21  }
0x33d: {  	[tilespmem:s25+$0x16580] =	vst.add.f32.msk $0xffff, v21  }
0x33e: {  	[tilespmem:s25+$0x13390] =	vst.add.f32.msk $0xffff, v22  }
0x33f: {  	[tilespmem:s25+$0x16590] =	vst.add.f32.msk $0xffff, v22  }
0x340: {  	[tilespmem:s25+$0x133A0] =	vst.add.f32.msk $0xffff, v23  }
0x341: {  	[tilespmem:s25+$0x165A0] =	vst.add.f32.msk $0xffff, v23  }
0x342: {  	[tilespmem:s25+$0x133B0] =	vst.add.f32.msk $0xffff, v24  }
0x343: {  	[tilespmem:s25+$0x165B0] =	vst.add.f32.msk $0xffff, v24  }
0x344: {  	[tilespmem:s25+$0x133C0] =	vst.add.f32.msk $0xffff, v25  }
0x345: {  	[tilespmem:s25+$0x165C0] =	vst.add.f32.msk $0xffff, v25  }
0x346: {  	[tilespmem:s25+$0x133D0] =	vst.add.f32.msk $0xffff, v26  }
0x347: {  	[tilespmem:s25+$0x165D0] =	vst.add.f32.msk $0xffff, v26  }
0x348: {  	[tilespmem:s25+$0x133E0] =	vst.add.f32.msk $0xffff, v27  }
0x349: {  	[tilespmem:s25+$0x165E0] =	vst.add.f32.msk $0xffff, v27  }
0x34a: {  	[tilespmem:s25+$0x133F0] =	vst.add.f32.msk $0xffff, v28  }
0x34b: {  	[tilespmem:s25+$0x165F0] =	vst.add.f32.msk $0xffff, v28  }
0x34c: {  	[tilespmem:s25+$0x13400] =	vst.add.f32.msk $0xffff, v29  }
0x34d: {  	[tilespmem:s25+$0x16600] =	vst.add.f32.msk $0xffff, v29  }
0x34e: {  	[tilespmem:s25+$0x13410] =	vst.add.f32.msk $0xffff, v30  }
0x34f: {  	[tilespmem:s25+$0x16610] =	vst.add.f32.msk $0xffff, v30  }
0x350: {  	[tilespmem:s25+$0x13420] =	vst.add.f32.msk $0xffff, v31  }
0x351: {  	s18 =	simm.s32 $0x0;
	s19 =	simm.s32 $0x800;
	[tilespmem:s25+$0x16620] =	vst.add.f32.msk $0xffff, v31  }
.LBB2_9:
0x352: {  	s18 =	sadd.s32 $0x8, s18;
	[tilespmem:s25+$0x13430] =	vst.add.f32.msk $0xffff, v0;
	s25 =	sshra.s32 s19, $0x2  }
0x353: {  	v0 =	vld [tilespmem:s25+$0x19830];
	p0 =	slt.u32 s18, $0xC0  }
0x354: {  	v1 =	vld [tilespmem:s25+$0x19640]  }
0x355: {  	v2 =	vld [tilespmem:s25+$0x19650]  }
0x356: {  	v3 =	vld [tilespmem:s25+$0x19660]  }
0x357: {  	v4 =	vld [tilespmem:s25+$0x19670]  }
0x358: {  	[tilespmem:s25+$0x16630] =	vst.add.f32.msk $0xffff, v0  }
0x359: {  	v5 =	vld [tilespmem:s25+$0x19680]  }
0x35a: {  	v6 =	vld [tilespmem:s25+$0x19690]  }
0x35b: {  	v7 =	vld [tilespmem:s25+$0x196A0]  }
0x35c: {  	v8 =	vld [tilespmem:s25+$0x196B0]  }
0x35d: {  	v9 =	vld [tilespmem:s25+$0x196C0]  }
0x35e: {  	v10 =	vld [tilespmem:s25+$0x196D0]  }
0x35f: {  	v11 =	vld [tilespmem:s25+$0x196E0]  }
0x360: {  	v12 =	vld [tilespmem:s25+$0x196F0]  }
0x361: {  	v13 =	vld [tilespmem:s25+$0x19700]  }
0x362: {  	v14 =	vld [tilespmem:s25+$0x19710]  }
0x363: {  	v15 =	vld [tilespmem:s25+$0x19720]  }
0x364: {  	v16 =	vld [tilespmem:s25+$0x19730]  }
0x365: {  	v17 =	vld [tilespmem:s25+$0x19740]  }
0x366: {  	v18 =	vld [tilespmem:s25+$0x19750]  }
0x367: {  	v19 =	vld [tilespmem:s25+$0x19760]  }
0x368: {  	v20 =	vld [tilespmem:s25+$0x19770]  }
0x369: {  	v21 =	vld [tilespmem:s25+$0x19780]  }
0x36a: {  	v22 =	vld [tilespmem:s25+$0x19790]  }
0x36b: {  	v23 =	vld [tilespmem:s25+$0x197A0]  }
0x36c: {  	v24 =	vld [tilespmem:s25+$0x197B0]  }
0x36d: {  	v25 =	vld [tilespmem:s25+$0x197C0]  }
0x36e: {  	v26 =	vld [tilespmem:s25+$0x197D0]  }
0x36f: {  	v27 =	vld [tilespmem:s25+$0x197E0]  }
0x370: {  	v28 =	vld [tilespmem:s25+$0x197F0]  }
0x371: {  	v29 =	vld [tilespmem:s25+$0x19800]  }
0x372: {  	v30 =	vld [tilespmem:s25+$0x19810]  }
0x373: {  	v31 =	vld [tilespmem:s25+$0x19820]  }
0x374: {  	[tilespmem:s25+$0x13240] =	vst.add.f32.msk $0xffff, v1  }
0x375: {  	[tilespmem:s25+$0x16440] =	vst.add.f32.msk $0xffff, v1  }
0x376: {  	[tilespmem:s25+$0x13250] =	vst.add.f32.msk $0xffff, v2  }
0x377: {  	[tilespmem:s25+$0x16450] =	vst.add.f32.msk $0xffff, v2  }
0x378: {  	[tilespmem:s25+$0x13260] =	vst.add.f32.msk $0xffff, v3  }
0x379: {  	[tilespmem:s25+$0x16460] =	vst.add.f32.msk $0xffff, v3  }
0x37a: {  	[tilespmem:s25+$0x13270] =	vst.add.f32.msk $0xffff, v4  }
0x37b: {  	[tilespmem:s25+$0x16470] =	vst.add.f32.msk $0xffff, v4  }
0x37c: {  	[tilespmem:s25+$0x13280] =	vst.add.f32.msk $0xffff, v5  }
0x37d: {  	[tilespmem:s25+$0x16480] =	vst.add.f32.msk $0xffff, v5  }
0x37e: {  	[tilespmem:s25+$0x13290] =	vst.add.f32.msk $0xffff, v6  }
0x37f: {  	[tilespmem:s25+$0x16490] =	vst.add.f32.msk $0xffff, v6  }
0x380: {  	[tilespmem:s25+$0x132A0] =	vst.add.f32.msk $0xffff, v7  }
0x381: {  	[tilespmem:s25+$0x164A0] =	vst.add.f32.msk $0xffff, v7  }
0x382: {  	[tilespmem:s25+$0x132B0] =	vst.add.f32.msk $0xffff, v8  }
0x383: {  	[tilespmem:s25+$0x164B0] =	vst.add.f32.msk $0xffff, v8  }
0x384: {  	[tilespmem:s25+$0x132C0] =	vst.add.f32.msk $0xffff, v9  }
0x385: {  	[tilespmem:s25+$0x164C0] =	vst.add.f32.msk $0xffff, v9  }
0x386: {  	[tilespmem:s25+$0x132D0] =	vst.add.f32.msk $0xffff, v10  }
0x387: {  	[tilespmem:s25+$0x164D0] =	vst.add.f32.msk $0xffff, v10  }
0x388: {  	[tilespmem:s25+$0x132E0] =	vst.add.f32.msk $0xffff, v11  }
0x389: {  	[tilespmem:s25+$0x164E0] =	vst.add.f32.msk $0xffff, v11  }
0x38a: {  	[tilespmem:s25+$0x132F0] =	vst.add.f32.msk $0xffff, v12  }
0x38b: {  	[tilespmem:s25+$0x164F0] =	vst.add.f32.msk $0xffff, v12  }
0x38c: {  	[tilespmem:s25+$0x13300] =	vst.add.f32.msk $0xffff, v13  }
0x38d: {  	[tilespmem:s25+$0x16500] =	vst.add.f32.msk $0xffff, v13  }
0x38e: {  	[tilespmem:s25+$0x13310] =	vst.add.f32.msk $0xffff, v14  }
0x38f: {  	[tilespmem:s25+$0x16510] =	vst.add.f32.msk $0xffff, v14  }
0x390: {  	[tilespmem:s25+$0x13320] =	vst.add.f32.msk $0xffff, v15  }
0x391: {  	[tilespmem:s25+$0x16520] =	vst.add.f32.msk $0xffff, v15  }
0x392: {  	[tilespmem:s25+$0x13330] =	vst.add.f32.msk $0xffff, v16  }
0x393: {  	[tilespmem:s25+$0x16530] =	vst.add.f32.msk $0xffff, v16  }
0x394: {  	[tilespmem:s25+$0x13340] =	vst.add.f32.msk $0xffff, v17  }
0x395: {  	[tilespmem:s25+$0x16540] =	vst.add.f32.msk $0xffff, v17  }
0x396: {  	[tilespmem:s25+$0x13350] =	vst.add.f32.msk $0xffff, v18  }
0x397: {  	[tilespmem:s25+$0x16550] =	vst.add.f32.msk $0xffff, v18  }
0x398: {  	[tilespmem:s25+$0x13360] =	vst.add.f32.msk $0xffff, v19  }
0x399: {  	[tilespmem:s25+$0x16560] =	vst.add.f32.msk $0xffff, v19  }
0x39a: {  	[tilespmem:s25+$0x13370] =	vst.add.f32.msk $0xffff, v20  }
0x39b: {  	[tilespmem:s25+$0x16570] =	vst.add.f32.msk $0xffff, v20  }
0x39c: {  	[tilespmem:s25+$0x13380] =	vst.add.f32.msk $0xffff, v21  }
0x39d: {  	[tilespmem:s25+$0x16580] =	vst.add.f32.msk $0xffff, v21  }
0x39e: {  	[tilespmem:s25+$0x13390] =	vst.add.f32.msk $0xffff, v22  }
0x39f: {  	[tilespmem:s25+$0x16590] =	vst.add.f32.msk $0xffff, v22  }
0x3a0: {  	[tilespmem:s25+$0x133A0] =	vst.add.f32.msk $0xffff, v23  }
0x3a1: {  	[tilespmem:s25+$0x165A0] =	vst.add.f32.msk $0xffff, v23  }
0x3a2: {  	[tilespmem:s25+$0x133B0] =	vst.add.f32.msk $0xffff, v24  }
0x3a3: {  	[tilespmem:s25+$0x165B0] =	vst.add.f32.msk $0xffff, v24  }
0x3a4: {  	[tilespmem:s25+$0x133C0] =	vst.add.f32.msk $0xffff, v25  }
0x3a5: {  	[tilespmem:s25+$0x165C0] =	vst.add.f32.msk $0xffff, v25  }
0x3a6: {  	[tilespmem:s25+$0x133D0] =	vst.add.f32.msk $0xffff, v26  }
0x3a7: {  	[tilespmem:s25+$0x165D0] =	vst.add.f32.msk $0xffff, v26  }
0x3a8: {  	[tilespmem:s25+$0x133E0] =	vst.add.f32.msk $0xffff, v27  }
0x3a9: {  	[tilespmem:s25+$0x165E0] =	vst.add.f32.msk $0xffff, v27  }
0x3aa: {  	[tilespmem:s25+$0x133F0] =	vst.add.f32.msk $0xffff, v28  }
0x3ab: {  	[tilespmem:s25+$0x165F0] =	vst.add.f32.msk $0xffff, v28  }
0x3ac: {  	[tilespmem:s25+$0x13400] =	vst.add.f32.msk $0xffff, v29  }
.Ltmp3:
0x3ad: {  	[tilespmem:s25+$0x16600] =	vst.add.f32.msk $0xffff, v29;
	(pc) =	sbr.rel @p0 .LBB2_9-.Ltmp3, $4  }
0x3ae: {  	[tilespmem:s25+$0x13410] =	vst.add.f32.msk $0xffff, v30  }
0x3af: {  	[tilespmem:s25+$0x16610] =	vst.add.f32.msk $0xffff, v30  }
0x3b0: {  	[tilespmem:s25+$0x13420] =	vst.add.f32.msk $0xffff, v31  }
0x3b1: {  	s19 =	sadd.s32 $0x800, s19;
	[tilespmem:s25+$0x16620] =	vst.add.f32.msk $0xffff, v31  }
0x3b2: {  	s18 =	sshll.u32 s24, $0x1  }
0x3b3: {  	s18 =	sadd.s32 s9, s18  }
0x3b4: {  	s19 =	smul.u32 $0x640, s18  }
0x3b5: {  	s23 =	sadd.s32 $0x1, s23;
	s18 =	smul.u32 $0x3200, s18  }
0x3b6: {  	p0 =	sne.s32 s23, $0x10  }
.Ltmp4:
0x3b7: {  	[tilespmem:s25+$0x13430] =	vst.add.f32.msk $0xffff, v0;
	s19 =	sadd.s32 s2, s19;
	s18 =	sshrl.u32 s18, $0x3;
	(pc) =	sbr.rel @p0 .LBB2_2-.Ltmp4, $4  }
0x3b8: {  	[hbm4b:s19+s3] =	stream.linear.scatter [tilespmem:s8], [sflag:$0xC], $0x3200, $0x38;
	[tilespmem:$0x1C840] =	vst v63  }
0x3b9: {  	s18 =	sadd.s32 s2, s18  }
0x3ba: {  	s18 =	sadd.s32 $0x640, s18  }
0x3bb: {  	[hbm4b:s18+s3] =	stream.linear.scatter [tilespmem:s20], [sflag:$0xC], $0x3200, $0x38;
	[tilespmem:$0x1C840] =	vst v63  }
0x3bc: {  	s18 =	simm.s32 $0x9  }
0x3bd: {  	_ =	swait.ge [sflag:s18], $0x3200  }
0x3be: {  	[sflag:s18] =	ssyncset.done $0x0  }
0x3bf: {  	[sflag:s18] =	ssyncadd.s32 $0xFFFFCE00  }
0x3c0: {  	_ =	swait.ge [sflag:s18], $0x3200  }
0x3c1: {  	[sflag:s18] =	ssyncset.done $0x0  }
0x3c2: {  	s25 =	simm.s32 $0xA;
	[sflag:s18] =	ssyncadd.s32 $0xFFFFCE00  }
0x3c3: {  	_ =	swait.ge [sflag:s25], $0x3200  }
0x3c4: {  	[sflag:s25] =	ssyncset.done $0x0  }
0x3c5: {  	[sflag:s25] =	ssyncadd.s32 $0xFFFFCE00  }
0x3c6: {  	_ =	swait.ge [sflag:s25], $0x3200  }
0x3c7: {  	[sflag:s25] =	ssyncset.done $0x0  }
0x3c8: {  	s26 =	simm.s32 $0xB;
	[sflag:s25] =	ssyncadd.s32 $0xFFFFCE00  }
0x3c9: {  	_ =	swait.ge [sflag:s26], $0x3200  }
0x3ca: {  	[sflag:s26] =	ssyncset.done $0x0  }
0x3cb: {  	[sflag:s26] =	ssyncadd.s32 $0xFFFFCE00  }
0x3cc: {  	_ =	swait.ge [sflag:s26], $0x3200  }
0x3cd: {  	[sflag:s26] =	ssyncset.done $0x0  }
0x3ce: {  	[sflag:s26] =	ssyncadd.s32 $0xFFFFCE00  }
0x3cf: {  	_ =	swait.ge [sflag:s31], $0x3200  }
0x3d0: {  	[sflag:s31] =	ssyncset.done $0x0  }
0x3d1: {  	[sflag:s31] =	ssyncadd.s32 $0xFFFFCE00  }
0x3d2: {  	_ =	swait.ge [sflag:s31], $0x3200  }
0x3d3: {  	s19 =	rddreg [dreg:$0x8]  }
0x3d4: {  	s28 =	rddreg [dreg:$0x7];
	s19 =	sadd.s32 $0x1, s19  }
0x3d5: {  	p0 =	sne.s32 s19, s28  }
.Ltmp5:
0x3d6: {  	_ = 	snop;
	(pc) =	sbr.rel @p0 .LBB2_1-.Ltmp5, $3  }
0x3d7: {  	_ =	sdelay $0x1  }
0x3d8: {  	[sflag:s31] =	ssyncset.done $0x0  }
0x3d9: {  	[sflag:s31] =	ssyncadd.s32 $0xFFFFCE00  }
0x3da: {  	_ =	sfence.sel $0x180000  }
0x3db: {  	[bflag:$0x0] =	sbarrier.arrive $0xFFFF  }
0x3dc: {  	_ =	strace $0x90000047  }
0x3dd: {  	s0 =	stileid.u32;
	[bflag:$0x2] =	sbarrier.arrive $0xFFFF  }
0x3de: {  	p0 =	sne.s32 s0, $0x0;
	s0 =	rddreg [dreg:$0x2]  }
0x3df: {  	s0 =	sadd.s32 @!p0 $0x100000, s0  }
0x3e0: {  	[sflag:s0] =	ssyncadd.tile.s32 @!p0 $0x1;
	_ =	shalt  }
.Lfunc_end2:
_tile_overlayer_lowered:
.L_overlay_start_2:
0x3e1: {  	(tag) =	ssettag $0x2  }
0x3e2: {  	s0 =	rddreg [dreg:$0x0];
	s2 =	stileid.u32  }
0x3e3: {  	s1 =	rddreg [dreg:$0x1];
	p0 =	sne.s32 s2, $0x0  }
0x3e4: {  	s3 =	rddreg [dreg:$0x2];
	[bflag:$0x3] =	sbarrier.arrive $0xFFFF;
	s2 =	simm.s32 @!p0 $0x1C0D  }
0x3e5: {  	[timem:s3], [sflag:s2] =	dma.local @!p0 [hbm:s0], s1  }
0x3e6: {  	s0 =	simm.s32 @!p0 $0xD  }
0x3e7: {  	_ =	swait.ge @!p0 [sflag:s0], s1  }
0x3e8: {  	s1 =	ssub.s32 @!p0 $0x0, s1;
	[sflag:s0] =	ssyncset.done @!p0 $0x0  }
0x3e9: {  	[sflag:s0] =	ssyncadd.s32 @!p0 s1  }
0x3ea: {  	[bflag:$0x3] =	sbarrier.arrive $0xFFFF  }
0x3eb: {  	_ =	shalt  }

// kernel: sparse-core-data-format-call.cloned.1.call-start
scs
called_computation_lowered:
.L_overlay_start_0:
0x0: {  	s2 =	sld [smem:$0x3FD9]  }
0x1: {  	s3 =	sld [smem:$0x3FFE];
	_ =	sdelay $0x1  }
0x2: {  	s1 =	srdreg.scid  }
0x3: {  	s0 =	sand.u32 $0x1, s1  }
0x4: {  	s18 =	sshll.u32 s0, $0xA;
	s2 =	sadd.s32 s3, s2  }
0x5: {  	s2 =	sadd.s32 s2, s18  }
0x6: {  	[smem:$0x3FC5] =	sst s2  }
0x7: {  	_ = 	snop  }
0x8: {  	s2 =	sld [smem:$0x3FD0];
	(tm) =	ssettm $0x1  }
0x9: {  	s19 =	sld [smem:$0x3FFB];
	_ =	sdelay $0x3  }
0xa: {  	_ =	strace s19  }
0xb: {  	s3 =	sld [smem:$0x3FFC];
	_ =	sdelay $0x3  }
0xc: {  	_ =	strace s3  }
0xd: {  	s3 =	sld [smem:$0x3FFD];
	_ =	sdelay $0x3  }
0xe: {  	_ =	strace s3  }
0xf: {  	_ =	strace $0x8FFFFFFF  }
0x10: {  	s20 =	sld [smem:$0x3FDB];
	_ =	sdelay $0x1  }
0x11: {  	s4 =	simm.s32 $_scs_section_size  }
0x12: {  	s5 =	simm.s32 $_size__tile_overlayer_lowered;
	s6 =	simm.s32 $_tile_overlayer_lowered  }
0x13: {  	s23 =	simm.s32 $0x1BFF;
	s22 =	sshll.u32 s6, $0x1;
	s3 =	sadd.s32 s4, s20  }
0x14: {  	s7 =	simm.s32 $0x0;
	s21 =	sshll.u32 s5, $0x1;
	s5 =	sadd.s32 s22, s3  }
0x15: {  	[timem:s7], [sflag:s23] =	dma.local [hbm:s5], s21  }
0x16: {  	_ =	swait.ge [sflag:s23], s21  }
0x17: {  	s4 =	ssub.s32 $0x0, s21;
	[sflag:s23] =	ssyncset.done $0x0  }
0x18: {  	[sflag:s23] =	ssyncadd.s32 s4;
	_ =	sdelay $0x1  }
0x19: {  	s24 =	simm.s32 $0x1B8B  }
0x1a: {  	_ =	swait.ge [sflag:s24], $0x1  }
0x1b: {  	[sflag:s24] =	ssyncset.done $0x0  }
0x1c: {  	s26 =	simm.s32 $0x1B8E;
	s25 =	sld [smem:$0x3FFE];
	[sflag:s24] =	ssyncadd.s32 $0xFFFFFFFF  }
0x1d: {  	s27 =	simm.s32 $execute0_lowered;
	[smem:$0x3FD2] =	sst s26  }
0x1e: {  	s5 =	sshll.u32 s27, $0x1;
	_ =	strace $0x80000049;
	[dreg:$0x1] =	wrdreg $0xFFFFFFFF  }
0x1f: {  	s28 =	simm.s32 $_size_execute0_lowered;
	s3 =	sadd.s32 s3, s5;
	[dreg:$0x0] =	wrdreg $0x0  }
0x20: {  	s5 =	sshll.u32 s28, $0x1;
	[dreg:$0x2] =	wrdreg s3  }
0x21: {  	[dreg:$0x3] =	wrdreg s5  }
0x22: {  	[dreg:$0x4] =	wrdreg $0xC0  }
0x23: {  	_ =	task [dreg:s7], $0x5FFFF  }
0x24: {  	[dreg:$0x1] =	wrdreg $0xFFFFFFFF  }
0x25: {  	[dreg:$0x0] =	wrdreg $0x60  }
0x26: {  	[dreg:$0x2] =	wrdreg s25  }
0x27: {  	[dreg:$0x3] =	wrdreg s2  }
0x28: {  	[dreg:$0x4] =	wrdreg $0x9  }
0x29: {  	_ =	task.clear_ibuf [dreg:s7], $0x5FFFF;
	_ =	strace $0x90000049  }
0x2a: {  	s29 =	simm.s32 $0x9;
	_ =	strace $0x8000004B  }
0x2b: {  	_ =	swait.ge [sflag:s29], $0x1  }
0x2c: {  	[sflag:s29] =	ssyncadd.s32 $0xFFFFFFFF  }
0x2d: {  	_ =	strace $0x9000004B  }
0x2e: {  	_ =	sfence  }
0x2f: {  	s30 =	sld [smem:$0x0];
	_ =	sdelay $0x2  }
0x30: {  	s31 =	sshll.u32 s1, $0xD;
	s1 =	sshrl.u32 s1, $0x2  }
0x31: {  	s3 =	sand.u32 $0x4000, s31;
	s1 =	sadd.s32 s1, s30  }
0x32: {  	s0 =	sor.u32 s3, s0;
	s1 =	sshll.u32 s1, $0x11  }
0x33: {  	s0 =	sor.u32 s1, s0  }
0x34: {  	s0 =	sadd.s32 $0x8F2B, s0  }
0x35: {  	[sflag:s0] =	ssyncadd.remote.s32 $0x1  }
0x36: {  	_ =	sfence.sel $0xFFFF  }
0x37: {  	[dreg:$0x0] =	wrdreg $0xFFFFFFFF;
	(pc) =	sbr.abs _section_cstart, $3  }
0x38: {  	[dreg:$0x1] =	wrdreg $0xFFFFFFFF  }
0x39: {  	_ =	task.clear_ibuf [dreg:s7], $0x2FFFF;
	_ =	strace $0x9FFFFFFF  }
0x3a: {  	(tm) =	ssettm $0x7FFFFFFF  }
0x3b: {  	_ =	shalt  }
tec
execute0_lowered:
.L_overlay_start_1:
0x0: {  	(tag) =	ssettag $0x1  }
0x1: {  	s0 =	srdreg.scid  }
0x2: {  	s1 =	sshll.u32 s0, $0x4  }
0x3: {  	s0 =	stileid.u32;
	s1 =	sand.u32 $0x10, s1  }
0x4: {  	s1 =	sor.u32 s0, s1  }
0x5: {  	s6 =	rddreg [dreg:$0x0];
	s4 =	simm.s32 $0x1;
	s2 =	sshll.u32 s1, $0x7  }
0x6: {  	s7 =	simm.s32 $0x2;
	s12 =	simm.s32 $0x0;
	s1 =	ssub.s32 $0x1000, s2  }
0x7: {  	s8 =	simm.s32 $0x8000;
	s13 =	simm.s32 $0x0;
	s3 =	sand.u32 $0xF80, s1  }
0x8: {  	s9 =	simm.s32 $0x0;
	s5 =	sshrl.u32 s1, $0xC;
	p0 =	sne.s32 s3, $0x0  }
.Ltmp0:
0x9: {  	s1 =	rddreg [dreg:$0x2];
	s4 =	simm.s32 @!p0 $0x0;
	(pc) =	sbr.rel .LBB1_1-.Ltmp0, $4  }
0xa: {  	s11 =	simm.s32 $0x0;
	s3 =	rddreg [dreg:$0x1];
	s5 =	sadd.s32 s4, s5  }
0xb: {  	_ =	strace $0x8000004A;
	s4 =	simm.s32 $0x1;
	s5 =	smul.u32 $0xC8, s5  }
0xc: {  	s6 =	sadd.s32 $0x800, s6;
	s10 =	smov.u32 s2;
	[sflag:s4] =	ssyncpa.u1 $0x0  }
0xd: {  	p0 =	por $0x0, $0x0;
	[sflag:s7] =	ssyncpa.u1 $0x0;
	s7 =	sor.u32 $0x1, s5  }
.LBB1_4:
0xe: {  	s16 =	sshll.u32 s13, $0x3;
	s17 =	sand.u32 $0x78, s13  }
0xf: {  	s30 =	sand.u32 $0x7E00, s13;
	s12 =	sshll.u32 s12, $0xF;
	s16 =	sand.u32 $0xC00, s16  }
0x10: {  	[tilespmem:s15+$0x810 ss:$0x81] =	vst.msk $0xffff, v2;
	s31 =	sand.u32 $0x7, s13;
	s16 =	sor.u32 s17, s16;
	s17 =	sadd.s32 s3, s30  }
0x11: {  	[tilespmem:s15+$0x1020 ss:$0x81] =	vst.msk $0xffff, v0;
	s13 =	sshll.u32 s31, $0x12;
	s12 =	sadd.s32 s12, s17;
	s16 =	sshrl.u32 s16, $0x3  }
0x12: {  	[tilespmem:s15+$0x0 ss:$0x81] =	vst.msk $0xffff, v1;
	s13 =	sor.u32 $0x400, s13;
	s12 =	sadd.s32 s16, s12  }
0x13: {  	[hbm4b:s12+s13] =	stream.strided.scatter [tilespmem:s14], [sflag:$0x2], $0x2000, s8, s13, $0x20;
	[tilespmem:$0x8080] =	vst v63  }
.LBB1_5:
0x14: {  	s14 =	sadd.s32 $0x1, s9  }
0x15: {  	s12 =	sadd.s32 $0x1000, s10;
	s16 =	smov.u32 s10;
	p2 =	sgt.s32 s14, $0xC7  }
0x16: {  	s16 =	smov.u32 @p2 s12  }
0x17: {  	s14 =	simm.s32 @p2 $0x0;
	p2 =	sgt.s32 s16, $0xFFF  }
0x18: {  	s16 =	smov.u32 @p2 s2;
	p2 =	sne.s32 s11, s7  }
.Ltmp1:
0x19: {  	p1 =	slt.u32 s11, $0x2;
	(pc) =	sbr.rel @!p2 .LBB1_6-.Ltmp1, $4  }
0x1a: {  	s15 =	simm.s32 @!p1 $0x2  }
0x1b: {  	s13 =	smov.u32 s10;
	p0 =	por !p0, !p0;
	_ =	swait.ge @!p1 [sflag:s15], $0x2000  }
0x1c: {  	s12 =	smov.u32 s9;
	[sflag:s15] =	ssyncset.done @!p1 $0x0;
	s9 =	smov.u32 s14  }
0x1d: {  	s11 =	sadd.s32 $0x1, s11;
	[sflag:s15] =	ssyncadd.s32 @!p1 $0xFFFFE000;
	s10 =	smov.u32 s16  }
.LBB1_1:
0x1e: {  	p1 =	sge.u32 s11, s5  }
0x1f: {  	s14 =	sand.u32 @!p1 $0x1FFFFFF, s9  }
0x20: {  	s15 =	smulhi.u32 @!p1 $0x147AE15, s14;
	_ =	sdelay $0x1  }
0x21: {  	s15 =	smul.u32 @!p1 $0xC8, s15  }
0x22: {  	s16 =	sxor.u32 @!p1 $0xFFFFFFFF, s11;
	s17 =	smul.u32 @!p1 $0xC80, s10  }
0x23: {  	s31 =	sadd.s32 $0xFFFFFFFF, s11;
	s16 =	sshll.u32 @!p1 s16, $0xD;
	s14 =	ssub.s32 @!p1 s14, s15  }
0x24: {  	s15 =	sand.u32 @!p1 $0x2000, s16;
	s16 =	sadd.s32 @!p1 s6, s17;
	s14 =	sshll.u32 @!p1 s14, $0x4  }
0x25: {  	s17 =	simm.s32 @!p1 $0x6400;
	s14 =	sadd.s32 @!p1 s14, s16;
	s16 =	simm.s32 @!p1 $0x40  }
0x26: {  	[tilespmem:s15], [sflag:$0x1] =	stream.strided.gather @!p1 [hbm4b:s14+s16], $0x2000, s17, s16, $0x38;
	[tilespmem:$0x8080] =	vst v63  }
0x27: {  	p1 =	sge.u32 s31, s5  }
.Ltmp2:
0x28: {  	_ = 	snop;
	(pc) =	sbr.rel @p1 .LBB1_5-.Ltmp2, $1  }
0x29: {  	_ =	sdelay $0x3  }
0x2a: {  	s14 =	simm.s32 $0x1  }
0x2b: {  	_ =	swait.ge [sflag:s4], $0x2000;
	s14 =	simm.s32 @!p0 $0x0  }
0x2c: {  	[sflag:s4] =	ssyncset.done $0x0;
	s15 =	sshll.u32 s14, $0xD  }
0x2d: {  	[sflag:s4] =	ssyncadd.s32 $0xFFFFE000;
	s18 =	sor.u32 $0x20, s15  }
0x2e: {  	s14 =	smul.u32 $0x8100, s14;
	v3 =	vld [tilespmem:s18+$0x10]  }
0x2f: {  	s30 =	sand.u32 $0x1, s11;
	v2 =	vld [tilespmem:s18+$0xFFFFFFF0]  }
0x30: {  	s15 =	smul.u32 $0x8100, s30;
	s14 =	sshrl.u32 s14, $0x2;
	v0 =	vld [tilespmem:s18+$0x0]  }
0x31: {  	v1 =	vld [tilespmem:s18+$0xFFFFFFE0];
	s16 =	sor.u32 $0x4000, s14  }
0x32: {  	s31 =	sshrl.u32 s15, $0x2;
	s15 =	sadd.s32 $0x0, s16  }
0x33: {  	s17 =	simm.s32 $0x4;
	s18 =	sadd.s32 $0x40, s18;
	s14 =	sor.u32 $0x4000, s31;
	[tilespmem:s15+$0x1830 ss:$0x81] =	vst.msk $0xffff, v3  }
.LBB1_3:
0x34: {  	v3 =	vld [tilespmem:s18+$0x10];
	p1 =	sne.s32 s17, $0x1FC;
	[tilespmem:s15+$0x810 ss:$0x81] =	vst.msk $0xffff, v2;
	s19 =	smov.u32 s17;
	s17 =	sadd.s32 $0x4, s17  }
.Ltmp3:
0x35: {  	v2 =	vld [tilespmem:s18+$0xFFFFFFF0];
	[tilespmem:s15+$0x1020 ss:$0x81] =	vst.msk $0xffff, v0;
	(pc) =	sbr.rel @p1 .LBB1_3-.Ltmp3, $4  }
0x36: {  	v0 =	vld [tilespmem:s18+$0x0];
	[tilespmem:s15+$0x0 ss:$0x81] =	vst.msk $0xffff, v1  }
0x37: {  	s15 =	sshra.s32 s19, $0x2;
	v1 =	vld [tilespmem:s18+$0xFFFFFFE0]  }
0x38: {  	s15 =	sadd.s32 s15, s16  }
0x39: {  	s18 =	sadd.s32 $0x40, s18;
	[tilespmem:s15+$0x1830 ss:$0x81] =	vst.msk $0xffff, v3  }
.Ltmp4:
0x3a: {  	_ = 	snop;
	(pc) =	sbr.rel .LBB1_4-.Ltmp4, $1  }
0x3b: {  	_ =	sdelay $0x3  }
.LBB1_6:
0x3c: {  	_ =	sfence.sel $0x180000  }
0x3d: {  	s2 =	simm.s32 $0x1;
	[bflag:$0x0] =	sbarrier.arrive $0xFFFF  }
0x3e: {  	s31 =	simm.s32 $0x2;
	[sflag:s2] =	ssyncpa.u1 $0x1  }
0x3f: {  	[sflag:s31] =	ssyncpa.u1 $0x1  }
0x40: {  	p0 =	sne.s32 s0, $0x0;
	_ =	strace $0x9000004A  }
0x41: {  	s0 =	sadd.s32 @!p0 $0x100000, s1;
	[bflag:$0x2] =	sbarrier.arrive $0xFFFF  }
0x42: {  	[sflag:s0] =	ssyncadd.tile.s32 @!p0 $0x1;
	_ =	shalt  }
.Lfunc_end1:
_tile_overlayer_lowered:
.L_overlay_start_2:
0x43: {  	(tag) =	ssettag $0x2  }
0x44: {  	s0 =	rddreg [dreg:$0x0];
	s2 =	stileid.u32  }
0x45: {  	s1 =	rddreg [dreg:$0x1];
	p0 =	sne.s32 s2, $0x0  }
0x46: {  	s3 =	rddreg [dreg:$0x2];
	[bflag:$0x3] =	sbarrier.arrive $0xFFFF;
	s2 =	simm.s32 @!p0 $0x1C01  }
0x47: {  	[timem:s3], [sflag:s2] =	dma.local @!p0 [hbm:s0], s1  }
0x48: {  	s0 =	simm.s32 @!p0 $0x1  }
0x49: {  	_ =	swait.ge @!p0 [sflag:s0], s1  }
0x4a: {  	s1 =	ssub.s32 @!p0 $0x0, s1;
	[sflag:s0] =	ssyncset.done @!p0 $0x0  }
0x4b: {  	[sflag:s0] =	ssyncadd.s32 @!p0 s1  }
0x4c: {  	[bflag:$0x3] =	sbarrier.arrive $0xFFFF  }
0x4d: {  	_ =	shalt  }

</sc_bundles>
